<compile_context>
chip_gen: v7x
topology: tpu7x:2x2x1
jax: 0.10.2.dev20260603
libtpu: 0.0.44.dev20260713+nightly
codegen_flags: <defaults>
</compile_context>

<pallas_src>
import jax
import jax.numpy as jnp
from jax import lax
from jax.experimental import pallas as pl
from jax.experimental.pallas import tpu as pltpu
from jax.experimental.pallas import tpu_sc as plsc

N = 10000
E = 160000
D = 256
C = 64
G = 64

NC = 2
NS = 16
NW = NC * NS
EPW = E // NW
CH = 32
EPP = 5120
NSUP = EPP // CH
N2 = 10240
NPC = N2 // NS
MX = 2 * C


def _qkv_body(x_ref, w_ref, b_ref, q_ref, kv_ref, s_ref):
    full = jnp.dot(x_ref[...], w_ref[...], preferred_element_type=jnp.float32)
    full = full + b_ref[...]
    q_ref[...] = jnp.concatenate(
        [full[:, :C], jnp.zeros((full.shape[0], C), jnp.float32)], axis=1)
    kv_ref[...] = full[:, C:3 * C]
    s_ref[...] = full[:, 3 * C:]


def _qkv_call(x, w, b):
    bn = 1000
    return pl.pallas_call(
        _qkv_body,
        grid=(N // bn,),
        in_specs=[
            pl.BlockSpec((bn, D), lambda i: (i, 0)),
            pl.BlockSpec((D, 4 * C), lambda i: (0, 0)),
            pl.BlockSpec((1, 4 * C), lambda i: (0, 0)),
        ],
        out_specs=[
            pl.BlockSpec((bn, 2 * C), lambda i: (i, 0)),
            pl.BlockSpec((bn, 2 * C), lambda i: (i, 0)),
            pl.BlockSpec((bn, C), lambda i: (i, 0)),
        ],
        out_shape=[
            jax.ShapeDtypeStruct((N2, 2 * C), jnp.float32),
            jax.ShapeDtypeStruct((N2, 2 * C), jnp.float32),
            jax.ShapeDtypeStruct((N, C), jnp.float32),
        ],
    )(x, w, b)


def _e_body(ea_ref, we_ref, e_ref):
    e_ref[...] = jnp.dot(ea_ref[...], we_ref[...],
                         preferred_element_type=jnp.float32)


def _e_call(ea, we):
    be = 2000
    return pl.pallas_call(
        _e_body,
        grid=(E // be,),
        in_specs=[
            pl.BlockSpec((be, D), lambda i: (i, 0)),
            pl.BlockSpec((D, C), lambda i: (0, 0)),
        ],
        out_specs=pl.BlockSpec((be, C), lambda i: (i, 0)),
        out_shape=jax.ShapeDtypeStruct((E, C), jnp.float32),
    )(ea, we)


def _edge_sc_body(q_hbm, kv_hbm, e_hbm, srcp_hbm, dstp_hbm, z_hbm,
                  parts_hbm, sidx, didx, qa, kva, ea, qb, kvb, eb, mba, mbb,
                  acc, sema, semb, semx, semy):
    c = lax.axis_index("c")
    s = lax.axis_index("s")
    wid = c * NS + s
    gbase = wid * EPP
    ebase = wid * EPW
    pltpu.sync_copy(srcp_hbm.at[pl.ds(gbase, EPP)], sidx)
    pltpu.sync_copy(dstp_hbm.at[pl.ds(gbase, EPP)], didx)
    pltpu.sync_copy(z_hbm.at[pl.ds(s * NPC, NPC)], acc.at[pl.ds(s * NPC, NPC)])

    def zrow(i, carry):
        for cc in (C + 16, C + 32, C + 48):
            mba[i, pl.ds(cc, 16)] = jnp.zeros((16,), jnp.float32)
            mbb[i, pl.ds(cc, 16)] = jnp.zeros((16,), jnp.float32)
        return carry

    lax.fori_loop(0, CH, zrow, 0)
    plsc.subcore_barrier()

    bufs_a = (qa, kva, ea)
    bufs_b = (qb, kvb, eb)

    def issue(t, bufs, sem):
        qr, kvr, er = bufs
        off = t * CH
        eoff = jnp.minimum(off, EPW - CH)
        pltpu.async_copy(q_hbm.at[didx.at[pl.ds(t * CH, CH)]], qr, sem)
        pltpu.async_copy(kv_hbm.at[sidx.at[pl.ds(t * CH, CH)]], kvr, sem)
        pltpu.async_copy(e_hbm.at[pl.ds(ebase + eoff, CH)], er, sem)

    def drain(bufs, sem):
        qr, kvr, er = bufs
        pltpu.make_async_copy(q_hbm.at[pl.ds(0, CH)], qr, sem).wait()
        pltpu.make_async_copy(kv_hbm.at[pl.ds(0, CH)], kvr, sem).wait()
        pltpu.make_async_copy(e_hbm.at[pl.ds(0, CH)], er, sem).wait()

    def compute(t, bufs, mb, semsc):
        qr, kvr, er = bufs
        off = t * CH
        eoff = jnp.minimum(off, EPW - CH)
        shift = off - eoff
        lane = lax.iota(jnp.int32, 16)
        zero16 = jnp.zeros((16,), jnp.float32)

        @pl.when(t >= 2)
        def _():
            pltpu.make_async_copy(mb, acc.at[pl.ds(0, CH)], semsc).wait()

        def edge8(i8, carry):
            exvs = {}
            for u in range(8):
                i = i8 * 8 + u
                ei = jnp.minimum(i + shift, CH - 1)
                sv = zero16
                for r in range(4):
                    qv = qr[i, pl.ds(16 * r, 16)]
                    kvv = kvr[i, pl.ds(16 * r, 16)]
                    ev = er[ei, pl.ds(16 * r, 16)]
                    sv = sv + qv * (kvv + ev)
                    mb[i, pl.ds(16 * r, 16)] = kvr[i, pl.ds(C + 16 * r, 16)] + ev
                al = jnp.sum(sv) * 0.125
                exvs[u] = jnp.exp(jnp.full((16,), al, jnp.float32))
            for u in range(8):
                i = i8 * 8 + u
                for r in range(4):
                    mb[i, pl.ds(16 * r, 16)] = mb[i, pl.ds(16 * r, 16)] * exvs[u]
                mb[i, pl.ds(C, 16)] = jnp.where(lane == 0, exvs[u], zero16)
            return carry

        lax.fori_loop(0, CH // 8, edge8, 0)
        pltpu.async_copy(mb, acc.at[didx.at[pl.ds(off, CH)]], semsc, add=True)

    issue(0, bufs_a, sema)

    def sstep(u, carry):
        t0 = 2 * u
        issue(t0 + 1, bufs_b, semb)
        drain(bufs_a, sema)
        compute(t0, bufs_a, mba, semx)

        @pl.when(t0 + 2 < NSUP)
        def _():
            issue(t0 + 2, bufs_a, sema)

        drain(bufs_b, semb)
        compute(t0 + 1, bufs_b, mbb, semy)
        return carry

    lax.fori_loop(0, NSUP // 2, sstep, 0)
    pltpu.make_async_copy(mba, acc.at[pl.ds(0, CH)], semx).wait()
    pltpu.make_async_copy(mbb, acc.at[pl.ds(0, CH)], semy).wait()
    plsc.subcore_barrier()
    pltpu.sync_copy(acc.at[pl.ds(s * NPC, NPC)],
                    parts_hbm.at[pl.ds(c * N2 + s * NPC, NPC)])


def _sc_edge(q, kv, e, srcp, dstp, z):
    mesh = plsc.VectorSubcoreMesh(core_axis_name="c", subcore_axis_name="s",
                                  num_cores=NC, num_subcores=NS)
    f = pl.kernel(
        _edge_sc_body,
        out_type=jax.ShapeDtypeStruct((NC * N2, MX), jnp.float32),
        mesh=mesh,
        compiler_params=pltpu.CompilerParams(needs_layout_passes=False),
        scratch_types=[
            pltpu.VMEM((EPP,), jnp.int32),
            pltpu.VMEM((EPP,), jnp.int32),
            pltpu.VMEM((CH, 2 * C), jnp.float32),
            pltpu.VMEM((CH, 2 * C), jnp.float32),
            pltpu.VMEM((CH, C), jnp.float32),
            pltpu.VMEM((CH, 2 * C), jnp.float32),
            pltpu.VMEM((CH, 2 * C), jnp.float32),
            pltpu.VMEM((CH, C), jnp.float32),
            pltpu.VMEM((CH, MX), jnp.float32),
            pltpu.VMEM((CH, MX), jnp.float32),
            pltpu.VMEM_SHARED((N2, MX), jnp.float32),
            pltpu.SemaphoreType.DMA,
            pltpu.SemaphoreType.DMA,
            pltpu.SemaphoreType.DMA,
            pltpu.SemaphoreType.DMA,
        ],
    )
    return f(q, kv, e, srcp, dstp, z)


def _final_body(part_ref, skip_ref, b3_ref, wm_ref, bm_ref, h_ref, acc_ref):
    i = pl.program_id(0)
    px = part_ref[0] + part_ref[1]
    den = px[:, C:C + 1]
    dsafe = jnp.where(den > 0, den, 1.0)
    out = px[:, :C] / dsafe + skip_ref[...]
    g = b3_ref[0, 0, :]
    oh = (g[:, None] == lax.broadcasted_iota(jnp.int32, (1, G), 1)
          ).astype(jnp.float32)
    p = lax.dot_general(oh, out, (((0,), (0,)), ((), ())),
                        preferred_element_type=jnp.float32)

    @pl.when(i == 0)
    def _():
        acc_ref[...] = p

    @pl.when(i > 0)
    def _():
        acc_ref[...] += p

    @pl.when(i == pl.num_programs(0) - 1)
    def _():
        h_ref[...] = jnp.tanh(acc_ref[...]) @ wm_ref[...] + bm_ref[...]


def _final_call(parts, skip, batch3, wm, bm2):
    bn = 1000
    return pl.pallas_call(
        _final_body,
        grid=(N // bn,),
        in_specs=[
            pl.BlockSpec((NC, bn, MX), lambda i: (0, i, 0)),
            pl.BlockSpec((bn, C), lambda i: (i, 0)),
            pl.BlockSpec((1, 1, bn), lambda i: (i, 0, 0)),
            pl.BlockSpec((C, 1), lambda i: (0, 0)),
            pl.BlockSpec((1, 1), lambda i: (0, 0)),
        ],
        out_specs=pl.BlockSpec((G, 1), lambda i: (0, 0)),
        out_shape=jax.ShapeDtypeStruct((G, 1), jnp.float32),
        scratch_shapes=[pltpu.VMEM((G, C), jnp.float32)],
    )(parts, skip, batch3, wm, bm2)


def kernel(x, edge_index, edge_attr, batch, Wq, bq, Wk, bk, Wv, bv, We, Ws, bs, Wm, bm):
    src = edge_index[0].astype(jnp.int32)
    dst = edge_index[1].astype(jnp.int32)

    w_all = jnp.concatenate([Wq, Wk, Wv, Ws], axis=1)
    b_all = jnp.concatenate([bq, bk, bv, bs]).reshape(1, 4 * C)

    q, kv, skip = _qkv_call(x, w_all, b_all)
    e = _e_call(edge_attr, We)

    pad = ((0, 0), (0, EPP - EPW))
    srcp = jnp.pad(src.reshape(NW, EPW), pad).reshape(-1)
    dstp = jnp.pad(dst.reshape(NW, EPW), pad,
                   constant_values=N2 - 1).reshape(-1)
    z = jnp.zeros((N2, MX), jnp.float32)
    parts = _sc_edge(q, kv, e, srcp, dstp, z)

    batch3 = batch.astype(jnp.int32).reshape(10, 1, N // 10)
    h = _final_call(parts.reshape(NC, N2, MX), skip, batch3, Wm,
                    bm.reshape(1, 1))
    return h

# --- scband reference (transcript-rebuilt; emitter-appended) ---
"""Pipeline reference for scband-discriminator3-6786048328063 (READ-ONLY COPY).

The authoritative reference and input builder live on the scoring server;
editing this copy changes nothing except your own understanding.
"""

import jax, jax.numpy as jnp
import numpy as np

N = 10000
E = 160000
D = 256
C = 64  # out_channels = in_ch // 4
G = 64  # number of graphs


def setup_inputs(seed: int = 0) -> dict:
    key = jax.random.key(seed)
    ks = jax.random.split(key, 16)
    x = jax.random.normal(ks[0], (N, D), dtype=jnp.float32)
    edge_index = jax.random.randint(ks[1], (2, E), 0, N)
    edge_attr = jax.random.normal(ks[2], (E, D), dtype=jnp.float32)
    batch = jnp.sort(jax.random.randint(ks[3], (N,), 0, G))
    s = 1.0 / np.sqrt(D)
    Wq = jax.random.normal(ks[4], (D, C), dtype=jnp.float32) * s
    bq = jnp.zeros((C,), dtype=jnp.float32)
    Wk = jax.random.normal(ks[5], (D, C), dtype=jnp.float32) * s
    bk = jnp.zeros((C,), dtype=jnp.float32)
    Wv = jax.random.normal(ks[6], (D, C), dtype=jnp.float32) * s
    bv = jnp.zeros((C,), dtype=jnp.float32)
    We = jax.random.normal(ks[7], (D, C), dtype=jnp.float32) * s  # lin_edge, bias=False
    Ws = jax.random.normal(ks[8], (D, C), dtype=jnp.float32) * s  # lin_skip (root_weight)
    bs = jnp.zeros((C,), dtype=jnp.float32)
    Wm = jax.random.normal(ks[9], (C, 1), dtype=jnp.float32) * (1.0 / np.sqrt(C))
    bm = jnp.zeros((1,), dtype=jnp.float32)
    return {"x": x, "edge_index": edge_index, "edge_attr": edge_attr, "batch": batch,
            "Wq": Wq, "bq": bq, "Wk": Wk, "bk": bk, "Wv": Wv, "bv": bv,
            "We": We, "Ws": Ws, "bs": bs, "Wm": Wm, "bm": bm}


def reference(x, edge_index, edge_attr, batch, Wq, bq, Wk, bk, Wv, bv, We, Ws, bs, Wm, bm):
    src = edge_index[0]  # j (source / message sender)
    dst = edge_index[1]  # i (target / aggregation node)
    # TransformerConv (heads=1, concat=True, root_weight=True, edge_dim=D)
    q = x @ Wq + bq
    k = x @ Wk + bk
    v = x @ Wv + bv
    e = edge_attr @ We  # lin_edge (no bias)
    kj = k[src] + e
    alpha = jnp.sum(q[dst] * kj, axis=-1) / jnp.sqrt(jnp.float32(C))
    # softmax over incoming edges per destination node
    m = jax.ops.segment_max(alpha, dst, num_segments=N)
    ex = jnp.exp(alpha - m[dst])
    denom = jax.ops.segment_sum(ex, dst, num_segments=N)
    w = ex / denom[dst]
    msg = (v[src] + e) * w[:, None]
    out = jax.ops.segment_sum(msg, dst, num_segments=N)
    out = out + (x @ Ws + bs)  # skip connection (root_weight)
    # global_add_pool over graph ids
    pooled = jax.ops.segment_sum(out, batch, num_segments=G)
    # mlp: Tanh -> Linear(C, 1)
    h = jnp.tanh(pooled) @ Wm + bm
    return h

if __name__ == "__main__":
    import jax
    _d = setup_inputs()
    print(jax.jit(kernel)(*tuple(_d.values())))

</pallas_src>

<mosaic_0001>
#map = affine_map<(d0, d1) -> (0, 0)>
#map1 = affine_map<(d0, d1) -> (0)>
module attributes {stable_mosaic.version = 14 : i64} {
  func.func @_edge_sc_body(%arg0: i32, %arg1: i32, %arg2: memref<10240x128xf32, #tpu.memory_space<hbm>>, %arg3: memref<10240x128xf32, #tpu.memory_space<hbm>>, %arg4: memref<160000x64xf32, #tpu.memory_space<hbm>>, %arg5: memref<163840xi32, #tpu.memory_space<hbm>>, %arg6: memref<163840xi32, #tpu.memory_space<hbm>>, %arg7: memref<10240x128xf32, #tpu.memory_space<hbm>>, %arg8: memref<20480x128xf32, #tpu.memory_space<hbm>>, %arg9: memref<5120xi32, #tpu.memory_space<vmem>>, %arg10: memref<5120xi32, #tpu.memory_space<vmem>>, %arg11: memref<32x128xf32, #tpu.memory_space<vmem>>, %arg12: memref<32x128xf32, #tpu.memory_space<vmem>>, %arg13: memref<32x64xf32, #tpu.memory_space<vmem>>, %arg14: memref<32x128xf32, #tpu.memory_space<vmem>>, %arg15: memref<32x128xf32, #tpu.memory_space<vmem>>, %arg16: memref<32x64xf32, #tpu.memory_space<vmem>>, %arg17: memref<32x128xf32, #tpu.memory_space<vmem>>, %arg18: memref<32x128xf32, #tpu.memory_space<vmem>>, %arg19: memref<10240x128xf32, #tpu.memory_space<vmem_shared>>, %arg20: memref<!tpu.dma_semaphore, #tpu.memory_space<semaphore_mem>>, %arg21: memref<!tpu.dma_semaphore, #tpu.memory_space<semaphore_mem>>, %arg22: memref<!tpu.dma_semaphore, #tpu.memory_space<semaphore_mem>>, %arg23: memref<!tpu.dma_semaphore, #tpu.memory_space<semaphore_mem>>) attributes {dimension_semantics = [#tpu.dimension_semantics<core_parallel>, #tpu.dimension_semantics<subcore_parallel>], iteration_bounds = array<i64: 2, 16>, scalar_prefetch = 0 : i64, scratch_operands = 15 : i64, tpu.core_type = #tpu.core_type<sc_vector_subcore>, window_params = [{transform_indices = #map}, {transform_indices = #map}, {transform_indices = #map}, {transform_indices = #map1}, {transform_indices = #map1}, {transform_indices = #map}, {transform_indices = #map}]} {
    %mul3A = arith.constant 16 : i32
    %mul3A_0 = arith.muli %arg0, %mul3A : i32
    %add3A = arith.addi %mul3A_0, %arg1 : i32
    %mul3A_1 = arith.constant 5120 : i32
    %mul3A_2 = arith.muli %add3A, %mul3A_1 : i32
    %mul3A_3 = arith.constant 5000 : i32
    %mul3A_4 = arith.muli %add3A, %mul3A_3 : i32
    "tpu.region"() ({
      %run_scoped3A = tpu.sem_alloc : memref<!tpu.dma_semaphore, #tpu.memory_space<semaphore_mem>>
      %dma_start3A_55 = tpu.memref_slice %arg5[%mul3A_2] : memref<163840xi32, #tpu.memory_space<hbm>> -> memref<5120xi32, #tpu.memory_space<hbm>>
      %dma_start3A_56 = tpu.memref_slice %arg5[%mul3A_2] : memref<163840xi32, #tpu.memory_space<hbm>> -> memref<5120xi32, #tpu.memory_space<hbm>>
      tpu.enqueue_dma source(%dma_start3A_56 : memref<5120xi32, #tpu.memory_space<hbm>>) target(%arg9 : memref<5120xi32, #tpu.memory_space<vmem>>) target_semaphore(%run_scoped3A : memref<!tpu.dma_semaphore, #tpu.memory_space<semaphore_mem>>)
      %dma_wait3A_57 = tpu.memref_slice %arg5[%mul3A_2] : memref<163840xi32, #tpu.memory_space<hbm>> -> memref<5120xi32, #tpu.memory_space<hbm>>
      %dma_wait3A_58 = tpu.memref_slice %arg5[%mul3A_2] : memref<163840xi32, #tpu.memory_space<hbm>> -> memref<5120xi32, #tpu.memory_space<hbm>>
      tpu.wait_dma2 semaphore(%run_scoped3A : memref<!tpu.dma_semaphore, #tpu.memory_space<semaphore_mem>>) src(%dma_wait3A_58 : memref<5120xi32, #tpu.memory_space<hbm>>) dst(%arg9 : memref<5120xi32, #tpu.memory_space<vmem>>)
      tpu.yield
    }) : () -> ()
    "tpu.region"() ({
      %run_scoped3A = tpu.sem_alloc : memref<!tpu.dma_semaphore, #tpu.memory_space<semaphore_mem>>
      %dma_start3A_55 = tpu.memref_slice %arg6[%mul3A_2] : memref<163840xi32, #tpu.memory_space<hbm>> -> memref<5120xi32, #tpu.memory_space<hbm>>
      %dma_start3A_56 = tpu.memref_slice %arg6[%mul3A_2] : memref<163840xi32, #tpu.memory_space<hbm>> -> memref<5120xi32, #tpu.memory_space<hbm>>
      tpu.enqueue_dma source(%dma_start3A_56 : memref<5120xi32, #tpu.memory_space<hbm>>) target(%arg10 : memref<5120xi32, #tpu.memory_space<vmem>>) target_semaphore(%run_scoped3A : memref<!tpu.dma_semaphore, #tpu.memory_space<semaphore_mem>>)
      %dma_wait3A_57 = tpu.memref_slice %arg6[%mul3A_2] : memref<163840xi32, #tpu.memory_space<hbm>> -> memref<5120xi32, #tpu.memory_space<hbm>>
      %dma_wait3A_58 = tpu.memref_slice %arg6[%mul3A_2] : memref<163840xi32, #tpu.memory_space<hbm>> -> memref<5120xi32, #tpu.memory_space<hbm>>
      tpu.wait_dma2 semaphore(%run_scoped3A : memref<!tpu.dma_semaphore, #tpu.memory_space<semaphore_mem>>) src(%dma_wait3A_58 : memref<5120xi32, #tpu.memory_space<hbm>>) dst(%arg10 : memref<5120xi32, #tpu.memory_space<vmem>>)
      tpu.yield
    }) : () -> ()
    %mul3A_5 = arith.constant 640 : i32
    %mul3A_6 = arith.muli %arg1, %mul3A_5 : i32
    %mul3A_7 = arith.constant 640 : i32
    %mul3A_8 = arith.muli %arg1, %mul3A_7 : i32
    "tpu.region"() ({
      %run_scoped3A = tpu.sem_alloc : memref<!tpu.dma_semaphore, #tpu.memory_space<semaphore_mem>>
      %dma_start3A_55 = arith.constant 0 : i32
      %dma_start3A_56 = tpu.memref_slice %arg19[%mul3A_8, %dma_start3A_55] : memref<10240x128xf32, #tpu.memory_space<vmem_shared>> -> memref<640x128xf32, #tpu.memory_space<vmem_shared>>
      %dma_start3A_57 = arith.constant 0 : i32
      %dma_start3A_58 = tpu.memref_slice %arg7[%mul3A_6, %dma_start3A_57] : memref<10240x128xf32, #tpu.memory_space<hbm>> -> memref<640x128xf32, #tpu.memory_space<hbm>>
      tpu.enqueue_dma source(%dma_start3A_58 : memref<640x128xf32, #tpu.memory_space<hbm>>) target(%dma_start3A_56 : memref<640x128xf32, #tpu.memory_space<vmem_shared>>) target_semaphore(%run_scoped3A : memref<!tpu.dma_semaphore, #tpu.memory_space<semaphore_mem>>)
      %dma_wait3A_59 = arith.constant 0 : i32
      %dma_wait3A_60 = tpu.memref_slice %arg19[%mul3A_8, %dma_wait3A_59] : memref<10240x128xf32, #tpu.memory_space<vmem_shared>> -> memref<640x128xf32, #tpu.memory_space<vmem_shared>>
      %dma_wait3A_61 = arith.constant 0 : i32
      %dma_wait3A_62 = tpu.memref_slice %arg7[%mul3A_6, %dma_wait3A_61] : memref<10240x128xf32, #tpu.memory_space<hbm>> -> memref<640x128xf32, #tpu.memory_space<hbm>>
      tpu.wait_dma2 semaphore(%run_scoped3A : memref<!tpu.dma_semaphore, #tpu.memory_space<semaphore_mem>>) src(%dma_wait3A_62 : memref<640x128xf32, #tpu.memory_space<hbm>>) dst(%dma_wait3A_60 : memref<640x128xf32, #tpu.memory_space<vmem_shared>>)
      tpu.yield
    }) : () -> ()
    %scan3A = arith.constant 0 : i32
    %scan3A_9 = arith.constant 0 : i32
    %scan3A_10 = arith.constant 32 : i32
    %scan3A_11 = arith.addi %scan3A_9, %scan3A_10 : i32
    %scan3A_12 = arith.constant 1 : i32
    scf.for %scan3A_55 = %scan3A_9 to %scan3A_11 step %scan3A_12  : i32 {
      %broadcast_in_dim3A = arith.constant 0.000000e+00 : f32
      %broadcast_in_dim3A_56 = vector.broadcast %broadcast_in_dim3A : f32 to vector<16xf32>
      %swap3A = arith.index_cast %scan3A_55 : i32 to index
      %swap3A_57 = arith.constant 80 : index
      %swap3A_58 = tpu.vector_load %arg17[%swap3A, %swap3A_57] {strides = array<i32>} : memref<32x128xf32, #tpu.memory_space<vmem>>, vector<16xf32>,
      tpu.vector_store %arg17[%swap3A, %swap3A_57], %broadcast_in_dim3A_56 {strides = array<i32>} : memref<32x128xf32, #tpu.memory_space<vmem>>, vector<16xf32>,
      %broadcast_in_dim3A_59 = arith.constant 0.000000e+00 : f32
      %broadcast_in_dim3A_60 = vector.broadcast %broadcast_in_dim3A_59 : f32 to vector<16xf32>
      %swap3A_61 = arith.index_cast %scan3A_55 : i32 to index
      %swap3A_62 = arith.constant 80 : index
      %swap3A_63 = tpu.vector_load %arg18[%swap3A_61, %swap3A_62] {strides = array<i32>} : memref<32x128xf32, #tpu.memory_space<vmem>>, vector<16xf32>,
      tpu.vector_store %arg18[%swap3A_61, %swap3A_62], %broadcast_in_dim3A_60 {strides = array<i32>} : memref<32x128xf32, #tpu.memory_space<vmem>>, vector<16xf32>,
      %broadcast_in_dim3A_64 = arith.constant 0.000000e+00 : f32
      %broadcast_in_dim3A_65 = vector.broadcast %broadcast_in_dim3A_64 : f32 to vector<16xf32>
      %swap3A_66 = arith.index_cast %scan3A_55 : i32 to index
      %swap3A_67 = arith.constant 96 : index
      %swap3A_68 = tpu.vector_load %arg17[%swap3A_66, %swap3A_67] {strides = array<i32>} : memref<32x128xf32, #tpu.memory_space<vmem>>, vector<16xf32>,
      tpu.vector_store %arg17[%swap3A_66, %swap3A_67], %broadcast_in_dim3A_65 {strides = array<i32>} : memref<32x128xf32, #tpu.memory_space<vmem>>, vector<16xf32>,
      %broadcast_in_dim3A_69 = arith.constant 0.000000e+00 : f32
      %broadcast_in_dim3A_70 = vector.broadcast %broadcast_in_dim3A_69 : f32 to vector<16xf32>
      %swap3A_71 = arith.index_cast %scan3A_55 : i32 to index
      %swap3A_72 = arith.constant 96 : index
      %swap3A_73 = tpu.vector_load %arg18[%swap3A_71, %swap3A_72] {strides = array<i32>} : memref<32x128xf32, #tpu.memory_space<vmem>>, vector<16xf32>,
      tpu.vector_store %arg18[%swap3A_71, %swap3A_72], %broadcast_in_dim3A_70 {strides = array<i32>} : memref<32x128xf32, #tpu.memory_space<vmem>>, vector<16xf32>,
      %broadcast_in_dim3A_74 = arith.constant 0.000000e+00 : f32
      %broadcast_in_dim3A_75 = vector.broadcast %broadcast_in_dim3A_74 : f32 to vector<16xf32>
      %swap3A_76 = arith.index_cast %scan3A_55 : i32 to index
      %swap3A_77 = arith.constant 112 : index
      %swap3A_78 = tpu.vector_load %arg17[%swap3A_76, %swap3A_77] {strides = array<i32>} : memref<32x128xf32, #tpu.memory_space<vmem>>, vector<16xf32>,
      tpu.vector_store %arg17[%swap3A_76, %swap3A_77], %broadcast_in_dim3A_75 {strides = array<i32>} : memref<32x128xf32, #tpu.memory_space<vmem>>, vector<16xf32>,
      %broadcast_in_dim3A_79 = arith.constant 0.000000e+00 : f32
      %broadcast_in_dim3A_80 = vector.broadcast %broadcast_in_dim3A_79 : f32 to vector<16xf32>
      %swap3A_81 = arith.index_cast %scan3A_55 : i32 to index
      %swap3A_82 = arith.constant 112 : index
      %swap3A_83 = tpu.vector_load %arg18[%swap3A_81, %swap3A_82] {strides = array<i32>} : memref<32x128xf32, #tpu.memory_space<vmem>>, vector<16xf32>,
      tpu.vector_store %arg18[%swap3A_81, %swap3A_82], %broadcast_in_dim3A_80 {strides = array<i32>} : memref<32x128xf32, #tpu.memory_space<vmem>>, vector<16xf32>,
    }
    %scan3A_13 = arith.constant 32 : i32
    %barrier3A = arith.constant 0 : index
    tpu.barrier barrier_id(%barrier3A)
    %min3A = arith.constant 0 : i32
    %min3A_14 = arith.constant 4968 : i32
    %min3A_15 = arith.minsi %min3A, %min3A_14 : i32
    %dma_start3A = arith.constant 0 : i32
    %dma_start3A_16 = tpu.memref_slice %arg10[%dma_start3A] : memref<5120xi32, #tpu.memory_space<vmem>> -> memref<32xi32, #tpu.memory_space<vmem>>
    %dma_start3A_17 = arith.constant 0 : i32
    %dma_start3A_18 = arith.constant 0 : i32
    %dma_start3A_19 = tpu.memref_slice %arg2[%dma_start3A_17, %dma_start3A_18] : memref<10240x128xf32, #tpu.memory_space<hbm>> -> memref<10240x128xf32, #tpu.memory_space<hbm>>
    tpu.enqueue_indirect_dma source(%dma_start3A_19 : memref<10240x128xf32, #tpu.memory_space<hbm>>) target(%arg11 : memref<32x128xf32, #tpu.memory_space<vmem>>) offsets(%dma_start3A_16 : memref<32xi32, #tpu.memory_space<vmem>>) semaphore(%arg20 : memref<!tpu.dma_semaphore, #tpu.memory_space<semaphore_mem>>)
    %dma_start3A_20 = arith.constant 0 : i32
    %dma_start3A_21 = tpu.memref_slice %arg9[%dma_start3A_20] : memref<5120xi32, #tpu.memory_space<vmem>> -> memref<32xi32, #tpu.memory_space<vmem>>
    %dma_start3A_22 = arith.constant 0 : i32
    %dma_start3A_23 = arith.constant 0 : i32
    %dma_start3A_24 = tpu.memref_slice %arg3[%dma_start3A_22, %dma_start3A_23] : memref<10240x128xf32, #tpu.memory_space<hbm>> -> memref<10240x128xf32, #tpu.memory_space<hbm>>
    tpu.enqueue_indirect_dma source(%dma_start3A_24 : memref<10240x128xf32, #tpu.memory_space<hbm>>) target(%arg12 : memref<32x128xf32, #tpu.memory_space<vmem>>) offsets(%dma_start3A_21 : memref<32xi32, #tpu.memory_space<vmem>>) semaphore(%arg20 : memref<!tpu.dma_semaphore, #tpu.memory_space<semaphore_mem>>)
    %add3A_25 = arith.addi %mul3A_4, %min3A_15 : i32
    %dma_start3A_26 = arith.constant 0 : i32
    %dma_start3A_27 = tpu.memref_slice %arg4[%add3A_25, %dma_start3A_26] : memref<160000x64xf32, #tpu.memory_space<hbm>> -> memref<32x64xf32, #tpu.memory_space<hbm>>
    %dma_start3A_28 = arith.constant 0 : i32
    %dma_start3A_29 = tpu.memref_slice %arg4[%add3A_25, %dma_start3A_28] : memref<160000x64xf32, #tpu.memory_space<hbm>> -> memref<32x64xf32, #tpu.memory_space<hbm>>
    tpu.enqueue_dma source(%dma_start3A_29 : memref<32x64xf32, #tpu.memory_space<hbm>>) target(%arg13 : memref<32x64xf32, #tpu.memory_space<vmem>>) target_semaphore(%arg20 : memref<!tpu.dma_semaphore, #tpu.memory_space<semaphore_mem>>)
    %scan3A_30 = arith.constant 0 : i32
    %scan3A_31 = arith.constant 0 : i32
    %scan3A_32 = arith.constant 80 : i32
    %scan3A_33 = arith.addi %scan3A_31, %scan3A_32 : i32
    %scan3A_34 = arith.constant 1 : i32
    scf.for %scan3A_55 = %scan3A_31 to %scan3A_33 step %scan3A_34  : i32 {
      %mul3A_56 = arith.constant 2 : i32
      %mul3A_57 = arith.muli %mul3A_56, %scan3A_55 : i32
      %add3A_58 = arith.constant 1 : i32
      %add3A_59 = arith.addi %mul3A_57, %add3A_58 : i32
      %mul3A_60 = arith.constant 32 : i32
      %mul3A_61 = arith.muli %add3A_59, %mul3A_60 : i32
      %min3A_62 = arith.constant 4968 : i32
      %min3A_63 = arith.minsi %mul3A_61, %min3A_62 : i32
      %mul3A_64 = arith.constant 32 : i32
      %mul3A_65 = arith.muli %add3A_59, %mul3A_64 : i32
      %dma_start3A_66 = tpu.memref_slice %arg10[%mul3A_65] : memref<5120xi32, #tpu.memory_space<vmem>> -> memref<32xi32, #tpu.memory_space<vmem>>
      %dma_start3A_67 = arith.constant 0 : i32
      %dma_start3A_68 = arith.constant 0 : i32
      %dma_start3A_69 = tpu.memref_slice %arg2[%dma_start3A_67, %dma_start3A_68] : memref<10240x128xf32, #tpu.memory_space<hbm>> -> memref<10240x128xf32, #tpu.memory_space<hbm>>
      tpu.enqueue_indirect_dma source(%dma_start3A_69 : memref<10240x128xf32, #tpu.memory_space<hbm>>) target(%arg14 : memref<32x128xf32, #tpu.memory_space<vmem>>) offsets(%dma_start3A_66 : memref<32xi32, #tpu.memory_space<vmem>>) semaphore(%arg21 : memref<!tpu.dma_semaphore, #tpu.memory_space<semaphore_mem>>)
      %mul3A_70 = arith.constant 32 : i32
      %mul3A_71 = arith.muli %add3A_59, %mul3A_70 : i32
      %dma_start3A_72 = tpu.memref_slice %arg9[%mul3A_71] : memref<5120xi32, #tpu.memory_space<vmem>> -> memref<32xi32, #tpu.memory_space<vmem>>
      %dma_start3A_73 = arith.constant 0 : i32
      %dma_start3A_74 = arith.constant 0 : i32
      %dma_start3A_75 = tpu.memref_slice %arg3[%dma_start3A_73, %dma_start3A_74] : memref<10240x128xf32, #tpu.memory_space<hbm>> -> memref<10240x128xf32, #tpu.memory_space<hbm>>
      tpu.enqueue_indirect_dma source(%dma_start3A_75 : memref<10240x128xf32, #tpu.memory_space<hbm>>) target(%arg15 : memref<32x128xf32, #tpu.memory_space<vmem>>) offsets(%dma_start3A_72 : memref<32xi32, #tpu.memory_space<vmem>>) semaphore(%arg21 : memref<!tpu.dma_semaphore, #tpu.memory_space<semaphore_mem>>)
      %add3A_76 = arith.addi %mul3A_4, %min3A_63 : i32
      %dma_start3A_77 = arith.constant 0 : i32
      %dma_start3A_78 = tpu.memref_slice %arg4[%add3A_76, %dma_start3A_77] : memref<160000x64xf32, #tpu.memory_space<hbm>> -> memref<32x64xf32, #tpu.memory_space<hbm>>
      %dma_start3A_79 = arith.constant 0 : i32
      %dma_start3A_80 = tpu.memref_slice %arg4[%add3A_76, %dma_start3A_79] : memref<160000x64xf32, #tpu.memory_space<hbm>> -> memref<32x64xf32, #tpu.memory_space<hbm>>
      tpu.enqueue_dma source(%dma_start3A_80 : memref<32x64xf32, #tpu.memory_space<hbm>>) target(%arg16 : memref<32x64xf32, #tpu.memory_space<vmem>>) target_semaphore(%arg21 : memref<!tpu.dma_semaphore, #tpu.memory_space<semaphore_mem>>)
      %dma_wait3A_81 = arith.constant 0 : i32
      %dma_wait3A_82 = arith.constant 0 : i32
      %dma_wait3A_83 = tpu.memref_slice %arg2[%dma_wait3A_81, %dma_wait3A_82] : memref<10240x128xf32, #tpu.memory_space<hbm>> -> memref<32x128xf32, #tpu.memory_space<hbm>>
      %dma_wait3A_84 = arith.constant 0 : i32
      %dma_wait3A_85 = arith.constant 0 : i32
      %dma_wait3A_86 = tpu.memref_slice %arg2[%dma_wait3A_84, %dma_wait3A_85] : memref<10240x128xf32, #tpu.memory_space<hbm>> -> memref<32x128xf32, #tpu.memory_space<hbm>>
      tpu.wait_dma2 semaphore(%arg20 : memref<!tpu.dma_semaphore, #tpu.memory_space<semaphore_mem>>) src(%dma_wait3A_86 : memref<32x128xf32, #tpu.memory_space<hbm>>) dst(%arg11 : memref<32x128xf32, #tpu.memory_space<vmem>>)
      %dma_wait3A_87 = arith.constant 0 : i32
      %dma_wait3A_88 = arith.constant 0 : i32
      %dma_wait3A_89 = tpu.memref_slice %arg3[%dma_wait3A_87, %dma_wait3A_88] : memref<10240x128xf32, #tpu.memory_space<hbm>> -> memref<32x128xf32, #tpu.memory_space<hbm>>
      %dma_wait3A_90 = arith.constant 0 : i32
      %dma_wait3A_91 = arith.constant 0 : i32
      %dma_wait3A_92 = tpu.memref_slice %arg3[%dma_wait3A_90, %dma_wait3A_91] : memref<10240x128xf32, #tpu.memory_space<hbm>> -> memref<32x128xf32, #tpu.memory_space<hbm>>
      tpu.wait_dma2 semaphore(%arg20 : memref<!tpu.dma_semaphore, #tpu.memory_space<semaphore_mem>>) src(%dma_wait3A_92 : memref<32x128xf32, #tpu.memory_space<hbm>>) dst(%arg12 : memref<32x128xf32, #tpu.memory_space<vmem>>)
      %dma_wait3A_93 = arith.constant 0 : i32
      %dma_wait3A_94 = arith.constant 0 : i32
      %dma_wait3A_95 = tpu.memref_slice %arg4[%dma_wait3A_93, %dma_wait3A_94] : memref<160000x64xf32, #tpu.memory_space<hbm>> -> memref<32x64xf32, #tpu.memory_space<hbm>>
      %dma_wait3A_96 = arith.constant 0 : i32
      %dma_wait3A_97 = arith.constant 0 : i32
      %dma_wait3A_98 = tpu.memref_slice %arg4[%dma_wait3A_96, %dma_wait3A_97] : memref<160000x64xf32, #tpu.memory_space<hbm>> -> memref<32x64xf32, #tpu.memory_space<hbm>>
      tpu.wait_dma2 semaphore(%arg20 : memref<!tpu.dma_semaphore, #tpu.memory_space<semaphore_mem>>) src(%dma_wait3A_98 : memref<32x64xf32, #tpu.memory_space<hbm>>) dst(%arg13 : memref<32x64xf32, #tpu.memory_space<vmem>>)
      %mul3A_99 = arith.constant 32 : i32
      %mul3A_100 = arith.muli %mul3A_57, %mul3A_99 : i32
      %min3A_101 = arith.constant 4968 : i32
      %min3A_102 = arith.minsi %mul3A_100, %min3A_101 : i32
      %sub3A = arith.subi %mul3A_100, %min3A_102 : i32
      %iota3A = tpu.iota {dimensions = array<i32: 0>} : vector<16xi32>
      %broadcast_in_dim3A = arith.constant 0.000000e+00 : f32
      %broadcast_in_dim3A_103 = vector.broadcast %broadcast_in_dim3A : f32 to vector<16xf32>
      %ge3A = arith.constant 2 : i32
      %ge3A_104 = arith.cmpi sge, %mul3A_57, %ge3A : i32
      %convert_element_type3A = arith.extui %ge3A_104 : i1 to i32
      %cond3A = arith.constant 0 : i32
      %cond3A_105 = arith.cmpi ne, %convert_element_type3A, %cond3A : i32
      scf.if %cond3A_105 {
        %dma_wait3A_165 = arith.constant 0 : i32
        %dma_wait3A_166 = arith.constant 0 : i32
        %dma_wait3A_167 = tpu.memref_slice %arg19[%dma_wait3A_165, %dma_wait3A_166] : memref<10240x128xf32, #tpu.memory_space<vmem_shared>> -> memref<32x128xf32, #tpu.memory_space<vmem_shared>>
        %dma_wait3A_168 = arith.constant 0 : i32
        %dma_wait3A_169 = arith.constant 0 : i32
        %dma_wait3A_170 = tpu.memref_slice %arg19[%dma_wait3A_168, %dma_wait3A_169] : memref<10240x128xf32, #tpu.memory_space<vmem_shared>> -> memref<32x128xf32, #tpu.memory_space<vmem_shared>>
        tpu.wait_dma2 semaphore(%arg22 : memref<!tpu.dma_semaphore, #tpu.memory_space<semaphore_mem>>) src(%arg17 : memref<32x128xf32, #tpu.memory_space<vmem>>) dst(%dma_wait3A_170 : memref<32x128xf32, #tpu.memory_space<vmem_shared>>)
      } else {
      }
      %scan3A_106 = arith.constant 0 : i32
      %scan3A_107 = arith.constant 0 : i32
      %scan3A_108 = arith.constant 4 : i32
      %scan3A_109 = arith.addi %scan3A_107, %scan3A_108 : i32
      %scan3A_110 = arith.constant 1 : i32
      scf.for %scan3A_165 = %scan3A_107 to %scan3A_109 step %scan3A_110  : i32 {
        %mul3A_166 = arith.constant 8 : i32
        %mul3A_167 = arith.muli %scan3A_165, %mul3A_166 : i32
        %add3A_168 = arith.constant 0 : i32
        %add3A_169 = arith.addi %mul3A_167, %add3A_168 : i32
        %add3A_170 = arith.addi %add3A_169, %sub3A : i32
        %min3A_171 = arith.constant 31 : i32
        %min3A_172 = arith.minsi %add3A_170, %min3A_171 : i32
        %get3A = arith.index_cast %add3A_169 : i32 to index
        %get3A_173 = arith.constant 0 : index
        %get3A_174 = tpu.vector_load %arg11[%get3A, %get3A_173] {strides = array<i32>} : memref<32x128xf32, #tpu.memory_space<vmem>>, vector<16xf32>,
        %get3A_175 = arith.index_cast %add3A_169 : i32 to index
        %get3A_176 = arith.constant 0 : index
        %get3A_177 = tpu.vector_load %arg12[%get3A_175, %get3A_176] {strides = array<i32>} : memref<32x128xf32, #tpu.memory_space<vmem>>, vector<16xf32>,
        %get3A_178 = arith.index_cast %min3A_172 : i32 to index
        %get3A_179 = arith.constant 0 : index
        %get3A_180 = tpu.vector_load %arg13[%get3A_178, %get3A_179] {strides = array<i32>} : memref<32x64xf32, #tpu.memory_space<vmem>>, vector<16xf32>,
        %add3A_181 = arith.addf %get3A_177, %get3A_180 : vector<16xf32>
        %mul3A_182 = arith.mulf %get3A_174, %add3A_181 : vector<16xf32>
        %add3A_183 = arith.addf %broadcast_in_dim3A_103, %mul3A_182 : vector<16xf32>
        %get3A_184 = arith.index_cast %add3A_169 : i32 to index
        %get3A_185 = arith.constant 64 : index
        %get3A_186 = tpu.vector_load %arg12[%get3A_184, %get3A_185] {strides = array<i32>} : memref<32x128xf32, #tpu.memory_space<vmem>>, vector<16xf32>,
        %add3A_187 = arith.addf %get3A_186, %get3A_180 : vector<16xf32>
        %swap3A = arith.index_cast %add3A_169 : i32 to index
        %swap3A_188 = arith.constant 0 : index
        %swap3A_189 = tpu.vector_load %arg17[%swap3A, %swap3A_188] {strides = array<i32>} : memref<32x128xf32, #tpu.memory_space<vmem>>, vector<16xf32>,
        tpu.vector_store %arg17[%swap3A, %swap3A_188], %add3A_187 {strides = array<i32>} : memref<32x128xf32, #tpu.memory_space<vmem>>, vector<16xf32>,
        %get3A_190 = arith.index_cast %add3A_169 : i32 to index
        %get3A_191 = arith.constant 16 : index
        %get3A_192 = tpu.vector_load %arg11[%get3A_190, %get3A_191] {strides = array<i32>} : memref<32x128xf32, #tpu.memory_space<vmem>>, vector<16xf32>,
        %get3A_193 = arith.index_cast %add3A_169 : i32 to index
        %get3A_194 = arith.constant 16 : index
        %get3A_195 = tpu.vector_load %arg12[%get3A_193, %get3A_194] {strides = array<i32>} : memref<32x128xf32, #tpu.memory_space<vmem>>, vector<16xf32>,
        %get3A_196 = arith.index_cast %min3A_172 : i32 to index
        %get3A_197 = arith.constant 16 : index
        %get3A_198 = tpu.vector_load %arg13[%get3A_196, %get3A_197] {strides = array<i32>} : memref<32x64xf32, #tpu.memory_space<vmem>>, vector<16xf32>,
        %add3A_199 = arith.addf %get3A_195, %get3A_198 : vector<16xf32>
        %mul3A_200 = arith.mulf %get3A_192, %add3A_199 : vector<16xf32>
        %add3A_201 = arith.addf %add3A_183, %mul3A_200 : vector<16xf32>
        %get3A_202 = arith.index_cast %add3A_169 : i32 to index
        %get3A_203 = arith.constant 80 : index
        %get3A_204 = tpu.vector_load %arg12[%get3A_202, %get3A_203] {strides = array<i32>} : memref<32x128xf32, #tpu.memory_space<vmem>>, vector<16xf32>,
        %add3A_205 = arith.addf %get3A_204, %get3A_198 : vector<16xf32>
        %swap3A_206 = arith.index_cast %add3A_169 : i32 to index
        %swap3A_207 = arith.constant 16 : index
        %swap3A_208 = tpu.vector_load %arg17[%swap3A_206, %swap3A_207] {strides = array<i32>} : memref<32x128xf32, #tpu.memory_space<vmem>>, vector<16xf32>,
        tpu.vector_store %arg17[%swap3A_206, %swap3A_207], %add3A_205 {strides = array<i32>} : memref<32x128xf32, #tpu.memory_space<vmem>>, vector<16xf32>,
        %get3A_209 = arith.index_cast %add3A_169 : i32 to index
        %get3A_210 = arith.constant 32 : index
        %get3A_211 = tpu.vector_load %arg11[%get3A_209, %get3A_210] {strides = array<i32>} : memref<32x128xf32, #tpu.memory_space<vmem>>, vector<16xf32>,
        %get3A_212 = arith.index_cast %add3A_169 : i32 to index
        %get3A_213 = arith.constant 32 : index
        %get3A_214 = tpu.vector_load %arg12[%get3A_212, %get3A_213] {strides = array<i32>} : memref<32x128xf32, #tpu.memory_space<vmem>>, vector<16xf32>,
        %get3A_215 = arith.index_cast %min3A_172 : i32 to index
        %get3A_216 = arith.constant 32 : index
        %get3A_217 = tpu.vector_load %arg13[%get3A_215, %get3A_216] {strides = array<i32>} : memref<32x64xf32, #tpu.memory_space<vmem>>, vector<16xf32>,
        %add3A_218 = arith.addf %get3A_214, %get3A_217 : vector<16xf32>
        %mul3A_219 = arith.mulf %get3A_211, %add3A_218 : vector<16xf32>
        %add3A_220 = arith.addf %add3A_201, %mul3A_219 : vector<16xf32>
        %get3A_221 = arith.index_cast %add3A_169 : i32 to index
        %get3A_222 = arith.constant 96 : index
        %get3A_223 = tpu.vector_load %arg12[%get3A_221, %get3A_222] {strides = array<i32>} : memref<32x128xf32, #tpu.memory_space<vmem>>, vector<16xf32>,
        %add3A_224 = arith.addf %get3A_223, %get3A_217 : vector<16xf32>
        %swap3A_225 = arith.index_cast %add3A_169 : i32 to index
        %swap3A_226 = arith.constant 32 : index
        %swap3A_227 = tpu.vector_load %arg17[%swap3A_225, %swap3A_226] {strides = array<i32>} : memref<32x128xf32, #tpu.memory_space<vmem>>, vector<16xf32>,
        tpu.vector_store %arg17[%swap3A_225, %swap3A_226], %add3A_224 {strides = array<i32>} : memref<32x128xf32, #tpu.memory_space<vmem>>, vector<16xf32>,
        %get3A_228 = arith.index_cast %add3A_169 : i32 to index
        %get3A_229 = arith.constant 48 : index
        %get3A_230 = tpu.vector_load %arg11[%get3A_228, %get3A_229] {strides = array<i32>} : memref<32x128xf32, #tpu.memory_space<vmem>>, vector<16xf32>,
        %get3A_231 = arith.index_cast %add3A_169 : i32 to index
        %get3A_232 = arith.constant 48 : index
        %get3A_233 = tpu.vector_load %arg12[%get3A_231, %get3A_232] {strides = array<i32>} : memref<32x128xf32, #tpu.memory_space<vmem>>, vector<16xf32>,
        %get3A_234 = arith.index_cast %min3A_172 : i32 to index
        %get3A_235 = arith.constant 48 : index
        %get3A_236 = tpu.vector_load %arg13[%get3A_234, %get3A_235] {strides = array<i32>} : memref<32x64xf32, #tpu.memory_space<vmem>>, vector<16xf32>,
        %add3A_237 = arith.addf %get3A_233, %get3A_236 : vector<16xf32>
        %mul3A_238 = arith.mulf %get3A_230, %add3A_237 : vector<16xf32>
        %add3A_239 = arith.addf %add3A_220, %mul3A_238 : vector<16xf32>
        %get3A_240 = arith.index_cast %add3A_169 : i32 to index
        %get3A_241 = arith.constant 112 : index
        %get3A_242 = tpu.vector_load %arg12[%get3A_240, %get3A_241] {strides = array<i32>} : memref<32x128xf32, #tpu.memory_space<vmem>>, vector<16xf32>,
        %add3A_243 = arith.addf %get3A_242, %get3A_236 : vector<16xf32>
        %swap3A_244 = arith.index_cast %add3A_169 : i32 to index
        %swap3A_245 = arith.constant 48 : index
        %swap3A_246 = tpu.vector_load %arg17[%swap3A_244, %swap3A_245] {strides = array<i32>} : memref<32x128xf32, #tpu.memory_space<vmem>>, vector<16xf32>,
        tpu.vector_store %arg17[%swap3A_244, %swap3A_245], %add3A_243 {strides = array<i32>} : memref<32x128xf32, #tpu.memory_space<vmem>>, vector<16xf32>,
        %reduce_sum3A = arith.constant true
        %reduce_sum3A_247 = vector.broadcast %reduce_sum3A : i1 to vector<16xi1>
        %reduce_sum3A_248 = tpu.scan <sum>, %add3A_239 masked %reduce_sum3A_247 : vector<16xf32>, vector<16xi1> -> vector<16xf32>
        %reduce_sum3A_249 = vector.extract %reduce_sum3A_248[15] : f32 from vector<16xf32>
        %mul3A_250 = arith.constant 1.250000e-01 : f32
        %mul3A_251 = arith.mulf %reduce_sum3A_249, %mul3A_250 : f32
        %broadcast_in_dim3A_252 = vector.broadcast %mul3A_251 : f32 to vector<16xf32>
        %exp3A = math.exp %broadcast_in_dim3A_252 : vector<16xf32>
        %mul3A_253 = arith.constant 8 : i32
        %mul3A_254 = arith.muli %scan3A_165, %mul3A_253 : i32
        %add3A_255 = arith.constant 1 : i32
        %add3A_256 = arith.addi %mul3A_254, %add3A_255 : i32
        %add3A_257 = arith.addi %add3A_256, %sub3A : i32
        %min3A_258 = arith.constant 31 : i32
        %min3A_259 = arith.minsi %add3A_257, %min3A_258 : i32
        %get3A_260 = arith.index_cast %add3A_256 : i32 to index
        %get3A_261 = arith.constant 0 : index
        %get3A_262 = tpu.vector_load %arg11[%get3A_260, %get3A_261] {strides = array<i32>} : memref<32x128xf32, #tpu.memory_space<vmem>>, vector<16xf32>,
        %get3A_263 = arith.index_cast %add3A_256 : i32 to index
        %get3A_264 = arith.constant 0 : index
        %get3A_265 = tpu.vector_load %arg12[%get3A_263, %get3A_264] {strides = array<i32>} : memref<32x128xf32, #tpu.memory_space<vmem>>, vector<16xf32>,
        %get3A_266 = arith.index_cast %min3A_259 : i32 to index
        %get3A_267 = arith.constant 0 : index
        %get3A_268 = tpu.vector_load %arg13[%get3A_266, %get3A_267] {strides = array<i32>} : memref<32x64xf32, #tpu.memory_space<vmem>>, vector<16xf32>,
        %add3A_269 = arith.addf %get3A_265, %get3A_268 : vector<16xf32>
        %mul3A_270 = arith.mulf %get3A_262, %add3A_269 : vector<16xf32>
        %add3A_271 = arith.addf %broadcast_in_dim3A_103, %mul3A_270 : vector<16xf32>
        %get3A_272 = arith.index_cast %add3A_256 : i32 to index
        %get3A_273 = arith.constant 64 : index
        %get3A_274 = tpu.vector_load %arg12[%get3A_272, %get3A_273] {strides = array<i32>} : memref<32x128xf32, #tpu.memory_space<vmem>>, vector<16xf32>,
        %add3A_275 = arith.addf %get3A_274, %get3A_268 : vector<16xf32>
        %swap3A_276 = arith.index_cast %add3A_256 : i32 to index
        %swap3A_277 = arith.constant 0 : index
        %swap3A_278 = tpu.vector_load %arg17[%swap3A_276, %swap3A_277] {strides = array<i32>} : memref<32x128xf32, #tpu.memory_space<vmem>>, vector<16xf32>,
        tpu.vector_store %arg17[%swap3A_276, %swap3A_277], %add3A_275 {strides = array<i32>} : memref<32x128xf32, #tpu.memory_space<vmem>>, vector<16xf32>,
        %get3A_279 = arith.index_cast %add3A_256 : i32 to index
        %get3A_280 = arith.constant 16 : index
        %get3A_281 = tpu.vector_load %arg11[%get3A_279, %get3A_280] {strides = array<i32>} : memref<32x128xf32, #tpu.memory_space<vmem>>, vector<16xf32>,
        %get3A_282 = arith.index_cast %add3A_256 : i32 to index
        %get3A_283 = arith.constant 16 : index
        %get3A_284 = tpu.vector_load %arg12[%get3A_282, %get3A_283] {strides = array<i32>} : memref<32x128xf32, #tpu.memory_space<vmem>>, vector<16xf32>,
        %get3A_285 = arith.index_cast %min3A_259 : i32 to index
        %get3A_286 = arith.constant 16 : index
        %get3A_287 = tpu.vector_load %arg13[%get3A_285, %get3A_286] {strides = array<i32>} : memref<32x64xf32, #tpu.memory_space<vmem>>, vector<16xf32>,
        %add3A_288 = arith.addf %get3A_284, %get3A_287 : vector<16xf32>
        %mul3A_289 = arith.mulf %get3A_281, %add3A_288 : vector<16xf32>
        %add3A_290 = arith.addf %add3A_271, %mul3A_289 : vector<16xf32>
        %get3A_291 = arith.index_cast %add3A_256 : i32 to index
        %get3A_292 = arith.constant 80 : index
        %get3A_293 = tpu.vector_load %arg12[%get3A_291, %get3A_292] {strides = array<i32>} : memref<32x128xf32, #tpu.memory_space<vmem>>, vector<16xf32>,
        %add3A_294 = arith.addf %get3A_293, %get3A_287 : vector<16xf32>
        %swap3A_295 = arith.index_cast %add3A_256 : i32 to index
        %swap3A_296 = arith.constant 16 : index
        %swap3A_297 = tpu.vector_load %arg17[%swap3A_295, %swap3A_296] {strides = array<i32>} : memref<32x128xf32, #tpu.memory_space<vmem>>, vector<16xf32>,
        tpu.vector_store %arg17[%swap3A_295, %swap3A_296], %add3A_294 {strides = array<i32>} : memref<32x128xf32, #tpu.memory_space<vmem>>, vector<16xf32>,
        %get3A_298 = arith.index_cast %add3A_256 : i32 to index
        %get3A_299 = arith.constant 32 : index
        %get3A_300 = tpu.vector_load %arg11[%get3A_298, %get3A_299] {strides = array<i32>} : memref<32x128xf32, #tpu.memory_space<vmem>>, vector<16xf32>,
        %get3A_301 = arith.index_cast %add3A_256 : i32 to index
        %get3A_302 = arith.constant 32 : index
        %get3A_303 = tpu.vector_load %arg12[%get3A_301, %get3A_302] {strides = array<i32>} : memref<32x128xf32, #tpu.memory_space<vmem>>, vector<16xf32>,
        %get3A_304 = arith.index_cast %min3A_259 : i32 to index
        %get3A_305 = arith.constant 32 : index
        %get3A_306 = tpu.vector_load %arg13[%get3A_304, %get3A_305] {strides = array<i32>} : memref<32x64xf32, #tpu.memory_space<vmem>>, vector<16xf32>,
        %add3A_307 = arith.addf %get3A_303, %get3A_306 : vector<16xf32>
        %mul3A_308 = arith.mulf %get3A_300, %add3A_307 : vector<16xf32>
        %add3A_309 = arith.addf %add3A_290, %mul3A_308 : vector<16xf32>
        %get3A_310 = arith.index_cast %add3A_256 : i32 to index
        %get3A_311 = arith.constant 96 : index
        %get3A_312 = tpu.vector_load %arg12[%get3A_310, %get3A_311] {strides = array<i32>} : memref<32x128xf32, #tpu.memory_space<vmem>>, vector<16xf32>,
        %add3A_313 = arith.addf %get3A_312, %get3A_306 : vector<16xf32>
        %swap3A_314 = arith.index_cast %add3A_256 : i32 to index
        %swap3A_315 = arith.constant 32 : index
        %swap3A_316 = tpu.vector_load %arg17[%swap3A_314, %swap3A_315] {strides = array<i32>} : memref<32x128xf32, #tpu.memory_space<vmem>>, vector<16xf32>,
        tpu.vector_store %arg17[%swap3A_314, %swap3A_315], %add3A_313 {strides = array<i32>} : memref<32x128xf32, #tpu.memory_space<vmem>>, vector<16xf32>,
        %get3A_317 = arith.index_cast %add3A_256 : i32 to index
        %get3A_318 = arith.constant 48 : index
        %get3A_319 = tpu.vector_load %arg11[%get3A_317, %get3A_318] {strides = array<i32>} : memref<32x128xf32, #tpu.memory_space<vmem>>, vector<16xf32>,
        %get3A_320 = arith.index_cast %add3A_256 : i32 to index
        %get3A_321 = arith.constant 48 : index
        %get3A_322 = tpu.vector_load %arg12[%get3A_320, %get3A_321] {strides = array<i32>} : memref<32x128xf32, #tpu.memory_space<vmem>>, vector<16xf32>,
        %get3A_323 = arith.index_cast %min3A_259 : i32 to index
        %get3A_324 = arith.constant 48 : index
        %get3A_325 = tpu.vector_load %arg13[%get3A_323, %get3A_324] {strides = array<i32>} : memref<32x64xf32, #tpu.memory_space<vmem>>, vector<16xf32>,
        %add3A_326 = arith.addf %get3A_322, %get3A_325 : vector<16xf32>
        %mul3A_327 = arith.mulf %get3A_319, %add3A_326 : vector<16xf32>
        %add3A_328 = arith.addf %add3A_309, %mul3A_327 : vector<16xf32>
        %get3A_329 = arith.index_cast %add3A_256 : i32 to index
        %get3A_330 = arith.constant 112 : index
        %get3A_331 = tpu.vector_load %arg12[%get3A_329, %get3A_330] {strides = array<i32>} : memref<32x128xf32, #tpu.memory_space<vmem>>, vector<16xf32>,
        %add3A_332 = arith.addf %get3A_331, %get3A_325 : vector<16xf32>
        %swap3A_333 = arith.index_cast %add3A_256 : i32 to index
        %swap3A_334 = arith.constant 48 : index
        %swap3A_335 = tpu.vector_load %arg17[%swap3A_333, %swap3A_334] {strides = array<i32>} : memref<32x128xf32, #tpu.memory_space<vmem>>, vector<16xf32>,
        tpu.vector_store %arg17[%swap3A_333, %swap3A_334], %add3A_332 {strides = array<i32>} : memref<32x128xf32, #tpu.memory_space<vmem>>, vector<16xf32>,
        %reduce_sum3A_336 = arith.constant true
        %reduce_sum3A_337 = vector.broadcast %reduce_sum3A_336 : i1 to vector<16xi1>
        %reduce_sum3A_338 = tpu.scan <sum>, %add3A_328 masked %reduce_sum3A_337 : vector<16xf32>, vector<16xi1> -> vector<16xf32>
        %reduce_sum3A_339 = vector.extract %reduce_sum3A_338[15] : f32 from vector<16xf32>
        %mul3A_340 = arith.constant 1.250000e-01 : f32
        %mul3A_341 = arith.mulf %reduce_sum3A_339, %mul3A_340 : f32
        %broadcast_in_dim3A_342 = vector.broadcast %mul3A_341 : f32 to vector<16xf32>
        %exp3A_343 = math.exp %broadcast_in_dim3A_342 : vector<16xf32>
        %mul3A_344 = arith.constant 8 : i32
        %mul3A_345 = arith.muli %scan3A_165, %mul3A_344 : i32
        %add3A_346 = arith.constant 2 : i32
        %add3A_347 = arith.addi %mul3A_345, %add3A_346 : i32
        %add3A_348 = arith.addi %add3A_347, %sub3A : i32
        %min3A_349 = arith.constant 31 : i32
        %min3A_350 = arith.minsi %add3A_348, %min3A_349 : i32
        %get3A_351 = arith.index_cast %add3A_347 : i32 to index
        %get3A_352 = arith.constant 0 : index
        %get3A_353 = tpu.vector_load %arg11[%get3A_351, %get3A_352] {strides = array<i32>} : memref<32x128xf32, #tpu.memory_space<vmem>>, vector<16xf32>,
        %get3A_354 = arith.index_cast %add3A_347 : i32 to index
        %get3A_355 = arith.constant 0 : index
        %get3A_356 = tpu.vector_load %arg12[%get3A_354, %get3A_355] {strides = array<i32>} : memref<32x128xf32, #tpu.memory_space<vmem>>, vector<16xf32>,
        %get3A_357 = arith.index_cast %min3A_350 : i32 to index
        %get3A_358 = arith.constant 0 : index
        %get3A_359 = tpu.vector_load %arg13[%get3A_357, %get3A_358] {strides = array<i32>} : memref<32x64xf32, #tpu.memory_space<vmem>>, vector<16xf32>,
        %add3A_360 = arith.addf %get3A_356, %get3A_359 : vector<16xf32>
        %mul3A_361 = arith.mulf %get3A_353, %add3A_360 : vector<16xf32>
        %add3A_362 = arith.addf %broadcast_in_dim3A_103, %mul3A_361 : vector<16xf32>
        %get3A_363 = arith.index_cast %add3A_347 : i32 to index
        %get3A_364 = arith.constant 64 : index
        %get3A_365 = tpu.vector_load %arg12[%get3A_363, %get3A_364] {strides = array<i32>} : memref<32x128xf32, #tpu.memory_space<vmem>>, vector<16xf32>,
        %add3A_366 = arith.addf %get3A_365, %get3A_359 : vector<16xf32>
        %swap3A_367 = arith.index_cast %add3A_347 : i32 to index
        %swap3A_368 = arith.constant 0 : index
        %swap3A_369 = tpu.vector_load %arg17[%swap3A_367, %swap3A_368] {strides = array<i32>} : memref<32x128xf32, #tpu.memory_space<vmem>>, vector<16xf32>,
        tpu.vector_store %arg17[%swap3A_367, %swap3A_368], %add3A_366 {strides = array<i32>} : memref<32x128xf32, #tpu.memory_space<vmem>>, vector<16xf32>,
        %get3A_370 = arith.index_cast %add3A_347 : i32 to index
        %get3A_371 = arith.constant 16 : index
        %get3A_372 = tpu.vector_load %arg11[%get3A_370, %get3A_371] {strides = array<i32>} : memref<32x128xf32, #tpu.memory_space<vmem>>, vector<16xf32>,
        %get3A_373 = arith.index_cast %add3A_347 : i32 to index
        %get3A_374 = arith.constant 16 : index
        %get3A_375 = tpu.vector_load %arg12[%get3A_373, %get3A_374] {strides = array<i32>} : memref<32x128xf32, #tpu.memory_space<vmem>>, vector<16xf32>,
        %get3A_376 = arith.index_cast %min3A_350 : i32 to index
        %get3A_377 = arith.constant 16 : index
        %get3A_378 = tpu.vector_load %arg13[%get3A_376, %get3A_377] {strides = array<i32>} : memref<32x64xf32, #tpu.memory_space<vmem>>, vector<16xf32>,
        %add3A_379 = arith.addf %get3A_375, %get3A_378 : vector<16xf32>
        %mul3A_380 = arith.mulf %get3A_372, %add3A_379 : vector<16xf32>
        %add3A_381 = arith.addf %add3A_362, %mul3A_380 : vector<16xf32>
        %get3A_382 = arith.index_cast %add3A_347 : i32 to index
        %get3A_383 = arith.constant 80 : index
        %get3A_384 = tpu.vector_load %arg12[%get3A_382, %get3A_383] {strides = array<i32>} : memref<32x128xf32, #tpu.memory_space<vmem>>, vector<16xf32>,
        %add3A_385 = arith.addf %get3A_384, %get3A_378 : vector<16xf32>
        %swap3A_386 = arith.index_cast %add3A_347 : i32 to index
        %swap3A_387 = arith.constant 16 : index
        %swap3A_388 = tpu.vector_load %arg17[%swap3A_386, %swap3A_387] {strides = array<i32>} : memref<32x128xf32, #tpu.memory_space<vmem>>, vector<16xf32>,
        tpu.vector_store %arg17[%swap3A_386, %swap3A_387], %add3A_385 {strides = array<i32>} : memref<32x128xf32, #tpu.memory_space<vmem>>, vector<16xf32>,
        %get3A_389 = arith.index_cast %add3A_347 : i32 to index
        %get3A_390 = arith.constant 32 : index
        %get3A_391 = tpu.vector_load %arg11[%get3A_389, %get3A_390] {strides = array<i32>} : memref<32x128xf32, #tpu.memory_space<vmem>>, vector<16xf32>,
        %get3A_392 = arith.index_cast %add3A_347 : i32 to index
        %get3A_393 = arith.constant 32 : index
        %get3A_394 = tpu.vector_load %arg12[%get3A_392, %get3A_393] {strides = array<i32>} : memref<32x128xf32, #tpu.memory_space<vmem>>, vector<16xf32>,
        %get3A_395 = arith.index_cast %min3A_350 : i32 to index
        %get3A_396 = arith.constant 32 : index
        %get3A_397 = tpu.vector_load %arg13[%get3A_395, %get3A_396] {strides = array<i32>} : memref<32x64xf32, #tpu.memory_space<vmem>>, vector<16xf32>,
        %add3A_398 = arith.addf %get3A_394, %get3A_397 : vector<16xf32>
        %mul3A_399 = arith.mulf %get3A_391, %add3A_398 : vector<16xf32>
        %add3A_400 = arith.addf %add3A_381, %mul3A_399 : vector<16xf32>
        %get3A_401 = arith.index_cast %add3A_347 : i32 to index
        %get3A_402 = arith.constant 96 : index
        %get3A_403 = tpu.vector_load %arg12[%get3A_401, %get3A_402] {strides = array<i32>} : memref<32x128xf32, #tpu.memory_space<vmem>>, vector<16xf32>,
        %add3A_404 = arith.addf %get3A_403, %get3A_397 : vector<16xf32>
        %swap3A_405 = arith.index_cast %add3A_347 : i32 to index
        %swap3A_406 = arith.constant 32 : index
        %swap3A_407 = tpu.vector_load %arg17[%swap3A_405, %swap3A_406] {strides = array<i32>} : memref<32x128xf32, #tpu.memory_space<vmem>>, vector<16xf32>,
        tpu.vector_store %arg17[%swap3A_405, %swap3A_406], %add3A_404 {strides = array<i32>} : memref<32x128xf32, #tpu.memory_space<vmem>>, vector<16xf32>,
        %get3A_408 = arith.index_cast %add3A_347 : i32 to index
        %get3A_409 = arith.constant 48 : index
        %get3A_410 = tpu.vector_load %arg11[%get3A_408, %get3A_409] {strides = array<i32>} : memref<32x128xf32, #tpu.memory_space<vmem>>, vector<16xf32>,
        %get3A_411 = arith.index_cast %add3A_347 : i32 to index
        %get3A_412 = arith.constant 48 : index
        %get3A_413 = tpu.vector_load %arg12[%get3A_411, %get3A_412] {strides = array<i32>} : memref<32x128xf32, #tpu.memory_space<vmem>>, vector<16xf32>,
        %get3A_414 = arith.index_cast %min3A_350 : i32 to index
        %get3A_415 = arith.constant 48 : index
        %get3A_416 = tpu.vector_load %arg13[%get3A_414, %get3A_415] {strides = array<i32>} : memref<32x64xf32, #tpu.memory_space<vmem>>, vector<16xf32>,
        %add3A_417 = arith.addf %get3A_413, %get3A_416 : vector<16xf32>
        %mul3A_418 = arith.mulf %get3A_410, %add3A_417 : vector<16xf32>
        %add3A_419 = arith.addf %add3A_400, %mul3A_418 : vector<16xf32>
        %get3A_420 = arith.index_cast %add3A_347 : i32 to index
        %get3A_421 = arith.constant 112 : index
        %get3A_422 = tpu.vector_load %arg12[%get3A_420, %get3A_421] {strides = array<i32>} : memref<32x128xf32, #tpu.memory_space<vmem>>, vector<16xf32>,
        %add3A_423 = arith.addf %get3A_422, %get3A_416 : vector<16xf32>
        %swap3A_424 = arith.index_cast %add3A_347 : i32 to index
        %swap3A_425 = arith.constant 48 : index
        %swap3A_426 = tpu.vector_load %arg17[%swap3A_424, %swap3A_425] {strides = array<i32>} : memref<32x128xf32, #tpu.memory_space<vmem>>, vector<16xf32>,
        tpu.vector_store %arg17[%swap3A_424, %swap3A_425], %add3A_423 {strides = array<i32>} : memref<32x128xf32, #tpu.memory_space<vmem>>, vector<16xf32>,
        %reduce_sum3A_427 = arith.constant true
        %reduce_sum3A_428 = vector.broadcast %reduce_sum3A_427 : i1 to vector<16xi1>
        %reduce_sum3A_429 = tpu.scan <sum>, %add3A_419 masked %reduce_sum3A_428 : vector<16xf32>, vector<16xi1> -> vector<16xf32>
        %reduce_sum3A_430 = vector.extract %reduce_sum3A_429[15] : f32 from vector<16xf32>
        %mul3A_431 = arith.constant 1.250000e-01 : f32
        %mul3A_432 = arith.mulf %reduce_sum3A_430, %mul3A_431 : f32
        %broadcast_in_dim3A_433 = vector.broadcast %mul3A_432 : f32 to vector<16xf32>
        %exp3A_434 = math.exp %broadcast_in_dim3A_433 : vector<16xf32>
        %mul3A_435 = arith.constant 8 : i32
        %mul3A_436 = arith.muli %scan3A_165, %mul3A_435 : i32
        %add3A_437 = arith.constant 3 : i32
        %add3A_438 = arith.addi %mul3A_436, %add3A_437 : i32
        %add3A_439 = arith.addi %add3A_438, %sub3A : i32
        %min3A_440 = arith.constant 31 : i32
        %min3A_441 = arith.minsi %add3A_439, %min3A_440 : i32
        %get3A_442 = arith.index_cast %add3A_438 : i32 to index
        %get3A_443 = arith.constant 0 : index
        %get3A_444 = tpu.vector_load %arg11[%get3A_442, %get3A_443] {strides = array<i32>} : memref<32x128xf32, #tpu.memory_space<vmem>>, vector<16xf32>,
        %get3A_445 = arith.index_cast %add3A_438 : i32 to index
        %get3A_446 = arith.constant 0 : index
        %get3A_447 = tpu.vector_load %arg12[%get3A_445, %get3A_446] {strides = array<i32>} : memref<32x128xf32, #tpu.memory_space<vmem>>, vector<16xf32>,
        %get3A_448 = arith.index_cast %min3A_441 : i32 to index
        %get3A_449 = arith.constant 0 : index
        %get3A_450 = tpu.vector_load %arg13[%get3A_448, %get3A_449] {strides = array<i32>} : memref<32x64xf32, #tpu.memory_space<vmem>>, vector<16xf32>,
        %add3A_451 = arith.addf %get3A_447, %get3A_450 : vector<16xf32>
        %mul3A_452 = arith.mulf %get3A_444, %add3A_451 : vector<16xf32>
        %add3A_453 = arith.addf %broadcast_in_dim3A_103, %mul3A_452 : vector<16xf32>
        %get3A_454 = arith.index_cast %add3A_438 : i32 to index
        %get3A_455 = arith.constant 64 : index
        %get3A_456 = tpu.vector_load %arg12[%get3A_454, %get3A_455] {strides = array<i32>} : memref<32x128xf32, #tpu.memory_space<vmem>>, vector<16xf32>,
        %add3A_457 = arith.addf %get3A_456, %get3A_450 : vector<16xf32>
        %swap3A_458 = arith.index_cast %add3A_438 : i32 to index
        %swap3A_459 = arith.constant 0 : index
        %swap3A_460 = tpu.vector_load %arg17[%swap3A_458, %swap3A_459] {strides = array<i32>} : memref<32x128xf32, #tpu.memory_space<vmem>>, vector<16xf32>,
        tpu.vector_store %arg17[%swap3A_458, %swap3A_459], %add3A_457 {strides = array<i32>} : memref<32x128xf32, #tpu.memory_space<vmem>>, vector<16xf32>,
        %get3A_461 = arith.index_cast %add3A_438 : i32 to index
        %get3A_462 = arith.constant 16 : index
        %get3A_463 = tpu.vector_load %arg11[%get3A_461, %get3A_462] {strides = array<i32>} : memref<32x128xf32, #tpu.memory_space<vmem>>, vector<16xf32>,
        %get3A_464 = arith.index_cast %add3A_438 : i32 to index
        %get3A_465 = arith.constant 16 : index
        %get3A_466 = tpu.vector_load %arg12[%get3A_464, %get3A_465] {strides = array<i32>} : memref<32x128xf32, #tpu.memory_space<vmem>>, vector<16xf32>,
        %get3A_467 = arith.index_cast %min3A_441 : i32 to index
        %get3A_468 = arith.constant 16 : index
        %get3A_469 = tpu.vector_load %arg13[%get3A_467, %get3A_468] {strides = array<i32>} : memref<32x64xf32, #tpu.memory_space<vmem>>, vector<16xf32>,
        %add3A_470 = arith.addf %get3A_466, %get3A_469 : vector<16xf32>
        %mul3A_471 = arith.mulf %get3A_463, %add3A_470 : vector<16xf32>
        %add3A_472 = arith.addf %add3A_453, %mul3A_471 : vector<16xf32>
        %get3A_473 = arith.index_cast %add3A_438 : i32 to index
        %get3A_474 = arith.constant 80 : index
        %get3A_475 = tpu.vector_load %arg12[%get3A_473, %get3A_474] {strides = array<i32>} : memref<32x128xf32, #tpu.memory_space<vmem>>, vector<16xf32>,
        %add3A_476 = arith.addf %get3A_475, %get3A_469 : vector<16xf32>
        %swap3A_477 = arith.index_cast %add3A_438 : i32 to index
        %swap3A_478 = arith.constant 16 : index
        %swap3A_479 = tpu.vector_load %arg17[%swap3A_477, %swap3A_478] {strides = array<i32>} : memref<32x128xf32, #tpu.memory_space<vmem>>, vector<16xf32>,
        tpu.vector_store %arg17[%swap3A_477, %swap3A_478], %add3A_476 {strides = array<i32>} : memref<32x128xf32, #tpu.memory_space<vmem>>, vector<16xf32>,
        %get3A_480 = arith.index_cast %add3A_438 : i32 to index
        %get3A_481 = arith.constant 32 : index
        %get3A_482 = tpu.vector_load %arg11[%get3A_480, %get3A_481] {strides = array<i32>} : memref<32x128xf32, #tpu.memory_space<vmem>>, vector<16xf32>,
        %get3A_483 = arith.index_cast %add3A_438 : i32 to index
        %get3A_484 = arith.constant 32 : index
        %get3A_485 = tpu.vector_load %arg12[%get3A_483, %get3A_484] {strides = array<i32>} : memref<32x128xf32, #tpu.memory_space<vmem>>, vector<16xf32>,
        %get3A_486 = arith.index_cast %min3A_441 : i32 to index
        %get3A_487 = arith.constant 32 : index
        %get3A_488 = tpu.vector_load %arg13[%get3A_486, %get3A_487] {strides = array<i32>} : memref<32x64xf32, #tpu.memory_space<vmem>>, vector<16xf32>,
        %add3A_489 = arith.addf %get3A_485, %get3A_488 : vector<16xf32>
        %mul3A_490 = arith.mulf %get3A_482, %add3A_489 : vector<16xf32>
        %add3A_491 = arith.addf %add3A_472, %mul3A_490 : vector<16xf32>
        %get3A_492 = arith.index_cast %add3A_438 : i32 to index
        %get3A_493 = arith.constant 96 : index
        %get3A_494 = tpu.vector_load %arg12[%get3A_492, %get3A_493] {strides = array<i32>} : memref<32x128xf32, #tpu.memory_space<vmem>>, vector<16xf32>,
        %add3A_495 = arith.addf %get3A_494, %get3A_488 : vector<16xf32>
        %swap3A_496 = arith.index_cast %add3A_438 : i32 to index
        %swap3A_497 = arith.constant 32 : index
        %swap3A_498 = tpu.vector_load %arg17[%swap3A_496, %swap3A_497] {strides = array<i32>} : memref<32x128xf32, #tpu.memory_space<vmem>>, vector<16xf32>,
        tpu.vector_store %arg17[%swap3A_496, %swap3A_497], %add3A_495 {strides = array<i32>} : memref<32x128xf32, #tpu.memory_space<vmem>>, vector<16xf32>,
        %get3A_499 = arith.index_cast %add3A_438 : i32 to index
        %get3A_500 = arith.constant 48 : index
        %get3A_501 = tpu.vector_load %arg11[%get3A_499, %get3A_500] {strides = array<i32>} : memref<32x128xf32, #tpu.memory_space<vmem>>, vector<16xf32>,
        %get3A_502 = arith.index_cast %add3A_438 : i32 to index
        %get3A_503 = arith.constant 48 : index
        %get3A_504 = tpu.vector_load %arg12[%get3A_502, %get3A_503] {strides = array<i32>} : memref<32x128xf32, #tpu.memory_space<vmem>>, vector<16xf32>,
        %get3A_505 = arith.index_cast %min3A_441 : i32 to index
        %get3A_506 = arith.constant 48 : index
        %get3A_507 = tpu.vector_load %arg13[%get3A_505, %get3A_506] {strides = array<i32>} : memref<32x64xf32, #tpu.memory_space<vmem>>, vector<16xf32>,
        %add3A_508 = arith.addf %get3A_504, %get3A_507 : vector<16xf32>
        %mul3A_509 = arith.mulf %get3A_501, %add3A_508 : vector<16xf32>
        %add3A_510 = arith.addf %add3A_491, %mul3A_509 : vector<16xf32>
        %get3A_511 = arith.index_cast %add3A_438 : i32 to index
        %get3A_512 = arith.constant 112 : index
        %get3A_513 = tpu.vector_load %arg12[%get3A_511, %get3A_512] {strides = array<i32>} : memref<32x128xf32, #tpu.memory_space<vmem>>, vector<16xf32>,
        %add3A_514 = arith.addf %get3A_513, %get3A_507 : vector<16xf32>
        %swap3A_515 = arith.index_cast %add3A_438 : i32 to index
        %swap3A_516 = arith.constant 48 : index
        %swap3A_517 = tpu.vector_load %arg17[%swap3A_515, %swap3A_516] {strides = array<i32>} : memref<32x128xf32, #tpu.memory_space<vmem>>, vector<16xf32>,
        tpu.vector_store %arg17[%swap3A_515, %swap3A_516], %add3A_514 {strides = array<i32>} : memref<32x128xf32, #tpu.memory_space<vmem>>, vector<16xf32>,
        %reduce_sum3A_518 = arith.constant true
        %reduce_sum3A_519 = vector.broadcast %reduce_sum3A_518 : i1 to vector<16xi1>
        %reduce_sum3A_520 = tpu.scan <sum>, %add3A_510 masked %reduce_sum3A_519 : vector<16xf32>, vector<16xi1> -> vector<16xf32>
        %reduce_sum3A_521 = vector.extract %reduce_sum3A_520[15] : f32 from vector<16xf32>
        %mul3A_522 = arith.constant 1.250000e-01 : f32
        %mul3A_523 = arith.mulf %reduce_sum3A_521, %mul3A_522 : f32
        %broadcast_in_dim3A_524 = vector.broadcast %mul3A_523 : f32 to vector<16xf32>
        %exp3A_525 = math.exp %broadcast_in_dim3A_524 : vector<16xf32>
        %mul3A_526 = arith.constant 8 : i32
        %mul3A_527 = arith.muli %scan3A_165, %mul3A_526 : i32
        %add3A_528 = arith.constant 4 : i32
        %add3A_529 = arith.addi %mul3A_527, %add3A_528 : i32
        %add3A_530 = arith.addi %add3A_529, %sub3A : i32
        %min3A_531 = arith.constant 31 : i32
        %min3A_532 = arith.minsi %add3A_530, %min3A_531 : i32
        %get3A_533 = arith.index_cast %add3A_529 : i32 to index
        %get3A_534 = arith.constant 0 : index
        %get3A_535 = tpu.vector_load %arg11[%get3A_533, %get3A_534] {strides = array<i32>} : memref<32x128xf32, #tpu.memory_space<vmem>>, vector<16xf32>,
        %get3A_536 = arith.index_cast %add3A_529 : i32 to index
        %get3A_537 = arith.constant 0 : index
        %get3A_538 = tpu.vector_load %arg12[%get3A_536, %get3A_537] {strides = array<i32>} : memref<32x128xf32, #tpu.memory_space<vmem>>, vector<16xf32>,
        %get3A_539 = arith.index_cast %min3A_532 : i32 to index
        %get3A_540 = arith.constant 0 : index
        %get3A_541 = tpu.vector_load %arg13[%get3A_539, %get3A_540] {strides = array<i32>} : memref<32x64xf32, #tpu.memory_space<vmem>>, vector<16xf32>,
        %add3A_542 = arith.addf %get3A_538, %get3A_541 : vector<16xf32>
        %mul3A_543 = arith.mulf %get3A_535, %add3A_542 : vector<16xf32>
        %add3A_544 = arith.addf %broadcast_in_dim3A_103, %mul3A_543 : vector<16xf32>
        %get3A_545 = arith.index_cast %add3A_529 : i32 to index
        %get3A_546 = arith.constant 64 : index
        %get3A_547 = tpu.vector_load %arg12[%get3A_545, %get3A_546] {strides = array<i32>} : memref<32x128xf32, #tpu.memory_space<vmem>>, vector<16xf32>,
        %add3A_548 = arith.addf %get3A_547, %get3A_541 : vector<16xf32>
        %swap3A_549 = arith.index_cast %add3A_529 : i32 to index
        %swap3A_550 = arith.constant 0 : index
        %swap3A_551 = tpu.vector_load %arg17[%swap3A_549, %swap3A_550] {strides = array<i32>} : memref<32x128xf32, #tpu.memory_space<vmem>>, vector<16xf32>,
        tpu.vector_store %arg17[%swap3A_549, %swap3A_550], %add3A_548 {strides = array<i32>} : memref<32x128xf32, #tpu.memory_space<vmem>>, vector<16xf32>,
        %get3A_552 = arith.index_cast %add3A_529 : i32 to index
        %get3A_553 = arith.constant 16 : index
        %get3A_554 = tpu.vector_load %arg11[%get3A_552, %get3A_553] {strides = array<i32>} : memref<32x128xf32, #tpu.memory_space<vmem>>, vector<16xf32>,
        %get3A_555 = arith.index_cast %add3A_529 : i32 to index
        %get3A_556 = arith.constant 16 : index
        %get3A_557 = tpu.vector_load %arg12[%get3A_555, %get3A_556] {strides = array<i32>} : memref<32x128xf32, #tpu.memory_space<vmem>>, vector<16xf32>,
        %get3A_558 = arith.index_cast %min3A_532 : i32 to index
        %get3A_559 = arith.constant 16 : index
        %get3A_560 = tpu.vector_load %arg13[%get3A_558, %get3A_559] {strides = array<i32>} : memref<32x64xf32, #tpu.memory_space<vmem>>, vector<16xf32>,
        %add3A_561 = arith.addf %get3A_557, %get3A_560 : vector<16xf32>
        %mul3A_562 = arith.mulf %get3A_554, %add3A_561 : vector<16xf32>
        %add3A_563 = arith.addf %add3A_544, %mul3A_562 : vector<16xf32>
        %get3A_564 = arith.index_cast %add3A_529 : i32 to index
        %get3A_565 = arith.constant 80 : index
        %get3A_566 = tpu.vector_load %arg12[%get3A_564, %get3A_565] {strides = array<i32>} : memref<32x128xf32, #tpu.memory_space<vmem>>, vector<16xf32>,
        %add3A_567 = arith.addf %get3A_566, %get3A_560 : vector<16xf32>
        %swap3A_568 = arith.index_cast %add3A_529 : i32 to index
        %swap3A_569 = arith.constant 16 : index
        %swap3A_570 = tpu.vector_load %arg17[%swap3A_568, %swap3A_569] {strides = array<i32>} : memref<32x128xf32, #tpu.memory_space<vmem>>, vector<16xf32>,
        tpu.vector_store %arg17[%swap3A_568, %swap3A_569], %add3A_567 {strides = array<i32>} : memref<32x128xf32, #tpu.memory_space<vmem>>, vector<16xf32>,
        %get3A_571 = arith.index_cast %add3A_529 : i32 to index
        %get3A_572 = arith.constant 32 : index
        %get3A_573 = tpu.vector_load %arg11[%get3A_571, %get3A_572] {strides = array<i32>} : memref<32x128xf32, #tpu.memory_space<vmem>>, vector<16xf32>,
        %get3A_574 = arith.index_cast %add3A_529 : i32 to index
        %get3A_575 = arith.constant 32 : index
        %get3A_576 = tpu.vector_load %arg12[%get3A_574, %get3A_575] {strides = array<i32>} : memref<32x128xf32, #tpu.memory_space<vmem>>, vector<16xf32>,
        %get3A_577 = arith.index_cast %min3A_532 : i32 to index
        %get3A_578 = arith.constant 32 : index
        %get3A_579 = tpu.vector_load %arg13[%get3A_577, %get3A_578] {strides = array<i32>} : memref<32x64xf32, #tpu.memory_space<vmem>>, vector<16xf32>,
        %add3A_580 = arith.addf %get3A_576, %get3A_579 : vector<16xf32>
        %mul3A_581 = arith.mulf %get3A_573, %add3A_580 : vector<16xf32>
        %add3A_582 = arith.addf %add3A_563, %mul3A_581 : vector<16xf32>
        %get3A_583 = arith.index_cast %add3A_529 : i32 to index
        %get3A_584 = arith.constant 96 : index
        %get3A_585 = tpu.vector_load %arg12[%get3A_583, %get3A_584] {strides = array<i32>} : memref<32x128xf32, #tpu.memory_space<vmem>>, vector<16xf32>,
        %add3A_586 = arith.addf %get3A_585, %get3A_579 : vector<16xf32>
        %swap3A_587 = arith.index_cast %add3A_529 : i32 to index
        %swap3A_588 = arith.constant 32 : index
        %swap3A_589 = tpu.vector_load %arg17[%swap3A_587, %swap3A_588] {strides = array<i32>} : memref<32x128xf32, #tpu.memory_space<vmem>>, vector<16xf32>,
        tpu.vector_store %arg17[%swap3A_587, %swap3A_588], %add3A_586 {strides = array<i32>} : memref<32x128xf32, #tpu.memory_space<vmem>>, vector<16xf32>,
        %get3A_590 = arith.index_cast %add3A_529 : i32 to index
        %get3A_591 = arith.constant 48 : index
        %get3A_592 = tpu.vector_load %arg11[%get3A_590, %get3A_591] {strides = array<i32>} : memref<32x128xf32, #tpu.memory_space<vmem>>, vector<16xf32>,
        %get3A_593 = arith.index_cast %add3A_529 : i32 to index
        %get3A_594 = arith.constant 48 : index
        %get3A_595 = tpu.vector_load %arg12[%get3A_593, %get3A_594] {strides = array<i32>} : memref<32x128xf32, #tpu.memory_space<vmem>>, vector<16xf32>,
        %get3A_596 = arith.index_cast %min3A_532 : i32 to index
        %get3A_597 = arith.constant 48 : index
        %get3A_598 = tpu.vector_load %arg13[%get3A_596, %get3A_597] {strides = array<i32>} : memref<32x64xf32, #tpu.memory_space<vmem>>, vector<16xf32>,
        %add3A_599 = arith.addf %get3A_595, %get3A_598 : vector<16xf32>
        %mul3A_600 = arith.mulf %get3A_592, %add3A_599 : vector<16xf32>
        %add3A_601 = arith.addf %add3A_582, %mul3A_600 : vector<16xf32>
        %get3A_602 = arith.index_cast %add3A_529 : i32 to index
        %get3A_603 = arith.constant 112 : index
        %get3A_604 = tpu.vector_load %arg12[%get3A_602, %get3A_603] {strides = array<i32>} : memref<32x128xf32, #tpu.memory_space<vmem>>, vector<16xf32>,
        %add3A_605 = arith.addf %get3A_604, %get3A_598 : vector<16xf32>
        %swap3A_606 = arith.index_cast %add3A_529 : i32 to index
        %swap3A_607 = arith.constant 48 : index
        %swap3A_608 = tpu.vector_load %arg17[%swap3A_606, %swap3A_607] {strides = array<i32>} : memref<32x128xf32, #tpu.memory_space<vmem>>, vector<16xf32>,
        tpu.vector_store %arg17[%swap3A_606, %swap3A_607], %add3A_605 {strides = array<i32>} : memref<32x128xf32, #tpu.memory_space<vmem>>, vector<16xf32>,
        %reduce_sum3A_609 = arith.constant true
        %reduce_sum3A_610 = vector.broadcast %reduce_sum3A_609 : i1 to vector<16xi1>
        %reduce_sum3A_611 = tpu.scan <sum>, %add3A_601 masked %reduce_sum3A_610 : vector<16xf32>, vector<16xi1> -> vector<16xf32>
        %reduce_sum3A_612 = vector.extract %reduce_sum3A_611[15] : f32 from vector<16xf32>
        %mul3A_613 = arith.constant 1.250000e-01 : f32
        %mul3A_614 = arith.mulf %reduce_sum3A_612, %mul3A_613 : f32
        %broadcast_in_dim3A_615 = vector.broadcast %mul3A_614 : f32 to vector<16xf32>
        %exp3A_616 = math.exp %broadcast_in_dim3A_615 : vector<16xf32>
        %mul3A_617 = arith.constant 8 : i32
        %mul3A_618 = arith.muli %scan3A_165, %mul3A_617 : i32
        %add3A_619 = arith.constant 5 : i32
        %add3A_620 = arith.addi %mul3A_618, %add3A_619 : i32
        %add3A_621 = arith.addi %add3A_620, %sub3A : i32
        %min3A_622 = arith.constant 31 : i32
        %min3A_623 = arith.minsi %add3A_621, %min3A_622 : i32
        %get3A_624 = arith.index_cast %add3A_620 : i32 to index
        %get3A_625 = arith.constant 0 : index
        %get3A_626 = tpu.vector_load %arg11[%get3A_624, %get3A_625] {strides = array<i32>} : memref<32x128xf32, #tpu.memory_space<vmem>>, vector<16xf32>,
        %get3A_627 = arith.index_cast %add3A_620 : i32 to index
        %get3A_628 = arith.constant 0 : index
        %get3A_629 = tpu.vector_load %arg12[%get3A_627, %get3A_628] {strides = array<i32>} : memref<32x128xf32, #tpu.memory_space<vmem>>, vector<16xf32>,
        %get3A_630 = arith.index_cast %min3A_623 : i32 to index
        %get3A_631 = arith.constant 0 : index
        %get3A_632 = tpu.vector_load %arg13[%get3A_630, %get3A_631] {strides = array<i32>} : memref<32x64xf32, #tpu.memory_space<vmem>>, vector<16xf32>,
        %add3A_633 = arith.addf %get3A_629, %get3A_632 : vector<16xf32>
        %mul3A_634 = arith.mulf %get3A_626, %add3A_633 : vector<16xf32>
        %add3A_635 = arith.addf %broadcast_in_dim3A_103, %mul3A_634 : vector<16xf32>
        %get3A_636 = arith.index_cast %add3A_620 : i32 to index
        %get3A_637 = arith.constant 64 : index
        %get3A_638 = tpu.vector_load %arg12[%get3A_636, %get3A_637] {strides = array<i32>} : memref<32x128xf32, #tpu.memory_space<vmem>>, vector<16xf32>,
        %add3A_639 = arith.addf %get3A_638, %get3A_632 : vector<16xf32>
        %swap3A_640 = arith.index_cast %add3A_620 : i32 to index
        %swap3A_641 = arith.constant 0 : index
        %swap3A_642 = tpu.vector_load %arg17[%swap3A_640, %swap3A_641] {strides = array<i32>} : memref<32x128xf32, #tpu.memory_space<vmem>>, vector<16xf32>,
        tpu.vector_store %arg17[%swap3A_640, %swap3A_641], %add3A_639 {strides = array<i32>} : memref<32x128xf32, #tpu.memory_space<vmem>>, vector<16xf32>,
        %get3A_643 = arith.index_cast %add3A_620 : i32 to index
        %get3A_644 = arith.constant 16 : index
        %get3A_645 = tpu.vector_load %arg11[%get3A_643, %get3A_644] {strides = array<i32>} : memref<32x128xf32, #tpu.memory_space<vmem>>, vector<16xf32>,
        %get3A_646 = arith.index_cast %add3A_620 : i32 to index
        %get3A_647 = arith.constant 16 : index
        %get3A_648 = tpu.vector_load %arg12[%get3A_646, %get3A_647] {strides = array<i32>} : memref<32x128xf32, #tpu.memory_space<vmem>>, vector<16xf32>,
        %get3A_649 = arith.index_cast %min3A_623 : i32 to index
        %get3A_650 = arith.constant 16 : index
        %get3A_651 = tpu.vector_load %arg13[%get3A_649, %get3A_650] {strides = array<i32>} : memref<32x64xf32, #tpu.memory_space<vmem>>, vector<16xf32>,
        %add3A_652 = arith.addf %get3A_648, %get3A_651 : vector<16xf32>
        %mul3A_653 = arith.mulf %get3A_645, %add3A_652 : vector<16xf32>
        %add3A_654 = arith.addf %add3A_635, %mul3A_653 : vector<16xf32>
        %get3A_655 = arith.index_cast %add3A_620 : i32 to index
        %get3A_656 = arith.constant 80 : index
        %get3A_657 = tpu.vector_load %arg12[%get3A_655, %get3A_656] {strides = array<i32>} : memref<32x128xf32, #tpu.memory_space<vmem>>, vector<16xf32>,
        %add3A_658 = arith.addf %get3A_657, %get3A_651 : vector<16xf32>
        %swap3A_659 = arith.index_cast %add3A_620 : i32 to index
        %swap3A_660 = arith.constant 16 : index
        %swap3A_661 = tpu.vector_load %arg17[%swap3A_659, %swap3A_660] {strides = array<i32>} : memref<32x128xf32, #tpu.memory_space<vmem>>, vector<16xf32>,
        tpu.vector_store %arg17[%swap3A_659, %swap3A_660], %add3A_658 {strides = array<i32>} : memref<32x128xf32, #tpu.memory_space<vmem>>, vector<16xf32>,
        %get3A_662 = arith.index_cast %add3A_620 : i32 to index
        %get3A_663 = arith.constant 32 : index
        %get3A_664 = tpu.vector_load %arg11[%get3A_662, %get3A_663] {strides = array<i32>} : memref<32x128xf32, #tpu.memory_space<vmem>>, vector<16xf32>,
        %get3A_665 = arith.index_cast %add3A_620 : i32 to index
        %get3A_666 = arith.constant 32 : index
        %get3A_667 = tpu.vector_load %arg12[%get3A_665, %get3A_666] {strides = array<i32>} : memref<32x128xf32, #tpu.memory_space<vmem>>, vector<16xf32>,
        %get3A_668 = arith.index_cast %min3A_623 : i32 to index
        %get3A_669 = arith.constant 32 : index
        %get3A_670 = tpu.vector_load %arg13[%get3A_668, %get3A_669] {strides = array<i32>} : memref<32x64xf32, #tpu.memory_space<vmem>>, vector<16xf32>,
        %add3A_671 = arith.addf %get3A_667, %get3A_670 : vector<16xf32>
        %mul3A_672 = arith.mulf %get3A_664, %add3A_671 : vector<16xf32>
        %add3A_673 = arith.addf %add3A_654, %mul3A_672 : vector<16xf32>
        %get3A_674 = arith.index_cast %add3A_620 : i32 to index
        %get3A_675 = arith.constant 96 : index
        %get3A_676 = tpu.vector_load %arg12[%get3A_674, %get3A_675] {strides = array<i32>} : memref<32x128xf32, #tpu.memory_space<vmem>>, vector<16xf32>,
        %add3A_677 = arith.addf %get3A_676, %get3A_670 : vector<16xf32>
        %swap3A_678 = arith.index_cast %add3A_620 : i32 to index
        %swap3A_679 = arith.constant 32 : index
        %swap3A_680 = tpu.vector_load %arg17[%swap3A_678, %swap3A_679] {strides = array<i32>} : memref<32x128xf32, #tpu.memory_space<vmem>>, vector<16xf32>,
        tpu.vector_store %arg17[%swap3A_678, %swap3A_679], %add3A_677 {strides = array<i32>} : memref<32x128xf32, #tpu.memory_space<vmem>>, vector<16xf32>,
        %get3A_681 = arith.index_cast %add3A_620 : i32 to index
        %get3A_682 = arith.constant 48 : index
        %get3A_683 = tpu.vector_load %arg11[%get3A_681, %get3A_682] {strides = array<i32>} : memref<32x128xf32, #tpu.memory_space<vmem>>, vector<16xf32>,
        %get3A_684 = arith.index_cast %add3A_620 : i32 to index
        %get3A_685 = arith.constant 48 : index
        %get3A_686 = tpu.vector_load %arg12[%get3A_684, %get3A_685] {strides = array<i32>} : memref<32x128xf32, #tpu.memory_space<vmem>>, vector<16xf32>,
        %get3A_687 = arith.index_cast %min3A_623 : i32 to index
        %get3A_688 = arith.constant 48 : index
        %get3A_689 = tpu.vector_load %arg13[%get3A_687, %get3A_688] {strides = array<i32>} : memref<32x64xf32, #tpu.memory_space<vmem>>, vector<16xf32>,
        %add3A_690 = arith.addf %get3A_686, %get3A_689 : vector<16xf32>
        %mul3A_691 = arith.mulf %get3A_683, %add3A_690 : vector<16xf32>
        %add3A_692 = arith.addf %add3A_673, %mul3A_691 : vector<16xf32>
        %get3A_693 = arith.index_cast %add3A_620 : i32 to index
        %get3A_694 = arith.constant 112 : index
        %get3A_695 = tpu.vector_load %arg12[%get3A_693, %get3A_694] {strides = array<i32>} : memref<32x128xf32, #tpu.memory_space<vmem>>, vector<16xf32>,
        %add3A_696 = arith.addf %get3A_695, %get3A_689 : vector<16xf32>
        %swap3A_697 = arith.index_cast %add3A_620 : i32 to index
        %swap3A_698 = arith.constant 48 : index
        %swap3A_699 = tpu.vector_load %arg17[%swap3A_697, %swap3A_698] {strides = array<i32>} : memref<32x128xf32, #tpu.memory_space<vmem>>, vector<16xf32>,
        tpu.vector_store %arg17[%swap3A_697, %swap3A_698], %add3A_696 {strides = array<i32>} : memref<32x128xf32, #tpu.memory_space<vmem>>, vector<16xf32>,
        %reduce_sum3A_700 = arith.constant true
        %reduce_sum3A_701 = vector.broadcast %reduce_sum3A_700 : i1 to vector<16xi1>
        %reduce_sum3A_702 = tpu.scan <sum>, %add3A_692 masked %reduce_sum3A_701 : vector<16xf32>, vector<16xi1> -> vector<16xf32>
        %reduce_sum3A_703 = vector.extract %reduce_sum3A_702[15] : f32 from vector<16xf32>
        %mul3A_704 = arith.constant 1.250000e-01 : f32
        %mul3A_705 = arith.mulf %reduce_sum3A_703, %mul3A_704 : f32
        %broadcast_in_dim3A_706 = vector.broadcast %mul3A_705 : f32 to vector<16xf32>
        %exp3A_707 = math.exp %broadcast_in_dim3A_706 : vector<16xf32>
        %mul3A_708 = arith.constant 8 : i32
        %mul3A_709 = arith.muli %scan3A_165, %mul3A_708 : i32
        %add3A_710 = arith.constant 6 : i32
        %add3A_711 = arith.addi %mul3A_709, %add3A_710 : i32
        %add3A_712 = arith.addi %add3A_711, %sub3A : i32
        %min3A_713 = arith.constant 31 : i32
        %min3A_714 = arith.minsi %add3A_712, %min3A_713 : i32
        %get3A_715 = arith.index_cast %add3A_711 : i32 to index
        %get3A_716 = arith.constant 0 : index
        %get3A_717 = tpu.vector_load %arg11[%get3A_715, %get3A_716] {strides = array<i32>} : memref<32x128xf32, #tpu.memory_space<vmem>>, vector<16xf32>,
        %get3A_718 = arith.index_cast %add3A_711 : i32 to index
        %get3A_719 = arith.constant 0 : index
        %get3A_720 = tpu.vector_load %arg12[%get3A_718, %get3A_719] {strides = array<i32>} : memref<32x128xf32, #tpu.memory_space<vmem>>, vector<16xf32>,
        %get3A_721 = arith.index_cast %min3A_714 : i32 to index
        %get3A_722 = arith.constant 0 : index
        %get3A_723 = tpu.vector_load %arg13[%get3A_721, %get3A_722] {strides = array<i32>} : memref<32x64xf32, #tpu.memory_space<vmem>>, vector<16xf32>,
        %add3A_724 = arith.addf %get3A_720, %get3A_723 : vector<16xf32>
        %mul3A_725 = arith.mulf %get3A_717, %add3A_724 : vector<16xf32>
        %add3A_726 = arith.addf %broadcast_in_dim3A_103, %mul3A_725 : vector<16xf32>
        %get3A_727 = arith.index_cast %add3A_711 : i32 to index
        %get3A_728 = arith.constant 64 : index
        %get3A_729 = tpu.vector_load %arg12[%get3A_727, %get3A_728] {strides = array<i32>} : memref<32x128xf32, #tpu.memory_space<vmem>>, vector<16xf32>,
        %add3A_730 = arith.addf %get3A_729, %get3A_723 : vector<16xf32>
        %swap3A_731 = arith.index_cast %add3A_711 : i32 to index
        %swap3A_732 = arith.constant 0 : index
        %swap3A_733 = tpu.vector_load %arg17[%swap3A_731, %swap3A_732] {strides = array<i32>} : memref<32x128xf32, #tpu.memory_space<vmem>>, vector<16xf32>,
        tpu.vector_store %arg17[%swap3A_731, %swap3A_732], %add3A_730 {strides = array<i32>} : memref<32x128xf32, #tpu.memory_space<vmem>>, vector<16xf32>,
        %get3A_734 = arith.index_cast %add3A_711 : i32 to index
        %get3A_735 = arith.constant 16 : index
        %get3A_736 = tpu.vector_load %arg11[%get3A_734, %get3A_735] {strides = array<i32>} : memref<32x128xf32, #tpu.memory_space<vmem>>, vector<16xf32>,
        %get3A_737 = arith.index_cast %add3A_711 : i32 to index
        %get3A_738 = arith.constant 16 : index
        %get3A_739 = tpu.vector_load %arg12[%get3A_737, %get3A_738] {strides = array<i32>} : memref<32x128xf32, #tpu.memory_space<vmem>>, vector<16xf32>,
        %get3A_740 = arith.index_cast %min3A_714 : i32 to index
        %get3A_741 = arith.constant 16 : index
        %get3A_742 = tpu.vector_load %arg13[%get3A_740, %get3A_741] {strides = array<i32>} : memref<32x64xf32, #tpu.memory_space<vmem>>, vector<16xf32>,
        %add3A_743 = arith.addf %get3A_739, %get3A_742 : vector<16xf32>
        %mul3A_744 = arith.mulf %get3A_736, %add3A_743 : vector<16xf32>
        %add3A_745 = arith.addf %add3A_726, %mul3A_744 : vector<16xf32>
        %get3A_746 = arith.index_cast %add3A_711 : i32 to index
        %get3A_747 = arith.constant 80 : index
        %get3A_748 = tpu.vector_load %arg12[%get3A_746, %get3A_747] {strides = array<i32>} : memref<32x128xf32, #tpu.memory_space<vmem>>, vector<16xf32>,
        %add3A_749 = arith.addf %get3A_748, %get3A_742 : vector<16xf32>
        %swap3A_750 = arith.index_cast %add3A_711 : i32 to index
        %swap3A_751 = arith.constant 16 : index
        %swap3A_752 = tpu.vector_load %arg17[%swap3A_750, %swap3A_751] {strides = array<i32>} : memref<32x128xf32, #tpu.memory_space<vmem>>, vector<16xf32>,
        tpu.vector_store %arg17[%swap3A_750, %swap3A_751], %add3A_749 {strides = array<i32>} : memref<32x128xf32, #tpu.memory_space<vmem>>, vector<16xf32>,
        %get3A_753 = arith.index_cast %add3A_711 : i32 to index
        %get3A_754 = arith.constant 32 : index
        %get3A_755 = tpu.vector_load %arg11[%get3A_753, %get3A_754] {strides = array<i32>} : memref<32x128xf32, #tpu.memory_space<vmem>>, vector<16xf32>,
        %get3A_756 = arith.index_cast %add3A_711 : i32 to index
        %get3A_757 = arith.constant 32 : index
        %get3A_758 = tpu.vector_load %arg12[%get3A_756, %get3A_757] {strides = array<i32>} : memref<32x128xf32, #tpu.memory_space<vmem>>, vector<16xf32>,
        %get3A_759 = arith.index_cast %min3A_714 : i32 to index
        %get3A_760 = arith.constant 32 : index
        %get3A_761 = tpu.vector_load %arg13[%get3A_759, %get3A_760] {strides = array<i32>} : memref<32x64xf32, #tpu.memory_space<vmem>>, vector<16xf32>,
        %add3A_762 = arith.addf %get3A_758, %get3A_761 : vector<16xf32>
        %mul3A_763 = arith.mulf %get3A_755, %add3A_762 : vector<16xf32>
        %add3A_764 = arith.addf %add3A_745, %mul3A_763 : vector<16xf32>
        %get3A_765 = arith.index_cast %add3A_711 : i32 to index
        %get3A_766 = arith.constant 96 : index
        %get3A_767 = tpu.vector_load %arg12[%get3A_765, %get3A_766] {strides = array<i32>} : memref<32x128xf32, #tpu.memory_space<vmem>>, vector<16xf32>,
        %add3A_768 = arith.addf %get3A_767, %get3A_761 : vector<16xf32>
        %swap3A_769 = arith.index_cast %add3A_711 : i32 to index
        %swap3A_770 = arith.constant 32 : index
        %swap3A_771 = tpu.vector_load %arg17[%swap3A_769, %swap3A_770] {strides = array<i32>} : memref<32x128xf32, #tpu.memory_space<vmem>>, vector<16xf32>,
        tpu.vector_store %arg17[%swap3A_769, %swap3A_770], %add3A_768 {strides = array<i32>} : memref<32x128xf32, #tpu.memory_space<vmem>>, vector<16xf32>,
        %get3A_772 = arith.index_cast %add3A_711 : i32 to index
        %get3A_773 = arith.constant 48 : index
        %get3A_774 = tpu.vector_load %arg11[%get3A_772, %get3A_773] {strides = array<i32>} : memref<32x128xf32, #tpu.memory_space<vmem>>, vector<16xf32>,
        %get3A_775 = arith.index_cast %add3A_711 : i32 to index
        %get3A_776 = arith.constant 48 : index
        %get3A_777 = tpu.vector_load %arg12[%get3A_775, %get3A_776] {strides = array<i32>} : memref<32x128xf32, #tpu.memory_space<vmem>>, vector<16xf32>,
        %get3A_778 = arith.index_cast %min3A_714 : i32 to index
        %get3A_779 = arith.constant 48 : index
        %get3A_780 = tpu.vector_load %arg13[%get3A_778, %get3A_779] {strides = array<i32>} : memref<32x64xf32, #tpu.memory_space<vmem>>, vector<16xf32>,
        %add3A_781 = arith.addf %get3A_777, %get3A_780 : vector<16xf32>
        %mul3A_782 = arith.mulf %get3A_774, %add3A_781 : vector<16xf32>
        %add3A_783 = arith.addf %add3A_764, %mul3A_782 : vector<16xf32>
        %get3A_784 = arith.index_cast %add3A_711 : i32 to index
        %get3A_785 = arith.constant 112 : index
        %get3A_786 = tpu.vector_load %arg12[%get3A_784, %get3A_785] {strides = array<i32>} : memref<32x128xf32, #tpu.memory_space<vmem>>, vector<16xf32>,
        %add3A_787 = arith.addf %get3A_786, %get3A_780 : vector<16xf32>
        %swap3A_788 = arith.index_cast %add3A_711 : i32 to index
        %swap3A_789 = arith.constant 48 : index
        %swap3A_790 = tpu.vector_load %arg17[%swap3A_788, %swap3A_789] {strides = array<i32>} : memref<32x128xf32, #tpu.memory_space<vmem>>, vector<16xf32>,
        tpu.vector_store %arg17[%swap3A_788, %swap3A_789], %add3A_787 {strides = array<i32>} : memref<32x128xf32, #tpu.memory_space<vmem>>, vector<16xf32>,
        %reduce_sum3A_791 = arith.constant true
        %reduce_sum3A_792 = vector.broadcast %reduce_sum3A_791 : i1 to vector<16xi1>
        %reduce_sum3A_793 = tpu.scan <sum>, %add3A_783 masked %reduce_sum3A_792 : vector<16xf32>, vector<16xi1> -> vector<16xf32>
        %reduce_sum3A_794 = vector.extract %reduce_sum3A_793[15] : f32 from vector<16xf32>
        %mul3A_795 = arith.constant 1.250000e-01 : f32
        %mul3A_796 = arith.mulf %reduce_sum3A_794, %mul3A_795 : f32
        %broadcast_in_dim3A_797 = vector.broadcast %mul3A_796 : f32 to vector<16xf32>
        %exp3A_798 = math.exp %broadcast_in_dim3A_797 : vector<16xf32>
        %mul3A_799 = arith.constant 8 : i32
        %mul3A_800 = arith.muli %scan3A_165, %mul3A_799 : i32
        %add3A_801 = arith.constant 7 : i32
        %add3A_802 = arith.addi %mul3A_800, %add3A_801 : i32
        %add3A_803 = arith.addi %add3A_802, %sub3A : i32
        %min3A_804 = arith.constant 31 : i32
        %min3A_805 = arith.minsi %add3A_803, %min3A_804 : i32
        %get3A_806 = arith.index_cast %add3A_802 : i32 to index
        %get3A_807 = arith.constant 0 : index
        %get3A_808 = tpu.vector_load %arg11[%get3A_806, %get3A_807] {strides = array<i32>} : memref<32x128xf32, #tpu.memory_space<vmem>>, vector<16xf32>,
        %get3A_809 = arith.index_cast %add3A_802 : i32 to index
        %get3A_810 = arith.constant 0 : index
        %get3A_811 = tpu.vector_load %arg12[%get3A_809, %get3A_810] {strides = array<i32>} : memref<32x128xf32, #tpu.memory_space<vmem>>, vector<16xf32>,
        %get3A_812 = arith.index_cast %min3A_805 : i32 to index
        %get3A_813 = arith.constant 0 : index
        %get3A_814 = tpu.vector_load %arg13[%get3A_812, %get3A_813] {strides = array<i32>} : memref<32x64xf32, #tpu.memory_space<vmem>>, vector<16xf32>,
        %add3A_815 = arith.addf %get3A_811, %get3A_814 : vector<16xf32>
        %mul3A_816 = arith.mulf %get3A_808, %add3A_815 : vector<16xf32>
        %add3A_817 = arith.addf %broadcast_in_dim3A_103, %mul3A_816 : vector<16xf32>
        %get3A_818 = arith.index_cast %add3A_802 : i32 to index
        %get3A_819 = arith.constant 64 : index
        %get3A_820 = tpu.vector_load %arg12[%get3A_818, %get3A_819] {strides = array<i32>} : memref<32x128xf32, #tpu.memory_space<vmem>>, vector<16xf32>,
        %add3A_821 = arith.addf %get3A_820, %get3A_814 : vector<16xf32>
        %swap3A_822 = arith.index_cast %add3A_802 : i32 to index
        %swap3A_823 = arith.constant 0 : index
        %swap3A_824 = tpu.vector_load %arg17[%swap3A_822, %swap3A_823] {strides = array<i32>} : memref<32x128xf32, #tpu.memory_space<vmem>>, vector<16xf32>,
        tpu.vector_store %arg17[%swap3A_822, %swap3A_823], %add3A_821 {strides = array<i32>} : memref<32x128xf32, #tpu.memory_space<vmem>>, vector<16xf32>,
        %get3A_825 = arith.index_cast %add3A_802 : i32 to index
        %get3A_826 = arith.constant 16 : index
        %get3A_827 = tpu.vector_load %arg11[%get3A_825, %get3A_826] {strides = array<i32>} : memref<32x128xf32, #tpu.memory_space<vmem>>, vector<16xf32>,
        %get3A_828 = arith.index_cast %add3A_802 : i32 to index
        %get3A_829 = arith.constant 16 : index
        %get3A_830 = tpu.vector_load %arg12[%get3A_828, %get3A_829] {strides = array<i32>} : memref<32x128xf32, #tpu.memory_space<vmem>>, vector<16xf32>,
        %get3A_831 = arith.index_cast %min3A_805 : i32 to index
        %get3A_832 = arith.constant 16 : index
        %get3A_833 = tpu.vector_load %arg13[%get3A_831, %get3A_832] {strides = array<i32>} : memref<32x64xf32, #tpu.memory_space<vmem>>, vector<16xf32>,
        %add3A_834 = arith.addf %get3A_830, %get3A_833 : vector<16xf32>
        %mul3A_835 = arith.mulf %get3A_827, %add3A_834 : vector<16xf32>
        %add3A_836 = arith.addf %add3A_817, %mul3A_835 : vector<16xf32>
        %get3A_837 = arith.index_cast %add3A_802 : i32 to index
        %get3A_838 = arith.constant 80 : index
        %get3A_839 = tpu.vector_load %arg12[%get3A_837, %get3A_838] {strides = array<i32>} : memref<32x128xf32, #tpu.memory_space<vmem>>, vector<16xf32>,
        %add3A_840 = arith.addf %get3A_839, %get3A_833 : vector<16xf32>
        %swap3A_841 = arith.index_cast %add3A_802 : i32 to index
        %swap3A_842 = arith.constant 16 : index
        %swap3A_843 = tpu.vector_load %arg17[%swap3A_841, %swap3A_842] {strides = array<i32>} : memref<32x128xf32, #tpu.memory_space<vmem>>, vector<16xf32>,
        tpu.vector_store %arg17[%swap3A_841, %swap3A_842], %add3A_840 {strides = array<i32>} : memref<32x128xf32, #tpu.memory_space<vmem>>, vector<16xf32>,
        %get3A_844 = arith.index_cast %add3A_802 : i32 to index
        %get3A_845 = arith.constant 32 : index
        %get3A_846 = tpu.vector_load %arg11[%get3A_844, %get3A_845] {strides = array<i32>} : memref<32x128xf32, #tpu.memory_space<vmem>>, vector<16xf32>,
        %get3A_847 = arith.index_cast %add3A_802 : i32 to index
        %get3A_848 = arith.constant 32 : index
        %get3A_849 = tpu.vector_load %arg12[%get3A_847, %get3A_848] {strides = array<i32>} : memref<32x128xf32, #tpu.memory_space<vmem>>, vector<16xf32>,
        %get3A_850 = arith.index_cast %min3A_805 : i32 to index
        %get3A_851 = arith.constant 32 : index
        %get3A_852 = tpu.vector_load %arg13[%get3A_850, %get3A_851] {strides = array<i32>} : memref<32x64xf32, #tpu.memory_space<vmem>>, vector<16xf32>,
        %add3A_853 = arith.addf %get3A_849, %get3A_852 : vector<16xf32>
        %mul3A_854 = arith.mulf %get3A_846, %add3A_853 : vector<16xf32>
        %add3A_855 = arith.addf %add3A_836, %mul3A_854 : vector<16xf32>
        %get3A_856 = arith.index_cast %add3A_802 : i32 to index
        %get3A_857 = arith.constant 96 : index
        %get3A_858 = tpu.vector_load %arg12[%get3A_856, %get3A_857] {strides = array<i32>} : memref<32x128xf32, #tpu.memory_space<vmem>>, vector<16xf32>,
        %add3A_859 = arith.addf %get3A_858, %get3A_852 : vector<16xf32>
        %swap3A_860 = arith.index_cast %add3A_802 : i32 to index
        %swap3A_861 = arith.constant 32 : index
        %swap3A_862 = tpu.vector_load %arg17[%swap3A_860, %swap3A_861] {strides = array<i32>} : memref<32x128xf32, #tpu.memory_space<vmem>>, vector<16xf32>,
        tpu.vector_store %arg17[%swap3A_860, %swap3A_861], %add3A_859 {strides = array<i32>} : memref<32x128xf32, #tpu.memory_space<vmem>>, vector<16xf32>,
        %get3A_863 = arith.index_cast %add3A_802 : i32 to index
        %get3A_864 = arith.constant 48 : index
        %get3A_865 = tpu.vector_load %arg11[%get3A_863, %get3A_864] {strides = array<i32>} : memref<32x128xf32, #tpu.memory_space<vmem>>, vector<16xf32>,
        %get3A_866 = arith.index_cast %add3A_802 : i32 to index
        %get3A_867 = arith.constant 48 : index
        %get3A_868 = tpu.vector_load %arg12[%get3A_866, %get3A_867] {strides = array<i32>} : memref<32x128xf32, #tpu.memory_space<vmem>>, vector<16xf32>,
        %get3A_869 = arith.index_cast %min3A_805 : i32 to index
        %get3A_870 = arith.constant 48 : index
        %get3A_871 = tpu.vector_load %arg13[%get3A_869, %get3A_870] {strides = array<i32>} : memref<32x64xf32, #tpu.memory_space<vmem>>, vector<16xf32>,
        %add3A_872 = arith.addf %get3A_868, %get3A_871 : vector<16xf32>
        %mul3A_873 = arith.mulf %get3A_865, %add3A_872 : vector<16xf32>
        %add3A_874 = arith.addf %add3A_855, %mul3A_873 : vector<16xf32>
        %get3A_875 = arith.index_cast %add3A_802 : i32 to index
        %get3A_876 = arith.constant 112 : index
        %get3A_877 = tpu.vector_load %arg12[%get3A_875, %get3A_876] {strides = array<i32>} : memref<32x128xf32, #tpu.memory_space<vmem>>, vector<16xf32>,
        %add3A_878 = arith.addf %get3A_877, %get3A_871 : vector<16xf32>
        %swap3A_879 = arith.index_cast %add3A_802 : i32 to index
        %swap3A_880 = arith.constant 48 : index
        %swap3A_881 = tpu.vector_load %arg17[%swap3A_879, %swap3A_880] {strides = array<i32>} : memref<32x128xf32, #tpu.memory_space<vmem>>, vector<16xf32>,
        tpu.vector_store %arg17[%swap3A_879, %swap3A_880], %add3A_878 {strides = array<i32>} : memref<32x128xf32, #tpu.memory_space<vmem>>, vector<16xf32>,
        %reduce_sum3A_882 = arith.constant true
        %reduce_sum3A_883 = vector.broadcast %reduce_sum3A_882 : i1 to vector<16xi1>
        %reduce_sum3A_884 = tpu.scan <sum>, %add3A_874 masked %reduce_sum3A_883 : vector<16xf32>, vector<16xi1> -> vector<16xf32>
        %reduce_sum3A_885 = vector.extract %reduce_sum3A_884[15] : f32 from vector<16xf32>
        %mul3A_886 = arith.constant 1.250000e-01 : f32
        %mul3A_887 = arith.mulf %reduce_sum3A_885, %mul3A_886 : f32
        %broadcast_in_dim3A_888 = vector.broadcast %mul3A_887 : f32 to vector<16xf32>
        %exp3A_889 = math.exp %broadcast_in_dim3A_888 : vector<16xf32>
        %mul3A_890 = arith.constant 8 : i32
        %mul3A_891 = arith.muli %scan3A_165, %mul3A_890 : i32
        %add3A_892 = arith.constant 0 : i32
        %add3A_893 = arith.addi %mul3A_891, %add3A_892 : i32
        %get3A_894 = arith.index_cast %add3A_893 : i32 to index
        %get3A_895 = arith.constant 0 : index
        %get3A_896 = tpu.vector_load %arg17[%get3A_894, %get3A_895] {strides = array<i32>} : memref<32x128xf32, #tpu.memory_space<vmem>>, vector<16xf32>,
        %mul3A_897 = arith.mulf %get3A_896, %exp3A : vector<16xf32>
        %swap3A_898 = arith.index_cast %add3A_893 : i32 to index
        %swap3A_899 = arith.constant 0 : index
        %swap3A_900 = tpu.vector_load %arg17[%swap3A_898, %swap3A_899] {strides = array<i32>} : memref<32x128xf32, #tpu.memory_space<vmem>>, vector<16xf32>,
        tpu.vector_store %arg17[%swap3A_898, %swap3A_899], %mul3A_897 {strides = array<i32>} : memref<32x128xf32, #tpu.memory_space<vmem>>, vector<16xf32>,
        %get3A_901 = arith.index_cast %add3A_893 : i32 to index
        %get3A_902 = arith.constant 16 : index
        %get3A_903 = tpu.vector_load %arg17[%get3A_901, %get3A_902] {strides = array<i32>} : memref<32x128xf32, #tpu.memory_space<vmem>>, vector<16xf32>,
        %mul3A_904 = arith.mulf %get3A_903, %exp3A : vector<16xf32>
        %swap3A_905 = arith.index_cast %add3A_893 : i32 to index
        %swap3A_906 = arith.constant 16 : index
        %swap3A_907 = tpu.vector_load %arg17[%swap3A_905, %swap3A_906] {strides = array<i32>} : memref<32x128xf32, #tpu.memory_space<vmem>>, vector<16xf32>,
        tpu.vector_store %arg17[%swap3A_905, %swap3A_906], %mul3A_904 {strides = array<i32>} : memref<32x128xf32, #tpu.memory_space<vmem>>, vector<16xf32>,
        %get3A_908 = arith.index_cast %add3A_893 : i32 to index
        %get3A_909 = arith.constant 32 : index
        %get3A_910 = tpu.vector_load %arg17[%get3A_908, %get3A_909] {strides = array<i32>} : memref<32x128xf32, #tpu.memory_space<vmem>>, vector<16xf32>,
        %mul3A_911 = arith.mulf %get3A_910, %exp3A : vector<16xf32>
        %swap3A_912 = arith.index_cast %add3A_893 : i32 to index
        %swap3A_913 = arith.constant 32 : index
        %swap3A_914 = tpu.vector_load %arg17[%swap3A_912, %swap3A_913] {strides = array<i32>} : memref<32x128xf32, #tpu.memory_space<vmem>>, vector<16xf32>,
        tpu.vector_store %arg17[%swap3A_912, %swap3A_913], %mul3A_911 {strides = array<i32>} : memref<32x128xf32, #tpu.memory_space<vmem>>, vector<16xf32>,
        %get3A_915 = arith.index_cast %add3A_893 : i32 to index
        %get3A_916 = arith.constant 48 : index
        %get3A_917 = tpu.vector_load %arg17[%get3A_915, %get3A_916] {strides = array<i32>} : memref<32x128xf32, #tpu.memory_space<vmem>>, vector<16xf32>,
        %mul3A_918 = arith.mulf %get3A_917, %exp3A : vector<16xf32>
        %swap3A_919 = arith.index_cast %add3A_893 : i32 to index
        %swap3A_920 = arith.constant 48 : index
        %swap3A_921 = tpu.vector_load %arg17[%swap3A_919, %swap3A_920] {strides = array<i32>} : memref<32x128xf32, #tpu.memory_space<vmem>>, vector<16xf32>,
        tpu.vector_store %arg17[%swap3A_919, %swap3A_920], %mul3A_918 {strides = array<i32>} : memref<32x128xf32, #tpu.memory_space<vmem>>, vector<16xf32>,
        %eq3A = arith.constant 0 : i32
        %eq3A_922 = vector.broadcast %eq3A : i32 to vector<16xi32>
        %eq3A_923 = arith.cmpi eq, %iota3A, %eq3A_922 : vector<16xi32>
        %select_n3A = arith.select %eq3A_923, %exp3A, %broadcast_in_dim3A_103 : vector<16xi1>, vector<16xf32>
        %swap3A_924 = arith.index_cast %add3A_893 : i32 to index
        %swap3A_925 = arith.constant 64 : index
        %swap3A_926 = tpu.vector_load %arg17[%swap3A_924, %swap3A_925] {strides = array<i32>} : memref<32x128xf32, #tpu.memory_space<vmem>>, vector<16xf32>,
        tpu.vector_store %arg17[%swap3A_924, %swap3A_925], %select_n3A {strides = array<i32>} : memref<32x128xf32, #tpu.memory_space<vmem>>, vector<16xf32>,
        %mul3A_927 = arith.constant 8 : i32
        %mul3A_928 = arith.muli %scan3A_165, %mul3A_927 : i32
        %add3A_929 = arith.constant 1 : i32
        %add3A_930 = arith.addi %mul3A_928, %add3A_929 : i32
        %get3A_931 = arith.index_cast %add3A_930 : i32 to index
        %get3A_932 = arith.constant 0 : index
        %get3A_933 = tpu.vector_load %arg17[%get3A_931, %get3A_932] {strides = array<i32>} : memref<32x128xf32, #tpu.memory_space<vmem>>, vector<16xf32>,
        %mul3A_934 = arith.mulf %get3A_933, %exp3A_343 : vector<16xf32>
        %swap3A_935 = arith.index_cast %add3A_930 : i32 to index
        %swap3A_936 = arith.constant 0 : index
        %swap3A_937 = tpu.vector_load %arg17[%swap3A_935, %swap3A_936] {strides = array<i32>} : memref<32x128xf32, #tpu.memory_space<vmem>>, vector<16xf32>,
        tpu.vector_store %arg17[%swap3A_935, %swap3A_936], %mul3A_934 {strides = array<i32>} : memref<32x128xf32, #tpu.memory_space<vmem>>, vector<16xf32>,
        %get3A_938 = arith.index_cast %add3A_930 : i32 to index
        %get3A_939 = arith.constant 16 : index
        %get3A_940 = tpu.vector_load %arg17[%get3A_938, %get3A_939] {strides = array<i32>} : memref<32x128xf32, #tpu.memory_space<vmem>>, vector<16xf32>,
        %mul3A_941 = arith.mulf %get3A_940, %exp3A_343 : vector<16xf32>
        %swap3A_942 = arith.index_cast %add3A_930 : i32 to index
        %swap3A_943 = arith.constant 16 : index
        %swap3A_944 = tpu.vector_load %arg17[%swap3A_942, %swap3A_943] {strides = array<i32>} : memref<32x128xf32, #tpu.memory_space<vmem>>, vector<16xf32>,
        tpu.vector_store %arg17[%swap3A_942, %swap3A_943], %mul3A_941 {strides = array<i32>} : memref<32x128xf32, #tpu.memory_space<vmem>>, vector<16xf32>,
        %get3A_945 = arith.index_cast %add3A_930 : i32 to index
        %get3A_946 = arith.constant 32 : index
        %get3A_947 = tpu.vector_load %arg17[%get3A_945, %get3A_946] {strides = array<i32>} : memref<32x128xf32, #tpu.memory_space<vmem>>, vector<16xf32>,
        %mul3A_948 = arith.mulf %get3A_947, %exp3A_343 : vector<16xf32>
        %swap3A_949 = arith.index_cast %add3A_930 : i32 to index
        %swap3A_950 = arith.constant 32 : index
        %swap3A_951 = tpu.vector_load %arg17[%swap3A_949, %swap3A_950] {strides = array<i32>} : memref<32x128xf32, #tpu.memory_space<vmem>>, vector<16xf32>,
        tpu.vector_store %arg17[%swap3A_949, %swap3A_950], %mul3A_948 {strides = array<i32>} : memref<32x128xf32, #tpu.memory_space<vmem>>, vector<16xf32>,
        %get3A_952 = arith.index_cast %add3A_930 : i32 to index
        %get3A_953 = arith.constant 48 : index
        %get3A_954 = tpu.vector_load %arg17[%get3A_952, %get3A_953] {strides = array<i32>} : memref<32x128xf32, #tpu.memory_space<vmem>>, vector<16xf32>,
        %mul3A_955 = arith.mulf %get3A_954, %exp3A_343 : vector<16xf32>
        %swap3A_956 = arith.index_cast %add3A_930 : i32 to index
        %swap3A_957 = arith.constant 48 : index
        %swap3A_958 = tpu.vector_load %arg17[%swap3A_956, %swap3A_957] {strides = array<i32>} : memref<32x128xf32, #tpu.memory_space<vmem>>, vector<16xf32>,
        tpu.vector_store %arg17[%swap3A_956, %swap3A_957], %mul3A_955 {strides = array<i32>} : memref<32x128xf32, #tpu.memory_space<vmem>>, vector<16xf32>,
        %eq3A_959 = arith.constant 0 : i32
        %eq3A_960 = vector.broadcast %eq3A_959 : i32 to vector<16xi32>
        %eq3A_961 = arith.cmpi eq, %iota3A, %eq3A_960 : vector<16xi32>
        %select_n3A_962 = arith.select %eq3A_961, %exp3A_343, %broadcast_in_dim3A_103 : vector<16xi1>, vector<16xf32>
        %swap3A_963 = arith.index_cast %add3A_930 : i32 to index
        %swap3A_964 = arith.constant 64 : index
        %swap3A_965 = tpu.vector_load %arg17[%swap3A_963, %swap3A_964] {strides = array<i32>} : memref<32x128xf32, #tpu.memory_space<vmem>>, vector<16xf32>,
        tpu.vector_store %arg17[%swap3A_963, %swap3A_964], %select_n3A_962 {strides = array<i32>} : memref<32x128xf32, #tpu.memory_space<vmem>>, vector<16xf32>,
        %mul3A_966 = arith.constant 8 : i32
        %mul3A_967 = arith.muli %scan3A_165, %mul3A_966 : i32
        %add3A_968 = arith.constant 2 : i32
        %add3A_969 = arith.addi %mul3A_967, %add3A_968 : i32
        %get3A_970 = arith.index_cast %add3A_969 : i32 to index
        %get3A_971 = arith.constant 0 : index
        %get3A_972 = tpu.vector_load %arg17[%get3A_970, %get3A_971] {strides = array<i32>} : memref<32x128xf32, #tpu.memory_space<vmem>>, vector<16xf32>,
        %mul3A_973 = arith.mulf %get3A_972, %exp3A_434 : vector<16xf32>
        %swap3A_974 = arith.index_cast %add3A_969 : i32 to index
        %swap3A_975 = arith.constant 0 : index
        %swap3A_976 = tpu.vector_load %arg17[%swap3A_974, %swap3A_975] {strides = array<i32>} : memref<32x128xf32, #tpu.memory_space<vmem>>, vector<16xf32>,
        tpu.vector_store %arg17[%swap3A_974, %swap3A_975], %mul3A_973 {strides = array<i32>} : memref<32x128xf32, #tpu.memory_space<vmem>>, vector<16xf32>,
        %get3A_977 = arith.index_cast %add3A_969 : i32 to index
        %get3A_978 = arith.constant 16 : index
        %get3A_979 = tpu.vector_load %arg17[%get3A_977, %get3A_978] {strides = array<i32>} : memref<32x128xf32, #tpu.memory_space<vmem>>, vector<16xf32>,
        %mul3A_980 = arith.mulf %get3A_979, %exp3A_434 : vector<16xf32>
        %swap3A_981 = arith.index_cast %add3A_969 : i32 to index
        %swap3A_982 = arith.constant 16 : index
        %swap3A_983 = tpu.vector_load %arg17[%swap3A_981, %swap3A_982] {strides = array<i32>} : memref<32x128xf32, #tpu.memory_space<vmem>>, vector<16xf32>,
        tpu.vector_store %arg17[%swap3A_981, %swap3A_982], %mul3A_980 {strides = array<i32>} : memref<32x128xf32, #tpu.memory_space<vmem>>, vector<16xf32>,
        %get3A_984 = arith.index_cast %add3A_969 : i32 to index
        %get3A_985 = arith.constant 32 : index
        %get3A_986 = tpu.vector_load %arg17[%get3A_984, %get3A_985] {strides = array<i32>} : memref<32x128xf32, #tpu.memory_space<vmem>>, vector<16xf32>,
        %mul3A_987 = arith.mulf %get3A_986, %exp3A_434 : vector<16xf32>
        %swap3A_988 = arith.index_cast %add3A_969 : i32 to index
        %swap3A_989 = arith.constant 32 : index
        %swap3A_990 = tpu.vector_load %arg17[%swap3A_988, %swap3A_989] {strides = array<i32>} : memref<32x128xf32, #tpu.memory_space<vmem>>, vector<16xf32>,
        tpu.vector_store %arg17[%swap3A_988, %swap3A_989], %mul3A_987 {strides = array<i32>} : memref<32x128xf32, #tpu.memory_space<vmem>>, vector<16xf32>,
        %get3A_991 = arith.index_cast %add3A_969 : i32 to index
        %get3A_992 = arith.constant 48 : index
        %get3A_993 = tpu.vector_load %arg17[%get3A_991, %get3A_992] {strides = array<i32>} : memref<32x128xf32, #tpu.memory_space<vmem>>, vector<16xf32>,
        %mul3A_994 = arith.mulf %get3A_993, %exp3A_434 : vector<16xf32>
        %swap3A_995 = arith.index_cast %add3A_969 : i32 to index
        %swap3A_996 = arith.constant 48 : index
        %swap3A_997 = tpu.vector_load %arg17[%swap3A_995, %swap3A_996] {strides = array<i32>} : memref<32x128xf32, #tpu.memory_space<vmem>>, vector<16xf32>,
        tpu.vector_store %arg17[%swap3A_995, %swap3A_996], %mul3A_994 {strides = array<i32>} : memref<32x128xf32, #tpu.memory_space<vmem>>, vector<16xf32>,
        %eq3A_998 = arith.constant 0 : i32
        %eq3A_999 = vector.broadcast %eq3A_998 : i32 to vector<16xi32>
        %eq3A_1000 = arith.cmpi eq, %iota3A, %eq3A_999 : vector<16xi32>
        %select_n3A_1001 = arith.select %eq3A_1000, %exp3A_434, %broadcast_in_dim3A_103 : vector<16xi1>, vector<16xf32>
        %swap3A_1002 = arith.index_cast %add3A_969 : i32 to index
        %swap3A_1003 = arith.constant 64 : index
        %swap3A_1004 = tpu.vector_load %arg17[%swap3A_1002, %swap3A_1003] {strides = array<i32>} : memref<32x128xf32, #tpu.memory_space<vmem>>, vector<16xf32>,
        tpu.vector_store %arg17[%swap3A_1002, %swap3A_1003], %select_n3A_1001 {strides = array<i32>} : memref<32x128xf32, #tpu.memory_space<vmem>>, vector<16xf32>,
        %mul3A_1005 = arith.constant 8 : i32
        %mul3A_1006 = arith.muli %scan3A_165, %mul3A_1005 : i32
        %add3A_1007 = arith.constant 3 : i32
        %add3A_1008 = arith.addi %mul3A_1006, %add3A_1007 : i32
        %get3A_1009 = arith.index_cast %add3A_1008 : i32 to index
        %get3A_1010 = arith.constant 0 : index
        %get3A_1011 = tpu.vector_load %arg17[%get3A_1009, %get3A_1010] {strides = array<i32>} : memref<32x128xf32, #tpu.memory_space<vmem>>, vector<16xf32>,
        %mul3A_1012 = arith.mulf %get3A_1011, %exp3A_525 : vector<16xf32>
        %swap3A_1013 = arith.index_cast %add3A_1008 : i32 to index
        %swap3A_1014 = arith.constant 0 : index
        %swap3A_1015 = tpu.vector_load %arg17[%swap3A_1013, %swap3A_1014] {strides = array<i32>} : memref<32x128xf32, #tpu.memory_space<vmem>>, vector<16xf32>,
        tpu.vector_store %arg17[%swap3A_1013, %swap3A_1014], %mul3A_1012 {strides = array<i32>} : memref<32x128xf32, #tpu.memory_space<vmem>>, vector<16xf32>,
        %get3A_1016 = arith.index_cast %add3A_1008 : i32 to index
        %get3A_1017 = arith.constant 16 : index
        %get3A_1018 = tpu.vector_load %arg17[%get3A_1016, %get3A_1017] {strides = array<i32>} : memref<32x128xf32, #tpu.memory_space<vmem>>, vector<16xf32>,
        %mul3A_1019 = arith.mulf %get3A_1018, %exp3A_525 : vector<16xf32>
        %swap3A_1020 = arith.index_cast %add3A_1008 : i32 to index
        %swap3A_1021 = arith.constant 16 : index
        %swap3A_1022 = tpu.vector_load %arg17[%swap3A_1020, %swap3A_1021] {strides = array<i32>} : memref<32x128xf32, #tpu.memory_space<vmem>>, vector<16xf32>,
        tpu.vector_store %arg17[%swap3A_1020, %swap3A_1021], %mul3A_1019 {strides = array<i32>} : memref<32x128xf32, #tpu.memory_space<vmem>>, vector<16xf32>,
        %get3A_1023 = arith.index_cast %add3A_1008 : i32 to index
        %get3A_1024 = arith.constant 32 : index
        %get3A_1025 = tpu.vector_load %arg17[%get3A_1023, %get3A_1024] {strides = array<i32>} : memref<32x128xf32, #tpu.memory_space<vmem>>, vector<16xf32>,
        %mul3A_1026 = arith.mulf %get3A_1025, %exp3A_525 : vector<16xf32>
        %swap3A_1027 = arith.index_cast %add3A_1008 : i32 to index
        %swap3A_1028 = arith.constant 32 : index
        %swap3A_1029 = tpu.vector_load %arg17[%swap3A_1027, %swap3A_1028] {strides = array<i32>} : memref<32x128xf32, #tpu.memory_space<vmem>>, vector<16xf32>,
        tpu.vector_store %arg17[%swap3A_1027, %swap3A_1028], %mul3A_1026 {strides = array<i32>} : memref<32x128xf32, #tpu.memory_space<vmem>>, vector<16xf32>,
        %get3A_1030 = arith.index_cast %add3A_1008 : i32 to index
        %get3A_1031 = arith.constant 48 : index
        %get3A_1032 = tpu.vector_load %arg17[%get3A_1030, %get3A_1031] {strides = array<i32>} : memref<32x128xf32, #tpu.memory_space<vmem>>, vector<16xf32>,
        %mul3A_1033 = arith.mulf %get3A_1032, %exp3A_525 : vector<16xf32>
        %swap3A_1034 = arith.index_cast %add3A_1008 : i32 to index
        %swap3A_1035 = arith.constant 48 : index
        %swap3A_1036 = tpu.vector_load %arg17[%swap3A_1034, %swap3A_1035] {strides = array<i32>} : memref<32x128xf32, #tpu.memory_space<vmem>>, vector<16xf32>,
        tpu.vector_store %arg17[%swap3A_1034, %swap3A_1035], %mul3A_1033 {strides = array<i32>} : memref<32x128xf32, #tpu.memory_space<vmem>>, vector<16xf32>,
        %eq3A_1037 = arith.constant 0 : i32
        %eq3A_1038 = vector.broadcast %eq3A_1037 : i32 to vector<16xi32>
        %eq3A_1039 = arith.cmpi eq, %iota3A, %eq3A_1038 : vector<16xi32>
        %select_n3A_1040 = arith.select %eq3A_1039, %exp3A_525, %broadcast_in_dim3A_103 : vector<16xi1>, vector<16xf32>
        %swap3A_1041 = arith.index_cast %add3A_1008 : i32 to index
        %swap3A_1042 = arith.constant 64 : index
        %swap3A_1043 = tpu.vector_load %arg17[%swap3A_1041, %swap3A_1042] {strides = array<i32>} : memref<32x128xf32, #tpu.memory_space<vmem>>, vector<16xf32>,
        tpu.vector_store %arg17[%swap3A_1041, %swap3A_1042], %select_n3A_1040 {strides = array<i32>} : memref<32x128xf32, #tpu.memory_space<vmem>>, vector<16xf32>,
        %mul3A_1044 = arith.constant 8 : i32
        %mul3A_1045 = arith.muli %scan3A_165, %mul3A_1044 : i32
        %add3A_1046 = arith.constant 4 : i32
        %add3A_1047 = arith.addi %mul3A_1045, %add3A_1046 : i32
        %get3A_1048 = arith.index_cast %add3A_1047 : i32 to index
        %get3A_1049 = arith.constant 0 : index
        %get3A_1050 = tpu.vector_load %arg17[%get3A_1048, %get3A_1049] {strides = array<i32>} : memref<32x128xf32, #tpu.memory_space<vmem>>, vector<16xf32>,
        %mul3A_1051 = arith.mulf %get3A_1050, %exp3A_616 : vector<16xf32>
        %swap3A_1052 = arith.index_cast %add3A_1047 : i32 to index
        %swap3A_1053 = arith.constant 0 : index
        %swap3A_1054 = tpu.vector_load %arg17[%swap3A_1052, %swap3A_1053] {strides = array<i32>} : memref<32x128xf32, #tpu.memory_space<vmem>>, vector<16xf32>,
        tpu.vector_store %arg17[%swap3A_1052, %swap3A_1053], %mul3A_1051 {strides = array<i32>} : memref<32x128xf32, #tpu.memory_space<vmem>>, vector<16xf32>,
        %get3A_1055 = arith.index_cast %add3A_1047 : i32 to index
        %get3A_1056 = arith.constant 16 : index
        %get3A_1057 = tpu.vector_load %arg17[%get3A_1055, %get3A_1056] {strides = array<i32>} : memref<32x128xf32, #tpu.memory_space<vmem>>, vector<16xf32>,
        %mul3A_1058 = arith.mulf %get3A_1057, %exp3A_616 : vector<16xf32>
        %swap3A_1059 = arith.index_cast %add3A_1047 : i32 to index
        %swap3A_1060 = arith.constant 16 : index
        %swap3A_1061 = tpu.vector_load %arg17[%swap3A_1059, %swap3A_1060] {strides = array<i32>} : memref<32x128xf32, #tpu.memory_space<vmem>>, vector<16xf32>,
        tpu.vector_store %arg17[%swap3A_1059, %swap3A_1060], %mul3A_1058 {strides = array<i32>} : memref<32x128xf32, #tpu.memory_space<vmem>>, vector<16xf32>,
        %get3A_1062 = arith.index_cast %add3A_1047 : i32 to index
        %get3A_1063 = arith.constant 32 : index
        %get3A_1064 = tpu.vector_load %arg17[%get3A_1062, %get3A_1063] {strides = array<i32>} : memref<32x128xf32, #tpu.memory_space<vmem>>, vector<16xf32>,
        %mul3A_1065 = arith.mulf %get3A_1064, %exp3A_616 : vector<16xf32>
        %swap3A_1066 = arith.index_cast %add3A_1047 : i32 to index
        %swap3A_1067 = arith.constant 32 : index
        %swap3A_1068 = tpu.vector_load %arg17[%swap3A_1066, %swap3A_1067] {strides = array<i32>} : memref<32x128xf32, #tpu.memory_space<vmem>>, vector<16xf32>,
        tpu.vector_store %arg17[%swap3A_1066, %swap3A_1067], %mul3A_1065 {strides = array<i32>} : memref<32x128xf32, #tpu.memory_space<vmem>>, vector<16xf32>,
        %get3A_1069 = arith.index_cast %add3A_1047 : i32 to index
        %get3A_1070 = arith.constant 48 : index
        %get3A_1071 = tpu.vector_load %arg17[%get3A_1069, %get3A_1070] {strides = array<i32>} : memref<32x128xf32, #tpu.memory_space<vmem>>, vector<16xf32>,
        %mul3A_1072 = arith.mulf %get3A_1071, %exp3A_616 : vector<16xf32>
        %swap3A_1073 = arith.index_cast %add3A_1047 : i32 to index
        %swap3A_1074 = arith.constant 48 : index
        %swap3A_1075 = tpu.vector_load %arg17[%swap3A_1073, %swap3A_1074] {strides = array<i32>} : memref<32x128xf32, #tpu.memory_space<vmem>>, vector<16xf32>,
        tpu.vector_store %arg17[%swap3A_1073, %swap3A_1074], %mul3A_1072 {strides = array<i32>} : memref<32x128xf32, #tpu.memory_space<vmem>>, vector<16xf32>,
        %eq3A_1076 = arith.constant 0 : i32
        %eq3A_1077 = vector.broadcast %eq3A_1076 : i32 to vector<16xi32>
        %eq3A_1078 = arith.cmpi eq, %iota3A, %eq3A_1077 : vector<16xi32>
        %select_n3A_1079 = arith.select %eq3A_1078, %exp3A_616, %broadcast_in_dim3A_103 : vector<16xi1>, vector<16xf32>
        %swap3A_1080 = arith.index_cast %add3A_1047 : i32 to index
        %swap3A_1081 = arith.constant 64 : index
        %swap3A_1082 = tpu.vector_load %arg17[%swap3A_1080, %swap3A_1081] {strides = array<i32>} : memref<32x128xf32, #tpu.memory_space<vmem>>, vector<16xf32>,
        tpu.vector_store %arg17[%swap3A_1080, %swap3A_1081], %select_n3A_1079 {strides = array<i32>} : memref<32x128xf32, #tpu.memory_space<vmem>>, vector<16xf32>,
        %mul3A_1083 = arith.constant 8 : i32
        %mul3A_1084 = arith.muli %scan3A_165, %mul3A_1083 : i32
        %add3A_1085 = arith.constant 5 : i32
        %add3A_1086 = arith.addi %mul3A_1084, %add3A_1085 : i32
        %get3A_1087 = arith.index_cast %add3A_1086 : i32 to index
        %get3A_1088 = arith.constant 0 : index
        %get3A_1089 = tpu.vector_load %arg17[%get3A_1087, %get3A_1088] {strides = array<i32>} : memref<32x128xf32, #tpu.memory_space<vmem>>, vector<16xf32>,
        %mul3A_1090 = arith.mulf %get3A_1089, %exp3A_707 : vector<16xf32>
        %swap3A_1091 = arith.index_cast %add3A_1086 : i32 to index
        %swap3A_1092 = arith.constant 0 : index
        %swap3A_1093 = tpu.vector_load %arg17[%swap3A_1091, %swap3A_1092] {strides = array<i32>} : memref<32x128xf32, #tpu.memory_space<vmem>>, vector<16xf32>,
        tpu.vector_store %arg17[%swap3A_1091, %swap3A_1092], %mul3A_1090 {strides = array<i32>} : memref<32x128xf32, #tpu.memory_space<vmem>>, vector<16xf32>,
        %get3A_1094 = arith.index_cast %add3A_1086 : i32 to index
        %get3A_1095 = arith.constant 16 : index
        %get3A_1096 = tpu.vector_load %arg17[%get3A_1094, %get3A_1095] {strides = array<i32>} : memref<32x128xf32, #tpu.memory_space<vmem>>, vector<16xf32>,
        %mul3A_1097 = arith.mulf %get3A_1096, %exp3A_707 : vector<16xf32>
        %swap3A_1098 = arith.index_cast %add3A_1086 : i32 to index
        %swap3A_1099 = arith.constant 16 : index
        %swap3A_1100 = tpu.vector_load %arg17[%swap3A_1098, %swap3A_1099] {strides = array<i32>} : memref<32x128xf32, #tpu.memory_space<vmem>>, vector<16xf32>,
        tpu.vector_store %arg17[%swap3A_1098, %swap3A_1099], %mul3A_1097 {strides = array<i32>} : memref<32x128xf32, #tpu.memory_space<vmem>>, vector<16xf32>,
        %get3A_1101 = arith.index_cast %add3A_1086 : i32 to index
        %get3A_1102 = arith.constant 32 : index
        %get3A_1103 = tpu.vector_load %arg17[%get3A_1101, %get3A_1102] {strides = array<i32>} : memref<32x128xf32, #tpu.memory_space<vmem>>, vector<16xf32>,
        %mul3A_1104 = arith.mulf %get3A_1103, %exp3A_707 : vector<16xf32>
        %swap3A_1105 = arith.index_cast %add3A_1086 : i32 to index
        %swap3A_1106 = arith.constant 32 : index
        %swap3A_1107 = tpu.vector_load %arg17[%swap3A_1105, %swap3A_1106] {strides = array<i32>} : memref<32x128xf32, #tpu.memory_space<vmem>>, vector<16xf32>,
        tpu.vector_store %arg17[%swap3A_1105, %swap3A_1106], %mul3A_1104 {strides = array<i32>} : memref<32x128xf32, #tpu.memory_space<vmem>>, vector<16xf32>,
        %get3A_1108 = arith.index_cast %add3A_1086 : i32 to index
        %get3A_1109 = arith.constant 48 : index
        %get3A_1110 = tpu.vector_load %arg17[%get3A_1108, %get3A_1109] {strides = array<i32>} : memref<32x128xf32, #tpu.memory_space<vmem>>, vector<16xf32>,
        %mul3A_1111 = arith.mulf %get3A_1110, %exp3A_707 : vector<16xf32>
        %swap3A_1112 = arith.index_cast %add3A_1086 : i32 to index
        %swap3A_1113 = arith.constant 48 : index
        %swap3A_1114 = tpu.vector_load %arg17[%swap3A_1112, %swap3A_1113] {strides = array<i32>} : memref<32x128xf32, #tpu.memory_space<vmem>>, vector<16xf32>,
        tpu.vector_store %arg17[%swap3A_1112, %swap3A_1113], %mul3A_1111 {strides = array<i32>} : memref<32x128xf32, #tpu.memory_space<vmem>>, vector<16xf32>,
        %eq3A_1115 = arith.constant 0 : i32
        %eq3A_1116 = vector.broadcast %eq3A_1115 : i32 to vector<16xi32>
        %eq3A_1117 = arith.cmpi eq, %iota3A, %eq3A_1116 : vector<16xi32>
        %select_n3A_1118 = arith.select %eq3A_1117, %exp3A_707, %broadcast_in_dim3A_103 : vector<16xi1>, vector<16xf32>
        %swap3A_1119 = arith.index_cast %add3A_1086 : i32 to index
        %swap3A_1120 = arith.constant 64 : index
        %swap3A_1121 = tpu.vector_load %arg17[%swap3A_1119, %swap3A_1120] {strides = array<i32>} : memref<32x128xf32, #tpu.memory_space<vmem>>, vector<16xf32>,
        tpu.vector_store %arg17[%swap3A_1119, %swap3A_1120], %select_n3A_1118 {strides = array<i32>} : memref<32x128xf32, #tpu.memory_space<vmem>>, vector<16xf32>,
        %mul3A_1122 = arith.constant 8 : i32
        %mul3A_1123 = arith.muli %scan3A_165, %mul3A_1122 : i32
        %add3A_1124 = arith.constant 6 : i32
        %add3A_1125 = arith.addi %mul3A_1123, %add3A_1124 : i32
        %get3A_1126 = arith.index_cast %add3A_1125 : i32 to index
        %get3A_1127 = arith.constant 0 : index
        %get3A_1128 = tpu.vector_load %arg17[%get3A_1126, %get3A_1127] {strides = array<i32>} : memref<32x128xf32, #tpu.memory_space<vmem>>, vector<16xf32>,
        %mul3A_1129 = arith.mulf %get3A_1128, %exp3A_798 : vector<16xf32>
        %swap3A_1130 = arith.index_cast %add3A_1125 : i32 to index
        %swap3A_1131 = arith.constant 0 : index
        %swap3A_1132 = tpu.vector_load %arg17[%swap3A_1130, %swap3A_1131] {strides = array<i32>} : memref<32x128xf32, #tpu.memory_space<vmem>>, vector<16xf32>,
        tpu.vector_store %arg17[%swap3A_1130, %swap3A_1131], %mul3A_1129 {strides = array<i32>} : memref<32x128xf32, #tpu.memory_space<vmem>>, vector<16xf32>,
        %get3A_1133 = arith.index_cast %add3A_1125 : i32 to index
        %get3A_1134 = arith.constant 16 : index
        %get3A_1135 = tpu.vector_load %arg17[%get3A_1133, %get3A_1134] {strides = array<i32>} : memref<32x128xf32, #tpu.memory_space<vmem>>, vector<16xf32>,
        %mul3A_1136 = arith.mulf %get3A_1135, %exp3A_798 : vector<16xf32>
        %swap3A_1137 = arith.index_cast %add3A_1125 : i32 to index
        %swap3A_1138 = arith.constant 16 : index
        %swap3A_1139 = tpu.vector_load %arg17[%swap3A_1137, %swap3A_1138] {strides = array<i32>} : memref<32x128xf32, #tpu.memory_space<vmem>>, vector<16xf32>,
        tpu.vector_store %arg17[%swap3A_1137, %swap3A_1138], %mul3A_1136 {strides = array<i32>} : memref<32x128xf32, #tpu.memory_space<vmem>>, vector<16xf32>,
        %get3A_1140 = arith.index_cast %add3A_1125 : i32 to index
        %get3A_1141 = arith.constant 32 : index
        %get3A_1142 = tpu.vector_load %arg17[%get3A_1140, %get3A_1141] {strides = array<i32>} : memref<32x128xf32, #tpu.memory_space<vmem>>, vector<16xf32>,
        %mul3A_1143 = arith.mulf %get3A_1142, %exp3A_798 : vector<16xf32>
        %swap3A_1144 = arith.index_cast %add3A_1125 : i32 to index
        %swap3A_1145 = arith.constant 32 : index
        %swap3A_1146 = tpu.vector_load %arg17[%swap3A_1144, %swap3A_1145] {strides = array<i32>} : memref<32x128xf32, #tpu.memory_space<vmem>>, vector<16xf32>,
        tpu.vector_store %arg17[%swap3A_1144, %swap3A_1145], %mul3A_1143 {strides = array<i32>} : memref<32x128xf32, #tpu.memory_space<vmem>>, vector<16xf32>,
        %get3A_1147 = arith.index_cast %add3A_1125 : i32 to index
        %get3A_1148 = arith.constant 48 : index
        %get3A_1149 = tpu.vector_load %arg17[%get3A_1147, %get3A_1148] {strides = array<i32>} : memref<32x128xf32, #tpu.memory_space<vmem>>, vector<16xf32>,
        %mul3A_1150 = arith.mulf %get3A_1149, %exp3A_798 : vector<16xf32>
        %swap3A_1151 = arith.index_cast %add3A_1125 : i32 to index
        %swap3A_1152 = arith.constant 48 : index
        %swap3A_1153 = tpu.vector_load %arg17[%swap3A_1151, %swap3A_1152] {strides = array<i32>} : memref<32x128xf32, #tpu.memory_space<vmem>>, vector<16xf32>,
        tpu.vector_store %arg17[%swap3A_1151, %swap3A_1152], %mul3A_1150 {strides = array<i32>} : memref<32x128xf32, #tpu.memory_space<vmem>>, vector<16xf32>,
        %eq3A_1154 = arith.constant 0 : i32
        %eq3A_1155 = vector.broadcast %eq3A_1154 : i32 to vector<16xi32>
        %eq3A_1156 = arith.cmpi eq, %iota3A, %eq3A_1155 : vector<16xi32>
        %select_n3A_1157 = arith.select %eq3A_1156, %exp3A_798, %broadcast_in_dim3A_103 : vector<16xi1>, vector<16xf32>
        %swap3A_1158 = arith.index_cast %add3A_1125 : i32 to index
        %swap3A_1159 = arith.constant 64 : index
        %swap3A_1160 = tpu.vector_load %arg17[%swap3A_1158, %swap3A_1159] {strides = array<i32>} : memref<32x128xf32, #tpu.memory_space<vmem>>, vector<16xf32>,
        tpu.vector_store %arg17[%swap3A_1158, %swap3A_1159], %select_n3A_1157 {strides = array<i32>} : memref<32x128xf32, #tpu.memory_space<vmem>>, vector<16xf32>,
        %mul3A_1161 = arith.constant 8 : i32
        %mul3A_1162 = arith.muli %scan3A_165, %mul3A_1161 : i32
        %add3A_1163 = arith.constant 7 : i32
        %add3A_1164 = arith.addi %mul3A_1162, %add3A_1163 : i32
        %get3A_1165 = arith.index_cast %add3A_1164 : i32 to index
        %get3A_1166 = arith.constant 0 : index
        %get3A_1167 = tpu.vector_load %arg17[%get3A_1165, %get3A_1166] {strides = array<i32>} : memref<32x128xf32, #tpu.memory_space<vmem>>, vector<16xf32>,
        %mul3A_1168 = arith.mulf %get3A_1167, %exp3A_889 : vector<16xf32>
        %swap3A_1169 = arith.index_cast %add3A_1164 : i32 to index
        %swap3A_1170 = arith.constant 0 : index
        %swap3A_1171 = tpu.vector_load %arg17[%swap3A_1169, %swap3A_1170] {strides = array<i32>} : memref<32x128xf32, #tpu.memory_space<vmem>>, vector<16xf32>,
        tpu.vector_store %arg17[%swap3A_1169, %swap3A_1170], %mul3A_1168 {strides = array<i32>} : memref<32x128xf32, #tpu.memory_space<vmem>>, vector<16xf32>,
        %get3A_1172 = arith.index_cast %add3A_1164 : i32 to index
        %get3A_1173 = arith.constant 16 : index
        %get3A_1174 = tpu.vector_load %arg17[%get3A_1172, %get3A_1173] {strides = array<i32>} : memref<32x128xf32, #tpu.memory_space<vmem>>, vector<16xf32>,
        %mul3A_1175 = arith.mulf %get3A_1174, %exp3A_889 : vector<16xf32>
        %swap3A_1176 = arith.index_cast %add3A_1164 : i32 to index
        %swap3A_1177 = arith.constant 16 : index
        %swap3A_1178 = tpu.vector_load %arg17[%swap3A_1176, %swap3A_1177] {strides = array<i32>} : memref<32x128xf32, #tpu.memory_space<vmem>>, vector<16xf32>,
        tpu.vector_store %arg17[%swap3A_1176, %swap3A_1177], %mul3A_1175 {strides = array<i32>} : memref<32x128xf32, #tpu.memory_space<vmem>>, vector<16xf32>,
        %get3A_1179 = arith.index_cast %add3A_1164 : i32 to index
        %get3A_1180 = arith.constant 32 : index
        %get3A_1181 = tpu.vector_load %arg17[%get3A_1179, %get3A_1180] {strides = array<i32>} : memref<32x128xf32, #tpu.memory_space<vmem>>, vector<16xf32>,
        %mul3A_1182 = arith.mulf %get3A_1181, %exp3A_889 : vector<16xf32>
        %swap3A_1183 = arith.index_cast %add3A_1164 : i32 to index
        %swap3A_1184 = arith.constant 32 : index
        %swap3A_1185 = tpu.vector_load %arg17[%swap3A_1183, %swap3A_1184] {strides = array<i32>} : memref<32x128xf32, #tpu.memory_space<vmem>>, vector<16xf32>,
        tpu.vector_store %arg17[%swap3A_1183, %swap3A_1184], %mul3A_1182 {strides = array<i32>} : memref<32x128xf32, #tpu.memory_space<vmem>>, vector<16xf32>,
        %get3A_1186 = arith.index_cast %add3A_1164 : i32 to index
        %get3A_1187 = arith.constant 48 : index
        %get3A_1188 = tpu.vector_load %arg17[%get3A_1186, %get3A_1187] {strides = array<i32>} : memref<32x128xf32, #tpu.memory_space<vmem>>, vector<16xf32>,
        %mul3A_1189 = arith.mulf %get3A_1188, %exp3A_889 : vector<16xf32>
        %swap3A_1190 = arith.index_cast %add3A_1164 : i32 to index
        %swap3A_1191 = arith.constant 48 : index
        %swap3A_1192 = tpu.vector_load %arg17[%swap3A_1190, %swap3A_1191] {strides = array<i32>} : memref<32x128xf32, #tpu.memory_space<vmem>>, vector<16xf32>,
        tpu.vector_store %arg17[%swap3A_1190, %swap3A_1191], %mul3A_1189 {strides = array<i32>} : memref<32x128xf32, #tpu.memory_space<vmem>>, vector<16xf32>,
        %eq3A_1193 = arith.constant 0 : i32
        %eq3A_1194 = vector.broadcast %eq3A_1193 : i32 to vector<16xi32>
        %eq3A_1195 = arith.cmpi eq, %iota3A, %eq3A_1194 : vector<16xi32>
        %select_n3A_1196 = arith.select %eq3A_1195, %exp3A_889, %broadcast_in_dim3A_103 : vector<16xi1>, vector<16xf32>
        %swap3A_1197 = arith.index_cast %add3A_1164 : i32 to index
        %swap3A_1198 = arith.constant 64 : index
        %swap3A_1199 = tpu.vector_load %arg17[%swap3A_1197, %swap3A_1198] {strides = array<i32>} : memref<32x128xf32, #tpu.memory_space<vmem>>, vector<16xf32>,
        tpu.vector_store %arg17[%swap3A_1197, %swap3A_1198], %select_n3A_1196 {strides = array<i32>} : memref<32x128xf32, #tpu.memory_space<vmem>>, vector<16xf32>,
      }
      %scan3A_111 = arith.constant 4 : i32
      %dma_start3A_112 = tpu.memref_slice %arg10[%mul3A_100] : memref<5120xi32, #tpu.memory_space<vmem>> -> memref<32xi32, #tpu.memory_space<vmem>>
      %dma_start3A_113 = arith.constant 0 : i32
      %dma_start3A_114 = arith.constant 0 : i32
      %dma_start3A_115 = tpu.memref_slice %arg19[%dma_start3A_113, %dma_start3A_114] : memref<10240x128xf32, #tpu.memory_space<vmem_shared>> -> memref<10240x128xf32, #tpu.memory_space<vmem_shared>>
      tpu.enqueue_indirect_dma source(%arg17 : memref<32x128xf32, #tpu.memory_space<vmem>>) target(%dma_start3A_115 : memref<10240x128xf32, #tpu.memory_space<vmem_shared>>) offsets(%dma_start3A_112 : memref<32xi32, #tpu.memory_space<vmem>>) semaphore(%arg22 : memref<!tpu.dma_semaphore, #tpu.memory_space<semaphore_mem>>) {add = true}
      %add3A_116 = arith.constant 2 : i32
      %add3A_117 = arith.addi %mul3A_57, %add3A_116 : i32
      %lt3A = arith.constant 160 : i32
      %lt3A_118 = arith.cmpi slt, %add3A_117, %lt3A : i32
      %convert_element_type3A_119 = arith.extui %lt3A_118 : i1 to i32
      %cond3A_120 = arith.constant 0 : i32
      %cond3A_121 = arith.cmpi ne, %convert_element_type3A_119, %cond3A_120 : i32
      scf.if %cond3A_121 {
        %add3A_165 = arith.constant 2 : i32
        %add3A_166 = arith.addi %mul3A_57, %add3A_165 : i32
        %mul3A_167 = arith.constant 32 : i32
        %mul3A_168 = arith.muli %add3A_166, %mul3A_167 : i32
        %min3A_169 = arith.constant 4968 : i32
        %min3A_170 = arith.minsi %mul3A_168, %min3A_169 : i32
        %mul3A_171 = arith.constant 32 : i32
        %mul3A_172 = arith.muli %add3A_166, %mul3A_171 : i32
        %dma_start3A_173 = tpu.memref_slice %arg10[%mul3A_172] : memref<5120xi32, #tpu.memory_space<vmem>> -> memref<32xi32, #tpu.memory_space<vmem>>
        %dma_start3A_174 = arith.constant 0 : i32
        %dma_start3A_175 = arith.constant 0 : i32
        %dma_start3A_176 = tpu.memref_slice %arg2[%dma_start3A_174, %dma_start3A_175] : memref<10240x128xf32, #tpu.memory_space<hbm>> -> memref<10240x128xf32, #tpu.memory_space<hbm>>
        tpu.enqueue_indirect_dma source(%dma_start3A_176 : memref<10240x128xf32, #tpu.memory_space<hbm>>) target(%arg11 : memref<32x128xf32, #tpu.memory_space<vmem>>) offsets(%dma_start3A_173 : memref<32xi32, #tpu.memory_space<vmem>>) semaphore(%arg20 : memref<!tpu.dma_semaphore, #tpu.memory_space<semaphore_mem>>)
        %mul3A_177 = arith.constant 32 : i32
        %mul3A_178 = arith.muli %add3A_166, %mul3A_177 : i32
        %dma_start3A_179 = tpu.memref_slice %arg9[%mul3A_178] : memref<5120xi32, #tpu.memory_space<vmem>> -> memref<32xi32, #tpu.memory_space<vmem>>
        %dma_start3A_180 = arith.constant 0 : i32
        %dma_start3A_181 = arith.constant 0 : i32
        %dma_start3A_182 = tpu.memref_slice %arg3[%dma_start3A_180, %dma_start3A_181] : memref<10240x128xf32, #tpu.memory_space<hbm>> -> memref<10240x128xf32, #tpu.memory_space<hbm>>
        tpu.enqueue_indirect_dma source(%dma_start3A_182 : memref<10240x128xf32, #tpu.memory_space<hbm>>) target(%arg12 : memref<32x128xf32, #tpu.memory_space<vmem>>) offsets(%dma_start3A_179 : memref<32xi32, #tpu.memory_space<vmem>>) semaphore(%arg20 : memref<!tpu.dma_semaphore, #tpu.memory_space<semaphore_mem>>)
        %add3A_183 = arith.addi %mul3A_4, %min3A_170 : i32
        %dma_start3A_184 = arith.constant 0 : i32
        %dma_start3A_185 = tpu.memref_slice %arg4[%add3A_183, %dma_start3A_184] : memref<160000x64xf32, #tpu.memory_space<hbm>> -> memref<32x64xf32, #tpu.memory_space<hbm>>
        %dma_start3A_186 = arith.constant 0 : i32
        %dma_start3A_187 = tpu.memref_slice %arg4[%add3A_183, %dma_start3A_186] : memref<160000x64xf32, #tpu.memory_space<hbm>> -> memref<32x64xf32, #tpu.memory_space<hbm>>
        tpu.enqueue_dma source(%dma_start3A_187 : memref<32x64xf32, #tpu.memory_space<hbm>>) target(%arg13 : memref<32x64xf32, #tpu.memory_space<vmem>>) target_semaphore(%arg20 : memref<!tpu.dma_semaphore, #tpu.memory_space<semaphore_mem>>)
      } else {
      }
      %dma_wait3A_122 = arith.constant 0 : i32
      %dma_wait3A_123 = arith.constant 0 : i32
      %dma_wait3A_124 = tpu.memref_slice %arg2[%dma_wait3A_122, %dma_wait3A_123] : memref<10240x128xf32, #tpu.memory_space<hbm>> -> memref<32x128xf32, #tpu.memory_space<hbm>>
      %dma_wait3A_125 = arith.constant 0 : i32
      %dma_wait3A_126 = arith.constant 0 : i32
      %dma_wait3A_127 = tpu.memref_slice %arg2[%dma_wait3A_125, %dma_wait3A_126] : memref<10240x128xf32, #tpu.memory_space<hbm>> -> memref<32x128xf32, #tpu.memory_space<hbm>>
      tpu.wait_dma2 semaphore(%arg21 : memref<!tpu.dma_semaphore, #tpu.memory_space<semaphore_mem>>) src(%dma_wait3A_127 : memref<32x128xf32, #tpu.memory_space<hbm>>) dst(%arg14 : memref<32x128xf32, #tpu.memory_space<vmem>>)
      %dma_wait3A_128 = arith.constant 0 : i32
      %dma_wait3A_129 = arith.constant 0 : i32
      %dma_wait3A_130 = tpu.memref_slice %arg3[%dma_wait3A_128, %dma_wait3A_129] : memref<10240x128xf32, #tpu.memory_space<hbm>> -> memref<32x128xf32, #tpu.memory_space<hbm>>
      %dma_wait3A_131 = arith.constant 0 : i32
      %dma_wait3A_132 = arith.constant 0 : i32
      %dma_wait3A_133 = tpu.memref_slice %arg3[%dma_wait3A_131, %dma_wait3A_132] : memref<10240x128xf32, #tpu.memory_space<hbm>> -> memref<32x128xf32, #tpu.memory_space<hbm>>
      tpu.wait_dma2 semaphore(%arg21 : memref<!tpu.dma_semaphore, #tpu.memory_space<semaphore_mem>>) src(%dma_wait3A_133 : memref<32x128xf32, #tpu.memory_space<hbm>>) dst(%arg15 : memref<32x128xf32, #tpu.memory_space<vmem>>)
      %dma_wait3A_134 = arith.constant 0 : i32
      %dma_wait3A_135 = arith.constant 0 : i32
      %dma_wait3A_136 = tpu.memref_slice %arg4[%dma_wait3A_134, %dma_wait3A_135] : memref<160000x64xf32, #tpu.memory_space<hbm>> -> memref<32x64xf32, #tpu.memory_space<hbm>>
      %dma_wait3A_137 = arith.constant 0 : i32
      %dma_wait3A_138 = arith.constant 0 : i32
      %dma_wait3A_139 = tpu.memref_slice %arg4[%dma_wait3A_137, %dma_wait3A_138] : memref<160000x64xf32, #tpu.memory_space<hbm>> -> memref<32x64xf32, #tpu.memory_space<hbm>>
      tpu.wait_dma2 semaphore(%arg21 : memref<!tpu.dma_semaphore, #tpu.memory_space<semaphore_mem>>) src(%dma_wait3A_139 : memref<32x64xf32, #tpu.memory_space<hbm>>) dst(%arg16 : memref<32x64xf32, #tpu.memory_space<vmem>>)
      %add3A_140 = arith.constant 1 : i32
      %add3A_141 = arith.addi %mul3A_57, %add3A_140 : i32
      %mul3A_142 = arith.constant 32 : i32
      %mul3A_143 = arith.muli %add3A_141, %mul3A_142 : i32
      %min3A_144 = arith.constant 4968 : i32
      %min3A_145 = arith.minsi %mul3A_143, %min3A_144 : i32
      %sub3A_146 = arith.subi %mul3A_143, %min3A_145 : i32
      %iota3A_147 = tpu.iota {dimensions = array<i32: 0>} : vector<16xi32>
      %broadcast_in_dim3A_148 = arith.constant 0.000000e+00 : f32
      %broadcast_in_dim3A_149 = vector.broadcast %broadcast_in_dim3A_148 : f32 to vector<16xf32>
      %ge3A_150 = arith.constant 2 : i32
      %ge3A_151 = arith.cmpi sge, %add3A_141, %ge3A_150 : i32
      %convert_element_type3A_152 = arith.extui %ge3A_151 : i1 to i32
      %cond3A_153 = arith.constant 0 : i32
      %cond3A_154 = arith.cmpi ne, %convert_element_type3A_152, %cond3A_153 : i32
      scf.if %cond3A_154 {
        %dma_wait3A_165 = arith.constant 0 : i32
        %dma_wait3A_166 = arith.constant 0 : i32
        %dma_wait3A_167 = tpu.memref_slice %arg19[%dma_wait3A_165, %dma_wait3A_166] : memref<10240x128xf32, #tpu.memory_space<vmem_shared>> -> memref<32x128xf32, #tpu.memory_space<vmem_shared>>
        %dma_wait3A_168 = arith.constant 0 : i32
        %dma_wait3A_169 = arith.constant 0 : i32
        %dma_wait3A_170 = tpu.memref_slice %arg19[%dma_wait3A_168, %dma_wait3A_169] : memref<10240x128xf32, #tpu.memory_space<vmem_shared>> -> memref<32x128xf32, #tpu.memory_space<vmem_shared>>
        tpu.wait_dma2 semaphore(%arg23 : memref<!tpu.dma_semaphore, #tpu.memory_space<semaphore_mem>>) src(%arg18 : memref<32x128xf32, #tpu.memory_space<vmem>>) dst(%dma_wait3A_170 : memref<32x128xf32, #tpu.memory_space<vmem_shared>>)
      } else {
      }
      %scan3A_155 = arith.constant 0 : i32
      %scan3A_156 = arith.constant 0 : i32
      %scan3A_157 = arith.constant 4 : i32
      %scan3A_158 = arith.addi %scan3A_156, %scan3A_157 : i32
      %scan3A_159 = arith.constant 1 : i32
      scf.for %scan3A_165 = %scan3A_156 to %scan3A_158 step %scan3A_159  : i32 {
        %mul3A_166 = arith.constant 8 : i32
        %mul3A_167 = arith.muli %scan3A_165, %mul3A_166 : i32
        %add3A_168 = arith.constant 0 : i32
        %add3A_169 = arith.addi %mul3A_167, %add3A_168 : i32
        %add3A_170 = arith.addi %add3A_169, %sub3A_146 : i32
        %min3A_171 = arith.constant 31 : i32
        %min3A_172 = arith.minsi %add3A_170, %min3A_171 : i32
        %get3A = arith.index_cast %add3A_169 : i32 to index
        %get3A_173 = arith.constant 0 : index
        %get3A_174 = tpu.vector_load %arg14[%get3A, %get3A_173] {strides = array<i32>} : memref<32x128xf32, #tpu.memory_space<vmem>>, vector<16xf32>,
        %get3A_175 = arith.index_cast %add3A_169 : i32 to index
        %get3A_176 = arith.constant 0 : index
        %get3A_177 = tpu.vector_load %arg15[%get3A_175, %get3A_176] {strides = array<i32>} : memref<32x128xf32, #tpu.memory_space<vmem>>, vector<16xf32>,
        %get3A_178 = arith.index_cast %min3A_172 : i32 to index
        %get3A_179 = arith.constant 0 : index
        %get3A_180 = tpu.vector_load %arg16[%get3A_178, %get3A_179] {strides = array<i32>} : memref<32x64xf32, #tpu.memory_space<vmem>>, vector<16xf32>,
        %add3A_181 = arith.addf %get3A_177, %get3A_180 : vector<16xf32>
        %mul3A_182 = arith.mulf %get3A_174, %add3A_181 : vector<16xf32>
        %add3A_183 = arith.addf %broadcast_in_dim3A_149, %mul3A_182 : vector<16xf32>
        %get3A_184 = arith.index_cast %add3A_169 : i32 to index
        %get3A_185 = arith.constant 64 : index
        %get3A_186 = tpu.vector_load %arg15[%get3A_184, %get3A_185] {strides = array<i32>} : memref<32x128xf32, #tpu.memory_space<vmem>>, vector<16xf32>,
        %add3A_187 = arith.addf %get3A_186, %get3A_180 : vector<16xf32>
        %swap3A = arith.index_cast %add3A_169 : i32 to index
        %swap3A_188 = arith.constant 0 : index
        %swap3A_189 = tpu.vector_load %arg18[%swap3A, %swap3A_188] {strides = array<i32>} : memref<32x128xf32, #tpu.memory_space<vmem>>, vector<16xf32>,
        tpu.vector_store %arg18[%swap3A, %swap3A_188], %add3A_187 {strides = array<i32>} : memref<32x128xf32, #tpu.memory_space<vmem>>, vector<16xf32>,
        %get3A_190 = arith.index_cast %add3A_169 : i32 to index
        %get3A_191 = arith.constant 16 : index
        %get3A_192 = tpu.vector_load %arg14[%get3A_190, %get3A_191] {strides = array<i32>} : memref<32x128xf32, #tpu.memory_space<vmem>>, vector<16xf32>,
        %get3A_193 = arith.index_cast %add3A_169 : i32 to index
        %get3A_194 = arith.constant 16 : index
        %get3A_195 = tpu.vector_load %arg15[%get3A_193, %get3A_194] {strides = array<i32>} : memref<32x128xf32, #tpu.memory_space<vmem>>, vector<16xf32>,
        %get3A_196 = arith.index_cast %min3A_172 : i32 to index
        %get3A_197 = arith.constant 16 : index
        %get3A_198 = tpu.vector_load %arg16[%get3A_196, %get3A_197] {strides = array<i32>} : memref<32x64xf32, #tpu.memory_space<vmem>>, vector<16xf32>,
        %add3A_199 = arith.addf %get3A_195, %get3A_198 : vector<16xf32>
        %mul3A_200 = arith.mulf %get3A_192, %add3A_199 : vector<16xf32>
        %add3A_201 = arith.addf %add3A_183, %mul3A_200 : vector<16xf32>
        %get3A_202 = arith.index_cast %add3A_169 : i32 to index
        %get3A_203 = arith.constant 80 : index
        %get3A_204 = tpu.vector_load %arg15[%get3A_202, %get3A_203] {strides = array<i32>} : memref<32x128xf32, #tpu.memory_space<vmem>>, vector<16xf32>,
        %add3A_205 = arith.addf %get3A_204, %get3A_198 : vector<16xf32>
        %swap3A_206 = arith.index_cast %add3A_169 : i32 to index
        %swap3A_207 = arith.constant 16 : index
        %swap3A_208 = tpu.vector_load %arg18[%swap3A_206, %swap3A_207] {strides = array<i32>} : memref<32x128xf32, #tpu.memory_space<vmem>>, vector<16xf32>,
        tpu.vector_store %arg18[%swap3A_206, %swap3A_207], %add3A_205 {strides = array<i32>} : memref<32x128xf32, #tpu.memory_space<vmem>>, vector<16xf32>,
        %get3A_209 = arith.index_cast %add3A_169 : i32 to index
        %get3A_210 = arith.constant 32 : index
        %get3A_211 = tpu.vector_load %arg14[%get3A_209, %get3A_210] {strides = array<i32>} : memref<32x128xf32, #tpu.memory_space<vmem>>, vector<16xf32>,
        %get3A_212 = arith.index_cast %add3A_169 : i32 to index
        %get3A_213 = arith.constant 32 : index
        %get3A_214 = tpu.vector_load %arg15[%get3A_212, %get3A_213] {strides = array<i32>} : memref<32x128xf32, #tpu.memory_space<vmem>>, vector<16xf32>,
        %get3A_215 = arith.index_cast %min3A_172 : i32 to index
        %get3A_216 = arith.constant 32 : index
        %get3A_217 = tpu.vector_load %arg16[%get3A_215, %get3A_216] {strides = array<i32>} : memref<32x64xf32, #tpu.memory_space<vmem>>, vector<16xf32>,
        %add3A_218 = arith.addf %get3A_214, %get3A_217 : vector<16xf32>
        %mul3A_219 = arith.mulf %get3A_211, %add3A_218 : vector<16xf32>
        %add3A_220 = arith.addf %add3A_201, %mul3A_219 : vector<16xf32>
        %get3A_221 = arith.index_cast %add3A_169 : i32 to index
        %get3A_222 = arith.constant 96 : index
        %get3A_223 = tpu.vector_load %arg15[%get3A_221, %get3A_222] {strides = array<i32>} : memref<32x128xf32, #tpu.memory_space<vmem>>, vector<16xf32>,
        %add3A_224 = arith.addf %get3A_223, %get3A_217 : vector<16xf32>
        %swap3A_225 = arith.index_cast %add3A_169 : i32 to index
        %swap3A_226 = arith.constant 32 : index
        %swap3A_227 = tpu.vector_load %arg18[%swap3A_225, %swap3A_226] {strides = array<i32>} : memref<32x128xf32, #tpu.memory_space<vmem>>, vector<16xf32>,
        tpu.vector_store %arg18[%swap3A_225, %swap3A_226], %add3A_224 {strides = array<i32>} : memref<32x128xf32, #tpu.memory_space<vmem>>, vector<16xf32>,
        %get3A_228 = arith.index_cast %add3A_169 : i32 to index
        %get3A_229 = arith.constant 48 : index
        %get3A_230 = tpu.vector_load %arg14[%get3A_228, %get3A_229] {strides = array<i32>} : memref<32x128xf32, #tpu.memory_space<vmem>>, vector<16xf32>,
        %get3A_231 = arith.index_cast %add3A_169 : i32 to index
        %get3A_232 = arith.constant 48 : index
        %get3A_233 = tpu.vector_load %arg15[%get3A_231, %get3A_232] {strides = array<i32>} : memref<32x128xf32, #tpu.memory_space<vmem>>, vector<16xf32>,
        %get3A_234 = arith.index_cast %min3A_172 : i32 to index
        %get3A_235 = arith.constant 48 : index
        %get3A_236 = tpu.vector_load %arg16[%get3A_234, %get3A_235] {strides = array<i32>} : memref<32x64xf32, #tpu.memory_space<vmem>>, vector<16xf32>,
        %add3A_237 = arith.addf %get3A_233, %get3A_236 : vector<16xf32>
        %mul3A_238 = arith.mulf %get3A_230, %add3A_237 : vector<16xf32>
        %add3A_239 = arith.addf %add3A_220, %mul3A_238 : vector<16xf32>
        %get3A_240 = arith.index_cast %add3A_169 : i32 to index
        %get3A_241 = arith.constant 112 : index
        %get3A_242 = tpu.vector_load %arg15[%get3A_240, %get3A_241] {strides = array<i32>} : memref<32x128xf32, #tpu.memory_space<vmem>>, vector<16xf32>,
        %add3A_243 = arith.addf %get3A_242, %get3A_236 : vector<16xf32>
        %swap3A_244 = arith.index_cast %add3A_169 : i32 to index
        %swap3A_245 = arith.constant 48 : index
        %swap3A_246 = tpu.vector_load %arg18[%swap3A_244, %swap3A_245] {strides = array<i32>} : memref<32x128xf32, #tpu.memory_space<vmem>>, vector<16xf32>,
        tpu.vector_store %arg18[%swap3A_244, %swap3A_245], %add3A_243 {strides = array<i32>} : memref<32x128xf32, #tpu.memory_space<vmem>>, vector<16xf32>,
        %reduce_sum3A = arith.constant true
        %reduce_sum3A_247 = vector.broadcast %reduce_sum3A : i1 to vector<16xi1>
        %reduce_sum3A_248 = tpu.scan <sum>, %add3A_239 masked %reduce_sum3A_247 : vector<16xf32>, vector<16xi1> -> vector<16xf32>
        %reduce_sum3A_249 = vector.extract %reduce_sum3A_248[15] : f32 from vector<16xf32>
        %mul3A_250 = arith.constant 1.250000e-01 : f32
        %mul3A_251 = arith.mulf %reduce_sum3A_249, %mul3A_250 : f32
        %broadcast_in_dim3A_252 = vector.broadcast %mul3A_251 : f32 to vector<16xf32>
        %exp3A = math.exp %broadcast_in_dim3A_252 : vector<16xf32>
        %mul3A_253 = arith.constant 8 : i32
        %mul3A_254 = arith.muli %scan3A_165, %mul3A_253 : i32
        %add3A_255 = arith.constant 1 : i32
        %add3A_256 = arith.addi %mul3A_254, %add3A_255 : i32
        %add3A_257 = arith.addi %add3A_256, %sub3A_146 : i32
        %min3A_258 = arith.constant 31 : i32
        %min3A_259 = arith.minsi %add3A_257, %min3A_258 : i32
        %get3A_260 = arith.index_cast %add3A_256 : i32 to index
        %get3A_261 = arith.constant 0 : index
        %get3A_262 = tpu.vector_load %arg14[%get3A_260, %get3A_261] {strides = array<i32>} : memref<32x128xf32, #tpu.memory_space<vmem>>, vector<16xf32>,
        %get3A_263 = arith.index_cast %add3A_256 : i32 to index
        %get3A_264 = arith.constant 0 : index
        %get3A_265 = tpu.vector_load %arg15[%get3A_263, %get3A_264] {strides = array<i32>} : memref<32x128xf32, #tpu.memory_space<vmem>>, vector<16xf32>,
        %get3A_266 = arith.index_cast %min3A_259 : i32 to index
        %get3A_267 = arith.constant 0 : index
        %get3A_268 = tpu.vector_load %arg16[%get3A_266, %get3A_267] {strides = array<i32>} : memref<32x64xf32, #tpu.memory_space<vmem>>, vector<16xf32>,
        %add3A_269 = arith.addf %get3A_265, %get3A_268 : vector<16xf32>
        %mul3A_270 = arith.mulf %get3A_262, %add3A_269 : vector<16xf32>
        %add3A_271 = arith.addf %broadcast_in_dim3A_149, %mul3A_270 : vector<16xf32>
        %get3A_272 = arith.index_cast %add3A_256 : i32 to index
        %get3A_273 = arith.constant 64 : index
        %get3A_274 = tpu.vector_load %arg15[%get3A_272, %get3A_273] {strides = array<i32>} : memref<32x128xf32, #tpu.memory_space<vmem>>, vector<16xf32>,
        %add3A_275 = arith.addf %get3A_274, %get3A_268 : vector<16xf32>
        %swap3A_276 = arith.index_cast %add3A_256 : i32 to index
        %swap3A_277 = arith.constant 0 : index
        %swap3A_278 = tpu.vector_load %arg18[%swap3A_276, %swap3A_277] {strides = array<i32>} : memref<32x128xf32, #tpu.memory_space<vmem>>, vector<16xf32>,
        tpu.vector_store %arg18[%swap3A_276, %swap3A_277], %add3A_275 {strides = array<i32>} : memref<32x128xf32, #tpu.memory_space<vmem>>, vector<16xf32>,
        %get3A_279 = arith.index_cast %add3A_256 : i32 to index
        %get3A_280 = arith.constant 16 : index
        %get3A_281 = tpu.vector_load %arg14[%get3A_279, %get3A_280] {strides = array<i32>} : memref<32x128xf32, #tpu.memory_space<vmem>>, vector<16xf32>,
        %get3A_282 = arith.index_cast %add3A_256 : i32 to index
        %get3A_283 = arith.constant 16 : index
        %get3A_284 = tpu.vector_load %arg15[%get3A_282, %get3A_283] {strides = array<i32>} : memref<32x128xf32, #tpu.memory_space<vmem>>, vector<16xf32>,
        %get3A_285 = arith.index_cast %min3A_259 : i32 to index
        %get3A_286 = arith.constant 16 : index
        %get3A_287 = tpu.vector_load %arg16[%get3A_285, %get3A_286] {strides = array<i32>} : memref<32x64xf32, #tpu.memory_space<vmem>>, vector<16xf32>,
        %add3A_288 = arith.addf %get3A_284, %get3A_287 : vector<16xf32>
        %mul3A_289 = arith.mulf %get3A_281, %add3A_288 : vector<16xf32>
        %add3A_290 = arith.addf %add3A_271, %mul3A_289 : vector<16xf32>
        %get3A_291 = arith.index_cast %add3A_256 : i32 to index
        %get3A_292 = arith.constant 80 : index
        %get3A_293 = tpu.vector_load %arg15[%get3A_291, %get3A_292] {strides = array<i32>} : memref<32x128xf32, #tpu.memory_space<vmem>>, vector<16xf32>,
        %add3A_294 = arith.addf %get3A_293, %get3A_287 : vector<16xf32>
        %swap3A_295 = arith.index_cast %add3A_256 : i32 to index
        %swap3A_296 = arith.constant 16 : index
        %swap3A_297 = tpu.vector_load %arg18[%swap3A_295, %swap3A_296] {strides = array<i32>} : memref<32x128xf32, #tpu.memory_space<vmem>>, vector<16xf32>,
        tpu.vector_store %arg18[%swap3A_295, %swap3A_296], %add3A_294 {strides = array<i32>} : memref<32x128xf32, #tpu.memory_space<vmem>>, vector<16xf32>,
        %get3A_298 = arith.index_cast %add3A_256 : i32 to index
        %get3A_299 = arith.constant 32 : index
        %get3A_300 = tpu.vector_load %arg14[%get3A_298, %get3A_299] {strides = array<i32>} : memref<32x128xf32, #tpu.memory_space<vmem>>, vector<16xf32>,
        %get3A_301 = arith.index_cast %add3A_256 : i32 to index
        %get3A_302 = arith.constant 32 : index
        %get3A_303 = tpu.vector_load %arg15[%get3A_301, %get3A_302] {strides = array<i32>} : memref<32x128xf32, #tpu.memory_space<vmem>>, vector<16xf32>,
        %get3A_304 = arith.index_cast %min3A_259 : i32 to index
        %get3A_305 = arith.constant 32 : index
        %get3A_306 = tpu.vector_load %arg16[%get3A_304, %get3A_305] {strides = array<i32>} : memref<32x64xf32, #tpu.memory_space<vmem>>, vector<16xf32>,
        %add3A_307 = arith.addf %get3A_303, %get3A_306 : vector<16xf32>
        %mul3A_308 = arith.mulf %get3A_300, %add3A_307 : vector<16xf32>
        %add3A_309 = arith.addf %add3A_290, %mul3A_308 : vector<16xf32>
        %get3A_310 = arith.index_cast %add3A_256 : i32 to index
        %get3A_311 = arith.constant 96 : index
        %get3A_312 = tpu.vector_load %arg15[%get3A_310, %get3A_311] {strides = array<i32>} : memref<32x128xf32, #tpu.memory_space<vmem>>, vector<16xf32>,
        %add3A_313 = arith.addf %get3A_312, %get3A_306 : vector<16xf32>
        %swap3A_314 = arith.index_cast %add3A_256 : i32 to index
        %swap3A_315 = arith.constant 32 : index
        %swap3A_316 = tpu.vector_load %arg18[%swap3A_314, %swap3A_315] {strides = array<i32>} : memref<32x128xf32, #tpu.memory_space<vmem>>, vector<16xf32>,
        tpu.vector_store %arg18[%swap3A_314, %swap3A_315], %add3A_313 {strides = array<i32>} : memref<32x128xf32, #tpu.memory_space<vmem>>, vector<16xf32>,
        %get3A_317 = arith.index_cast %add3A_256 : i32 to index
        %get3A_318 = arith.constant 48 : index
        %get3A_319 = tpu.vector_load %arg14[%get3A_317, %get3A_318] {strides = array<i32>} : memref<32x128xf32, #tpu.memory_space<vmem>>, vector<16xf32>,
        %get3A_320 = arith.index_cast %add3A_256 : i32 to index
        %get3A_321 = arith.constant 48 : index
        %get3A_322 = tpu.vector_load %arg15[%get3A_320, %get3A_321] {strides = array<i32>} : memref<32x128xf32, #tpu.memory_space<vmem>>, vector<16xf32>,
        %get3A_323 = arith.index_cast %min3A_259 : i32 to index
        %get3A_324 = arith.constant 48 : index
        %get3A_325 = tpu.vector_load %arg16[%get3A_323, %get3A_324] {strides = array<i32>} : memref<32x64xf32, #tpu.memory_space<vmem>>, vector<16xf32>,
        %add3A_326 = arith.addf %get3A_322, %get3A_325 : vector<16xf32>
        %mul3A_327 = arith.mulf %get3A_319, %add3A_326 : vector<16xf32>
        %add3A_328 = arith.addf %add3A_309, %mul3A_327 : vector<16xf32>
        %get3A_329 = arith.index_cast %add3A_256 : i32 to index
        %get3A_330 = arith.constant 112 : index
        %get3A_331 = tpu.vector_load %arg15[%get3A_329, %get3A_330] {strides = array<i32>} : memref<32x128xf32, #tpu.memory_space<vmem>>, vector<16xf32>,
        %add3A_332 = arith.addf %get3A_331, %get3A_325 : vector<16xf32>
        %swap3A_333 = arith.index_cast %add3A_256 : i32 to index
        %swap3A_334 = arith.constant 48 : index
        %swap3A_335 = tpu.vector_load %arg18[%swap3A_333, %swap3A_334] {strides = array<i32>} : memref<32x128xf32, #tpu.memory_space<vmem>>, vector<16xf32>,
        tpu.vector_store %arg18[%swap3A_333, %swap3A_334], %add3A_332 {strides = array<i32>} : memref<32x128xf32, #tpu.memory_space<vmem>>, vector<16xf32>,
        %reduce_sum3A_336 = arith.constant true
        %reduce_sum3A_337 = vector.broadcast %reduce_sum3A_336 : i1 to vector<16xi1>
        %reduce_sum3A_338 = tpu.scan <sum>, %add3A_328 masked %reduce_sum3A_337 : vector<16xf32>, vector<16xi1> -> vector<16xf32>
        %reduce_sum3A_339 = vector.extract %reduce_sum3A_338[15] : f32 from vector<16xf32>
        %mul3A_340 = arith.constant 1.250000e-01 : f32
        %mul3A_341 = arith.mulf %reduce_sum3A_339, %mul3A_340 : f32
        %broadcast_in_dim3A_342 = vector.broadcast %mul3A_341 : f32 to vector<16xf32>
        %exp3A_343 = math.exp %broadcast_in_dim3A_342 : vector<16xf32>
        %mul3A_344 = arith.constant 8 : i32
        %mul3A_345 = arith.muli %scan3A_165, %mul3A_344 : i32
        %add3A_346 = arith.constant 2 : i32
        %add3A_347 = arith.addi %mul3A_345, %add3A_346 : i32
        %add3A_348 = arith.addi %add3A_347, %sub3A_146 : i32
        %min3A_349 = arith.constant 31 : i32
        %min3A_350 = arith.minsi %add3A_348, %min3A_349 : i32
        %get3A_351 = arith.index_cast %add3A_347 : i32 to index
        %get3A_352 = arith.constant 0 : index
        %get3A_353 = tpu.vector_load %arg14[%get3A_351, %get3A_352] {strides = array<i32>} : memref<32x128xf32, #tpu.memory_space<vmem>>, vector<16xf32>,
        %get3A_354 = arith.index_cast %add3A_347 : i32 to index
        %get3A_355 = arith.constant 0 : index
        %get3A_356 = tpu.vector_load %arg15[%get3A_354, %get3A_355] {strides = array<i32>} : memref<32x128xf32, #tpu.memory_space<vmem>>, vector<16xf32>,
        %get3A_357 = arith.index_cast %min3A_350 : i32 to index
        %get3A_358 = arith.constant 0 : index
        %get3A_359 = tpu.vector_load %arg16[%get3A_357, %get3A_358] {strides = array<i32>} : memref<32x64xf32, #tpu.memory_space<vmem>>, vector<16xf32>,
        %add3A_360 = arith.addf %get3A_356, %get3A_359 : vector<16xf32>
        %mul3A_361 = arith.mulf %get3A_353, %add3A_360 : vector<16xf32>
        %add3A_362 = arith.addf %broadcast_in_dim3A_149, %mul3A_361 : vector<16xf32>
        %get3A_363 = arith.index_cast %add3A_347 : i32 to index
        %get3A_364 = arith.constant 64 : index
        %get3A_365 = tpu.vector_load %arg15[%get3A_363, %get3A_364] {strides = array<i32>} : memref<32x128xf32, #tpu.memory_space<vmem>>, vector<16xf32>,
        %add3A_366 = arith.addf %get3A_365, %get3A_359 : vector<16xf32>
        %swap3A_367 = arith.index_cast %add3A_347 : i32 to index
        %swap3A_368 = arith.constant 0 : index
        %swap3A_369 = tpu.vector_load %arg18[%swap3A_367, %swap3A_368] {strides = array<i32>} : memref<32x128xf32, #tpu.memory_space<vmem>>, vector<16xf32>,
        tpu.vector_store %arg18[%swap3A_367, %swap3A_368], %add3A_366 {strides = array<i32>} : memref<32x128xf32, #tpu.memory_space<vmem>>, vector<16xf32>,
        %get3A_370 = arith.index_cast %add3A_347 : i32 to index
        %get3A_371 = arith.constant 16 : index
        %get3A_372 = tpu.vector_load %arg14[%get3A_370, %get3A_371] {strides = array<i32>} : memref<32x128xf32, #tpu.memory_space<vmem>>, vector<16xf32>,
        %get3A_373 = arith.index_cast %add3A_347 : i32 to index
        %get3A_374 = arith.constant 16 : index
        %get3A_375 = tpu.vector_load %arg15[%get3A_373, %get3A_374] {strides = array<i32>} : memref<32x128xf32, #tpu.memory_space<vmem>>, vector<16xf32>,
        %get3A_376 = arith.index_cast %min3A_350 : i32 to index
        %get3A_377 = arith.constant 16 : index
        %get3A_378 = tpu.vector_load %arg16[%get3A_376, %get3A_377] {strides = array<i32>} : memref<32x64xf32, #tpu.memory_space<vmem>>, vector<16xf32>,
        %add3A_379 = arith.addf %get3A_375, %get3A_378 : vector<16xf32>
        %mul3A_380 = arith.mulf %get3A_372, %add3A_379 : vector<16xf32>
        %add3A_381 = arith.addf %add3A_362, %mul3A_380 : vector<16xf32>
        %get3A_382 = arith.index_cast %add3A_347 : i32 to index
        %get3A_383 = arith.constant 80 : index
        %get3A_384 = tpu.vector_load %arg15[%get3A_382, %get3A_383] {strides = array<i32>} : memref<32x128xf32, #tpu.memory_space<vmem>>, vector<16xf32>,
        %add3A_385 = arith.addf %get3A_384, %get3A_378 : vector<16xf32>
        %swap3A_386 = arith.index_cast %add3A_347 : i32 to index
        %swap3A_387 = arith.constant 16 : index
        %swap3A_388 = tpu.vector_load %arg18[%swap3A_386, %swap3A_387] {strides = array<i32>} : memref<32x128xf32, #tpu.memory_space<vmem>>, vector<16xf32>,
        tpu.vector_store %arg18[%swap3A_386, %swap3A_387], %add3A_385 {strides = array<i32>} : memref<32x128xf32, #tpu.memory_space<vmem>>, vector<16xf32>,
        %get3A_389 = arith.index_cast %add3A_347 : i32 to index
        %get3A_390 = arith.constant 32 : index
        %get3A_391 = tpu.vector_load %arg14[%get3A_389, %get3A_390] {strides = array<i32>} : memref<32x128xf32, #tpu.memory_space<vmem>>, vector<16xf32>,
        %get3A_392 = arith.index_cast %add3A_347 : i32 to index
        %get3A_393 = arith.constant 32 : index
        %get3A_394 = tpu.vector_load %arg15[%get3A_392, %get3A_393] {strides = array<i32>} : memref<32x128xf32, #tpu.memory_space<vmem>>, vector<16xf32>,
        %get3A_395 = arith.index_cast %min3A_350 : i32 to index
        %get3A_396 = arith.constant 32 : index
        %get3A_397 = tpu.vector_load %arg16[%get3A_395, %get3A_396] {strides = array<i32>} : memref<32x64xf32, #tpu.memory_space<vmem>>, vector<16xf32>,
        %add3A_398 = arith.addf %get3A_394, %get3A_397 : vector<16xf32>
        %mul3A_399 = arith.mulf %get3A_391, %add3A_398 : vector<16xf32>
        %add3A_400 = arith.addf %add3A_381, %mul3A_399 : vector<16xf32>
        %get3A_401 = arith.index_cast %add3A_347 : i32 to index
        %get3A_402 = arith.constant 96 : index
        %get3A_403 = tpu.vector_load %arg15[%get3A_401, %get3A_402] {strides = array<i32>} : memref<32x128xf32, #tpu.memory_space<vmem>>, vector<16xf32>,
        %add3A_404 = arith.addf %get3A_403, %get3A_397 : vector<16xf32>
        %swap3A_405 = arith.index_cast %add3A_347 : i32 to index
        %swap3A_406 = arith.constant 32 : index
        %swap3A_407 = tpu.vector_load %arg18[%swap3A_405, %swap3A_406] {strides = array<i32>} : memref<32x128xf32, #tpu.memory_space<vmem>>, vector<16xf32>,
        tpu.vector_store %arg18[%swap3A_405, %swap3A_406], %add3A_404 {strides = array<i32>} : memref<32x128xf32, #tpu.memory_space<vmem>>, vector<16xf32>,
        %get3A_408 = arith.index_cast %add3A_347 : i32 to index
        %get3A_409 = arith.constant 48 : index
        %get3A_410 = tpu.vector_load %arg14[%get3A_408, %get3A_409] {strides = array<i32>} : memref<32x128xf32, #tpu.memory_space<vmem>>, vector<16xf32>,
        %get3A_411 = arith.index_cast %add3A_347 : i32 to index
        %get3A_412 = arith.constant 48 : index
        %get3A_413 = tpu.vector_load %arg15[%get3A_411, %get3A_412] {strides = array<i32>} : memref<32x128xf32, #tpu.memory_space<vmem>>, vector<16xf32>,
        %get3A_414 = arith.index_cast %min3A_350 : i32 to index
        %get3A_415 = arith.constant 48 : index
        %get3A_416 = tpu.vector_load %arg16[%get3A_414, %get3A_415] {strides = array<i32>} : memref<32x64xf32, #tpu.memory_space<vmem>>, vector<16xf32>,
        %add3A_417 = arith.addf %get3A_413, %get3A_416 : vector<16xf32>
        %mul3A_418 = arith.mulf %get3A_410, %add3A_417 : vector<16xf32>
        %add3A_419 = arith.addf %add3A_400, %mul3A_418 : vector<16xf32>
        %get3A_420 = arith.index_cast %add3A_347 : i32 to index
        %get3A_421 = arith.constant 112 : index
        %get3A_422 = tpu.vector_load %arg15[%get3A_420, %get3A_421] {strides = array<i32>} : memref<32x128xf32, #tpu.memory_space<vmem>>, vector<16xf32>,
        %add3A_423 = arith.addf %get3A_422, %get3A_416 : vector<16xf32>
        %swap3A_424 = arith.index_cast %add3A_347 : i32 to index
        %swap3A_425 = arith.constant 48 : index
        %swap3A_426 = tpu.vector_load %arg18[%swap3A_424, %swap3A_425] {strides = array<i32>} : memref<32x128xf32, #tpu.memory_space<vmem>>, vector<16xf32>,
        tpu.vector_store %arg18[%swap3A_424, %swap3A_425], %add3A_423 {strides = array<i32>} : memref<32x128xf32, #tpu.memory_space<vmem>>, vector<16xf32>,
        %reduce_sum3A_427 = arith.constant true
        %reduce_sum3A_428 = vector.broadcast %reduce_sum3A_427 : i1 to vector<16xi1>
        %reduce_sum3A_429 = tpu.scan <sum>, %add3A_419 masked %reduce_sum3A_428 : vector<16xf32>, vector<16xi1> -> vector<16xf32>
        %reduce_sum3A_430 = vector.extract %reduce_sum3A_429[15] : f32 from vector<16xf32>
        %mul3A_431 = arith.constant 1.250000e-01 : f32
        %mul3A_432 = arith.mulf %reduce_sum3A_430, %mul3A_431 : f32
        %broadcast_in_dim3A_433 = vector.broadcast %mul3A_432 : f32 to vector<16xf32>
        %exp3A_434 = math.exp %broadcast_in_dim3A_433 : vector<16xf32>
        %mul3A_435 = arith.constant 8 : i32
        %mul3A_436 = arith.muli %scan3A_165, %mul3A_435 : i32
        %add3A_437 = arith.constant 3 : i32
        %add3A_438 = arith.addi %mul3A_436, %add3A_437 : i32
        %add3A_439 = arith.addi %add3A_438, %sub3A_146 : i32
        %min3A_440 = arith.constant 31 : i32
        %min3A_441 = arith.minsi %add3A_439, %min3A_440 : i32
        %get3A_442 = arith.index_cast %add3A_438 : i32 to index
        %get3A_443 = arith.constant 0 : index
        %get3A_444 = tpu.vector_load %arg14[%get3A_442, %get3A_443] {strides = array<i32>} : memref<32x128xf32, #tpu.memory_space<vmem>>, vector<16xf32>,
        %get3A_445 = arith.index_cast %add3A_438 : i32 to index
        %get3A_446 = arith.constant 0 : index
        %get3A_447 = tpu.vector_load %arg15[%get3A_445, %get3A_446] {strides = array<i32>} : memref<32x128xf32, #tpu.memory_space<vmem>>, vector<16xf32>,
        %get3A_448 = arith.index_cast %min3A_441 : i32 to index
        %get3A_449 = arith.constant 0 : index
        %get3A_450 = tpu.vector_load %arg16[%get3A_448, %get3A_449] {strides = array<i32>} : memref<32x64xf32, #tpu.memory_space<vmem>>, vector<16xf32>,
        %add3A_451 = arith.addf %get3A_447, %get3A_450 : vector<16xf32>
        %mul3A_452 = arith.mulf %get3A_444, %add3A_451 : vector<16xf32>
        %add3A_453 = arith.addf %broadcast_in_dim3A_149, %mul3A_452 : vector<16xf32>
        %get3A_454 = arith.index_cast %add3A_438 : i32 to index
        %get3A_455 = arith.constant 64 : index
        %get3A_456 = tpu.vector_load %arg15[%get3A_454, %get3A_455] {strides = array<i32>} : memref<32x128xf32, #tpu.memory_space<vmem>>, vector<16xf32>,
        %add3A_457 = arith.addf %get3A_456, %get3A_450 : vector<16xf32>
        %swap3A_458 = arith.index_cast %add3A_438 : i32 to index
        %swap3A_459 = arith.constant 0 : index
        %swap3A_460 = tpu.vector_load %arg18[%swap3A_458, %swap3A_459] {strides = array<i32>} : memref<32x128xf32, #tpu.memory_space<vmem>>, vector<16xf32>,
        tpu.vector_store %arg18[%swap3A_458, %swap3A_459], %add3A_457 {strides = array<i32>} : memref<32x128xf32, #tpu.memory_space<vmem>>, vector<16xf32>,
        %get3A_461 = arith.index_cast %add3A_438 : i32 to index
        %get3A_462 = arith.constant 16 : index
        %get3A_463 = tpu.vector_load %arg14[%get3A_461, %get3A_462] {strides = array<i32>} : memref<32x128xf32, #tpu.memory_space<vmem>>, vector<16xf32>,
        %get3A_464 = arith.index_cast %add3A_438 : i32 to index
        %get3A_465 = arith.constant 16 : index
        %get3A_466 = tpu.vector_load %arg15[%get3A_464, %get3A_465] {strides = array<i32>} : memref<32x128xf32, #tpu.memory_space<vmem>>, vector<16xf32>,
        %get3A_467 = arith.index_cast %min3A_441 : i32 to index
        %get3A_468 = arith.constant 16 : index
        %get3A_469 = tpu.vector_load %arg16[%get3A_467, %get3A_468] {strides = array<i32>} : memref<32x64xf32, #tpu.memory_space<vmem>>, vector<16xf32>,
        %add3A_470 = arith.addf %get3A_466, %get3A_469 : vector<16xf32>
        %mul3A_471 = arith.mulf %get3A_463, %add3A_470 : vector<16xf32>
        %add3A_472 = arith.addf %add3A_453, %mul3A_471 : vector<16xf32>
        %get3A_473 = arith.index_cast %add3A_438 : i32 to index
        %get3A_474 = arith.constant 80 : index
        %get3A_475 = tpu.vector_load %arg15[%get3A_473, %get3A_474] {strides = array<i32>} : memref<32x128xf32, #tpu.memory_space<vmem>>, vector<16xf32>,
        %add3A_476 = arith.addf %get3A_475, %get3A_469 : vector<16xf32>
        %swap3A_477 = arith.index_cast %add3A_438 : i32 to index
        %swap3A_478 = arith.constant 16 : index
        %swap3A_479 = tpu.vector_load %arg18[%swap3A_477, %swap3A_478] {strides = array<i32>} : memref<32x128xf32, #tpu.memory_space<vmem>>, vector<16xf32>,
        tpu.vector_store %arg18[%swap3A_477, %swap3A_478], %add3A_476 {strides = array<i32>} : memref<32x128xf32, #tpu.memory_space<vmem>>, vector<16xf32>,
        %get3A_480 = arith.index_cast %add3A_438 : i32 to index
        %get3A_481 = arith.constant 32 : index
        %get3A_482 = tpu.vector_load %arg14[%get3A_480, %get3A_481] {strides = array<i32>} : memref<32x128xf32, #tpu.memory_space<vmem>>, vector<16xf32>,
        %get3A_483 = arith.index_cast %add3A_438 : i32 to index
        %get3A_484 = arith.constant 32 : index
        %get3A_485 = tpu.vector_load %arg15[%get3A_483, %get3A_484] {strides = array<i32>} : memref<32x128xf32, #tpu.memory_space<vmem>>, vector<16xf32>,
        %get3A_486 = arith.index_cast %min3A_441 : i32 to index
        %get3A_487 = arith.constant 32 : index
        %get3A_488 = tpu.vector_load %arg16[%get3A_486, %get3A_487] {strides = array<i32>} : memref<32x64xf32, #tpu.memory_space<vmem>>, vector<16xf32>,
        %add3A_489 = arith.addf %get3A_485, %get3A_488 : vector<16xf32>
        %mul3A_490 = arith.mulf %get3A_482, %add3A_489 : vector<16xf32>
        %add3A_491 = arith.addf %add3A_472, %mul3A_490 : vector<16xf32>
        %get3A_492 = arith.index_cast %add3A_438 : i32 to index
        %get3A_493 = arith.constant 96 : index
        %get3A_494 = tpu.vector_load %arg15[%get3A_492, %get3A_493] {strides = array<i32>} : memref<32x128xf32, #tpu.memory_space<vmem>>, vector<16xf32>,
        %add3A_495 = arith.addf %get3A_494, %get3A_488 : vector<16xf32>
        %swap3A_496 = arith.index_cast %add3A_438 : i32 to index
        %swap3A_497 = arith.constant 32 : index
        %swap3A_498 = tpu.vector_load %arg18[%swap3A_496, %swap3A_497] {strides = array<i32>} : memref<32x128xf32, #tpu.memory_space<vmem>>, vector<16xf32>,
        tpu.vector_store %arg18[%swap3A_496, %swap3A_497], %add3A_495 {strides = array<i32>} : memref<32x128xf32, #tpu.memory_space<vmem>>, vector<16xf32>,
        %get3A_499 = arith.index_cast %add3A_438 : i32 to index
        %get3A_500 = arith.constant 48 : index
        %get3A_501 = tpu.vector_load %arg14[%get3A_499, %get3A_500] {strides = array<i32>} : memref<32x128xf32, #tpu.memory_space<vmem>>, vector<16xf32>,
        %get3A_502 = arith.index_cast %add3A_438 : i32 to index
        %get3A_503 = arith.constant 48 : index
        %get3A_504 = tpu.vector_load %arg15[%get3A_502, %get3A_503] {strides = array<i32>} : memref<32x128xf32, #tpu.memory_space<vmem>>, vector<16xf32>,
        %get3A_505 = arith.index_cast %min3A_441 : i32 to index
        %get3A_506 = arith.constant 48 : index
        %get3A_507 = tpu.vector_load %arg16[%get3A_505, %get3A_506] {strides = array<i32>} : memref<32x64xf32, #tpu.memory_space<vmem>>, vector<16xf32>,
        %add3A_508 = arith.addf %get3A_504, %get3A_507 : vector<16xf32>
        %mul3A_509 = arith.mulf %get3A_501, %add3A_508 : vector<16xf32>
        %add3A_510 = arith.addf %add3A_491, %mul3A_509 : vector<16xf32>
        %get3A_511 = arith.index_cast %add3A_438 : i32 to index
        %get3A_512 = arith.constant 112 : index
        %get3A_513 = tpu.vector_load %arg15[%get3A_511, %get3A_512] {strides = array<i32>} : memref<32x128xf32, #tpu.memory_space<vmem>>, vector<16xf32>,
        %add3A_514 = arith.addf %get3A_513, %get3A_507 : vector<16xf32>
        %swap3A_515 = arith.index_cast %add3A_438 : i32 to index
        %swap3A_516 = arith.constant 48 : index
        %swap3A_517 = tpu.vector_load %arg18[%swap3A_515, %swap3A_516] {strides = array<i32>} : memref<32x128xf32, #tpu.memory_space<vmem>>, vector<16xf32>,
        tpu.vector_store %arg18[%swap3A_515, %swap3A_516], %add3A_514 {strides = array<i32>} : memref<32x128xf32, #tpu.memory_space<vmem>>, vector<16xf32>,
        %reduce_sum3A_518 = arith.constant true
        %reduce_sum3A_519 = vector.broadcast %reduce_sum3A_518 : i1 to vector<16xi1>
        %reduce_sum3A_520 = tpu.scan <sum>, %add3A_510 masked %reduce_sum3A_519 : vector<16xf32>, vector<16xi1> -> vector<16xf32>
        %reduce_sum3A_521 = vector.extract %reduce_sum3A_520[15] : f32 from vector<16xf32>
        %mul3A_522 = arith.constant 1.250000e-01 : f32
        %mul3A_523 = arith.mulf %reduce_sum3A_521, %mul3A_522 : f32
        %broadcast_in_dim3A_524 = vector.broadcast %mul3A_523 : f32 to vector<16xf32>
        %exp3A_525 = math.exp %broadcast_in_dim3A_524 : vector<16xf32>
        %mul3A_526 = arith.constant 8 : i32
        %mul3A_527 = arith.muli %scan3A_165, %mul3A_526 : i32
        %add3A_528 = arith.constant 4 : i32
        %add3A_529 = arith.addi %mul3A_527, %add3A_528 : i32
        %add3A_530 = arith.addi %add3A_529, %sub3A_146 : i32
        %min3A_531 = arith.constant 31 : i32
        %min3A_532 = arith.minsi %add3A_530, %min3A_531 : i32
        %get3A_533 = arith.index_cast %add3A_529 : i32 to index
        %get3A_534 = arith.constant 0 : index
        %get3A_535 = tpu.vector_load %arg14[%get3A_533, %get3A_534] {strides = array<i32>} : memref<32x128xf32, #tpu.memory_space<vmem>>, vector<16xf32>,
        %get3A_536 = arith.index_cast %add3A_529 : i32 to index
        %get3A_537 = arith.constant 0 : index
        %get3A_538 = tpu.vector_load %arg15[%get3A_536, %get3A_537] {strides = array<i32>} : memref<32x128xf32, #tpu.memory_space<vmem>>, vector<16xf32>,
        %get3A_539 = arith.index_cast %min3A_532 : i32 to index
        %get3A_540 = arith.constant 0 : index
        %get3A_541 = tpu.vector_load %arg16[%get3A_539, %get3A_540] {strides = array<i32>} : memref<32x64xf32, #tpu.memory_space<vmem>>, vector<16xf32>,
        %add3A_542 = arith.addf %get3A_538, %get3A_541 : vector<16xf32>
        %mul3A_543 = arith.mulf %get3A_535, %add3A_542 : vector<16xf32>
        %add3A_544 = arith.addf %broadcast_in_dim3A_149, %mul3A_543 : vector<16xf32>
        %get3A_545 = arith.index_cast %add3A_529 : i32 to index
        %get3A_546 = arith.constant 64 : index
        %get3A_547 = tpu.vector_load %arg15[%get3A_545, %get3A_546] {strides = array<i32>} : memref<32x128xf32, #tpu.memory_space<vmem>>, vector<16xf32>,
        %add3A_548 = arith.addf %get3A_547, %get3A_541 : vector<16xf32>
        %swap3A_549 = arith.index_cast %add3A_529 : i32 to index
        %swap3A_550 = arith.constant 0 : index
        %swap3A_551 = tpu.vector_load %arg18[%swap3A_549, %swap3A_550] {strides = array<i32>} : memref<32x128xf32, #tpu.memory_space<vmem>>, vector<16xf32>,
        tpu.vector_store %arg18[%swap3A_549, %swap3A_550], %add3A_548 {strides = array<i32>} : memref<32x128xf32, #tpu.memory_space<vmem>>, vector<16xf32>,
        %get3A_552 = arith.index_cast %add3A_529 : i32 to index
        %get3A_553 = arith.constant 16 : index
        %get3A_554 = tpu.vector_load %arg14[%get3A_552, %get3A_553] {strides = array<i32>} : memref<32x128xf32, #tpu.memory_space<vmem>>, vector<16xf32>,
        %get3A_555 = arith.index_cast %add3A_529 : i32 to index
        %get3A_556 = arith.constant 16 : index
        %get3A_557 = tpu.vector_load %arg15[%get3A_555, %get3A_556] {strides = array<i32>} : memref<32x128xf32, #tpu.memory_space<vmem>>, vector<16xf32>,
        %get3A_558 = arith.index_cast %min3A_532 : i32 to index
        %get3A_559 = arith.constant 16 : index
        %get3A_560 = tpu.vector_load %arg16[%get3A_558, %get3A_559] {strides = array<i32>} : memref<32x64xf32, #tpu.memory_space<vmem>>, vector<16xf32>,
        %add3A_561 = arith.addf %get3A_557, %get3A_560 : vector<16xf32>
        %mul3A_562 = arith.mulf %get3A_554, %add3A_561 : vector<16xf32>
        %add3A_563 = arith.addf %add3A_544, %mul3A_562 : vector<16xf32>
        %get3A_564 = arith.index_cast %add3A_529 : i32 to index
        %get3A_565 = arith.constant 80 : index
        %get3A_566 = tpu.vector_load %arg15[%get3A_564, %get3A_565] {strides = array<i32>} : memref<32x128xf32, #tpu.memory_space<vmem>>, vector<16xf32>,
        %add3A_567 = arith.addf %get3A_566, %get3A_560 : vector<16xf32>
        %swap3A_568 = arith.index_cast %add3A_529 : i32 to index
        %swap3A_569 = arith.constant 16 : index
        %swap3A_570 = tpu.vector_load %arg18[%swap3A_568, %swap3A_569] {strides = array<i32>} : memref<32x128xf32, #tpu.memory_space<vmem>>, vector<16xf32>,
        tpu.vector_store %arg18[%swap3A_568, %swap3A_569], %add3A_567 {strides = array<i32>} : memref<32x128xf32, #tpu.memory_space<vmem>>, vector<16xf32>,
        %get3A_571 = arith.index_cast %add3A_529 : i32 to index
        %get3A_572 = arith.constant 32 : index
        %get3A_573 = tpu.vector_load %arg14[%get3A_571, %get3A_572] {strides = array<i32>} : memref<32x128xf32, #tpu.memory_space<vmem>>, vector<16xf32>,
        %get3A_574 = arith.index_cast %add3A_529 : i32 to index
        %get3A_575 = arith.constant 32 : index
        %get3A_576 = tpu.vector_load %arg15[%get3A_574, %get3A_575] {strides = array<i32>} : memref<32x128xf32, #tpu.memory_space<vmem>>, vector<16xf32>,
        %get3A_577 = arith.index_cast %min3A_532 : i32 to index
        %get3A_578 = arith.constant 32 : index
        %get3A_579 = tpu.vector_load %arg16[%get3A_577, %get3A_578] {strides = array<i32>} : memref<32x64xf32, #tpu.memory_space<vmem>>, vector<16xf32>,
        %add3A_580 = arith.addf %get3A_576, %get3A_579 : vector<16xf32>
        %mul3A_581 = arith.mulf %get3A_573, %add3A_580 : vector<16xf32>
        %add3A_582 = arith.addf %add3A_563, %mul3A_581 : vector<16xf32>
        %get3A_583 = arith.index_cast %add3A_529 : i32 to index
        %get3A_584 = arith.constant 96 : index
        %get3A_585 = tpu.vector_load %arg15[%get3A_583, %get3A_584] {strides = array<i32>} : memref<32x128xf32, #tpu.memory_space<vmem>>, vector<16xf32>,
        %add3A_586 = arith.addf %get3A_585, %get3A_579 : vector<16xf32>
        %swap3A_587 = arith.index_cast %add3A_529 : i32 to index
        %swap3A_588 = arith.constant 32 : index
        %swap3A_589 = tpu.vector_load %arg18[%swap3A_587, %swap3A_588] {strides = array<i32>} : memref<32x128xf32, #tpu.memory_space<vmem>>, vector<16xf32>,
        tpu.vector_store %arg18[%swap3A_587, %swap3A_588], %add3A_586 {strides = array<i32>} : memref<32x128xf32, #tpu.memory_space<vmem>>, vector<16xf32>,
        %get3A_590 = arith.index_cast %add3A_529 : i32 to index
        %get3A_591 = arith.constant 48 : index
        %get3A_592 = tpu.vector_load %arg14[%get3A_590, %get3A_591] {strides = array<i32>} : memref<32x128xf32, #tpu.memory_space<vmem>>, vector<16xf32>,
        %get3A_593 = arith.index_cast %add3A_529 : i32 to index
        %get3A_594 = arith.constant 48 : index
        %get3A_595 = tpu.vector_load %arg15[%get3A_593, %get3A_594] {strides = array<i32>} : memref<32x128xf32, #tpu.memory_space<vmem>>, vector<16xf32>,
        %get3A_596 = arith.index_cast %min3A_532 : i32 to index
        %get3A_597 = arith.constant 48 : index
        %get3A_598 = tpu.vector_load %arg16[%get3A_596, %get3A_597] {strides = array<i32>} : memref<32x64xf32, #tpu.memory_space<vmem>>, vector<16xf32>,
        %add3A_599 = arith.addf %get3A_595, %get3A_598 : vector<16xf32>
        %mul3A_600 = arith.mulf %get3A_592, %add3A_599 : vector<16xf32>
        %add3A_601 = arith.addf %add3A_582, %mul3A_600 : vector<16xf32>
        %get3A_602 = arith.index_cast %add3A_529 : i32 to index
        %get3A_603 = arith.constant 112 : index
        %get3A_604 = tpu.vector_load %arg15[%get3A_602, %get3A_603] {strides = array<i32>} : memref<32x128xf32, #tpu.memory_space<vmem>>, vector<16xf32>,
        %add3A_605 = arith.addf %get3A_604, %get3A_598 : vector<16xf32>
        %swap3A_606 = arith.index_cast %add3A_529 : i32 to index
        %swap3A_607 = arith.constant 48 : index
        %swap3A_608 = tpu.vector_load %arg18[%swap3A_606, %swap3A_607] {strides = array<i32>} : memref<32x128xf32, #tpu.memory_space<vmem>>, vector<16xf32>,
        tpu.vector_store %arg18[%swap3A_606, %swap3A_607], %add3A_605 {strides = array<i32>} : memref<32x128xf32, #tpu.memory_space<vmem>>, vector<16xf32>,
        %reduce_sum3A_609 = arith.constant true
        %reduce_sum3A_610 = vector.broadcast %reduce_sum3A_609 : i1 to vector<16xi1>
        %reduce_sum3A_611 = tpu.scan <sum>, %add3A_601 masked %reduce_sum3A_610 : vector<16xf32>, vector<16xi1> -> vector<16xf32>
        %reduce_sum3A_612 = vector.extract %reduce_sum3A_611[15] : f32 from vector<16xf32>
        %mul3A_613 = arith.constant 1.250000e-01 : f32
        %mul3A_614 = arith.mulf %reduce_sum3A_612, %mul3A_613 : f32
        %broadcast_in_dim3A_615 = vector.broadcast %mul3A_614 : f32 to vector<16xf32>
        %exp3A_616 = math.exp %broadcast_in_dim3A_615 : vector<16xf32>
        %mul3A_617 = arith.constant 8 : i32
        %mul3A_618 = arith.muli %scan3A_165, %mul3A_617 : i32
        %add3A_619 = arith.constant 5 : i32
        %add3A_620 = arith.addi %mul3A_618, %add3A_619 : i32
        %add3A_621 = arith.addi %add3A_620, %sub3A_146 : i32
        %min3A_622 = arith.constant 31 : i32
        %min3A_623 = arith.minsi %add3A_621, %min3A_622 : i32
        %get3A_624 = arith.index_cast %add3A_620 : i32 to index
        %get3A_625 = arith.constant 0 : index
        %get3A_626 = tpu.vector_load %arg14[%get3A_624, %get3A_625] {strides = array<i32>} : memref<32x128xf32, #tpu.memory_space<vmem>>, vector<16xf32>,
        %get3A_627 = arith.index_cast %add3A_620 : i32 to index
        %get3A_628 = arith.constant 0 : index
        %get3A_629 = tpu.vector_load %arg15[%get3A_627, %get3A_628] {strides = array<i32>} : memref<32x128xf32, #tpu.memory_space<vmem>>, vector<16xf32>,
        %get3A_630 = arith.index_cast %min3A_623 : i32 to index
        %get3A_631 = arith.constant 0 : index
        %get3A_632 = tpu.vector_load %arg16[%get3A_630, %get3A_631] {strides = array<i32>} : memref<32x64xf32, #tpu.memory_space<vmem>>, vector<16xf32>,
        %add3A_633 = arith.addf %get3A_629, %get3A_632 : vector<16xf32>
        %mul3A_634 = arith.mulf %get3A_626, %add3A_633 : vector<16xf32>
        %add3A_635 = arith.addf %broadcast_in_dim3A_149, %mul3A_634 : vector<16xf32>
        %get3A_636 = arith.index_cast %add3A_620 : i32 to index
        %get3A_637 = arith.constant 64 : index
        %get3A_638 = tpu.vector_load %arg15[%get3A_636, %get3A_637] {strides = array<i32>} : memref<32x128xf32, #tpu.memory_space<vmem>>, vector<16xf32>,
        %add3A_639 = arith.addf %get3A_638, %get3A_632 : vector<16xf32>
        %swap3A_640 = arith.index_cast %add3A_620 : i32 to index
        %swap3A_641 = arith.constant 0 : index
        %swap3A_642 = tpu.vector_load %arg18[%swap3A_640, %swap3A_641] {strides = array<i32>} : memref<32x128xf32, #tpu.memory_space<vmem>>, vector<16xf32>,
        tpu.vector_store %arg18[%swap3A_640, %swap3A_641], %add3A_639 {strides = array<i32>} : memref<32x128xf32, #tpu.memory_space<vmem>>, vector<16xf32>,
        %get3A_643 = arith.index_cast %add3A_620 : i32 to index
        %get3A_644 = arith.constant 16 : index
        %get3A_645 = tpu.vector_load %arg14[%get3A_643, %get3A_644] {strides = array<i32>} : memref<32x128xf32, #tpu.memory_space<vmem>>, vector<16xf32>,
        %get3A_646 = arith.index_cast %add3A_620 : i32 to index
        %get3A_647 = arith.constant 16 : index
        %get3A_648 = tpu.vector_load %arg15[%get3A_646, %get3A_647] {strides = array<i32>} : memref<32x128xf32, #tpu.memory_space<vmem>>, vector<16xf32>,
        %get3A_649 = arith.index_cast %min3A_623 : i32 to index
        %get3A_650 = arith.constant 16 : index
        %get3A_651 = tpu.vector_load %arg16[%get3A_649, %get3A_650] {strides = array<i32>} : memref<32x64xf32, #tpu.memory_space<vmem>>, vector<16xf32>,
        %add3A_652 = arith.addf %get3A_648, %get3A_651 : vector<16xf32>
        %mul3A_653 = arith.mulf %get3A_645, %add3A_652 : vector<16xf32>
        %add3A_654 = arith.addf %add3A_635, %mul3A_653 : vector<16xf32>
        %get3A_655 = arith.index_cast %add3A_620 : i32 to index
        %get3A_656 = arith.constant 80 : index
        %get3A_657 = tpu.vector_load %arg15[%get3A_655, %get3A_656] {strides = array<i32>} : memref<32x128xf32, #tpu.memory_space<vmem>>, vector<16xf32>,
        %add3A_658 = arith.addf %get3A_657, %get3A_651 : vector<16xf32>
        %swap3A_659 = arith.index_cast %add3A_620 : i32 to index
        %swap3A_660 = arith.constant 16 : index
        %swap3A_661 = tpu.vector_load %arg18[%swap3A_659, %swap3A_660] {strides = array<i32>} : memref<32x128xf32, #tpu.memory_space<vmem>>, vector<16xf32>,
        tpu.vector_store %arg18[%swap3A_659, %swap3A_660], %add3A_658 {strides = array<i32>} : memref<32x128xf32, #tpu.memory_space<vmem>>, vector<16xf32>,
        %get3A_662 = arith.index_cast %add3A_620 : i32 to index
        %get3A_663 = arith.constant 32 : index
        %get3A_664 = tpu.vector_load %arg14[%get3A_662, %get3A_663] {strides = array<i32>} : memref<32x128xf32, #tpu.memory_space<vmem>>, vector<16xf32>,
        %get3A_665 = arith.index_cast %add3A_620 : i32 to index
        %get3A_666 = arith.constant 32 : index
        %get3A_667 = tpu.vector_load %arg15[%get3A_665, %get3A_666] {strides = array<i32>} : memref<32x128xf32, #tpu.memory_space<vmem>>, vector<16xf32>,
        %get3A_668 = arith.index_cast %min3A_623 : i32 to index
        %get3A_669 = arith.constant 32 : index
        %get3A_670 = tpu.vector_load %arg16[%get3A_668, %get3A_669] {strides = array<i32>} : memref<32x64xf32, #tpu.memory_space<vmem>>, vector<16xf32>,
        %add3A_671 = arith.addf %get3A_667, %get3A_670 : vector<16xf32>
        %mul3A_672 = arith.mulf %get3A_664, %add3A_671 : vector<16xf32>
        %add3A_673 = arith.addf %add3A_654, %mul3A_672 : vector<16xf32>
        %get3A_674 = arith.index_cast %add3A_620 : i32 to index
        %get3A_675 = arith.constant 96 : index
        %get3A_676 = tpu.vector_load %arg15[%get3A_674, %get3A_675] {strides = array<i32>} : memref<32x128xf32, #tpu.memory_space<vmem>>, vector<16xf32>,
        %add3A_677 = arith.addf %get3A_676, %get3A_670 : vector<16xf32>
        %swap3A_678 = arith.index_cast %add3A_620 : i32 to index
        %swap3A_679 = arith.constant 32 : index
        %swap3A_680 = tpu.vector_load %arg18[%swap3A_678, %swap3A_679] {strides = array<i32>} : memref<32x128xf32, #tpu.memory_space<vmem>>, vector<16xf32>,
        tpu.vector_store %arg18[%swap3A_678, %swap3A_679], %add3A_677 {strides = array<i32>} : memref<32x128xf32, #tpu.memory_space<vmem>>, vector<16xf32>,
        %get3A_681 = arith.index_cast %add3A_620 : i32 to index
        %get3A_682 = arith.constant 48 : index
        %get3A_683 = tpu.vector_load %arg14[%get3A_681, %get3A_682] {strides = array<i32>} : memref<32x128xf32, #tpu.memory_space<vmem>>, vector<16xf32>,
        %get3A_684 = arith.index_cast %add3A_620 : i32 to index
        %get3A_685 = arith.constant 48 : index
        %get3A_686 = tpu.vector_load %arg15[%get3A_684, %get3A_685] {strides = array<i32>} : memref<32x128xf32, #tpu.memory_space<vmem>>, vector<16xf32>,
        %get3A_687 = arith.index_cast %min3A_623 : i32 to index
        %get3A_688 = arith.constant 48 : index
        %get3A_689 = tpu.vector_load %arg16[%get3A_687, %get3A_688] {strides = array<i32>} : memref<32x64xf32, #tpu.memory_space<vmem>>, vector<16xf32>,
        %add3A_690 = arith.addf %get3A_686, %get3A_689 : vector<16xf32>
        %mul3A_691 = arith.mulf %get3A_683, %add3A_690 : vector<16xf32>
        %add3A_692 = arith.addf %add3A_673, %mul3A_691 : vector<16xf32>
        %get3A_693 = arith.index_cast %add3A_620 : i32 to index
        %get3A_694 = arith.constant 112 : index
        %get3A_695 = tpu.vector_load %arg15[%get3A_693, %get3A_694] {strides = array<i32>} : memref<32x128xf32, #tpu.memory_space<vmem>>, vector<16xf32>,
        %add3A_696 = arith.addf %get3A_695, %get3A_689 : vector<16xf32>
        %swap3A_697 = arith.index_cast %add3A_620 : i32 to index
        %swap3A_698 = arith.constant 48 : index
        %swap3A_699 = tpu.vector_load %arg18[%swap3A_697, %swap3A_698] {strides = array<i32>} : memref<32x128xf32, #tpu.memory_space<vmem>>, vector<16xf32>,
        tpu.vector_store %arg18[%swap3A_697, %swap3A_698], %add3A_696 {strides = array<i32>} : memref<32x128xf32, #tpu.memory_space<vmem>>, vector<16xf32>,
        %reduce_sum3A_700 = arith.constant true
        %reduce_sum3A_701 = vector.broadcast %reduce_sum3A_700 : i1 to vector<16xi1>
        %reduce_sum3A_702 = tpu.scan <sum>, %add3A_692 masked %reduce_sum3A_701 : vector<16xf32>, vector<16xi1> -> vector<16xf32>
        %reduce_sum3A_703 = vector.extract %reduce_sum3A_702[15] : f32 from vector<16xf32>
        %mul3A_704 = arith.constant 1.250000e-01 : f32
        %mul3A_705 = arith.mulf %reduce_sum3A_703, %mul3A_704 : f32
        %broadcast_in_dim3A_706 = vector.broadcast %mul3A_705 : f32 to vector<16xf32>
        %exp3A_707 = math.exp %broadcast_in_dim3A_706 : vector<16xf32>
        %mul3A_708 = arith.constant 8 : i32
        %mul3A_709 = arith.muli %scan3A_165, %mul3A_708 : i32
        %add3A_710 = arith.constant 6 : i32
        %add3A_711 = arith.addi %mul3A_709, %add3A_710 : i32
        %add3A_712 = arith.addi %add3A_711, %sub3A_146 : i32
        %min3A_713 = arith.constant 31 : i32
        %min3A_714 = arith.minsi %add3A_712, %min3A_713 : i32
        %get3A_715 = arith.index_cast %add3A_711 : i32 to index
        %get3A_716 = arith.constant 0 : index
        %get3A_717 = tpu.vector_load %arg14[%get3A_715, %get3A_716] {strides = array<i32>} : memref<32x128xf32, #tpu.memory_space<vmem>>, vector<16xf32>,
        %get3A_718 = arith.index_cast %add3A_711 : i32 to index
        %get3A_719 = arith.constant 0 : index
        %get3A_720 = tpu.vector_load %arg15[%get3A_718, %get3A_719] {strides = array<i32>} : memref<32x128xf32, #tpu.memory_space<vmem>>, vector<16xf32>,
        %get3A_721 = arith.index_cast %min3A_714 : i32 to index
        %get3A_722 = arith.constant 0 : index
        %get3A_723 = tpu.vector_load %arg16[%get3A_721, %get3A_722] {strides = array<i32>} : memref<32x64xf32, #tpu.memory_space<vmem>>, vector<16xf32>,
        %add3A_724 = arith.addf %get3A_720, %get3A_723 : vector<16xf32>
        %mul3A_725 = arith.mulf %get3A_717, %add3A_724 : vector<16xf32>
        %add3A_726 = arith.addf %broadcast_in_dim3A_149, %mul3A_725 : vector<16xf32>
        %get3A_727 = arith.index_cast %add3A_711 : i32 to index
        %get3A_728 = arith.constant 64 : index
        %get3A_729 = tpu.vector_load %arg15[%get3A_727, %get3A_728] {strides = array<i32>} : memref<32x128xf32, #tpu.memory_space<vmem>>, vector<16xf32>,
        %add3A_730 = arith.addf %get3A_729, %get3A_723 : vector<16xf32>
        %swap3A_731 = arith.index_cast %add3A_711 : i32 to index
        %swap3A_732 = arith.constant 0 : index
        %swap3A_733 = tpu.vector_load %arg18[%swap3A_731, %swap3A_732] {strides = array<i32>} : memref<32x128xf32, #tpu.memory_space<vmem>>, vector<16xf32>,
        tpu.vector_store %arg18[%swap3A_731, %swap3A_732], %add3A_730 {strides = array<i32>} : memref<32x128xf32, #tpu.memory_space<vmem>>, vector<16xf32>,
        %get3A_734 = arith.index_cast %add3A_711 : i32 to index
        %get3A_735 = arith.constant 16 : index
        %get3A_736 = tpu.vector_load %arg14[%get3A_734, %get3A_735] {strides = array<i32>} : memref<32x128xf32, #tpu.memory_space<vmem>>, vector<16xf32>,
        %get3A_737 = arith.index_cast %add3A_711 : i32 to index
        %get3A_738 = arith.constant 16 : index
        %get3A_739 = tpu.vector_load %arg15[%get3A_737, %get3A_738] {strides = array<i32>} : memref<32x128xf32, #tpu.memory_space<vmem>>, vector<16xf32>,
        %get3A_740 = arith.index_cast %min3A_714 : i32 to index
        %get3A_741 = arith.constant 16 : index
        %get3A_742 = tpu.vector_load %arg16[%get3A_740, %get3A_741] {strides = array<i32>} : memref<32x64xf32, #tpu.memory_space<vmem>>, vector<16xf32>,
        %add3A_743 = arith.addf %get3A_739, %get3A_742 : vector<16xf32>
        %mul3A_744 = arith.mulf %get3A_736, %add3A_743 : vector<16xf32>
        %add3A_745 = arith.addf %add3A_726, %mul3A_744 : vector<16xf32>
        %get3A_746 = arith.index_cast %add3A_711 : i32 to index
        %get3A_747 = arith.constant 80 : index
        %get3A_748 = tpu.vector_load %arg15[%get3A_746, %get3A_747] {strides = array<i32>} : memref<32x128xf32, #tpu.memory_space<vmem>>, vector<16xf32>,
        %add3A_749 = arith.addf %get3A_748, %get3A_742 : vector<16xf32>
        %swap3A_750 = arith.index_cast %add3A_711 : i32 to index
        %swap3A_751 = arith.constant 16 : index
        %swap3A_752 = tpu.vector_load %arg18[%swap3A_750, %swap3A_751] {strides = array<i32>} : memref<32x128xf32, #tpu.memory_space<vmem>>, vector<16xf32>,
        tpu.vector_store %arg18[%swap3A_750, %swap3A_751], %add3A_749 {strides = array<i32>} : memref<32x128xf32, #tpu.memory_space<vmem>>, vector<16xf32>,
        %get3A_753 = arith.index_cast %add3A_711 : i32 to index
        %get3A_754 = arith.constant 32 : index
        %get3A_755 = tpu.vector_load %arg14[%get3A_753, %get3A_754] {strides = array<i32>} : memref<32x128xf32, #tpu.memory_space<vmem>>, vector<16xf32>,
        %get3A_756 = arith.index_cast %add3A_711 : i32 to index
        %get3A_757 = arith.constant 32 : index
        %get3A_758 = tpu.vector_load %arg15[%get3A_756, %get3A_757] {strides = array<i32>} : memref<32x128xf32, #tpu.memory_space<vmem>>, vector<16xf32>,
        %get3A_759 = arith.index_cast %min3A_714 : i32 to index
        %get3A_760 = arith.constant 32 : index
        %get3A_761 = tpu.vector_load %arg16[%get3A_759, %get3A_760] {strides = array<i32>} : memref<32x64xf32, #tpu.memory_space<vmem>>, vector<16xf32>,
        %add3A_762 = arith.addf %get3A_758, %get3A_761 : vector<16xf32>
        %mul3A_763 = arith.mulf %get3A_755, %add3A_762 : vector<16xf32>
        %add3A_764 = arith.addf %add3A_745, %mul3A_763 : vector<16xf32>
        %get3A_765 = arith.index_cast %add3A_711 : i32 to index
        %get3A_766 = arith.constant 96 : index
        %get3A_767 = tpu.vector_load %arg15[%get3A_765, %get3A_766] {strides = array<i32>} : memref<32x128xf32, #tpu.memory_space<vmem>>, vector<16xf32>,
        %add3A_768 = arith.addf %get3A_767, %get3A_761 : vector<16xf32>
        %swap3A_769 = arith.index_cast %add3A_711 : i32 to index
        %swap3A_770 = arith.constant 32 : index
        %swap3A_771 = tpu.vector_load %arg18[%swap3A_769, %swap3A_770] {strides = array<i32>} : memref<32x128xf32, #tpu.memory_space<vmem>>, vector<16xf32>,
        tpu.vector_store %arg18[%swap3A_769, %swap3A_770], %add3A_768 {strides = array<i32>} : memref<32x128xf32, #tpu.memory_space<vmem>>, vector<16xf32>,
        %get3A_772 = arith.index_cast %add3A_711 : i32 to index
        %get3A_773 = arith.constant 48 : index
        %get3A_774 = tpu.vector_load %arg14[%get3A_772, %get3A_773] {strides = array<i32>} : memref<32x128xf32, #tpu.memory_space<vmem>>, vector<16xf32>,
        %get3A_775 = arith.index_cast %add3A_711 : i32 to index
        %get3A_776 = arith.constant 48 : index
        %get3A_777 = tpu.vector_load %arg15[%get3A_775, %get3A_776] {strides = array<i32>} : memref<32x128xf32, #tpu.memory_space<vmem>>, vector<16xf32>,
        %get3A_778 = arith.index_cast %min3A_714 : i32 to index
        %get3A_779 = arith.constant 48 : index
        %get3A_780 = tpu.vector_load %arg16[%get3A_778, %get3A_779] {strides = array<i32>} : memref<32x64xf32, #tpu.memory_space<vmem>>, vector<16xf32>,
        %add3A_781 = arith.addf %get3A_777, %get3A_780 : vector<16xf32>
        %mul3A_782 = arith.mulf %get3A_774, %add3A_781 : vector<16xf32>
        %add3A_783 = arith.addf %add3A_764, %mul3A_782 : vector<16xf32>
        %get3A_784 = arith.index_cast %add3A_711 : i32 to index
        %get3A_785 = arith.constant 112 : index
        %get3A_786 = tpu.vector_load %arg15[%get3A_784, %get3A_785] {strides = array<i32>} : memref<32x128xf32, #tpu.memory_space<vmem>>, vector<16xf32>,
        %add3A_787 = arith.addf %get3A_786, %get3A_780 : vector<16xf32>
        %swap3A_788 = arith.index_cast %add3A_711 : i32 to index
        %swap3A_789 = arith.constant 48 : index
        %swap3A_790 = tpu.vector_load %arg18[%swap3A_788, %swap3A_789] {strides = array<i32>} : memref<32x128xf32, #tpu.memory_space<vmem>>, vector<16xf32>,
        tpu.vector_store %arg18[%swap3A_788, %swap3A_789], %add3A_787 {strides = array<i32>} : memref<32x128xf32, #tpu.memory_space<vmem>>, vector<16xf32>,
        %reduce_sum3A_791 = arith.constant true
        %reduce_sum3A_792 = vector.broadcast %reduce_sum3A_791 : i1 to vector<16xi1>
        %reduce_sum3A_793 = tpu.scan <sum>, %add3A_783 masked %reduce_sum3A_792 : vector<16xf32>, vector<16xi1> -> vector<16xf32>
        %reduce_sum3A_794 = vector.extract %reduce_sum3A_793[15] : f32 from vector<16xf32>
        %mul3A_795 = arith.constant 1.250000e-01 : f32
        %mul3A_796 = arith.mulf %reduce_sum3A_794, %mul3A_795 : f32
        %broadcast_in_dim3A_797 = vector.broadcast %mul3A_796 : f32 to vector<16xf32>
        %exp3A_798 = math.exp %broadcast_in_dim3A_797 : vector<16xf32>
        %mul3A_799 = arith.constant 8 : i32
        %mul3A_800 = arith.muli %scan3A_165, %mul3A_799 : i32
        %add3A_801 = arith.constant 7 : i32
        %add3A_802 = arith.addi %mul3A_800, %add3A_801 : i32
        %add3A_803 = arith.addi %add3A_802, %sub3A_146 : i32
        %min3A_804 = arith.constant 31 : i32
        %min3A_805 = arith.minsi %add3A_803, %min3A_804 : i32
        %get3A_806 = arith.index_cast %add3A_802 : i32 to index
        %get3A_807 = arith.constant 0 : index
        %get3A_808 = tpu.vector_load %arg14[%get3A_806, %get3A_807] {strides = array<i32>} : memref<32x128xf32, #tpu.memory_space<vmem>>, vector<16xf32>,
        %get3A_809 = arith.index_cast %add3A_802 : i32 to index
        %get3A_810 = arith.constant 0 : index
        %get3A_811 = tpu.vector_load %arg15[%get3A_809, %get3A_810] {strides = array<i32>} : memref<32x128xf32, #tpu.memory_space<vmem>>, vector<16xf32>,
        %get3A_812 = arith.index_cast %min3A_805 : i32 to index
        %get3A_813 = arith.constant 0 : index
        %get3A_814 = tpu.vector_load %arg16[%get3A_812, %get3A_813] {strides = array<i32>} : memref<32x64xf32, #tpu.memory_space<vmem>>, vector<16xf32>,
        %add3A_815 = arith.addf %get3A_811, %get3A_814 : vector<16xf32>
        %mul3A_816 = arith.mulf %get3A_808, %add3A_815 : vector<16xf32>
        %add3A_817 = arith.addf %broadcast_in_dim3A_149, %mul3A_816 : vector<16xf32>
        %get3A_818 = arith.index_cast %add3A_802 : i32 to index
        %get3A_819 = arith.constant 64 : index
        %get3A_820 = tpu.vector_load %arg15[%get3A_818, %get3A_819] {strides = array<i32>} : memref<32x128xf32, #tpu.memory_space<vmem>>, vector<16xf32>,
        %add3A_821 = arith.addf %get3A_820, %get3A_814 : vector<16xf32>
        %swap3A_822 = arith.index_cast %add3A_802 : i32 to index
        %swap3A_823 = arith.constant 0 : index
        %swap3A_824 = tpu.vector_load %arg18[%swap3A_822, %swap3A_823] {strides = array<i32>} : memref<32x128xf32, #tpu.memory_space<vmem>>, vector<16xf32>,
        tpu.vector_store %arg18[%swap3A_822, %swap3A_823], %add3A_821 {strides = array<i32>} : memref<32x128xf32, #tpu.memory_space<vmem>>, vector<16xf32>,
        %get3A_825 = arith.index_cast %add3A_802 : i32 to index
        %get3A_826 = arith.constant 16 : index
        %get3A_827 = tpu.vector_load %arg14[%get3A_825, %get3A_826] {strides = array<i32>} : memref<32x128xf32, #tpu.memory_space<vmem>>, vector<16xf32>,
        %get3A_828 = arith.index_cast %add3A_802 : i32 to index
        %get3A_829 = arith.constant 16 : index
        %get3A_830 = tpu.vector_load %arg15[%get3A_828, %get3A_829] {strides = array<i32>} : memref<32x128xf32, #tpu.memory_space<vmem>>, vector<16xf32>,
        %get3A_831 = arith.index_cast %min3A_805 : i32 to index
        %get3A_832 = arith.constant 16 : index
        %get3A_833 = tpu.vector_load %arg16[%get3A_831, %get3A_832] {strides = array<i32>} : memref<32x64xf32, #tpu.memory_space<vmem>>, vector<16xf32>,
        %add3A_834 = arith.addf %get3A_830, %get3A_833 : vector<16xf32>
        %mul3A_835 = arith.mulf %get3A_827, %add3A_834 : vector<16xf32>
        %add3A_836 = arith.addf %add3A_817, %mul3A_835 : vector<16xf32>
        %get3A_837 = arith.index_cast %add3A_802 : i32 to index
        %get3A_838 = arith.constant 80 : index
        %get3A_839 = tpu.vector_load %arg15[%get3A_837, %get3A_838] {strides = array<i32>} : memref<32x128xf32, #tpu.memory_space<vmem>>, vector<16xf32>,
        %add3A_840 = arith.addf %get3A_839, %get3A_833 : vector<16xf32>
        %swap3A_841 = arith.index_cast %add3A_802 : i32 to index
        %swap3A_842 = arith.constant 16 : index
        %swap3A_843 = tpu.vector_load %arg18[%swap3A_841, %swap3A_842] {strides = array<i32>} : memref<32x128xf32, #tpu.memory_space<vmem>>, vector<16xf32>,
        tpu.vector_store %arg18[%swap3A_841, %swap3A_842], %add3A_840 {strides = array<i32>} : memref<32x128xf32, #tpu.memory_space<vmem>>, vector<16xf32>,
        %get3A_844 = arith.index_cast %add3A_802 : i32 to index
        %get3A_845 = arith.constant 32 : index
        %get3A_846 = tpu.vector_load %arg14[%get3A_844, %get3A_845] {strides = array<i32>} : memref<32x128xf32, #tpu.memory_space<vmem>>, vector<16xf32>,
        %get3A_847 = arith.index_cast %add3A_802 : i32 to index
        %get3A_848 = arith.constant 32 : index
        %get3A_849 = tpu.vector_load %arg15[%get3A_847, %get3A_848] {strides = array<i32>} : memref<32x128xf32, #tpu.memory_space<vmem>>, vector<16xf32>,
        %get3A_850 = arith.index_cast %min3A_805 : i32 to index
        %get3A_851 = arith.constant 32 : index
        %get3A_852 = tpu.vector_load %arg16[%get3A_850, %get3A_851] {strides = array<i32>} : memref<32x64xf32, #tpu.memory_space<vmem>>, vector<16xf32>,
        %add3A_853 = arith.addf %get3A_849, %get3A_852 : vector<16xf32>
        %mul3A_854 = arith.mulf %get3A_846, %add3A_853 : vector<16xf32>
        %add3A_855 = arith.addf %add3A_836, %mul3A_854 : vector<16xf32>
        %get3A_856 = arith.index_cast %add3A_802 : i32 to index
        %get3A_857 = arith.constant 96 : index
        %get3A_858 = tpu.vector_load %arg15[%get3A_856, %get3A_857] {strides = array<i32>} : memref<32x128xf32, #tpu.memory_space<vmem>>, vector<16xf32>,
        %add3A_859 = arith.addf %get3A_858, %get3A_852 : vector<16xf32>
        %swap3A_860 = arith.index_cast %add3A_802 : i32 to index
        %swap3A_861 = arith.constant 32 : index
        %swap3A_862 = tpu.vector_load %arg18[%swap3A_860, %swap3A_861] {strides = array<i32>} : memref<32x128xf32, #tpu.memory_space<vmem>>, vector<16xf32>,
        tpu.vector_store %arg18[%swap3A_860, %swap3A_861], %add3A_859 {strides = array<i32>} : memref<32x128xf32, #tpu.memory_space<vmem>>, vector<16xf32>,
        %get3A_863 = arith.index_cast %add3A_802 : i32 to index
        %get3A_864 = arith.constant 48 : index
        %get3A_865 = tpu.vector_load %arg14[%get3A_863, %get3A_864] {strides = array<i32>} : memref<32x128xf32, #tpu.memory_space<vmem>>, vector<16xf32>,
        %get3A_866 = arith.index_cast %add3A_802 : i32 to index
        %get3A_867 = arith.constant 48 : index
        %get3A_868 = tpu.vector_load %arg15[%get3A_866, %get3A_867] {strides = array<i32>} : memref<32x128xf32, #tpu.memory_space<vmem>>, vector<16xf32>,
        %get3A_869 = arith.index_cast %min3A_805 : i32 to index
        %get3A_870 = arith.constant 48 : index
        %get3A_871 = tpu.vector_load %arg16[%get3A_869, %get3A_870] {strides = array<i32>} : memref<32x64xf32, #tpu.memory_space<vmem>>, vector<16xf32>,
        %add3A_872 = arith.addf %get3A_868, %get3A_871 : vector<16xf32>
        %mul3A_873 = arith.mulf %get3A_865, %add3A_872 : vector<16xf32>
        %add3A_874 = arith.addf %add3A_855, %mul3A_873 : vector<16xf32>
        %get3A_875 = arith.index_cast %add3A_802 : i32 to index
        %get3A_876 = arith.constant 112 : index
        %get3A_877 = tpu.vector_load %arg15[%get3A_875, %get3A_876] {strides = array<i32>} : memref<32x128xf32, #tpu.memory_space<vmem>>, vector<16xf32>,
        %add3A_878 = arith.addf %get3A_877, %get3A_871 : vector<16xf32>
        %swap3A_879 = arith.index_cast %add3A_802 : i32 to index
        %swap3A_880 = arith.constant 48 : index
        %swap3A_881 = tpu.vector_load %arg18[%swap3A_879, %swap3A_880] {strides = array<i32>} : memref<32x128xf32, #tpu.memory_space<vmem>>, vector<16xf32>,
        tpu.vector_store %arg18[%swap3A_879, %swap3A_880], %add3A_878 {strides = array<i32>} : memref<32x128xf32, #tpu.memory_space<vmem>>, vector<16xf32>,
        %reduce_sum3A_882 = arith.constant true
        %reduce_sum3A_883 = vector.broadcast %reduce_sum3A_882 : i1 to vector<16xi1>
        %reduce_sum3A_884 = tpu.scan <sum>, %add3A_874 masked %reduce_sum3A_883 : vector<16xf32>, vector<16xi1> -> vector<16xf32>
        %reduce_sum3A_885 = vector.extract %reduce_sum3A_884[15] : f32 from vector<16xf32>
        %mul3A_886 = arith.constant 1.250000e-01 : f32
        %mul3A_887 = arith.mulf %reduce_sum3A_885, %mul3A_886 : f32
        %broadcast_in_dim3A_888 = vector.broadcast %mul3A_887 : f32 to vector<16xf32>
        %exp3A_889 = math.exp %broadcast_in_dim3A_888 : vector<16xf32>
        %mul3A_890 = arith.constant 8 : i32
        %mul3A_891 = arith.muli %scan3A_165, %mul3A_890 : i32
        %add3A_892 = arith.constant 0 : i32
        %add3A_893 = arith.addi %mul3A_891, %add3A_892 : i32
        %get3A_894 = arith.index_cast %add3A_893 : i32 to index
        %get3A_895 = arith.constant 0 : index
        %get3A_896 = tpu.vector_load %arg18[%get3A_894, %get3A_895] {strides = array<i32>} : memref<32x128xf32, #tpu.memory_space<vmem>>, vector<16xf32>,
        %mul3A_897 = arith.mulf %get3A_896, %exp3A : vector<16xf32>
        %swap3A_898 = arith.index_cast %add3A_893 : i32 to index
        %swap3A_899 = arith.constant 0 : index
        %swap3A_900 = tpu.vector_load %arg18[%swap3A_898, %swap3A_899] {strides = array<i32>} : memref<32x128xf32, #tpu.memory_space<vmem>>, vector<16xf32>,
        tpu.vector_store %arg18[%swap3A_898, %swap3A_899], %mul3A_897 {strides = array<i32>} : memref<32x128xf32, #tpu.memory_space<vmem>>, vector<16xf32>,
        %get3A_901 = arith.index_cast %add3A_893 : i32 to index
        %get3A_902 = arith.constant 16 : index
        %get3A_903 = tpu.vector_load %arg18[%get3A_901, %get3A_902] {strides = array<i32>} : memref<32x128xf32, #tpu.memory_space<vmem>>, vector<16xf32>,
        %mul3A_904 = arith.mulf %get3A_903, %exp3A : vector<16xf32>
        %swap3A_905 = arith.index_cast %add3A_893 : i32 to index
        %swap3A_906 = arith.constant 16 : index
        %swap3A_907 = tpu.vector_load %arg18[%swap3A_905, %swap3A_906] {strides = array<i32>} : memref<32x128xf32, #tpu.memory_space<vmem>>, vector<16xf32>,
        tpu.vector_store %arg18[%swap3A_905, %swap3A_906], %mul3A_904 {strides = array<i32>} : memref<32x128xf32, #tpu.memory_space<vmem>>, vector<16xf32>,
        %get3A_908 = arith.index_cast %add3A_893 : i32 to index
        %get3A_909 = arith.constant 32 : index
        %get3A_910 = tpu.vector_load %arg18[%get3A_908, %get3A_909] {strides = array<i32>} : memref<32x128xf32, #tpu.memory_space<vmem>>, vector<16xf32>,
        %mul3A_911 = arith.mulf %get3A_910, %exp3A : vector<16xf32>
        %swap3A_912 = arith.index_cast %add3A_893 : i32 to index
        %swap3A_913 = arith.constant 32 : index
        %swap3A_914 = tpu.vector_load %arg18[%swap3A_912, %swap3A_913] {strides = array<i32>} : memref<32x128xf32, #tpu.memory_space<vmem>>, vector<16xf32>,
        tpu.vector_store %arg18[%swap3A_912, %swap3A_913], %mul3A_911 {strides = array<i32>} : memref<32x128xf32, #tpu.memory_space<vmem>>, vector<16xf32>,
        %get3A_915 = arith.index_cast %add3A_893 : i32 to index
        %get3A_916 = arith.constant 48 : index
        %get3A_917 = tpu.vector_load %arg18[%get3A_915, %get3A_916] {strides = array<i32>} : memref<32x128xf32, #tpu.memory_space<vmem>>, vector<16xf32>,
        %mul3A_918 = arith.mulf %get3A_917, %exp3A : vector<16xf32>
        %swap3A_919 = arith.index_cast %add3A_893 : i32 to index
        %swap3A_920 = arith.constant 48 : index
        %swap3A_921 = tpu.vector_load %arg18[%swap3A_919, %swap3A_920] {strides = array<i32>} : memref<32x128xf32, #tpu.memory_space<vmem>>, vector<16xf32>,
        tpu.vector_store %arg18[%swap3A_919, %swap3A_920], %mul3A_918 {strides = array<i32>} : memref<32x128xf32, #tpu.memory_space<vmem>>, vector<16xf32>,
        %eq3A = arith.constant 0 : i32
        %eq3A_922 = vector.broadcast %eq3A : i32 to vector<16xi32>
        %eq3A_923 = arith.cmpi eq, %iota3A_147, %eq3A_922 : vector<16xi32>
        %select_n3A = arith.select %eq3A_923, %exp3A, %broadcast_in_dim3A_149 : vector<16xi1>, vector<16xf32>
        %swap3A_924 = arith.index_cast %add3A_893 : i32 to index
        %swap3A_925 = arith.constant 64 : index
        %swap3A_926 = tpu.vector_load %arg18[%swap3A_924, %swap3A_925] {strides = array<i32>} : memref<32x128xf32, #tpu.memory_space<vmem>>, vector<16xf32>,
        tpu.vector_store %arg18[%swap3A_924, %swap3A_925], %select_n3A {strides = array<i32>} : memref<32x128xf32, #tpu.memory_space<vmem>>, vector<16xf32>,
        %mul3A_927 = arith.constant 8 : i32
        %mul3A_928 = arith.muli %scan3A_165, %mul3A_927 : i32
        %add3A_929 = arith.constant 1 : i32
        %add3A_930 = arith.addi %mul3A_928, %add3A_929 : i32
        %get3A_931 = arith.index_cast %add3A_930 : i32 to index
        %get3A_932 = arith.constant 0 : index
        %get3A_933 = tpu.vector_load %arg18[%get3A_931, %get3A_932] {strides = array<i32>} : memref<32x128xf32, #tpu.memory_space<vmem>>, vector<16xf32>,
        %mul3A_934 = arith.mulf %get3A_933, %exp3A_343 : vector<16xf32>
        %swap3A_935 = arith.index_cast %add3A_930 : i32 to index
        %swap3A_936 = arith.constant 0 : index
        %swap3A_937 = tpu.vector_load %arg18[%swap3A_935, %swap3A_936] {strides = array<i32>} : memref<32x128xf32, #tpu.memory_space<vmem>>, vector<16xf32>,
        tpu.vector_store %arg18[%swap3A_935, %swap3A_936], %mul3A_934 {strides = array<i32>} : memref<32x128xf32, #tpu.memory_space<vmem>>, vector<16xf32>,
        %get3A_938 = arith.index_cast %add3A_930 : i32 to index
        %get3A_939 = arith.constant 16 : index
        %get3A_940 = tpu.vector_load %arg18[%get3A_938, %get3A_939] {strides = array<i32>} : memref<32x128xf32, #tpu.memory_space<vmem>>, vector<16xf32>,
        %mul3A_941 = arith.mulf %get3A_940, %exp3A_343 : vector<16xf32>
        %swap3A_942 = arith.index_cast %add3A_930 : i32 to index
        %swap3A_943 = arith.constant 16 : index
        %swap3A_944 = tpu.vector_load %arg18[%swap3A_942, %swap3A_943] {strides = array<i32>} : memref<32x128xf32, #tpu.memory_space<vmem>>, vector<16xf32>,
        tpu.vector_store %arg18[%swap3A_942, %swap3A_943], %mul3A_941 {strides = array<i32>} : memref<32x128xf32, #tpu.memory_space<vmem>>, vector<16xf32>,
        %get3A_945 = arith.index_cast %add3A_930 : i32 to index
        %get3A_946 = arith.constant 32 : index
        %get3A_947 = tpu.vector_load %arg18[%get3A_945, %get3A_946] {strides = array<i32>} : memref<32x128xf32, #tpu.memory_space<vmem>>, vector<16xf32>,
        %mul3A_948 = arith.mulf %get3A_947, %exp3A_343 : vector<16xf32>
        %swap3A_949 = arith.index_cast %add3A_930 : i32 to index
        %swap3A_950 = arith.constant 32 : index
        %swap3A_951 = tpu.vector_load %arg18[%swap3A_949, %swap3A_950] {strides = array<i32>} : memref<32x128xf32, #tpu.memory_space<vmem>>, vector<16xf32>,
        tpu.vector_store %arg18[%swap3A_949, %swap3A_950], %mul3A_948 {strides = array<i32>} : memref<32x128xf32, #tpu.memory_space<vmem>>, vector<16xf32>,
        %get3A_952 = arith.index_cast %add3A_930 : i32 to index
        %get3A_953 = arith.constant 48 : index
        %get3A_954 = tpu.vector_load %arg18[%get3A_952, %get3A_953] {strides = array<i32>} : memref<32x128xf32, #tpu.memory_space<vmem>>, vector<16xf32>,
        %mul3A_955 = arith.mulf %get3A_954, %exp3A_343 : vector<16xf32>
        %swap3A_956 = arith.index_cast %add3A_930 : i32 to index
        %swap3A_957 = arith.constant 48 : index
        %swap3A_958 = tpu.vector_load %arg18[%swap3A_956, %swap3A_957] {strides = array<i32>} : memref<32x128xf32, #tpu.memory_space<vmem>>, vector<16xf32>,
        tpu.vector_store %arg18[%swap3A_956, %swap3A_957], %mul3A_955 {strides = array<i32>} : memref<32x128xf32, #tpu.memory_space<vmem>>, vector<16xf32>,
        %eq3A_959 = arith.constant 0 : i32
        %eq3A_960 = vector.broadcast %eq3A_959 : i32 to vector<16xi32>
        %eq3A_961 = arith.cmpi eq, %iota3A_147, %eq3A_960 : vector<16xi32>
        %select_n3A_962 = arith.select %eq3A_961, %exp3A_343, %broadcast_in_dim3A_149 : vector<16xi1>, vector<16xf32>
        %swap3A_963 = arith.index_cast %add3A_930 : i32 to index
        %swap3A_964 = arith.constant 64 : index
        %swap3A_965 = tpu.vector_load %arg18[%swap3A_963, %swap3A_964] {strides = array<i32>} : memref<32x128xf32, #tpu.memory_space<vmem>>, vector<16xf32>,
        tpu.vector_store %arg18[%swap3A_963, %swap3A_964], %select_n3A_962 {strides = array<i32>} : memref<32x128xf32, #tpu.memory_space<vmem>>, vector<16xf32>,
        %mul3A_966 = arith.constant 8 : i32
        %mul3A_967 = arith.muli %scan3A_165, %mul3A_966 : i32
        %add3A_968 = arith.constant 2 : i32
        %add3A_969 = arith.addi %mul3A_967, %add3A_968 : i32
        %get3A_970 = arith.index_cast %add3A_969 : i32 to index
        %get3A_971 = arith.constant 0 : index
        %get3A_972 = tpu.vector_load %arg18[%get3A_970, %get3A_971] {strides = array<i32>} : memref<32x128xf32, #tpu.memory_space<vmem>>, vector<16xf32>,
        %mul3A_973 = arith.mulf %get3A_972, %exp3A_434 : vector<16xf32>
        %swap3A_974 = arith.index_cast %add3A_969 : i32 to index
        %swap3A_975 = arith.constant 0 : index
        %swap3A_976 = tpu.vector_load %arg18[%swap3A_974, %swap3A_975] {strides = array<i32>} : memref<32x128xf32, #tpu.memory_space<vmem>>, vector<16xf32>,
        tpu.vector_store %arg18[%swap3A_974, %swap3A_975], %mul3A_973 {strides = array<i32>} : memref<32x128xf32, #tpu.memory_space<vmem>>, vector<16xf32>,
        %get3A_977 = arith.index_cast %add3A_969 : i32 to index
        %get3A_978 = arith.constant 16 : index
        %get3A_979 = tpu.vector_load %arg18[%get3A_977, %get3A_978] {strides = array<i32>} : memref<32x128xf32, #tpu.memory_space<vmem>>, vector<16xf32>,
        %mul3A_980 = arith.mulf %get3A_979, %exp3A_434 : vector<16xf32>
        %swap3A_981 = arith.index_cast %add3A_969 : i32 to index
        %swap3A_982 = arith.constant 16 : index
        %swap3A_983 = tpu.vector_load %arg18[%swap3A_981, %swap3A_982] {strides = array<i32>} : memref<32x128xf32, #tpu.memory_space<vmem>>, vector<16xf32>,
        tpu.vector_store %arg18[%swap3A_981, %swap3A_982], %mul3A_980 {strides = array<i32>} : memref<32x128xf32, #tpu.memory_space<vmem>>, vector<16xf32>,
        %get3A_984 = arith.index_cast %add3A_969 : i32 to index
        %get3A_985 = arith.constant 32 : index
        %get3A_986 = tpu.vector_load %arg18[%get3A_984, %get3A_985] {strides = array<i32>} : memref<32x128xf32, #tpu.memory_space<vmem>>, vector<16xf32>,
        %mul3A_987 = arith.mulf %get3A_986, %exp3A_434 : vector<16xf32>
        %swap3A_988 = arith.index_cast %add3A_969 : i32 to index
        %swap3A_989 = arith.constant 32 : index
        %swap3A_990 = tpu.vector_load %arg18[%swap3A_988, %swap3A_989] {strides = array<i32>} : memref<32x128xf32, #tpu.memory_space<vmem>>, vector<16xf32>,
        tpu.vector_store %arg18[%swap3A_988, %swap3A_989], %mul3A_987 {strides = array<i32>} : memref<32x128xf32, #tpu.memory_space<vmem>>, vector<16xf32>,
        %get3A_991 = arith.index_cast %add3A_969 : i32 to index
        %get3A_992 = arith.constant 48 : index
        %get3A_993 = tpu.vector_load %arg18[%get3A_991, %get3A_992] {strides = array<i32>} : memref<32x128xf32, #tpu.memory_space<vmem>>, vector<16xf32>,
        %mul3A_994 = arith.mulf %get3A_993, %exp3A_434 : vector<16xf32>
        %swap3A_995 = arith.index_cast %add3A_969 : i32 to index
        %swap3A_996 = arith.constant 48 : index
        %swap3A_997 = tpu.vector_load %arg18[%swap3A_995, %swap3A_996] {strides = array<i32>} : memref<32x128xf32, #tpu.memory_space<vmem>>, vector<16xf32>,
        tpu.vector_store %arg18[%swap3A_995, %swap3A_996], %mul3A_994 {strides = array<i32>} : memref<32x128xf32, #tpu.memory_space<vmem>>, vector<16xf32>,
        %eq3A_998 = arith.constant 0 : i32
        %eq3A_999 = vector.broadcast %eq3A_998 : i32 to vector<16xi32>
        %eq3A_1000 = arith.cmpi eq, %iota3A_147, %eq3A_999 : vector<16xi32>
        %select_n3A_1001 = arith.select %eq3A_1000, %exp3A_434, %broadcast_in_dim3A_149 : vector<16xi1>, vector<16xf32>
        %swap3A_1002 = arith.index_cast %add3A_969 : i32 to index
        %swap3A_1003 = arith.constant 64 : index
        %swap3A_1004 = tpu.vector_load %arg18[%swap3A_1002, %swap3A_1003] {strides = array<i32>} : memref<32x128xf32, #tpu.memory_space<vmem>>, vector<16xf32>,
        tpu.vector_store %arg18[%swap3A_1002, %swap3A_1003], %select_n3A_1001 {strides = array<i32>} : memref<32x128xf32, #tpu.memory_space<vmem>>, vector<16xf32>,
        %mul3A_1005 = arith.constant 8 : i32
        %mul3A_1006 = arith.muli %scan3A_165, %mul3A_1005 : i32
        %add3A_1007 = arith.constant 3 : i32
        %add3A_1008 = arith.addi %mul3A_1006, %add3A_1007 : i32
        %get3A_1009 = arith.index_cast %add3A_1008 : i32 to index
        %get3A_1010 = arith.constant 0 : index
        %get3A_1011 = tpu.vector_load %arg18[%get3A_1009, %get3A_1010] {strides = array<i32>} : memref<32x128xf32, #tpu.memory_space<vmem>>, vector<16xf32>,
        %mul3A_1012 = arith.mulf %get3A_1011, %exp3A_525 : vector<16xf32>
        %swap3A_1013 = arith.index_cast %add3A_1008 : i32 to index
        %swap3A_1014 = arith.constant 0 : index
        %swap3A_1015 = tpu.vector_load %arg18[%swap3A_1013, %swap3A_1014] {strides = array<i32>} : memref<32x128xf32, #tpu.memory_space<vmem>>, vector<16xf32>,
        tpu.vector_store %arg18[%swap3A_1013, %swap3A_1014], %mul3A_1012 {strides = array<i32>} : memref<32x128xf32, #tpu.memory_space<vmem>>, vector<16xf32>,
        %get3A_1016 = arith.index_cast %add3A_1008 : i32 to index
        %get3A_1017 = arith.constant 16 : index
        %get3A_1018 = tpu.vector_load %arg18[%get3A_1016, %get3A_1017] {strides = array<i32>} : memref<32x128xf32, #tpu.memory_space<vmem>>, vector<16xf32>,
        %mul3A_1019 = arith.mulf %get3A_1018, %exp3A_525 : vector<16xf32>
        %swap3A_1020 = arith.index_cast %add3A_1008 : i32 to index
        %swap3A_1021 = arith.constant 16 : index
        %swap3A_1022 = tpu.vector_load %arg18[%swap3A_1020, %swap3A_1021] {strides = array<i32>} : memref<32x128xf32, #tpu.memory_space<vmem>>, vector<16xf32>,
        tpu.vector_store %arg18[%swap3A_1020, %swap3A_1021], %mul3A_1019 {strides = array<i32>} : memref<32x128xf32, #tpu.memory_space<vmem>>, vector<16xf32>,
        %get3A_1023 = arith.index_cast %add3A_1008 : i32 to index
        %get3A_1024 = arith.constant 32 : index
        %get3A_1025 = tpu.vector_load %arg18[%get3A_1023, %get3A_1024] {strides = array<i32>} : memref<32x128xf32, #tpu.memory_space<vmem>>, vector<16xf32>,
        %mul3A_1026 = arith.mulf %get3A_1025, %exp3A_525 : vector<16xf32>
        %swap3A_1027 = arith.index_cast %add3A_1008 : i32 to index
        %swap3A_1028 = arith.constant 32 : index
        %swap3A_1029 = tpu.vector_load %arg18[%swap3A_1027, %swap3A_1028] {strides = array<i32>} : memref<32x128xf32, #tpu.memory_space<vmem>>, vector<16xf32>,
        tpu.vector_store %arg18[%swap3A_1027, %swap3A_1028], %mul3A_1026 {strides = array<i32>} : memref<32x128xf32, #tpu.memory_space<vmem>>, vector<16xf32>,
        %get3A_1030 = arith.index_cast %add3A_1008 : i32 to index
        %get3A_1031 = arith.constant 48 : index
        %get3A_1032 = tpu.vector_load %arg18[%get3A_1030, %get3A_1031] {strides = array<i32>} : memref<32x128xf32, #tpu.memory_space<vmem>>, vector<16xf32>,
        %mul3A_1033 = arith.mulf %get3A_1032, %exp3A_525 : vector<16xf32>
        %swap3A_1034 = arith.index_cast %add3A_1008 : i32 to index
        %swap3A_1035 = arith.constant 48 : index
        %swap3A_1036 = tpu.vector_load %arg18[%swap3A_1034, %swap3A_1035] {strides = array<i32>} : memref<32x128xf32, #tpu.memory_space<vmem>>, vector<16xf32>,
        tpu.vector_store %arg18[%swap3A_1034, %swap3A_1035], %mul3A_1033 {strides = array<i32>} : memref<32x128xf32, #tpu.memory_space<vmem>>, vector<16xf32>,
        %eq3A_1037 = arith.constant 0 : i32
        %eq3A_1038 = vector.broadcast %eq3A_1037 : i32 to vector<16xi32>
        %eq3A_1039 = arith.cmpi eq, %iota3A_147, %eq3A_1038 : vector<16xi32>
        %select_n3A_1040 = arith.select %eq3A_1039, %exp3A_525, %broadcast_in_dim3A_149 : vector<16xi1>, vector<16xf32>
        %swap3A_1041 = arith.index_cast %add3A_1008 : i32 to index
        %swap3A_1042 = arith.constant 64 : index
        %swap3A_1043 = tpu.vector_load %arg18[%swap3A_1041, %swap3A_1042] {strides = array<i32>} : memref<32x128xf32, #tpu.memory_space<vmem>>, vector<16xf32>,
        tpu.vector_store %arg18[%swap3A_1041, %swap3A_1042], %select_n3A_1040 {strides = array<i32>} : memref<32x128xf32, #tpu.memory_space<vmem>>, vector<16xf32>,
        %mul3A_1044 = arith.constant 8 : i32
        %mul3A_1045 = arith.muli %scan3A_165, %mul3A_1044 : i32
        %add3A_1046 = arith.constant 4 : i32
        %add3A_1047 = arith.addi %mul3A_1045, %add3A_1046 : i32
        %get3A_1048 = arith.index_cast %add3A_1047 : i32 to index
        %get3A_1049 = arith.constant 0 : index
        %get3A_1050 = tpu.vector_load %arg18[%get3A_1048, %get3A_1049] {strides = array<i32>} : memref<32x128xf32, #tpu.memory_space<vmem>>, vector<16xf32>,
        %mul3A_1051 = arith.mulf %get3A_1050, %exp3A_616 : vector<16xf32>
        %swap3A_1052 = arith.index_cast %add3A_1047 : i32 to index
        %swap3A_1053 = arith.constant 0 : index
        %swap3A_1054 = tpu.vector_load %arg18[%swap3A_1052, %swap3A_1053] {strides = array<i32>} : memref<32x128xf32, #tpu.memory_space<vmem>>, vector<16xf32>,
        tpu.vector_store %arg18[%swap3A_1052, %swap3A_1053], %mul3A_1051 {strides = array<i32>} : memref<32x128xf32, #tpu.memory_space<vmem>>, vector<16xf32>,
        %get3A_1055 = arith.index_cast %add3A_1047 : i32 to index
        %get3A_1056 = arith.constant 16 : index
        %get3A_1057 = tpu.vector_load %arg18[%get3A_1055, %get3A_1056] {strides = array<i32>} : memref<32x128xf32, #tpu.memory_space<vmem>>, vector<16xf32>,
        %mul3A_1058 = arith.mulf %get3A_1057, %exp3A_616 : vector<16xf32>
        %swap3A_1059 = arith.index_cast %add3A_1047 : i32 to index
        %swap3A_1060 = arith.constant 16 : index
        %swap3A_1061 = tpu.vector_load %arg18[%swap3A_1059, %swap3A_1060] {strides = array<i32>} : memref<32x128xf32, #tpu.memory_space<vmem>>, vector<16xf32>,
        tpu.vector_store %arg18[%swap3A_1059, %swap3A_1060], %mul3A_1058 {strides = array<i32>} : memref<32x128xf32, #tpu.memory_space<vmem>>, vector<16xf32>,
        %get3A_1062 = arith.index_cast %add3A_1047 : i32 to index
        %get3A_1063 = arith.constant 32 : index
        %get3A_1064 = tpu.vector_load %arg18[%get3A_1062, %get3A_1063] {strides = array<i32>} : memref<32x128xf32, #tpu.memory_space<vmem>>, vector<16xf32>,
        %mul3A_1065 = arith.mulf %get3A_1064, %exp3A_616 : vector<16xf32>
        %swap3A_1066 = arith.index_cast %add3A_1047 : i32 to index
        %swap3A_1067 = arith.constant 32 : index
        %swap3A_1068 = tpu.vector_load %arg18[%swap3A_1066, %swap3A_1067] {strides = array<i32>} : memref<32x128xf32, #tpu.memory_space<vmem>>, vector<16xf32>,
        tpu.vector_store %arg18[%swap3A_1066, %swap3A_1067], %mul3A_1065 {strides = array<i32>} : memref<32x128xf32, #tpu.memory_space<vmem>>, vector<16xf32>,
        %get3A_1069 = arith.index_cast %add3A_1047 : i32 to index
        %get3A_1070 = arith.constant 48 : index
        %get3A_1071 = tpu.vector_load %arg18[%get3A_1069, %get3A_1070] {strides = array<i32>} : memref<32x128xf32, #tpu.memory_space<vmem>>, vector<16xf32>,
        %mul3A_1072 = arith.mulf %get3A_1071, %exp3A_616 : vector<16xf32>
        %swap3A_1073 = arith.index_cast %add3A_1047 : i32 to index
        %swap3A_1074 = arith.constant 48 : index
        %swap3A_1075 = tpu.vector_load %arg18[%swap3A_1073, %swap3A_1074] {strides = array<i32>} : memref<32x128xf32, #tpu.memory_space<vmem>>, vector<16xf32>,
        tpu.vector_store %arg18[%swap3A_1073, %swap3A_1074], %mul3A_1072 {strides = array<i32>} : memref<32x128xf32, #tpu.memory_space<vmem>>, vector<16xf32>,
        %eq3A_1076 = arith.constant 0 : i32
        %eq3A_1077 = vector.broadcast %eq3A_1076 : i32 to vector<16xi32>
        %eq3A_1078 = arith.cmpi eq, %iota3A_147, %eq3A_1077 : vector<16xi32>
        %select_n3A_1079 = arith.select %eq3A_1078, %exp3A_616, %broadcast_in_dim3A_149 : vector<16xi1>, vector<16xf32>
        %swap3A_1080 = arith.index_cast %add3A_1047 : i32 to index
        %swap3A_1081 = arith.constant 64 : index
        %swap3A_1082 = tpu.vector_load %arg18[%swap3A_1080, %swap3A_1081] {strides = array<i32>} : memref<32x128xf32, #tpu.memory_space<vmem>>, vector<16xf32>,
        tpu.vector_store %arg18[%swap3A_1080, %swap3A_1081], %select_n3A_1079 {strides = array<i32>} : memref<32x128xf32, #tpu.memory_space<vmem>>, vector<16xf32>,
        %mul3A_1083 = arith.constant 8 : i32
        %mul3A_1084 = arith.muli %scan3A_165, %mul3A_1083 : i32
        %add3A_1085 = arith.constant 5 : i32
        %add3A_1086 = arith.addi %mul3A_1084, %add3A_1085 : i32
        %get3A_1087 = arith.index_cast %add3A_1086 : i32 to index
        %get3A_1088 = arith.constant 0 : index
        %get3A_1089 = tpu.vector_load %arg18[%get3A_1087, %get3A_1088] {strides = array<i32>} : memref<32x128xf32, #tpu.memory_space<vmem>>, vector<16xf32>,
        %mul3A_1090 = arith.mulf %get3A_1089, %exp3A_707 : vector<16xf32>
        %swap3A_1091 = arith.index_cast %add3A_1086 : i32 to index
        %swap3A_1092 = arith.constant 0 : index
        %swap3A_1093 = tpu.vector_load %arg18[%swap3A_1091, %swap3A_1092] {strides = array<i32>} : memref<32x128xf32, #tpu.memory_space<vmem>>, vector<16xf32>,
        tpu.vector_store %arg18[%swap3A_1091, %swap3A_1092], %mul3A_1090 {strides = array<i32>} : memref<32x128xf32, #tpu.memory_space<vmem>>, vector<16xf32>,
        %get3A_1094 = arith.index_cast %add3A_1086 : i32 to index
        %get3A_1095 = arith.constant 16 : index
        %get3A_1096 = tpu.vector_load %arg18[%get3A_1094, %get3A_1095] {strides = array<i32>} : memref<32x128xf32, #tpu.memory_space<vmem>>, vector<16xf32>,
        %mul3A_1097 = arith.mulf %get3A_1096, %exp3A_707 : vector<16xf32>
        %swap3A_1098 = arith.index_cast %add3A_1086 : i32 to index
        %swap3A_1099 = arith.constant 16 : index
        %swap3A_1100 = tpu.vector_load %arg18[%swap3A_1098, %swap3A_1099] {strides = array<i32>} : memref<32x128xf32, #tpu.memory_space<vmem>>, vector<16xf32>,
        tpu.vector_store %arg18[%swap3A_1098, %swap3A_1099], %mul3A_1097 {strides = array<i32>} : memref<32x128xf32, #tpu.memory_space<vmem>>, vector<16xf32>,
        %get3A_1101 = arith.index_cast %add3A_1086 : i32 to index
        %get3A_1102 = arith.constant 32 : index
        %get3A_1103 = tpu.vector_load %arg18[%get3A_1101, %get3A_1102] {strides = array<i32>} : memref<32x128xf32, #tpu.memory_space<vmem>>, vector<16xf32>,
        %mul3A_1104 = arith.mulf %get3A_1103, %exp3A_707 : vector<16xf32>
        %swap3A_1105 = arith.index_cast %add3A_1086 : i32 to index
        %swap3A_1106 = arith.constant 32 : index
        %swap3A_1107 = tpu.vector_load %arg18[%swap3A_1105, %swap3A_1106] {strides = array<i32>} : memref<32x128xf32, #tpu.memory_space<vmem>>, vector<16xf32>,
        tpu.vector_store %arg18[%swap3A_1105, %swap3A_1106], %mul3A_1104 {strides = array<i32>} : memref<32x128xf32, #tpu.memory_space<vmem>>, vector<16xf32>,
        %get3A_1108 = arith.index_cast %add3A_1086 : i32 to index
        %get3A_1109 = arith.constant 48 : index
        %get3A_1110 = tpu.vector_load %arg18[%get3A_1108, %get3A_1109] {strides = array<i32>} : memref<32x128xf32, #tpu.memory_space<vmem>>, vector<16xf32>,
        %mul3A_1111 = arith.mulf %get3A_1110, %exp3A_707 : vector<16xf32>
        %swap3A_1112 = arith.index_cast %add3A_1086 : i32 to index
        %swap3A_1113 = arith.constant 48 : index
        %swap3A_1114 = tpu.vector_load %arg18[%swap3A_1112, %swap3A_1113] {strides = array<i32>} : memref<32x128xf32, #tpu.memory_space<vmem>>, vector<16xf32>,
        tpu.vector_store %arg18[%swap3A_1112, %swap3A_1113], %mul3A_1111 {strides = array<i32>} : memref<32x128xf32, #tpu.memory_space<vmem>>, vector<16xf32>,
        %eq3A_1115 = arith.constant 0 : i32
        %eq3A_1116 = vector.broadcast %eq3A_1115 : i32 to vector<16xi32>
        %eq3A_1117 = arith.cmpi eq, %iota3A_147, %eq3A_1116 : vector<16xi32>
        %select_n3A_1118 = arith.select %eq3A_1117, %exp3A_707, %broadcast_in_dim3A_149 : vector<16xi1>, vector<16xf32>
        %swap3A_1119 = arith.index_cast %add3A_1086 : i32 to index
        %swap3A_1120 = arith.constant 64 : index
        %swap3A_1121 = tpu.vector_load %arg18[%swap3A_1119, %swap3A_1120] {strides = array<i32>} : memref<32x128xf32, #tpu.memory_space<vmem>>, vector<16xf32>,
        tpu.vector_store %arg18[%swap3A_1119, %swap3A_1120], %select_n3A_1118 {strides = array<i32>} : memref<32x128xf32, #tpu.memory_space<vmem>>, vector<16xf32>,
        %mul3A_1122 = arith.constant 8 : i32
        %mul3A_1123 = arith.muli %scan3A_165, %mul3A_1122 : i32
        %add3A_1124 = arith.constant 6 : i32
        %add3A_1125 = arith.addi %mul3A_1123, %add3A_1124 : i32
        %get3A_1126 = arith.index_cast %add3A_1125 : i32 to index
        %get3A_1127 = arith.constant 0 : index
        %get3A_1128 = tpu.vector_load %arg18[%get3A_1126, %get3A_1127] {strides = array<i32>} : memref<32x128xf32, #tpu.memory_space<vmem>>, vector<16xf32>,
        %mul3A_1129 = arith.mulf %get3A_1128, %exp3A_798 : vector<16xf32>
        %swap3A_1130 = arith.index_cast %add3A_1125 : i32 to index
        %swap3A_1131 = arith.constant 0 : index
        %swap3A_1132 = tpu.vector_load %arg18[%swap3A_1130, %swap3A_1131] {strides = array<i32>} : memref<32x128xf32, #tpu.memory_space<vmem>>, vector<16xf32>,
        tpu.vector_store %arg18[%swap3A_1130, %swap3A_1131], %mul3A_1129 {strides = array<i32>} : memref<32x128xf32, #tpu.memory_space<vmem>>, vector<16xf32>,
        %get3A_1133 = arith.index_cast %add3A_1125 : i32 to index
        %get3A_1134 = arith.constant 16 : index
        %get3A_1135 = tpu.vector_load %arg18[%get3A_1133, %get3A_1134] {strides = array<i32>} : memref<32x128xf32, #tpu.memory_space<vmem>>, vector<16xf32>,
        %mul3A_1136 = arith.mulf %get3A_1135, %exp3A_798 : vector<16xf32>
        %swap3A_1137 = arith.index_cast %add3A_1125 : i32 to index
        %swap3A_1138 = arith.constant 16 : index
        %swap3A_1139 = tpu.vector_load %arg18[%swap3A_1137, %swap3A_1138] {strides = array<i32>} : memref<32x128xf32, #tpu.memory_space<vmem>>, vector<16xf32>,
        tpu.vector_store %arg18[%swap3A_1137, %swap3A_1138], %mul3A_1136 {strides = array<i32>} : memref<32x128xf32, #tpu.memory_space<vmem>>, vector<16xf32>,
        %get3A_1140 = arith.index_cast %add3A_1125 : i32 to index
        %get3A_1141 = arith.constant 32 : index
        %get3A_1142 = tpu.vector_load %arg18[%get3A_1140, %get3A_1141] {strides = array<i32>} : memref<32x128xf32, #tpu.memory_space<vmem>>, vector<16xf32>,
        %mul3A_1143 = arith.mulf %get3A_1142, %exp3A_798 : vector<16xf32>
        %swap3A_1144 = arith.index_cast %add3A_1125 : i32 to index
        %swap3A_1145 = arith.constant 32 : index
        %swap3A_1146 = tpu.vector_load %arg18[%swap3A_1144, %swap3A_1145] {strides = array<i32>} : memref<32x128xf32, #tpu.memory_space<vmem>>, vector<16xf32>,
        tpu.vector_store %arg18[%swap3A_1144, %swap3A_1145], %mul3A_1143 {strides = array<i32>} : memref<32x128xf32, #tpu.memory_space<vmem>>, vector<16xf32>,
        %get3A_1147 = arith.index_cast %add3A_1125 : i32 to index
        %get3A_1148 = arith.constant 48 : index
        %get3A_1149 = tpu.vector_load %arg18[%get3A_1147, %get3A_1148] {strides = array<i32>} : memref<32x128xf32, #tpu.memory_space<vmem>>, vector<16xf32>,
        %mul3A_1150 = arith.mulf %get3A_1149, %exp3A_798 : vector<16xf32>
        %swap3A_1151 = arith.index_cast %add3A_1125 : i32 to index
        %swap3A_1152 = arith.constant 48 : index
        %swap3A_1153 = tpu.vector_load %arg18[%swap3A_1151, %swap3A_1152] {strides = array<i32>} : memref<32x128xf32, #tpu.memory_space<vmem>>, vector<16xf32>,
        tpu.vector_store %arg18[%swap3A_1151, %swap3A_1152], %mul3A_1150 {strides = array<i32>} : memref<32x128xf32, #tpu.memory_space<vmem>>, vector<16xf32>,
        %eq3A_1154 = arith.constant 0 : i32
        %eq3A_1155 = vector.broadcast %eq3A_1154 : i32 to vector<16xi32>
        %eq3A_1156 = arith.cmpi eq, %iota3A_147, %eq3A_1155 : vector<16xi32>
        %select_n3A_1157 = arith.select %eq3A_1156, %exp3A_798, %broadcast_in_dim3A_149 : vector<16xi1>, vector<16xf32>
        %swap3A_1158 = arith.index_cast %add3A_1125 : i32 to index
        %swap3A_1159 = arith.constant 64 : index
        %swap3A_1160 = tpu.vector_load %arg18[%swap3A_1158, %swap3A_1159] {strides = array<i32>} : memref<32x128xf32, #tpu.memory_space<vmem>>, vector<16xf32>,
        tpu.vector_store %arg18[%swap3A_1158, %swap3A_1159], %select_n3A_1157 {strides = array<i32>} : memref<32x128xf32, #tpu.memory_space<vmem>>, vector<16xf32>,
        %mul3A_1161 = arith.constant 8 : i32
        %mul3A_1162 = arith.muli %scan3A_165, %mul3A_1161 : i32
        %add3A_1163 = arith.constant 7 : i32
        %add3A_1164 = arith.addi %mul3A_1162, %add3A_1163 : i32
        %get3A_1165 = arith.index_cast %add3A_1164 : i32 to index
        %get3A_1166 = arith.constant 0 : index
        %get3A_1167 = tpu.vector_load %arg18[%get3A_1165, %get3A_1166] {strides = array<i32>} : memref<32x128xf32, #tpu.memory_space<vmem>>, vector<16xf32>,
        %mul3A_1168 = arith.mulf %get3A_1167, %exp3A_889 : vector<16xf32>
        %swap3A_1169 = arith.index_cast %add3A_1164 : i32 to index
        %swap3A_1170 = arith.constant 0 : index
        %swap3A_1171 = tpu.vector_load %arg18[%swap3A_1169, %swap3A_1170] {strides = array<i32>} : memref<32x128xf32, #tpu.memory_space<vmem>>, vector<16xf32>,
        tpu.vector_store %arg18[%swap3A_1169, %swap3A_1170], %mul3A_1168 {strides = array<i32>} : memref<32x128xf32, #tpu.memory_space<vmem>>, vector<16xf32>,
        %get3A_1172 = arith.index_cast %add3A_1164 : i32 to index
        %get3A_1173 = arith.constant 16 : index
        %get3A_1174 = tpu.vector_load %arg18[%get3A_1172, %get3A_1173] {strides = array<i32>} : memref<32x128xf32, #tpu.memory_space<vmem>>, vector<16xf32>,
        %mul3A_1175 = arith.mulf %get3A_1174, %exp3A_889 : vector<16xf32>
        %swap3A_1176 = arith.index_cast %add3A_1164 : i32 to index
        %swap3A_1177 = arith.constant 16 : index
        %swap3A_1178 = tpu.vector_load %arg18[%swap3A_1176, %swap3A_1177] {strides = array<i32>} : memref<32x128xf32, #tpu.memory_space<vmem>>, vector<16xf32>,
        tpu.vector_store %arg18[%swap3A_1176, %swap3A_1177], %mul3A_1175 {strides = array<i32>} : memref<32x128xf32, #tpu.memory_space<vmem>>, vector<16xf32>,
        %get3A_1179 = arith.index_cast %add3A_1164 : i32 to index
        %get3A_1180 = arith.constant 32 : index
        %get3A_1181 = tpu.vector_load %arg18[%get3A_1179, %get3A_1180] {strides = array<i32>} : memref<32x128xf32, #tpu.memory_space<vmem>>, vector<16xf32>,
        %mul3A_1182 = arith.mulf %get3A_1181, %exp3A_889 : vector<16xf32>
        %swap3A_1183 = arith.index_cast %add3A_1164 : i32 to index
        %swap3A_1184 = arith.constant 32 : index
        %swap3A_1185 = tpu.vector_load %arg18[%swap3A_1183, %swap3A_1184] {strides = array<i32>} : memref<32x128xf32, #tpu.memory_space<vmem>>, vector<16xf32>,
        tpu.vector_store %arg18[%swap3A_1183, %swap3A_1184], %mul3A_1182 {strides = array<i32>} : memref<32x128xf32, #tpu.memory_space<vmem>>, vector<16xf32>,
        %get3A_1186 = arith.index_cast %add3A_1164 : i32 to index
        %get3A_1187 = arith.constant 48 : index
        %get3A_1188 = tpu.vector_load %arg18[%get3A_1186, %get3A_1187] {strides = array<i32>} : memref<32x128xf32, #tpu.memory_space<vmem>>, vector<16xf32>,
        %mul3A_1189 = arith.mulf %get3A_1188, %exp3A_889 : vector<16xf32>
        %swap3A_1190 = arith.index_cast %add3A_1164 : i32 to index
        %swap3A_1191 = arith.constant 48 : index
        %swap3A_1192 = tpu.vector_load %arg18[%swap3A_1190, %swap3A_1191] {strides = array<i32>} : memref<32x128xf32, #tpu.memory_space<vmem>>, vector<16xf32>,
        tpu.vector_store %arg18[%swap3A_1190, %swap3A_1191], %mul3A_1189 {strides = array<i32>} : memref<32x128xf32, #tpu.memory_space<vmem>>, vector<16xf32>,
        %eq3A_1193 = arith.constant 0 : i32
        %eq3A_1194 = vector.broadcast %eq3A_1193 : i32 to vector<16xi32>
        %eq3A_1195 = arith.cmpi eq, %iota3A_147, %eq3A_1194 : vector<16xi32>
        %select_n3A_1196 = arith.select %eq3A_1195, %exp3A_889, %broadcast_in_dim3A_149 : vector<16xi1>, vector<16xf32>
        %swap3A_1197 = arith.index_cast %add3A_1164 : i32 to index
        %swap3A_1198 = arith.constant 64 : index
        %swap3A_1199 = tpu.vector_load %arg18[%swap3A_1197, %swap3A_1198] {strides = array<i32>} : memref<32x128xf32, #tpu.memory_space<vmem>>, vector<16xf32>,
        tpu.vector_store %arg18[%swap3A_1197, %swap3A_1198], %select_n3A_1196 {strides = array<i32>} : memref<32x128xf32, #tpu.memory_space<vmem>>, vector<16xf32>,
      }
      %scan3A_160 = arith.constant 4 : i32
      %dma_start3A_161 = tpu.memref_slice %arg10[%mul3A_143] : memref<5120xi32, #tpu.memory_space<vmem>> -> memref<32xi32, #tpu.memory_space<vmem>>
      %dma_start3A_162 = arith.constant 0 : i32
      %dma_start3A_163 = arith.constant 0 : i32
      %dma_start3A_164 = tpu.memref_slice %arg19[%dma_start3A_162, %dma_start3A_163] : memref<10240x128xf32, #tpu.memory_space<vmem_shared>> -> memref<10240x128xf32, #tpu.memory_space<vmem_shared>>
      tpu.enqueue_indirect_dma source(%arg18 : memref<32x128xf32, #tpu.memory_space<vmem>>) target(%dma_start3A_164 : memref<10240x128xf32, #tpu.memory_space<vmem_shared>>) offsets(%dma_start3A_161 : memref<32xi32, #tpu.memory_space<vmem>>) semaphore(%arg23 : memref<!tpu.dma_semaphore, #tpu.memory_space<semaphore_mem>>) {add = true}
    }
    %scan3A_35 = arith.constant 80 : i32
    %dma_wait3A = arith.constant 0 : i32
    %dma_wait3A_36 = arith.constant 0 : i32
    %dma_wait3A_37 = tpu.memref_slice %arg19[%dma_wait3A, %dma_wait3A_36] : memref<10240x128xf32, #tpu.memory_space<vmem_shared>> -> memref<32x128xf32, #tpu.memory_space<vmem_shared>>
    %dma_wait3A_38 = arith.constant 0 : i32
    %dma_wait3A_39 = arith.constant 0 : i32
    %dma_wait3A_40 = tpu.memref_slice %arg19[%dma_wait3A_38, %dma_wait3A_39] : memref<10240x128xf32, #tpu.memory_space<vmem_shared>> -> memref<32x128xf32, #tpu.memory_space<vmem_shared>>
    tpu.wait_dma2 semaphore(%arg22 : memref<!tpu.dma_semaphore, #tpu.memory_space<semaphore_mem>>) src(%arg17 : memref<32x128xf32, #tpu.memory_space<vmem>>) dst(%dma_wait3A_40 : memref<32x128xf32, #tpu.memory_space<vmem_shared>>)
    %dma_wait3A_41 = arith.constant 0 : i32
    %dma_wait3A_42 = arith.constant 0 : i32
    %dma_wait3A_43 = tpu.memref_slice %arg19[%dma_wait3A_41, %dma_wait3A_42] : memref<10240x128xf32, #tpu.memory_space<vmem_shared>> -> memref<32x128xf32, #tpu.memory_space<vmem_shared>>
    %dma_wait3A_44 = arith.constant 0 : i32
    %dma_wait3A_45 = arith.constant 0 : i32
    %dma_wait3A_46 = tpu.memref_slice %arg19[%dma_wait3A_44, %dma_wait3A_45] : memref<10240x128xf32, #tpu.memory_space<vmem_shared>> -> memref<32x128xf32, #tpu.memory_space<vmem_shared>>
    tpu.wait_dma2 semaphore(%arg23 : memref<!tpu.dma_semaphore, #tpu.memory_space<semaphore_mem>>) src(%arg18 : memref<32x128xf32, #tpu.memory_space<vmem>>) dst(%dma_wait3A_46 : memref<32x128xf32, #tpu.memory_space<vmem_shared>>)
    %barrier3A_47 = arith.constant 0 : index
    tpu.barrier barrier_id(%barrier3A_47)
    %mul3A_48 = arith.constant 640 : i32
    %mul3A_49 = arith.muli %arg1, %mul3A_48 : i32
    %mul3A_50 = arith.constant 10240 : i32
    %mul3A_51 = arith.muli %arg0, %mul3A_50 : i32
    %mul3A_52 = arith.constant 640 : i32
    %mul3A_53 = arith.muli %arg1, %mul3A_52 : i32
    %add3A_54 = arith.addi %mul3A_51, %mul3A_53 : i32
    "tpu.region"() ({
      %run_scoped3A = tpu.sem_alloc : memref<!tpu.dma_semaphore, #tpu.memory_space<semaphore_mem>>
      %dma_start3A_55 = arith.constant 0 : i32
      %dma_start3A_56 = tpu.memref_slice %arg8[%add3A_54, %dma_start3A_55] : memref<20480x128xf32, #tpu.memory_space<hbm>> -> memref<640x128xf32, #tpu.memory_space<hbm>>
      %dma_start3A_57 = arith.constant 0 : i32
      %dma_start3A_58 = tpu.memref_slice %arg19[%mul3A_49, %dma_start3A_57] : memref<10240x128xf32, #tpu.memory_space<vmem_shared>> -> memref<640x128xf32, #tpu.memory_space<vmem_shared>>
      tpu.enqueue_dma source(%dma_start3A_58 : memref<640x128xf32, #tpu.memory_space<vmem_shared>>) target(%dma_start3A_56 : memref<640x128xf32, #tpu.memory_space<hbm>>) target_semaphore(%run_scoped3A : memref<!tpu.dma_semaphore, #tpu.memory_space<semaphore_mem>>)
      %dma_wait3A_59 = arith.constant 0 : i32
      %dma_wait3A_60 = tpu.memref_slice %arg8[%add3A_54, %dma_wait3A_59] : memref<20480x128xf32, #tpu.memory_space<hbm>> -> memref<640x128xf32, #tpu.memory_space<hbm>>
      %dma_wait3A_61 = arith.constant 0 : i32
      %dma_wait3A_62 = tpu.memref_slice %arg19[%mul3A_49, %dma_wait3A_61] : memref<10240x128xf32, #tpu.memory_space<vmem_shared>> -> memref<640x128xf32, #tpu.memory_space<vmem_shared>>
      tpu.wait_dma2 semaphore(%run_scoped3A : memref<!tpu.dma_semaphore, #tpu.memory_space<semaphore_mem>>) src(%dma_wait3A_62 : memref<640x128xf32, #tpu.memory_space<vmem_shared>>) dst(%dma_wait3A_60 : memref<640x128xf32, #tpu.memory_space<hbm>>)
      tpu.yield
    }) : () -> ()
    return
  }
}

module attributes {stable_mosaic.version = 14 : i64} {
  func.func @_e_body(%arg0: i32, %arg1: memref<2000x256xf32, #tpu.memory_space<vmem>>, %arg2: memref<256x64xf32, #tpu.memory_space<vmem>>, %arg3: memref<2000x64xf32, #tpu.memory_space<vmem>>) attributes {dimension_semantics = [#tpu.dimension_semantics<arbitrary>], iteration_bounds = array<i64: 80>, scalar_prefetch = 0 : i64, scratch_operands = 0 : i64, tpu.core_type = #tpu.core_type<tc>, window_params = [{transform_indices = @transform_0, window_bounds = array<i64: 2000, 256>}, {pipeline_mode = #tpu.pipeline_mode<synchronous>, transform_indices = @transform_1, window_bounds = array<i64: 256, 64>}, {transform_indices = @transform_2, window_bounds = array<i64: 2000, 64>}]} {
    %get3A = arith.constant 0 : index
    %get3A_0 = arith.constant 0 : index
    %get3A_1 = vector.load %arg1[%get3A, %get3A_0] : memref<2000x256xf32, #tpu.memory_space<vmem>>, vector<2000x256xf32>
    %get3A_2 = arith.constant 0 : index
    %get3A_3 = arith.constant 0 : index
    %get3A_4 = vector.load %arg2[%get3A_2, %get3A_3] : memref<256x64xf32, #tpu.memory_space<vmem>>, vector<256x64xf32>
    %dot_general3A = arith.constant dense<0.000000e+00> : vector<2000x64xf32>
    %dot_general3A_5 = tpu.matmul %get3A_1, %get3A_4, %dot_general3A {dimension_numbers = #tpu.dot_dimension_numbers<[1], [0], [0], [1], [0, 0, 1, 1], [], []>, transpose_lhs_hint = false} : vector<2000x256xf32>, vector<256x64xf32>, vector<2000x64xf32> -> vector<2000x64xf32>
    %swap3A = arith.constant 0 : index
    %swap3A_6 = arith.constant 0 : index
    %swap3A_7 = vector.load %arg3[%swap3A, %swap3A_6] : memref<2000x64xf32, #tpu.memory_space<vmem>>, vector<2000x64xf32>
    tpu.vector_store %arg3[%swap3A, %swap3A_6], %dot_general3A_5 {strides = array<i32>} : memref<2000x64xf32, #tpu.memory_space<vmem>>, vector<2000x64xf32>,
    return
  }
  func.func @transform_0(%arg0: i32) -> (i32, i32) {
    %c0_i32 = arith.constant 0 : i32
    %c0_i32_0 = arith.constant 0 : i32
    return %arg0, %c0_i32 : i32, i32
  }
  func.func @transform_1(%arg0: i32) -> (i32, i32) {
    %c0_i32 = arith.constant 0 : i32
    %c0_i32_0 = arith.constant 0 : i32
    %c0_i32_1 = arith.constant 0 : i32
    return %c0_i32, %c0_i32_0 : i32, i32
  }
  func.func @transform_2(%arg0: i32) -> (i32, i32) {
    %c0_i32 = arith.constant 0 : i32
    %c0_i32_0 = arith.constant 0 : i32
    return %arg0, %c0_i32 : i32, i32
  }
}

module attributes {stable_mosaic.version = 14 : i64} {
  func.func @_qkv_body(%arg0: i32, %arg1: memref<1000x256xf32, #tpu.memory_space<vmem>>, %arg2: memref<256x256xf32, #tpu.memory_space<vmem>>, %arg3: memref<1x256xf32, #tpu.memory_space<vmem>>, %arg4: memref<1000x128xf32, #tpu.memory_space<vmem>>, %arg5: memref<1000x128xf32, #tpu.memory_space<vmem>>, %arg6: memref<1000x64xf32, #tpu.memory_space<vmem>>) attributes {dimension_semantics = [#tpu.dimension_semantics<arbitrary>], iteration_bounds = array<i64: 10>, scalar_prefetch = 0 : i64, scratch_operands = 0 : i64, tpu.core_type = #tpu.core_type<tc>, window_params = [{transform_indices = @transform_0, window_bounds = array<i64: 1000, 256>}, {pipeline_mode = #tpu.pipeline_mode<synchronous>, transform_indices = @transform_1, window_bounds = array<i64: 256, 256>}, {pipeline_mode = #tpu.pipeline_mode<synchronous>, transform_indices = @transform_2, window_bounds = array<i64: 1, 256>}, {transform_indices = @transform_3, window_bounds = array<i64: 1000, 128>}, {transform_indices = @transform_4, window_bounds = array<i64: 1000, 128>}, {transform_indices = @transform_5, window_bounds = array<i64: 1000, 64>}]} {
    %get3A = arith.constant 0 : index
    %get3A_0 = arith.constant 0 : index
    %get3A_1 = vector.load %arg1[%get3A, %get3A_0] : memref<1000x256xf32, #tpu.memory_space<vmem>>, vector<1000x256xf32>
    %get3A_2 = arith.constant 0 : index
    %get3A_3 = arith.constant 0 : index
    %get3A_4 = vector.load %arg2[%get3A_2, %get3A_3] : memref<256x256xf32, #tpu.memory_space<vmem>>, vector<256x256xf32>
    %dot_general3A = arith.constant dense<0.000000e+00> : vector<1000x256xf32>
    %dot_general3A_5 = tpu.matmul %get3A_1, %get3A_4, %dot_general3A {dimension_numbers = #tpu.dot_dimension_numbers<[1], [0], [0], [1], [0, 0, 1, 1], [], []>, transpose_lhs_hint = false} : vector<1000x256xf32>, vector<256x256xf32>, vector<1000x256xf32> -> vector<1000x256xf32>
    %get3A_6 = arith.constant 0 : index
    %get3A_7 = arith.constant 0 : index
    %get3A_8 = vector.load %arg3[%get3A_6, %get3A_7] : memref<1x256xf32, #tpu.memory_space<vmem>>, vector<1x256xf32>
    %add3A = vector.broadcast %get3A_8 : vector<1x256xf32> to vector<1000x256xf32>
    %add3A_9 = arith.addf %dot_general3A_5, %add3A : vector<1000x256xf32>
    %slice3A = vector.extract_strided_slice %add3A_9 {offsets = [0, 0], sizes = [1000, 64], strides = [1, 1]} : vector<1000x256xf32> to vector<1000x64xf32>
    %broadcast_in_dim3A = arith.constant 0.000000e+00 : f32
    %broadcast_in_dim3A_10 = vector.broadcast %broadcast_in_dim3A : f32 to vector<1000x64xf32>
    %concatenate3A = tpu.concatenate %slice3A, %broadcast_in_dim3A_10 in 1 : vector<1000x64xf32>, vector<1000x64xf32> -> vector<1000x128xf32>
    %swap3A = arith.constant 0 : index
    %swap3A_11 = arith.constant 0 : index
    %swap3A_12 = vector.load %arg4[%swap3A, %swap3A_11] : memref<1000x128xf32, #tpu.memory_space<vmem>>, vector<1000x128xf32>
    tpu.vector_store %arg4[%swap3A, %swap3A_11], %concatenate3A {strides = array<i32>} : memref<1000x128xf32, #tpu.memory_space<vmem>>, vector<1000x128xf32>,
    %slice3A_13 = vector.extract_strided_slice %add3A_9 {offsets = [0, 64], sizes = [1000, 128], strides = [1, 1]} : vector<1000x256xf32> to vector<1000x128xf32>
    %swap3A_14 = arith.constant 0 : index
    %swap3A_15 = arith.constant 0 : index
    %swap3A_16 = vector.load %arg5[%swap3A_14, %swap3A_15] : memref<1000x128xf32, #tpu.memory_space<vmem>>, vector<1000x128xf32>
    tpu.vector_store %arg5[%swap3A_14, %swap3A_15], %slice3A_13 {strides = array<i32>} : memref<1000x128xf32, #tpu.memory_space<vmem>>, vector<1000x128xf32>,
    %slice3A_17 = vector.extract_strided_slice %add3A_9 {offsets = [0, 192], sizes = [1000, 64], strides = [1, 1]} : vector<1000x256xf32> to vector<1000x64xf32>
    %swap3A_18 = arith.constant 0 : index
    %swap3A_19 = arith.constant 0 : index
    %swap3A_20 = vector.load %arg6[%swap3A_18, %swap3A_19] : memref<1000x64xf32, #tpu.memory_space<vmem>>, vector<1000x64xf32>
    tpu.vector_store %arg6[%swap3A_18, %swap3A_19], %slice3A_17 {strides = array<i32>} : memref<1000x64xf32, #tpu.memory_space<vmem>>, vector<1000x64xf32>,
    return
  }
  func.func @transform_0(%arg0: i32) -> (i32, i32) {
    %c0_i32 = arith.constant 0 : i32
    %c0_i32_0 = arith.constant 0 : i32
    return %arg0, %c0_i32 : i32, i32
  }
  func.func @transform_1(%arg0: i32) -> (i32, i32) {
    %c0_i32 = arith.constant 0 : i32
    %c0_i32_0 = arith.constant 0 : i32
    %c0_i32_1 = arith.constant 0 : i32
    return %c0_i32, %c0_i32_0 : i32, i32
  }
  func.func @transform_2(%arg0: i32) -> (i32, i32) {
    %c0_i32 = arith.constant 0 : i32
    %c0_i32_0 = arith.constant 0 : i32
    %c0_i32_1 = arith.constant 0 : i32
    return %c0_i32, %c0_i32_0 : i32, i32
  }
  func.func @transform_3(%arg0: i32) -> (i32, i32) {
    %c0_i32 = arith.constant 0 : i32
    %c0_i32_0 = arith.constant 0 : i32
    return %arg0, %c0_i32 : i32, i32
  }
  func.func @transform_4(%arg0: i32) -> (i32, i32) {
    %c0_i32 = arith.constant 0 : i32
    %c0_i32_0 = arith.constant 0 : i32
    return %arg0, %c0_i32 : i32, i32
  }
  func.func @transform_5(%arg0: i32) -> (i32, i32) {
    %c0_i32 = arith.constant 0 : i32
    %c0_i32_0 = arith.constant 0 : i32
    return %arg0, %c0_i32 : i32, i32
  }
}

module attributes {stable_mosaic.version = 14 : i64} {
  func.func @_final_body(%arg0: i32, %arg1: memref<2x1000x128xf32, #tpu.memory_space<vmem>>, %arg2: memref<1000x64xf32, #tpu.memory_space<vmem>>, %arg3: memref<1x1x1000xi32, #tpu.memory_space<vmem>>, %arg4: memref<64x1xf32, #tpu.memory_space<vmem>>, %arg5: memref<1x1xf32, #tpu.memory_space<vmem>>, %arg6: memref<64x1xf32, #tpu.memory_space<vmem>>, %arg7: memref<64x64xf32, #tpu.memory_space<vmem>>) attributes {dimension_semantics = [#tpu.dimension_semantics<arbitrary>], iteration_bounds = array<i64: 10>, scalar_prefetch = 0 : i64, scratch_operands = 1 : i64, tpu.core_type = #tpu.core_type<tc>, window_params = [{transform_indices = @transform_0, window_bounds = array<i64: 2, 1000, 128>}, {transform_indices = @transform_1, window_bounds = array<i64: 1000, 64>}, {transform_indices = @transform_2, window_bounds = array<i64: 1, 1, 1000>}, {pipeline_mode = #tpu.pipeline_mode<synchronous>, transform_indices = @transform_3, window_bounds = array<i64: 64, 1>}, {pipeline_mode = #tpu.pipeline_mode<synchronous>, transform_indices = @transform_4, window_bounds = array<i64: 1, 1>}, {pipeline_mode = #tpu.pipeline_mode<synchronous>, transform_indices = @transform_5, window_bounds = array<i64: 64, 1>}]} {
    %get3A = arith.constant 0 : index
    %get3A_0 = arith.constant 0 : index
    %get3A_1 = arith.constant 0 : index
    %get3A_2 = vector.load %arg1[%get3A, %get3A_0, %get3A_1] : memref<2x1000x128xf32, #tpu.memory_space<vmem>>, vector<1x1000x128xf32>
    %get3A_3 = vector.shape_cast %get3A_2 : vector<1x1000x128xf32> to vector<1000x128xf32>
    %get3A_4 = arith.constant 1 : index
    %get3A_5 = arith.constant 0 : index
    %get3A_6 = arith.constant 0 : index
    %get3A_7 = vector.load %arg1[%get3A_4, %get3A_5, %get3A_6] : memref<2x1000x128xf32, #tpu.memory_space<vmem>>, vector<1x1000x128xf32>
    %get3A_8 = vector.shape_cast %get3A_7 : vector<1x1000x128xf32> to vector<1000x128xf32>
    %add3A = arith.addf %get3A_3, %get3A_8 : vector<1000x128xf32>
    %slice3A = vector.extract_strided_slice %add3A {offsets = [0, 64], sizes = [1000, 1], strides = [1, 1]} : vector<1000x128xf32> to vector<1000x1xf32>
    %gt3A = arith.constant 0.000000e+00 : f32
    %gt3A_9 = vector.broadcast %gt3A : f32 to vector<1000x1xf32>
    %gt3A_10 = arith.cmpf ogt, %slice3A, %gt3A_9 : vector<1000x1xf32>
    %jit3A = arith.constant 1.000000e+00 : f32
    %broadcast_in_dim3A = vector.broadcast %jit3A : f32 to vector<1000x1xf32>
    %select_n3A = arith.select %gt3A_10, %slice3A, %broadcast_in_dim3A : vector<1000x1xi1>, vector<1000x1xf32>
    %slice3A_11 = vector.extract_strided_slice %add3A {offsets = [0, 0], sizes = [1000, 64], strides = [1, 1]} : vector<1000x128xf32> to vector<1000x64xf32>
    %div3A = vector.broadcast %select_n3A : vector<1000x1xf32> to vector<1000x64xf32>
    %div3A_12 = arith.divf %slice3A_11, %div3A : vector<1000x64xf32>
    %get3A_13 = arith.constant 0 : index
    %get3A_14 = arith.constant 0 : index
    %get3A_15 = vector.load %arg2[%get3A_13, %get3A_14] : memref<1000x64xf32, #tpu.memory_space<vmem>>, vector<1000x64xf32>
    %add3A_16 = arith.addf %div3A_12, %get3A_15 : vector<1000x64xf32>
    %get3A_17 = arith.constant 0 : index
    %get3A_18 = arith.constant 0 : index
    %get3A_19 = arith.constant 0 : index
    %get3A_20 = vector.load %arg3[%get3A_17, %get3A_18, %get3A_19] : memref<1x1x1000xi32, #tpu.memory_space<vmem>>, vector<1x1x1000xi32>
    %get3A_21 = vector.shape_cast %get3A_20 : vector<1x1x1000xi32> to vector<1000xi32>
    %broadcast_in_dim3A_22 = vector.shape_cast %get3A_21 : vector<1000xi32> to vector<1000x1xi32>
    %iota3A = tpu.iota {dimensions = array<i32: 1>} : vector<1x64xi32>
    %eq3A = vector.broadcast %broadcast_in_dim3A_22 : vector<1000x1xi32> to vector<1000x64xi32>
    %eq3A_23 = vector.broadcast %iota3A : vector<1x64xi32> to vector<1000x64xi32>
    %eq3A_24 = arith.cmpi eq, %eq3A, %eq3A_23 : vector<1000x64xi32>
    %convert_element_type3A = arith.extui %eq3A_24 : vector<1000x64xi1> to vector<1000x64xi32>
    %convert_element_type3A_25 = arith.sitofp %convert_element_type3A : vector<1000x64xi32> to vector<1000x64xf32>
    %dot_general3A = arith.constant dense<0.000000e+00> : vector<64x64xf32>
    %dot_general3A_26 = tpu.matmul %convert_element_type3A_25, %add3A_16, %dot_general3A {dimension_numbers = #tpu.dot_dimension_numbers<[0], [0], [1], [1], [0, 1, 1, 1], [], []>, transpose_lhs_hint = false} : vector<1000x64xf32>, vector<1000x64xf32>, vector<64x64xf32> -> vector<64x64xf32>
    %eq3A_27 = arith.constant 0 : i32
    %eq3A_28 = arith.cmpi eq, %arg0, %eq3A_27 : i32
    %convert_element_type3A_29 = arith.extui %eq3A_28 : i1 to i32
    %cond3A = arith.constant 0 : i32
    %cond3A_30 = arith.cmpi ne, %convert_element_type3A_29, %cond3A : i32
    scf.if %cond3A_30 {
      %swap3A = arith.constant 0 : index
      %swap3A_41 = arith.constant 0 : index
      %swap3A_42 = vector.load %arg7[%swap3A, %swap3A_41] : memref<64x64xf32, #tpu.memory_space<vmem>>, vector<64x64xf32>
      tpu.vector_store %arg7[%swap3A, %swap3A_41], %dot_general3A_26 {strides = array<i32>} : memref<64x64xf32, #tpu.memory_space<vmem>>, vector<64x64xf32>,
    } else {
    }
    %gt3A_31 = arith.constant 0 : i32
    %gt3A_32 = arith.cmpi sgt, %arg0, %gt3A_31 : i32
    %convert_element_type3A_33 = arith.extui %gt3A_32 : i1 to i32
    %cond3A_34 = arith.constant 0 : i32
    %cond3A_35 = arith.cmpi ne, %convert_element_type3A_33, %cond3A_34 : i32
    scf.if %cond3A_35 {
      %get3A_41 = arith.constant 0 : index
      %get3A_42 = arith.constant 0 : index
      %get3A_43 = vector.load %arg7[%get3A_41, %get3A_42] : memref<64x64xf32, #tpu.memory_space<vmem>>, vector<64x64xf32>
      %add3A_44 = arith.addf %get3A_43, %dot_general3A_26 : vector<64x64xf32>
      %swap3A = arith.constant 0 : index
      %swap3A_45 = arith.constant 0 : index
      %swap3A_46 = vector.load %arg7[%swap3A, %swap3A_45] : memref<64x64xf32, #tpu.memory_space<vmem>>, vector<64x64xf32>
      tpu.vector_store %arg7[%swap3A, %swap3A_45], %add3A_44 {strides = array<i32>} : memref<64x64xf32, #tpu.memory_space<vmem>>, vector<64x64xf32>,
    } else {
    }
    %eq3A_36 = arith.constant 9 : i32
    %eq3A_37 = arith.cmpi eq, %arg0, %eq3A_36 : i32
    %convert_element_type3A_38 = arith.extui %eq3A_37 : i1 to i32
    %cond3A_39 = arith.constant 0 : i32
    %cond3A_40 = arith.cmpi ne, %convert_element_type3A_38, %cond3A_39 : i32
    scf.if %cond3A_40 {
      %get3A_41 = arith.constant 0 : index
      %get3A_42 = arith.constant 0 : index
      %get3A_43 = vector.load %arg7[%get3A_41, %get3A_42] : memref<64x64xf32, #tpu.memory_space<vmem>>, vector<64x64xf32>
      %tanh3A = math.tanh %get3A_43 : vector<64x64xf32>
      %get3A_44 = arith.constant 0 : index
      %get3A_45 = arith.constant 0 : index
      %get3A_46 = vector.load %arg4[%get3A_44, %get3A_45] : memref<64x1xf32, #tpu.memory_space<vmem>>, vector<64x1xf32>
      %dot_general3A_47 = arith.constant dense<0.000000e+00> : vector<64x1xf32>
      %dot_general3A_48 = tpu.matmul %tanh3A, %get3A_46, %dot_general3A_47 {dimension_numbers = #tpu.dot_dimension_numbers<[1], [0], [0], [1], [0, 0, 1, 1], [], []>, transpose_lhs_hint = false} : vector<64x64xf32>, vector<64x1xf32>, vector<64x1xf32> -> vector<64x1xf32>
      %get3A_49 = arith.constant 0 : index
      %get3A_50 = arith.constant 0 : index
      %get3A_51 = vector.load %arg5[%get3A_49, %get3A_50] : memref<1x1xf32, #tpu.memory_space<vmem>>, vector<1x1xf32>
      %add3A_52 = vector.broadcast %get3A_51 : vector<1x1xf32> to vector<64x1xf32>
      %add3A_53 = arith.addf %dot_general3A_48, %add3A_52 : vector<64x1xf32>
      %swap3A = arith.constant 0 : index
      %swap3A_54 = arith.constant 0 : index
      %swap3A_55 = vector.load %arg6[%swap3A, %swap3A_54] : memref<64x1xf32, #tpu.memory_space<vmem>>, vector<64x1xf32>
      tpu.vector_store %arg6[%swap3A, %swap3A_54], %add3A_53 {strides = array<i32>} : memref<64x1xf32, #tpu.memory_space<vmem>>, vector<64x1xf32>,
    } else {
    }
    return
  }
  func.func @transform_0(%arg0: i32) -> (i32, i32, i32) {
    %c0_i32 = arith.constant 0 : i32
    %c0_i32_0 = arith.constant 0 : i32
    %c0_i32_1 = arith.constant 0 : i32
    return %c0_i32, %arg0, %c0_i32_0 : i32, i32, i32
  }
  func.func @transform_1(%arg0: i32) -> (i32, i32) {
    %c0_i32 = arith.constant 0 : i32
    %c0_i32_0 = arith.constant 0 : i32
    return %arg0, %c0_i32 : i32, i32
  }
  func.func @transform_2(%arg0: i32) -> (i32, i32, i32) {
    %c0_i32 = arith.constant 0 : i32
    %c0_i32_0 = arith.constant 0 : i32
    %c0_i32_1 = arith.constant 0 : i32
    return %arg0, %c0_i32, %c0_i32_0 : i32, i32, i32
  }
  func.func @transform_3(%arg0: i32) -> (i32, i32) {
    %c0_i32 = arith.constant 0 : i32
    %c0_i32_0 = arith.constant 0 : i32
    %c0_i32_1 = arith.constant 0 : i32
    return %c0_i32, %c0_i32_0 : i32, i32
  }
  func.func @transform_4(%arg0: i32) -> (i32, i32) {
    %c0_i32 = arith.constant 0 : i32
    %c0_i32_0 = arith.constant 0 : i32
    %c0_i32_1 = arith.constant 0 : i32
    return %c0_i32, %c0_i32_0 : i32, i32
  }
  func.func @transform_5(%arg0: i32) -> (i32, i32) {
    %c0_i32 = arith.constant 0 : i32
    %c0_i32_0 = arith.constant 0 : i32
    %c0_i32_1 = arith.constant 0 : i32
    return %c0_i32, %c0_i32_0 : i32, i32
  }
}

</mosaic_0001>

<sc_bundles>
// kernel: kernel.6.cloned.1.call-start
scs
__scs_entry_jumppad:
0x0: {  	(pc) =	sbr.rel $0x88, $3  }
0x1: {  	(tag) =	ssettag $0x0;
	lr =	simm.s32 $0x1  }
0x2: {  	[smem:$0x3F92] =	sst lr;
	_ =	strace $0xD0000000  }
0x3: {  	_ = 	snop  }
0x4: {  	_ = 	snop  }
0x5: {  	_ = 	snop  }
0x6: {  	_ = 	snop  }
0x7: {  	_ = 	snop  }
__scs_overlays_trampoline_lowered:
0x8: {  	[smem:$0x3FA1] =	sst s0  }
0x9: {  	[smem:$0x3FA2] =	sst s1  }
0xa: {  	[smem:$0x3FA3] =	sst s2  }
0xb: {  	[smem:$0x3FA4] =	sst s3  }
0xc: {  	[smem:$0x3FA5] =	sst s4  }
0xd: {  	[smem:$0x3FA6] =	sst s5  }
0xe: {  	[smem:$0x3FA7] =	sst s6  }
0xf: {  	[smem:$0x3FA8] =	sst s7  }
0x10: {  	[smem:$0x3FA9] =	sst s8  }
0x11: {  	[smem:$0x3FAA] =	sst s9;
	s0 =	simm.s32 @!p0 $0x0  }
0x12: {  	s1 =	sld [smem:$0x3F90];
	s0 =	simm.s32 @p0 $0x1  }
0x13: {  	[smem:$0x3FAB] =	sst s0;
	s0 =	simm.s32 @!p1 $0x0  }
0x14: {  	s2 =	sld [smem:$0x3F8F];
	s0 =	simm.s32 @p1 $0x1  }
0x15: {  	[smem:$0x3FAC] =	sst s0;
	s0 =	simm.s32 @!p2 $0x0  }
0x16: {  	s3 =	sld [smem:$0x3FDB];
	s0 =	simm.s32 @p2 $0x1  }
0x17: {  	s4 =	simm.s32 $0x1BF5;
	[smem:$0x3FAE] =	sst s0  }
0x18: {  	s0 =	sld [smem:$0x3F91];
	_ =	swait.ge [sflag:s4], $0x0  }
0x19: {  	s7 =	sld [smem:$0x3F92]  }
0x1a: {  	s8 =	sadd.s32 $0xFFFFE003, lr  }
0x1b: {  	s9 =	sadd.s32 $0xFFFFFEF7, lr;
	s5 =	simm.s32 $0xFFFFFFFF;
	p2 =	slt.u32 s8, $0xFFFFF086  }
0x1c: {  	p1 =	slt.u32 s9, $0xF7A;
	s5 =	simm.s32 @!p2 $0x0  }
0x1d: {  	s5 =	simm.s32 @p1 $0x1;
	p0 =	seq.s32 s7, s2  }
0x1e: {  	s7 =	smul.u32 @!p0 $0xF7A, s2;
	p2 =	seq.s32 @!p0 s5, $0x0  }
0x1f: {  	s9 =	smul.u32 $0xF7A, s1;
	s8 =	simm.s32 @!p0 $0x1BF5;
	p2 =	por !p2, p0  }
0x20: {  	[sflag:s8] =	ssyncset.s32 @!p0 $0xFFFFF086;
	s6 =	sadd.s32 @!p0 s3, s7;
	s7 =	simm.s32 @!p0 $0x108  }
0x21: {  	s3 =	sadd.s32 s3, s9;
	s6 =	sadd.s32 @!p0 $0x88, s6;
	s7 =	simm.s32 @p2 $0x1082  }
0x22: {  	[simem:s7], [sflag:s8] =	dma.local @!p0 [hbm:s6], $0xF7A  }
0x23: {  	s9 =	sor.u32 $0xD0000000, s2;
	s6 =	simm.s32 $0x108;
	_ =	swait.ge @!p0 [sflag:s8], $0x0  }
0x24: {  	s3 =	sadd.s32 $0x88, s3;
	s6 =	simm.s32 @!p1 $0x1082;
	[sflag:s4] =	ssyncset.s32 $0xFFFFF086  }
0x25: {  	[simem:s6], [sflag:s4] =	dma.local [hbm:s3], $0xF7A  }
0x26: {  	[smem:$0x3F92] =	sst s1;
	(tag) =	ssettag s2;
	_ =	strace s9  }
0x27: {  	s1 =	sld [smem:$0x3FA2]  }
0x28: {  	s2 =	sld [smem:$0x3FA3]  }
0x29: {  	s4 =	sld [smem:$0x3FA5]  }
0x2a: {  	p0 =	seq.s32 s5, $0x0;
	s5 =	sld [smem:$0x3FA6]  }
0x2b: {  	s6 =	sld [smem:$0x3FA7]  }
0x2c: {  	s7 =	sld [smem:$0x3FA8]  }
0x2d: {  	s3 =	simm.s32 $0x108;
	s8 =	sld [smem:$0x3FA9]  }
0x2e: {  	s3 =	simm.s32 @!p0 $0x1082;
	s9 =	sld [smem:$0x3FAA]  }
0x2f: {  	lr =	sadd.s32 s0, s3;
	s0 =	sld [smem:$0x3FA1]  }
0x30: {  	s3 =	sld [smem:$0x3FA4]  }
0x31: {  	[smem:$0x3FAD] =	sst s10  }
0x32: {  	s10 =	sld [smem:$0x3FAB];
	_ =	sdelay $0x3  }
0x33: {  	p0 =	seq.s32 s10, $0x1;
	s10 =	sld [smem:$0x3FAD];
	_ =	sdelay $0x3  }
0x34: {  	[smem:$0x3FAD] =	sst s10  }
0x35: {  	s10 =	sld [smem:$0x3FAC];
	_ =	sdelay $0x3  }
0x36: {  	p1 =	seq.s32 s10, $0x1;
	s10 =	sld [smem:$0x3FAD];
	_ =	sdelay $0x3  }
0x37: {  	[smem:$0x3FAD] =	sst s10  }
0x38: {  	s10 =	sld [smem:$0x3FAE]  }
0x39: {  	_ = 	snop;
	(pc) =	sbr.ind lr, $3  }
0x3a: {  	_ = 	snop  }
0x3b: {  	_ = 	snop  }
0x3c: {  	p2 =	seq.s32 s10, $0x1;
	s10 =	sld [smem:$0x3FAD]  }
0x3d: {  	_ =	shalt  }
0x3e: {  	_ =	shalt  }
0x3f: {  	_ =	shalt  }
0x40: {  	_ =	shalt  }
0x41: {  	_ =	shalt  }
0x42: {  	_ =	shalt  }
0x43: {  	_ =	shalt  }
0x44: {  	_ =	shalt  }
0x45: {  	_ =	shalt  }
0x46: {  	_ =	shalt  }
0x47: {  	_ =	shalt  }
0x48: {  	_ =	shalt  }
0x49: {  	_ =	shalt  }
0x4a: {  	_ =	shalt  }
0x4b: {  	_ =	shalt  }
0x4c: {  	_ =	shalt  }
0x4d: {  	_ =	shalt  }
0x4e: {  	_ =	shalt  }
0x4f: {  	_ =	shalt  }
0x50: {  	_ =	shalt  }
0x51: {  	_ =	shalt  }
0x52: {  	_ =	shalt  }
0x53: {  	_ =	shalt  }
0x54: {  	_ =	shalt  }
0x55: {  	_ =	shalt  }
0x56: {  	_ =	shalt  }
0x57: {  	_ =	shalt  }
0x58: {  	_ =	shalt  }
0x59: {  	_ =	shalt  }
0x5a: {  	_ =	shalt  }
0x5b: {  	_ =	shalt  }
0x5c: {  	_ =	shalt  }
0x5d: {  	_ =	shalt  }
0x5e: {  	_ =	shalt  }
0x5f: {  	_ =	shalt  }
0x60: {  	_ =	shalt  }
0x61: {  	_ =	shalt  }
0x62: {  	_ =	shalt  }
0x63: {  	_ =	shalt  }
0x64: {  	_ =	shalt  }
0x65: {  	_ =	shalt  }
0x66: {  	_ =	shalt  }
0x67: {  	_ =	shalt  }
0x68: {  	_ =	shalt  }
0x69: {  	_ =	shalt  }
0x6a: {  	_ =	shalt  }
0x6b: {  	_ =	shalt  }
0x6c: {  	_ =	shalt  }
0x6d: {  	_ =	shalt  }
0x6e: {  	_ =	shalt  }
0x6f: {  	_ =	shalt  }
0x70: {  	_ =	shalt  }
0x71: {  	_ =	shalt  }
0x72: {  	_ =	shalt  }
0x73: {  	_ =	shalt  }
0x74: {  	_ =	shalt  }
0x75: {  	_ =	shalt  }
0x76: {  	_ =	shalt  }
0x77: {  	_ =	shalt  }
0x78: {  	_ =	shalt  }
0x79: {  	_ =	shalt  }
0x7a: {  	_ =	shalt  }
0x7b: {  	_ =	shalt  }
0x7c: {  	_ =	shalt  }
0x7d: {  	_ =	shalt  }
0x7e: {  	_ =	shalt  }
0x7f: {  	_ =	shalt  }
0x80: {  	_ =	shalt  }
0x81: {  	_ =	shalt  }
0x82: {  	_ =	shalt  }
0x83: {  	_ =	shalt  }
0x84: {  	_ =	shalt  }
0x85: {  	_ =	shalt  }
0x86: {  	_ =	shalt  }
0x87: {  	_ =	shalt  }
.Lfunc_end0:
.L_simem_size_0:
called_computation_lowered:
.L_overlay_start_0:
0x88: {  	s2 =	sld [smem:$0x3FD9]  }
0x89: {  	s3 =	sld [smem:$0x3FFE];
	_ =	sdelay $0x1  }
0x8a: {  	s1 =	srdreg.scid  }
0x8b: {  	s0 =	sand.u32 $0x1, s1  }
0x8c: {  	s16 =	sshll.u32 s0, $0xA;
	s2 =	sadd.s32 s3, s2  }
0x8d: {  	s2 =	sadd.s32 s2, s16  }
0x8e: {  	[smem:$0x3FB9] =	sst s2  }
0x8f: {  	_ = 	snop  }
0x90: {  	(tm) =	ssettm $0x1  }
0x91: {  	s17 =	sld [smem:$0x3FFB];
	_ =	sdelay $0x3  }
0x92: {  	_ =	strace s17  }
0x93: {  	s2 =	sld [smem:$0x3FFC];
	_ =	sdelay $0x3  }
0x94: {  	_ =	strace s2  }
0x95: {  	s2 =	sld [smem:$0x3FFD];
	_ =	sdelay $0x3  }
0x96: {  	_ =	strace s2  }
0x97: {  	_ =	strace $0x8FFFFFFF  }
0x98: {  	s18 =	sld [smem:$0x3FDB];
	_ =	sdelay $0x1  }
0x99: {  	s19 =	simm.s32 $_scs_section_size  }
0x9a: {  	s4 =	simm.s32 $_size__tile_overlayer_lowered;
	s5 =	simm.s32 $_tile_overlayer_lowered  }
0x9b: {  	s22 =	simm.s32 $0x1BFF;
	s21 =	sshll.u32 s5, $0x1;
	s2 =	sadd.s32 s19, s18  }
0x9c: {  	s6 =	simm.s32 $0x0;
	s20 =	sshll.u32 s4, $0x1;
	s4 =	sadd.s32 s21, s2  }
0x9d: {  	[timem:s6], [sflag:s22] =	dma.local [hbm:s4], s20  }
0x9e: {  	_ =	swait.ge [sflag:s22], s20  }
0x9f: {  	s3 =	ssub.s32 $0x0, s20;
	[sflag:s22] =	ssyncset.done $0x0  }
0xa0: {  	[sflag:s22] =	ssyncadd.s32 s3;
	_ =	sdelay $0x1  }
0xa1: {  	s23 =	simm.s32 $0x1B8B  }
0xa2: {  	_ =	swait.ge [sflag:s23], $0x1  }
0xa3: {  	[sflag:s23] =	ssyncset.done $0x0  }
0xa4: {  	s25 =	simm.s32 $0x1B8E;
	s24 =	sld [smem:$0x3FFE];
	[sflag:s23] =	ssyncadd.s32 $0xFFFFFFFF  }
0xa5: {  	s26 =	simm.s32 $execute0_lowered;
	[smem:$0x3FD2] =	sst s25  }
0xa6: {  	s4 =	sshll.u32 s26, $0x1;
	_ =	strace $0x80000046;
	[dreg:$0x1] =	wrdreg $0xFFFFFFFF  }
0xa7: {  	s28 =	simm.s32 $_size_execute0_lowered;
	s2 =	sadd.s32 s2, s4;
	[dreg:$0x0] =	wrdreg $0x0  }
0xa8: {  	s4 =	sshll.u32 s28, $0x1;
	[dreg:$0x2] =	wrdreg s2  }
0xa9: {  	[dreg:$0x3] =	wrdreg s4  }
0xaa: {  	[dreg:$0x4] =	wrdreg $0xC0  }
0xab: {  	_ =	task [dreg:s6], $0x5FFFF  }
0xac: {  	[dreg:$0x1] =	wrdreg $0xFFFFFFFF  }
0xad: {  	[dreg:$0x0] =	wrdreg $0x60  }
0xae: {  	[dreg:$0x2] =	wrdreg s24  }
0xaf: {  	[dreg:$0x3] =	wrdreg $0xA8000  }
0xb0: {  	[dreg:$0x4] =	wrdreg $0x9  }
0xb1: {  	_ =	task.clear_ibuf [dreg:s6], $0x5FFFF;
	_ =	strace $0x90000046  }
0xb2: {  	s29 =	simm.s32 $0x9;
	_ =	strace $0x80000048  }
0xb3: {  	_ =	swait.ge [sflag:s29], $0x1  }
0xb4: {  	[sflag:s29] =	ssyncadd.s32 $0xFFFFFFFF  }
0xb5: {  	_ =	strace $0x90000048  }
0xb6: {  	_ =	sfence  }
0xb7: {  	s30 =	sld [smem:$0x0];
	_ =	sdelay $0x2  }
0xb8: {  	s31 =	sshll.u32 s1, $0xD;
	s1 =	sshrl.u32 s1, $0x2  }
0xb9: {  	s3 =	sand.u32 $0x4000, s31;
	s1 =	sadd.s32 s1, s30  }
0xba: {  	s0 =	sor.u32 s3, s0;
	s1 =	sshll.u32 s1, $0x11  }
0xbb: {  	s0 =	sor.u32 s1, s0  }
0xbc: {  	s0 =	sadd.s32 $0x8F2B, s0  }
0xbd: {  	[sflag:s0] =	ssyncadd.remote.s32 $0x1  }
0xbe: {  	_ =	sfence.sel $0xFFFF  }
0xbf: {  	[dreg:$0x0] =	wrdreg $0xFFFFFFFF;
	(pc) =	sbr.abs _section_cstart, $3  }
0xc0: {  	[dreg:$0x1] =	wrdreg $0xFFFFFFFF  }
0xc1: {  	_ =	task.clear_ibuf [dreg:s6], $0x2FFFF;
	_ =	strace $0x9FFFFFFF  }
0xc2: {  	(tm) =	ssettm $0x7FFFFFFF  }
0xc3: {  	_ =	shalt  }
tec
execute0_lowered:
.L_overlay_start_1:
0x0: {  	(tag) =	ssettag $0x1  }
0x1: {  	s0 =	rddreg [dreg:$0x0]  }
0x2: {  	s1 =	rddreg [dreg:$0x1];
	s2 =	srdreg.scid  }
0x3: {  	s3 =	simm.s32 $0x0;
	s14 =	stileid.u32;
	s21 =	simm.s32 $0x20  }
0x4: {  	s28 =	simm.s32 $0x2;
	s29 =	simm.s32 $0x9800;
	s2 =	sand.u32 $0x1, s2  }
0x5: {  	[smem:$0x7FF] =	sst s3;
	s5 =	sadd.s32 $0x27C200, s0;
	s9 =	smul.u32 $0x2800, s14  }
0x6: {  	s6 =	sadd.s32 $0xB200, s0;
	s13 =	smul.u32 $0x50000, s14;
	s31 =	sshll.u32 s14, $0x6  }
0x7: {  	s4 =	sshll.u32 s2, $0x4;
	_ =	strace $0x80000047;
	s11 =	smul.u32 $0x28000, s2  }
0x8: {  	s2 =	ssub.s32 $0x2, s2;
	s8 =	sor.u32 s14, s4;
	s4 =	sadd.s32 $0x2A4200, s0  }
0x9: {  	s12 =	sadd.s32 s9, s0;
	s22 =	sshrl.u32 s2, $0x1;
	s25 =	sshrl.u32 s13, $0x2  }
0xa: {  	s7 =	smul.u32 $0x280, s8;
	s9 =	sadd.s32 s9, s11;
	s26 =	sadd.s32 $0x2CC200, s12  }
0xb: {  	s2 =	ssub.s32 s2, s22;
	s11 =	simm.s32 $0x0;
	[dreg:$0x7] =	wrdreg s26  }
0xc: {  	s30 =	smax.u32 s2, $0x1;
	s2 =	simm.s32 $0x5;
	s10 =	sadd.s32 s7, s0  }
0xd: {  	s7 =	smul.u32 $0x1388, s8;
	[dreg:$0xa] =	wrdreg s30;
	s23 =	sadd.s32 $0x1200, s10  }
0xe: {  	s0 =	sadd.s32 s9, s0;
	s24 =	sadd.s32 $0x6200, s10;
	[dreg:$0x5] =	wrdreg s23  }
0xf: {  	s8 =	smul.u32 $0x13880, s8;
	s0 =	sadd.s32 $0x2F4200, s0;
	[dreg:$0x6] =	wrdreg s24  }
0x10: {  	s9 =	sadd.s32 s25, s1;
	s10 =	sor.u32 $0x1C05, s31;
	[dreg:$0x9] =	wrdreg s0  }
0x11: {  	s26 =	simm.s32 $0x8800;
	s9 =	sshrl.u32 s9, $0x3;
	[dreg:$0xb] =	wrdreg s10  }
0x12: {  	s25 =	simm.s32 $0x1;
	s8 =	sadd.s32 s6, s8;
	[dreg:$0xc] =	wrdreg s9  }
0x13: {  	v37 =	vimm.f32 $0.0e+00;
	vm0 =	vmmov $0x1;
	s24 =	simm.s32 $0x7800;
	[dreg:$0x8] =	wrdreg s8;
	s8 =	simm.s32 $0x1400  }
.LBB2_1:
0x14: {  	[dreg:$0xd] =	wrdreg s11  }
0x15: {  	s0 =	rddreg [dreg:$0x5]  }
0x16: {  	[tilespmem:s3], [sflag:$0x5] =	stream.linear.gather [hbm4b:s0+s3], $0x1400, $0x38;
	[tilespmem:$0x1E800] =	vst v63  }
0x17: {  	_ =	swait.ge [sflag:s2], $0x1400  }
0x18: {  	[sflag:s2] =	ssyncset.done $0x0  }
0x19: {  	s30 =	rddreg [dreg:$0x6];
	[sflag:s2] =	ssyncadd.s32 $0xFFFFEC00  }
0x1a: {  	[tilespmem:s8], [sflag:$0x5] =	stream.linear.gather [hbm4b:s30+s3], $0x1400, $0x38;
	[tilespmem:$0x1E800] =	vst v63  }
0x1b: {  	_ =	swait.ge [sflag:s2], $0x1400  }
0x1c: {  	[sflag:s2] =	ssyncset.done $0x0  }
0x1d: {  	s31 =	rddreg [dreg:$0x7];
	[sflag:s2] =	ssyncadd.s32 $0xFFFFEC00  }
0x1e: {  	[spmem:s9], [sflag:s10] =	dma.local [hbm:s31], $0x2800  }
0x1f: {  	_ =	swait.ge [sflag:s2], $0x2800  }
0x20: {  	[sflag:s2] =	ssyncset.done $0x0  }
0x21: {  	s0 =	simm.s32 $0x0;
	[sflag:s2] =	ssyncadd.s32 $0xFFFFD800  }
0x22: {  	[tilespmem:s0+$0x9870] =	vst v37  }
0x23: {  	[tilespmem:s0+$0x8850] =	vst v37  }
0x24: {  	[tilespmem:s0+$0x9850] =	vst v37  }
0x25: {  	[tilespmem:s0+$0x8860] =	vst v37  }
0x26: {  	s2 =	simm.s32 $0x200;
	[tilespmem:s0+$0x9860] =	vst v37  }
.LBB2_2:
0x27: {  	p0 =	sne.s32 s2, $0x3E00;
	[tilespmem:s0+$0x8870] =	vst v37;
	s0 =	sshra.s32 s2, $0x2;
	s2 =	sadd.s32 $0x200, s2  }
.Ltmp0:
0x28: {  	[tilespmem:s0+$0x9870] =	vst v37;
	(pc) =	sbr.rel @p0 .LBB2_2-.Ltmp0, $4  }
0x29: {  	[tilespmem:s0+$0x8850] =	vst v37  }
0x2a: {  	[tilespmem:s0+$0x9850] =	vst v37  }
0x2b: {  	[tilespmem:s0+$0x8860] =	vst v37  }
0x2c: {  	[tilespmem:s0+$0x9860] =	vst v37  }
0x2d: {  	[tilespmem:s0+$0x8870] =	vst v37  }
0x2e: {  	s2 =	simm.s32 $0x20;
	s22 =	simm.s32 $0x2800;
	[bflag:$0x0] =	sbarrier.arrive $0xFFFF  }
0x2f: {  	[tilespmem:s22], [sflag:$0x1] =	stream.indirect.gather [hbm4b:s4+s2], $0x80, s8, s2, $0xb8;
	[tilespmem:$0x1E800] =	vst v63  }
0x30: {  	s18 =	simm.s32 $0x0;
	s23 =	simm.s32 $0x3800  }
0x31: {  	[tilespmem:s23], [sflag:$0x1] =	stream.indirect.gather [hbm4b:s5+s2], $0x80, s18, s2, $0xb8;
	[tilespmem:$0x1E800] =	vst v63  }
0x32: {  	s31 =	simm.s32 $0x4800;
	s19 =	simm.s32 $0x0;
	s30 =	rddreg [dreg:$0x8]  }
0x33: {  	[tilespmem:s31], [sflag:$0x1] =	stream.linear.gather [hbm4b:s30+s18], $0x1000, $0x38;
	[tilespmem:$0x1E800] =	vst v63  }
.LBB2_4:
0x34: {  	s15 =	sshll.u32 s19, $0x6  }
0x35: {  	s8 =	simm.s32 $0x5800;
	s0 =	sor.u32 $0x20, s15;
	s20 =	sadd.s32 $0x1420, s15  }
0x36: {  	[tilespmem:s8], [sflag:$0x2] =	stream.indirect.gather [hbm4b:s4+s21], $0x80, s20, s21, $0xb8;
	[tilespmem:$0x1E800] =	vst v63  }
0x37: {  	s23 =	smin.u32 s2, $0x1368;
	s10 =	simm.s32 $0x6800;
	s9 =	smin.u32 s0, $0x1368  }
0x38: {  	s31 =	smax.u32 s18, $0x1368;
	s30 =	ssub.s32 s18, s23;
	s9 =	sadd.s32 s7, s9  }
0x39: {  	[tilespmem:s10], [sflag:$0x2] =	stream.indirect.gather [hbm4b:s5+s21], $0x80, s0, s21, $0xb8;
	[tilespmem:$0x1E800] =	vst v63  }
0x3a: {  	[dreg:$0x4] =	wrdreg s30;
	s10 =	sadd.s32 $0xFFFFEC98, s31;
	s11 =	sshll.u32 s9, $0x4  }
0x3b: {  	[dreg:$0x3] =	wrdreg s10;
	s12 =	sadd.s32 s6, s11  }
0x3c: {  	[tilespmem:s24], [sflag:$0x2] =	stream.linear.gather [hbm4b:s12+s3], $0x1000, $0x38;
	[tilespmem:$0x1E800] =	vst v63  }
0x3d: {  	_ =	swait.ge [sflag:s25], $0x1000  }
0x3e: {  	[sflag:s25] =	ssyncset.done $0x0  }
0x3f: {  	[sflag:s25] =	ssyncadd.s32 $0xFFFFF000  }
0x40: {  	_ =	swait.ge [sflag:s25], $0x1000  }
0x41: {  	[sflag:s25] =	ssyncset.done $0x0  }
0x42: {  	[sflag:s25] =	ssyncadd.s32 $0xFFFFF000  }
0x43: {  	_ =	swait.ge [sflag:s25], $0x1000  }
0x44: {  	p0 =	seq.s32 s19, $0x0;
	[sflag:s25] =	ssyncset.done $0x0  }
0x45: {  	s0 =	simm.s32 @!p0 $0x3;
	[sflag:s25] =	ssyncadd.s32 $0xFFFFF000  }
0x46: {  	_ =	swait.ge @!p0 [sflag:s0], $0x1000  }
0x47: {  	s13 =	rddreg [dreg:$0x3]  }
0x48: {  	s11 =	sadd.s32 $0x0, s13  }
0x49: {  	p1 =	slt.s32 s11, $0x1F;
	s9 =	smov.u32 s11  }
0x4a: {  	[sflag:s0] =	ssyncset.done @!p0 $0x0;
	s9 =	simm.s32 @!p1 $0x1F  }
0x4b: {  	s8 =	simm.s32 $0x3A00;
	[sflag:s0] =	ssyncadd.s32 @!p0 $0xFFFFF000;
	s14 =	sshll.u32 s9, $0x7  }
0x4c: {  	v1 =	vld [tilespmem:s8+$0xFFFFFE40];
	s0 =	sand.u32 $0x3FFFFF80, s14  }
0x4d: {  	v16 =	vld [tilespmem:s0+$0x4800];
	_ =	sdelay $0x4  }
0x4e: {  	v0 =	vadd.f32 v1, v16  }
0x4f: {  	s10 =	simm.s32 $0x8A00;
	v2 =	vld [tilespmem:s8+$0xFFFFFE00];
	s9 =	simm.s32 $0x2A00  }
0x50: {  	v13 =	vld [tilespmem:s9+$0xFFFFFE00];
	[tilespmem:s10+$0xFFFFFE00] =	vst v0  }
0x51: {  	v27 =	vld [tilespmem:s0+$0x4810]  }
0x52: {  	v1 =	vld [tilespmem:s8+$0xFFFFFE50]  }
0x53: {  	[tilespmem:$0x1FEC0] =	vst v0;
	v0 =	vld [tilespmem:s8+$0xFFFFFE10];
	_ =	sdelay $0x4  }
0x54: {  	[tilespmem:$0x1FE30] =	vst v0;
	v0 =	vadd.f32 v1, v27;
	v1 =	vld [tilespmem:s9+$0xFFFFFE10];
	_ =	sdelay $0x1  }
0x55: {  	[tilespmem:s10+$0xFFFFFE10] =	vst v0  }
0x56: {  	v33 =	vld [tilespmem:s0+$0x4820]  }
0x57: {  	[tilespmem:$0x1FED0] =	vst v0;
	v0 =	vld [tilespmem:s8+$0xFFFFFE20]  }
0x58: {  	[tilespmem:$0x1FE40] =	vst v1;
	v1 =	vld [tilespmem:s8+$0xFFFFFE60];
	_ =	sdelay $0x4  }
0x59: {  	[tilespmem:$0x1FE50] =	vst v0;
	v0 =	vadd.f32 v1, v33;
	_ =	sdelay $0x1  }
0x5a: {  	v1 =	vld [tilespmem:s9+$0xFFFFFE20];
	[tilespmem:s10+$0xFFFFFE20] =	vst v0  }
0x5b: {  	v29 =	vld [tilespmem:s0+$0x4830]  }
0x5c: {  	v4 =	vld [tilespmem:s8+$0xFFFFFE70]  }
0x5d: {  	[tilespmem:$0x1FEE0] =	vst v0;
	v0 =	vld [tilespmem:s8+$0xFFFFFE30];
	_ =	sdelay $0x2  }
0x5e: {  	s0 =	sadd.s32 $0x1, s11  }
0x5f: {  	p1 =	slt.s32 s0, $0x1F  }
0x60: {  	s0 =	simm.s32 @!p1 $0x1F;
	[tilespmem:$0x1FE70] =	vst v0;
	v0 =	vadd.f32 v4, v29  }
0x61: {  	[tilespmem:$0x1FE60] =	vst v1;
	s0 =	sshll.u32 s0, $0x7  }
0x62: {  	v1 =	vld [tilespmem:s9+$0xFFFFFE30];
	s0 =	sand.u32 $0x3FFFFF80, s0;
	[tilespmem:s10+$0xFFFFFE30] =	vst v0  }
0x63: {  	v39 =	vld [tilespmem:s0+$0x4800]  }
0x64: {  	v5 =	vld [tilespmem:s8+$0xFFFFFEC0];
	_ =	sdelay $0x4  }
0x65: {  	[tilespmem:$0x1FEF0] =	vst v0;
	v0 =	vadd.f32 v5, v39  }
0x66: {  	v44 =	vld [tilespmem:s8+$0xFFFFFE80]  }
0x67: {  	v42 =	vld [tilespmem:s9+$0xFFFFFE80];
	[tilespmem:s10+$0xFFFFFE80] =	vst v0  }
0x68: {  	v45 =	vld [tilespmem:s0+$0x4810]  }
0x69: {  	v6 =	vld [tilespmem:s8+$0xFFFFFED0];
	_ =	sdelay $0x4  }
0x6a: {  	[tilespmem:$0x1FF00] =	vst v0;
	v0 =	vadd.f32 v6, v45  }
0x6b: {  	[tilespmem:$0x1FE90] =	vst v1;
	v47 =	vld [tilespmem:s8+$0xFFFFFE90]  }
0x6c: {  	v1 =	vld [tilespmem:s9+$0xFFFFFE90];
	[tilespmem:s10+$0xFFFFFE90] =	vst v0  }
0x6d: {  	v43 =	vld [tilespmem:s0+$0x4820]  }
0x6e: {  	v6 =	vld [tilespmem:s8+$0xFFFFFEE0];
	_ =	sdelay $0x4  }
0x6f: {  	[tilespmem:$0x1FF10] =	vst v0;
	v0 =	vadd.f32 v6, v43  }
0x70: {  	[tilespmem:$0x1FE80] =	vst v1;
	v46 =	vld [tilespmem:s8+$0xFFFFFEA0]  }
0x71: {  	v1 =	vld [tilespmem:s9+$0xFFFFFEA0];
	[tilespmem:s10+$0xFFFFFEA0] =	vst v0  }
0x72: {  	v6 =	vld [tilespmem:s8+$0xFFFFFEF0]  }
0x73: {  	v38 =	vld [tilespmem:s0+$0x4830];
	_ =	sdelay $0x3  }
0x74: {  	s0 =	sadd.s32 $0x2, s11  }
0x75: {  	[tilespmem:$0x1FF20] =	vst v0;
	p1 =	slt.s32 s0, $0x1F;
	v0 =	vadd.f32 v6, v38  }
0x76: {  	[tilespmem:$0x1FEA0] =	vst v1;
	v41 =	vld [tilespmem:s8+$0xFFFFFEB0];
	s0 =	simm.s32 @!p1 $0x1F  }
0x77: {  	v1 =	vld [tilespmem:s9+$0xFFFFFEB0];
	s0 =	sshll.u32 s0, $0x7;
	[tilespmem:s10+$0xFFFFFEB0] =	vst v0  }
0x78: {  	s0 =	sand.u32 $0x3FFFFF80, s0;
	v6 =	vld [tilespmem:s8+$0xFFFFFF40]  }
0x79: {  	v54 =	vld [tilespmem:s0+$0x4800];
	_ =	sdelay $0x4  }
0x7a: {  	[tilespmem:$0x1FF30] =	vst v0;
	v0 =	vadd.f32 v6, v54  }
0x7b: {  	v55 =	vld [tilespmem:s8+$0xFFFFFF00]  }
0x7c: {  	v56 =	vld [tilespmem:s9+$0xFFFFFF00];
	[tilespmem:s10+$0xFFFFFF00] =	vst v0  }
0x7d: {  	v6 =	vld [tilespmem:s8+$0xFFFFFF50]  }
0x7e: {  	v57 =	vld [tilespmem:s0+$0x4810];
	_ =	sdelay $0x4  }
0x7f: {  	[tilespmem:$0x1FF40] =	vst v0;
	v0 =	vadd.f32 v6, v57  }
0x80: {  	v58 =	vld [tilespmem:s8+$0xFFFFFF10]  }
0x81: {  	v52 =	vld [tilespmem:s9+$0xFFFFFF10];
	[tilespmem:s10+$0xFFFFFF10] =	vst v0  }
0x82: {  	v6 =	vld [tilespmem:s8+$0xFFFFFF60]  }
0x83: {  	v59 =	vld [tilespmem:s0+$0x4820];
	_ =	sdelay $0x4  }
0x84: {  	[tilespmem:$0x1FF50] =	vst v0;
	v0 =	vadd.f32 v6, v59  }
0x85: {  	v60 =	vld [tilespmem:s8+$0xFFFFFF20]  }
0x86: {  	v50 =	vld [tilespmem:s9+$0xFFFFFF20];
	[tilespmem:s10+$0xFFFFFF20] =	vst v0  }
0x87: {  	v9 =	vld [tilespmem:s8+$0xFFFFFF70]  }
0x88: {  	v49 =	vld [tilespmem:s0+$0x4830];
	_ =	sdelay $0x3  }
0x89: {  	s0 =	sadd.s32 $0x3, s11  }
0x8a: {  	[tilespmem:$0x1FFE0] =	vst v0;
	p1 =	slt.s32 s0, $0x1F;
	v0 =	vadd.f32 v9, v49  }
0x8b: {  	v51 =	vld [tilespmem:s8+$0xFFFFFF30];
	s0 =	simm.s32 @!p1 $0x1F  }
0x8c: {  	v48 =	vld [tilespmem:s9+$0xFFFFFF30];
	s0 =	sshll.u32 s0, $0x7;
	[tilespmem:s10+$0xFFFFFF30] =	vst v0  }
0x8d: {  	s0 =	sand.u32 $0x3FFFFF80, s0;
	v14 =	vld [tilespmem:s8+$0xFFFFFFC0]  }
0x8e: {  	v61 =	vld [tilespmem:s0+$0x4800];
	_ =	sdelay $0x4  }
0x8f: {  	[tilespmem:$0x1FFF0] =	vst v0;
	v0 =	vadd.f32 v14, v61  }
0x90: {  	v62 =	vld [tilespmem:s8+$0xFFFFFF80]  }
0x91: {  	v63 =	vld [tilespmem:s9+$0xFFFFFF80];
	[tilespmem:s10+$0xFFFFFF80] =	vst v0  }
0x92: {  	v15 =	vld [tilespmem:s8+$0xFFFFFFD0]  }
0x93: {  	v9 =	vld [tilespmem:s0+$0x4810];
	_ =	sdelay $0x4  }
0x94: {  	[tilespmem:$0x1FF60] =	vst v0;
	v0 =	vadd.f32 v15, v9  }
0x95: {  	v30 =	vld [tilespmem:s8+$0xFFFFFF90]  }
0x96: {  	v32 =	vld [tilespmem:s9+$0xFFFFFF90];
	[tilespmem:s10+$0xFFFFFF90] =	vst v0  }
0x97: {  	v18 =	vld [tilespmem:s8+$0xFFFFFFE0]  }
0x98: {  	v17 =	vld [tilespmem:s0+$0x4820];
	_ =	sdelay $0x4  }
0x99: {  	[tilespmem:$0x1FF70] =	vst v0;
	v0 =	vadd.f32 v18, v17  }
0x9a: {  	v34 =	vld [tilespmem:s9+$0xFFFFFFA0]  }
0x9b: {  	v28 =	vld [tilespmem:s8+$0xFFFFFFA0];
	[tilespmem:s10+$0xFFFFFFA0] =	vst v0  }
0x9c: {  	v18 =	vld [tilespmem:s8+$0xFFFFFFF0]  }
0x9d: {  	v11 =	vld [tilespmem:s0+$0x4830];
	_ =	sdelay $0x3  }
0x9e: {  	s0 =	sadd.s32 $0x4, s11  }
0x9f: {  	[tilespmem:$0x1FF80] =	vst v0;
	p1 =	slt.s32 s0, $0x1F;
	v0 =	vadd.f32 v18, v11  }
0xa0: {  	v53 =	vld [tilespmem:s9+$0xFFFFFFB0];
	s0 =	simm.s32 @!p1 $0x1F  }
0xa1: {  	v31 =	vld [tilespmem:s8+$0xFFFFFFB0];
	s0 =	sshll.u32 s0, $0x7;
	[tilespmem:s10+$0xFFFFFFB0] =	vst v0  }
0xa2: {  	s0 =	sand.u32 $0x3FFFFF80, s0;
	v18 =	vld [tilespmem:s8+$0x40]  }
0xa3: {  	v5 =	vld [tilespmem:s0+$0x4800];
	_ =	sdelay $0x4  }
0xa4: {  	[tilespmem:$0x1FF90] =	vst v0;
	v0 =	vadd.f32 v18, v5  }
0xa5: {  	v23 =	vld [tilespmem:s9+$0x0]  }
0xa6: {  	v19 =	vld [tilespmem:s8+$0x0];
	[tilespmem:s10+$0x0] =	vst v0  }
0xa7: {  	v18 =	vld [tilespmem:s8+$0x50]  }
0xa8: {  	v6 =	vld [tilespmem:s0+$0x4810];
	_ =	sdelay $0x4  }
0xa9: {  	[tilespmem:$0x1FFA0] =	vst v0;
	v0 =	vadd.f32 v18, v6  }
0xaa: {  	v24 =	vld [tilespmem:s9+$0x10]  }
0xab: {  	v20 =	vld [tilespmem:s8+$0x10];
	[tilespmem:s10+$0x10] =	vst v0  }
0xac: {  	v18 =	vld [tilespmem:s8+$0x60]  }
0xad: {  	v7 =	vld [tilespmem:s0+$0x4820];
	_ =	sdelay $0x4  }
0xae: {  	[tilespmem:$0x1FFB0] =	vst v0;
	v0 =	vadd.f32 v18, v7  }
0xaf: {  	v25 =	vld [tilespmem:s9+$0x20]  }
0xb0: {  	v22 =	vld [tilespmem:s8+$0x20];
	[tilespmem:s10+$0x20] =	vst v0  }
0xb1: {  	v18 =	vld [tilespmem:s8+$0x70]  }
0xb2: {  	v8 =	vld [tilespmem:s0+$0x4830];
	_ =	sdelay $0x3  }
0xb3: {  	s0 =	sadd.s32 $0x5, s11  }
0xb4: {  	[tilespmem:$0x1FFC0] =	vst v0;
	p1 =	slt.s32 s0, $0x1F;
	v0 =	vadd.f32 v18, v8  }
0xb5: {  	v26 =	vld [tilespmem:s9+$0x30];
	s0 =	simm.s32 @!p1 $0x1F  }
0xb6: {  	v21 =	vld [tilespmem:s8+$0x30];
	s0 =	sshll.u32 s0, $0x7;
	[tilespmem:s10+$0x30] =	vst v0  }
0xb7: {  	s0 =	sand.u32 $0x3FFFFF80, s0;
	v18 =	vld [tilespmem:s8+$0xC0]  }
0xb8: {  	[tilespmem:$0x1FEB0] =	vst v1;
	v1 =	vld [tilespmem:s0+$0x4800]  }
0xb9: {  	[tilespmem:$0x1FFD0] =	vst v0;
	v0 =	vld [tilespmem:$0x1FE30];
	_ =	sdelay $0x3  }
0xba: {  	v14 =	vld [tilespmem:s9+$0x80];
	v40 =	vadd.f32 v18, v1  }
0xbb: {  	v27 =	vadd.f32 v27, v0;
	v0 =	vld [tilespmem:$0x1FE40]  }
0xbc: {  	v16 =	vadd.f32 v16, v2;
	v10 =	vld [tilespmem:s8+$0x80];
	[tilespmem:s10+$0x80] =	vst v40  }
0xbd: {  	v18 =	vld [tilespmem:s8+$0xD0]  }
0xbe: {  	v16 =	vmul.f32 v16, v13;
	v3 =	vld [tilespmem:s0+$0x4810];
	_ =	sdelay $0x1  }
0xbf: {  	v16 =	vadd.f32 $0.0e+00, v16;
	v27 =	vmul.f32 v27, v0;
	v0 =	vld [tilespmem:$0x1FE50];
	_ =	sdelay $0x1  }
0xc0: {  	v16 =	vadd.f32 v27, v16;
	v27 =	vld [tilespmem:$0x1FE60]  }
0xc1: {  	v36 =	vadd.f32 v18, v3  }
0xc2: {  	v15 =	vld [tilespmem:s9+$0x90]  }
0xc3: {  	v12 =	vld [tilespmem:s8+$0x90];
	v33 =	vadd.f32 v33, v0;
	[tilespmem:s10+$0x90] =	vst v36  }
0xc4: {  	v18 =	vld [tilespmem:s8+$0xE0]  }
0xc5: {  	v4 =	vld [tilespmem:s0+$0x4820];
	v27 =	vmul.f32 v33, v27;
	_ =	sdelay $0x1  }
0xc6: {  	v16 =	vadd.f32 v27, v16;
	v27 =	vld [tilespmem:$0x1FE70];
	_ =	sdelay $0x2  }
0xc7: {  	v44 =	vadd.f32 v39, v44;
	v13 =	vld [tilespmem:s8+$0xA0];
	v35 =	vadd.f32 v18, v4  }
0xc8: {  	v18 =	vld [tilespmem:s9+$0xA0]  }
0xc9: {  	[tilespmem:s10+$0xA0] =	vst v35;
	v27 =	vadd.f32 v29, v27;
	v29 =	vmul.f32 v44, v42;
	v42 =	vadd.f32 v54, v55;
	v55 =	vld [tilespmem:$0x1FE90]  }
0xca: {  	v0 =	vld [tilespmem:s8+$0xF0]  }
0xcb: {  	v2 =	vld [tilespmem:s0+$0x4830]  }
0xcc: {  	v54 =	vld [tilespmem:$0x1FE80];
	_ =	sdelay $0x1  }
0xcd: {  	v27 =	vmul.f32 v27, v55;
	v55 =	vld [tilespmem:$0x1FEA0]  }
0xce: {  	v33 =	vadd.f32 v45, v47;
	s0 =	sadd.s32 $0x6, s11  }
0xcf: {  	v43 =	vadd.f32 v43, v46;
	v47 =	vld [tilespmem:$0x1FEB0];
	p1 =	slt.s32 s0, $0x1F;
	v39 =	vadd.f32 v0, v2  }
0xd0: {  	v59 =	vadd.f32 v59, v60;
	v44 =	vld [tilespmem:s8+$0xB0];
	v29 =	vadd.f32 $0.0e+00, v29;
	s0 =	simm.s32 @!p1 $0x1F;
	v33 =	vmul.f32 v33, v54  }
0xd1: {  	v9 =	vadd.f32 v9, v30;
	v42 =	vmul.f32 v42, v56;
	s0 =	sshll.u32 s0, $0x7;
	v54 =	vadd.f32 v57, v58;
	v0 =	vld [tilespmem:s9+$0xB0];
	[tilespmem:s10+$0xB0] =	vst v39  }
0xd2: {  	v56 =	vadd.f32 v38, v41;
	s0 =	sand.u32 $0x3FFFFF80, s0;
	v29 =	vadd.f32 v33, v29;
	v57 =	vld [tilespmem:s8+$0x140];
	v43 =	vmul.f32 v43, v55  }
0xd3: {  	v30 =	vadd.f32 v49, v51;
	v5 =	vadd.f32 v5, v19;
	v58 =	vmul.f32 v54, v52;
	v60 =	vld [tilespmem:s0+$0x4800]  }
0xd4: {  	v33 =	vmul.f32 v56, v47;
	v52 =	vadd.f32 v61, v62;
	v29 =	vadd.f32 v43, v29  }
0xd5: {  	v17 =	vadd.f32 v17, v28;
	v5 =	vmul.f32 v5, v23;
	v6 =	vadd.f32 v6, v20  }
0xd6: {  	v11 =	vadd.f32 v11, v31;
	v33 =	vadd.f32 v33, v29;
	v29 =	vmul.f32 v52, v63  }
0xd7: {  	v5 =	vadd.f32 $0.0e+00, v5;
	v6 =	vmul.f32 v6, v24;
	v1 =	vadd.f32 v1, v10  }
0xd8: {  	v55 =	vadd.f32 $0.0e+00, v29;
	v29 =	vadd.f32 v57, v60  }
0xd9: {  	v5 =	vadd.f32 v6, v5;
	v1 =	vmul.f32 v1, v14;
	v3 =	vadd.f32 v3, v12;
	v56 =	vld [tilespmem:s9+$0x100]  }
0xda: {  	v9 =	vmul.f32 v9, v32;
	v7 =	vadd.f32 v7, v22;
	v42 =	vadd.f32 $0.0e+00, v42;
	v19 =	vld [tilespmem:s8+$0x100];
	[tilespmem:s10+$0x100] =	vst v29  }
0xdb: {  	v10 =	vmul.f32 v17, v34;
	v1 =	vadd.f32 $0.0e+00, v1;
	v3 =	vmul.f32 v3, v15;
	v17 =	vld [tilespmem:s8+$0x150]  }
0xdc: {  	v16 =	vadd.f32 v27, v16;
	v54 =	vmul.f32 v59, v50;
	v27 =	vadd.f32 v58, v42;
	v57 =	vld [tilespmem:s0+$0x4810]  }
0xdd: {  	v6 =	vmul.f32 v7, v25;
	v7 =	vadd.f32 v8, v21;
	v9 =	vadd.f32 v9, v55  }
0xde: {  	v28 =	vmul.f32 v30, v48;
	v1 =	vadd.f32 v3, v1;
	v27 =	vadd.f32 v54, v27  }
0xdf: {  	v4 =	vadd.f32 v4, v13;
	v9 =	vadd.f32 v10, v9;
	v10 =	vmul.f32 v11, v53  }
0xe0: {  	v2 =	vadd.f32 v2, v44;
	(xrf2) =	vadd.scan.msk.f32 $0xffff, v16;
	v8 =	vadd.f32 v28, v27  }
0xe1: {  	v3 =	vmul.f32 v4, v18;
	(xrf2) =	vadd.scan.msk.f32 $0xffff, v33;
	v9 =	vadd.f32 v10, v9;
	v31 =	vadd.f32 v17, v57  }
0xe2: {  	v5 =	vadd.f32 v6, v5;
	v6 =	vmul.f32 v7, v26;
	(xrf2) =	vadd.scan.msk.f32 $0xffff, v8;
	v4 =	vld [tilespmem:s9+$0x110]  }
0xe3: {  	v1 =	vadd.f32 v3, v1;
	v0 =	vmul.f32 v2, v0;
	v7 =	vld [tilespmem:s8+$0x110];
	(xrf2) =	vadd.scan.msk.f32 $0xffff, v9;
	[tilespmem:s10+$0x110] =	vst v31  }
0xe4: {  	v2 =	vadd.f32 v6, v5;
	v3 =	vld [tilespmem:s8+$0x160]  }
0xe5: {  	v0 =	vadd.f32 v0, v1;
	v1 =	vld [tilespmem:s0+$0x4820]  }
0xe6: {  	(xrf2) =	vadd.scan.msk.f32 $0xffff, v2  }
0xe7: {  	(xrf2) =	vadd.scan.msk.f32 $0xffff, v0;
	_ =	sdelay $0x2  }
0xe8: {  	v58 =	vadd.f32 v3, v1;
	v3, _, _ =	vpop (xrf2)  }
0xe9: {  	v2 =	vld [tilespmem:s8+$0x120];
	v5, _, _ =	vpop (xrf2);
	(v2sf) =	vpush v3, $0xF  }
0xea: {  	v0 =	vld [tilespmem:s9+$0x120];
	[tilespmem:s10+$0x120] =	vst v58;
	v8, _, _ =	vpop (xrf2);
	(v2sf) =	vpush v5, $0xF  }
0xeb: {  	v3 =	vadd.f32 v60, v19;
	v5 =	vld [tilespmem:s8+$0x130];
	v9, _, _ =	vpop (xrf2);
	(v2sf) =	vpush v8, $0xF  }
0xec: {  	v7 =	vadd.f32 v57, v7;
	v8 =	vld [tilespmem:s0+$0x4830];
	(v2sf) =	vpush v9, $0xF  }
0xed: {  	v6 =	vld [tilespmem:s8+$0x170];
	v3 =	vmul.f32 v3, v56  }
0xee: {  	v4 =	vmul.f32 v7, v4;
	v1 =	vadd.f32 v1, v2;
	v7 =	vld [tilespmem:s9+$0x130];
	v10, _, _ =	vpop (xrf2)  }
0xef: {  	(v2sf) =	vpush v10, $0xF;
	v9, _, _ =	vpop (xrf2);
	v3 =	vadd.f32 $0.0e+00, v3  }
0xf0: {  	(v2sf) =	vpush v9, $0xF  }
0xf1: {  	v0 =	vmul.f32 v1, v0;
	s0 =	sadd.s32 $0x7, s11;
	v2 =	vadd.f32 v4, v3;
	v1 =	vadd.f32 v8, v5  }
0xf2: {  	p1 =	slt.s32 s0, $0x1F  }
0xf3: {  	s0 =	simm.s32 @!p1 $0x1F;
	v59 =	vadd.f32 v6, v8;
	v0 =	vadd.f32 v0, v2;
	v1 =	vmul.f32 v1, v7  }
0xf4: {  	s0 =	sshll.u32 s0, $0x7  }
0xf5: {  	s0 =	sand.u32 $0x3FFFFF80, s0;
	[tilespmem:s10+$0x130] =	vst v59;
	v0 =	vadd.f32 v1, v0  }
0xf6: {  	v2 =	vld [tilespmem:s0+$0x4800]  }
0xf7: {  	v1 =	vld [tilespmem:s8+$0x1C0];
	(xrf2) =	vadd.scan.msk.f32 $0xffff, v0  }
0xf8: {  	s16 =	spop (v2sf)  }
0xf9: {  	s12 =	spop (v2sf)  }
0xfa: {  	s11 =	smul.f32 $1.250000000e-01, s16;
	s13 =	spop (v2sf)  }
0xfb: {  	s14 =	spop (v2sf)  }
0xfc: {  	v16 =	vadd.f32 v1, v2;
	v3 =	vmov s11;
	s14 =	smul.f32 $1.250000000e-01, s14  }
0xfd: {  	v0 =	vld [tilespmem:s9+$0x180];
	s17 =	smul.f32 $1.250000000e-01, s12;
	v3 =	vmul.f32 $1.442695020e+00, v3  }
0xfe: {  	v1 =	vld [tilespmem:s8+$0x180];
	[tilespmem:s10+$0x180] =	vst v16;
	v7 =	vmov s14  }
0xff: {  	s22 =	spop (v2sf);
	v4 =	vld [tilespmem:s0+$0x4810];
	v6 =	vmov s17;
	v3 =	vbroadcast v3, $0x0  }
0x100: {  	v5 =	vld [tilespmem:s8+$0x1D0];
	s12 =	smul.f32 $1.250000000e-01, s22;
	s16 =	spop (v2sf);
	v6 =	vmul.f32 $1.442695020e+00, v6  }
0x101: {  	s23 =	smul.f32 $1.250000000e-01, s16;
	(erf) = vpow2.f32 v3;
	v3 =	vmul.f32 $1.442695020e+00, v7;
	v7, _, _ =	vpop (xrf2)  }
0x102: {  	v8 =	vmov s12;
	(v2sf) =	vpush v7, $0xF  }
0x103: {  	v6 =	vbroadcast v6, $0x0;
	v9 =	vmov s23;
	v8 =	vmul.f32 $1.442695020e+00, v8  }
0x104: {  	v3 =	vbroadcast v3, $0x0;
	v7 =	vmul.f32 $1.442695020e+00, v9  }
0x105: {  	v23 =	vadd.f32 v5, v4;
	(erf) = vpow2.f32 v6;
	v5 =	vbroadcast v8, $0x0  }
0x106: {  	v6 =	vld [tilespmem:s8+$0x190];
	(erf) = vpow2.f32 v3;
	v3 =	vbroadcast v7, $0x0  }
0x107: {  	v9 =	vld [tilespmem:s9+$0x190];
	[tilespmem:s10+$0x190] =	vst v23;
	(erf) = vpow2.f32 v5  }
0x108: {  	v7 =	vld [tilespmem:s8+$0x1E0];
	(erf) = vpow2.f32 v3  }
0x109: {  	v5 =	vld [tilespmem:s0+$0x4820];
	_ =	sdelay $0x3  }
0x10a: {  	v3 =	vpop (erf)  }
0x10b: {  	v10 =	vld [tilespmem:s8+$0x1A0];
	v27 =	vadd.f32 v7, v5;
	v7 =	vpop (erf)  }
0x10c: {  	v19 =	vld [tilespmem:$0x1FED0];
	v1 =	vadd.f32 v2, v1;
	v11 =	vpop (erf)  }
0x10d: {  	v8 =	vld [tilespmem:s9+$0x1A0];
	v4 =	vadd.f32 v4, v6;
	[tilespmem:s10+$0x1A0] =	vst v27;
	v17 =	vpop (erf)  }
0x10e: {  	v0 =	vmul.f32 v1, v0;
	v2 =	vld [tilespmem:s0+$0x4830];
	v61 =	vpop (erf);
	s31 =	spop (v2sf)  }
0x10f: {  	v4 =	vmul.f32 v4, v9;
	v6 =	vld [tilespmem:s8+$0x1F0];
	v9 =	vmul.f32 v61, v36;
	s0 =	smul.f32 $1.250000000e-01, s31  }
0x110: {  	v5 =	vadd.f32 v5, v10;
	v1 =	vld [tilespmem:s8+$0x1B0]  }
0x111: {  	v0 =	vadd.f32 $0.0e+00, v0;
	v15 =	vld [tilespmem:s9+$0x1B0];
	[tilespmem:s10+$0x90] =	vst v9;
	v9 =	vmov s0  }
0x112: {  	v10 =	vld [tilespmem:$0x1FEC0];
	v5 =	vmul.f32 v5, v8;
	v8 =	vnsel vm0, $0x0, v61;
	v9 =	vmul.f32 $1.442695020e+00, v9  }
0x113: {  	s30 =	smul.f32 $1.250000000e-01, s13;
	[tilespmem:s10+$0xC0] =	vst v8;
	v8 =	vld [tilespmem:$0x1FEE0]  }
0x114: {  	v0 =	vadd.f32 v4, v0;
	v4 =	vbroadcast v9, $0x0;
	v9 =	vld [tilespmem:$0x1FEF0]  }
0x115: {  	v60 =	vmov s30;
	v1 =	vadd.f32 v2, v1  }
0x116: {  	v12 =	vmul.f32 $1.442695020e+00, v60  }
0x117: {  	v19 =	vmul.f32 v3, v19;
	v0 =	vadd.f32 v5, v0;
	v1 =	vmul.f32 v1, v15  }
0x118: {  	v10 =	vmul.f32 v3, v10;
	v8 =	vmul.f32 v3, v8  }
0x119: {  	v0 =	vadd.f32 v1, v0;
	v1 =	vnsel vm0, $0x0, v3;
	v9 =	vmul.f32 v3, v9;
	v3 =	vld [tilespmem:$0x1FF10];
	_ =	sdelay $0x1  }
0x11a: {  	v12 =	vbroadcast v12, $0x0  }
0x11b: {  	[tilespmem:s10+$0xFFFFFE40] =	vst v1;
	v1 =	vld [tilespmem:$0x1FF20]  }
0x11c: {  	(erf) = vpow2.f32 v12;
	(xrf2) =	vadd.scan.msk.f32 $0xffff, v0;
	v0 =	vld [tilespmem:$0x1FF30]  }
0x11d: {  	(erf) = vpow2.f32 v4;
	v4 =	vld [tilespmem:$0x1FF00];
	v3 =	vmul.f32 v7, v3;
	_ =	sdelay $0x1  }
0x11e: {  	[tilespmem:s10+$0xFFFFFE90] =	vst v3;
	v3 =	vld [tilespmem:$0x1FF60]  }
0x11f: {  	v1 =	vmul.f32 v7, v1;
	_ =	sdelay $0x1  }
0x120: {  	v0 =	vmul.f32 v7, v0;
	v4 =	vmul.f32 v7, v4;
	[tilespmem:s10+$0xFFFFFEA0] =	vst v1;
	v1 =	vld [tilespmem:$0x1FF40]  }
0x121: {  	[tilespmem:s10+$0xFFFFFE10] =	vst v19  }
0x122: {  	[tilespmem:s10+$0xFFFFFEB0] =	vst v0;
	v0 =	vnsel vm0, $0x0, v7;
	v19 =	vmul.f32 v11, v3;
	v3 =	vld [tilespmem:$0x1FF70]  }
0x123: {  	[tilespmem:s10+$0xFFFFFEC0] =	vst v0;
	v0 =	vld [tilespmem:$0x1FF50]  }
0x124: {  	[tilespmem:s10+$0xFFFFFE80] =	vst v4;
	v4 =	vpop (erf)  }
0x125: {  	v18 =	vmul.f32 v61, v39;
	v1 =	vmul.f32 v4, v1;
	_ =	sdelay $0x1  }
0x126: {  	[tilespmem:s10+$0xB0] =	vst v18;
	v18 =	vmul.f32 v11, v3;
	v3 =	vld [tilespmem:$0x1FF80]  }
0x127: {  	v0 =	vmul.f32 v4, v0  }
0x128: {  	[tilespmem:s10+$0xFFFFFF00] =	vst v1;
	v1 =	vpop (erf)  }
0x129: {  	[tilespmem:s10+$0xFFFFFF10] =	vst v0;
	v0 =	vmul.f32 v1, v29  }
0x12a: {  	v5 =	vld [tilespmem:$0x1FF90]  }
0x12b: {  	[tilespmem:s10+$0x100] =	vst v0;
	v0 =	vld [tilespmem:$0x1FFB0];
	v20 =	vmul.f32 v11, v3;
	v3 =	vnsel vm0, $0x0, v1  }
0x12c: {  	[tilespmem:s10+$0x140] =	vst v3;
	v3 =	vld [tilespmem:$0x1FFA0];
	_ =	sdelay $0x2  }
0x12d: {  	v21 =	vmul.f32 v11, v5;
	v5 =	vmul.f32 v1, v58  }
0x12e: {  	v24 =	vmul.f32 v17, v0;
	v0 =	vmul.f32 v1, v31  }
0x12f: {  	v28 =	vmul.f32 v17, v3;
	v3 =	vmul.f32 v1, v59;
	v1 =	vld [tilespmem:$0x1FFC0];
	_ =	sdelay $0x4  }
0x130: {  	v29 =	vmul.f32 v17, v1;
	v1 =	vld [tilespmem:$0x1FFD0];
	_ =	sdelay $0x2  }
0x131: {  	v62 =	vmul.f32 v61, v40  }
0x132: {  	v63 =	vmul.f32 v61, v35;
	[tilespmem:s10+$0xFFFFFE00] =	vst v10  }
0x133: {  	[tilespmem:s10+$0x80] =	vst v62;
	v22 =	vadd.f32 v6, v2;
	v2 =	vld [tilespmem:$0x1FFE0];
	v25 =	vmul.f32 v17, v1;
	v1, _, _ =	vpop (xrf2)  }
0x134: {  	[tilespmem:s10+$0xA0] =	vst v63;
	(v2sf) =	vpush v1, $0xF;
	v1 =	vld [tilespmem:$0x1FFF0]  }
0x135: {  	[tilespmem:s10+$0xFFFFFE20] =	vst v8  }
0x136: {  	[tilespmem:s10+$0xFFFFFE30] =	vst v9  }
0x137: {  	[tilespmem:s10+$0x120] =	vst v5  }
0x138: {  	[tilespmem:s10+$0x110] =	vst v0  }
0x139: {  	s11 =	simm.s32 $0x8;
	s12 =	simm.s32 $0x8A00;
	v2 =	vmul.f32 v4, v2;
	[tilespmem:s10+$0x130] =	vst v3;
	v1 =	vmul.f32 v4, v1  }
.LBB2_5:
0x13a: {  	_ =	sdelay $0xd  }
0x13b: {  	v0 =	vnsel vm0, $0x0, v4;
	s13 =	spop (v2sf)  }
0x13c: {  	[tilespmem:s10+$0xFFFFFF40] =	vst v0;
	v0 =	vnsel vm0, $0x0, v11;
	s13 =	smul.f32 $1.250000000e-01, s13  }
0x13d: {  	[tilespmem:s10+$0xFFFFFFC0] =	vst v0;
	v0 =	vnsel vm0, $0x0, v17  }
0x13e: {  	[tilespmem:s10+$0x40] =	vst v0;
	v0 =	vmov s13  }
0x13f: {  	v0 =	vmul.f32 $1.442695020e+00, v0;
	_ =	sdelay $0x1  }
0x140: {  	v0 =	vbroadcast v0, $0x0;
	_ =	sdelay $0x1  }
0x141: {  	(erf) = vpow2.f32 v0  }
0x142: {  	[tilespmem:s10+$0xFFFFFF80] =	vst v19  }
0x143: {  	[tilespmem:s10+$0xFFFFFF90] =	vst v18  }
0x144: {  	[tilespmem:s10+$0xFFFFFFB0] =	vst v21  }
0x145: {  	[tilespmem:s10+$0x0] =	vst v28  }
0x146: {  	[tilespmem:s10+$0x20] =	vst v29  }
0x147: {  	[tilespmem:s10+$0x30] =	vst v25  }
0x148: {  	[tilespmem:s10+$0xFFFFFF20] =	vst v2  }
0x149: {  	[tilespmem:s10+$0xFFFFFF30] =	vst v1  }
0x14a: {  	[tilespmem:s10+$0xFFFFFFA0] =	vst v20;
	v0 =	vpop (erf)  }
0x14b: {  	[tilespmem:s10+$0x10] =	vst v24;
	v1 =	vmul.f32 v0, v16;
	v3 =	vnsel vm0, $0x0, v0  }
0x14c: {  	s0 =	smov.u32 s11;
	s22 =	rddreg [dreg:$0x3];
	v2 =	vmul.f32 v0, v23;
	[tilespmem:s10+$0x1C0] =	vst v3  }
0x14d: {  	s13 =	sadd.s32 s0, s22;
	v4 =	vmul.f32 v0, v27;
	v0 =	vmul.f32 v0, v22;
	[tilespmem:s10+$0x180] =	vst v1  }
0x14e: {  	p2 =	slt.s32 s13, $0x1F;
	s16 =	smov.u32 s13;
	[tilespmem:s10+$0x190] =	vst v2  }
0x14f: {  	s16 =	simm.s32 @!p2 $0x1F;
	[tilespmem:s10+$0x1B0] =	vst v0  }
0x150: {  	s8 =	sadd.s32 $0x400, s8;
	s16 =	sshll.u32 s16, $0x7;
	[tilespmem:s10+$0x1A0] =	vst v4  }
0x151: {  	s22 =	sand.u32 $0x3FFFFF80, s16;
	v0 =	vld [tilespmem:s8+$0xFFFFFE40]  }
0x152: {  	v1 =	vld [tilespmem:s22+$0x4800];
	_ =	sdelay $0x4  }
0x153: {  	v3 =	vadd.f32 v0, v1  }
0x154: {  	s9 =	sadd.s32 $0x400, s9;
	s12 =	sadd.s32 $0x400, s12;
	v2 =	vld [tilespmem:s8+$0xFFFFFE00]  }
0x155: {  	v0 =	vld [tilespmem:s9+$0xFFFFFE00];
	[tilespmem:s12+$0xFFFFFE00] =	vst v3  }
0x156: {  	v4 =	vld [tilespmem:s22+$0x4810]  }
0x157: {  	v5 =	vld [tilespmem:s8+$0xFFFFFE50];
	_ =	sdelay $0x3  }
0x158: {  	v1 =	vadd.f32 v1, v2  }
0x159: {  	v5 =	vadd.f32 v5, v4  }
0x15a: {  	v0 =	vmul.f32 v1, v0;
	v1 =	vld [tilespmem:s8+$0xFFFFFE10]  }
0x15b: {  	v2 =	vld [tilespmem:s9+$0xFFFFFE10];
	[tilespmem:s12+$0xFFFFFE10] =	vst v5  }
0x15c: {  	v7 =	vld [tilespmem:s22+$0x4820]  }
0x15d: {  	v6 =	vld [tilespmem:s8+$0xFFFFFE60];
	_ =	sdelay $0x1  }
0x15e: {  	v1 =	vadd.f32 v4, v1;
	_ =	sdelay $0x1  }
0x15f: {  	v0 =	vadd.f32 $0.0e+00, v0;
	v1 =	vmul.f32 v1, v2  }
0x160: {  	v6 =	vadd.f32 v6, v7  }
0x161: {  	v0 =	vadd.f32 v1, v0;
	v1 =	vld [tilespmem:s8+$0xFFFFFE20]  }
0x162: {  	v2 =	vld [tilespmem:s9+$0xFFFFFE20];
	[tilespmem:s12+$0xFFFFFE20] =	vst v6  }
0x163: {  	v4 =	vld [tilespmem:s22+$0x4830]  }
0x164: {  	v8 =	vld [tilespmem:s8+$0xFFFFFE70];
	_ =	sdelay $0x1  }
0x165: {  	v1 =	vadd.f32 v7, v1  }
0x166: {  	s0 =	sadd.s32 $0x1, s13  }
0x167: {  	p2 =	slt.s32 s0, $0x1F;
	v1 =	vmul.f32 v1, v2  }
0x168: {  	s0 =	simm.s32 @!p2 $0x1F;
	v10 =	vadd.f32 v8, v4  }
0x169: {  	s0 =	sshll.u32 s0, $0x7;
	v0 =	vadd.f32 v1, v0;
	v1 =	vld [tilespmem:s8+$0xFFFFFE30]  }
0x16a: {  	s0 =	sand.u32 $0x3FFFFF80, s0;
	v2 =	vld [tilespmem:s9+$0xFFFFFE30];
	[tilespmem:s12+$0xFFFFFE30] =	vst v10  }
0x16b: {  	v7 =	vld [tilespmem:s0+$0x4800]  }
0x16c: {  	v8 =	vld [tilespmem:s8+$0xFFFFFEC0];
	_ =	sdelay $0x1  }
0x16d: {  	v1 =	vadd.f32 v4, v1;
	_ =	sdelay $0x1  }
0x16e: {  	v1 =	vmul.f32 v1, v2  }
0x16f: {  	v11 =	vadd.f32 v8, v7  }
0x170: {  	v2 =	vld [tilespmem:s9+$0xFFFFFE80];
	v0 =	vadd.f32 v1, v0  }
0x171: {  	v1 =	vld [tilespmem:s8+$0xFFFFFE80];
	[tilespmem:s12+$0xFFFFFE80] =	vst v11  }
0x172: {  	(xrf2) =	vadd.scan.msk.f32 $0xffff, v0;
	v0 =	vld [tilespmem:s0+$0x4810]  }
0x173: {  	v4 =	vld [tilespmem:s8+$0xFFFFFED0];
	_ =	sdelay $0x3  }
0x174: {  	v1 =	vadd.f32 v7, v1  }
0x175: {  	v12 =	vadd.f32 v4, v0  }
0x176: {  	v1 =	vmul.f32 v1, v2;
	v2 =	vld [tilespmem:s8+$0xFFFFFE90]  }
0x177: {  	v4 =	vld [tilespmem:s9+$0xFFFFFE90];
	[tilespmem:s12+$0xFFFFFE90] =	vst v12  }
0x178: {  	v7 =	vld [tilespmem:s0+$0x4820]  }
0x179: {  	v9 =	vld [tilespmem:s8+$0xFFFFFEE0];
	v8, _, _ =	vpop (xrf2)  }
0x17a: {  	(v2sf) =	vpush v8, $0xF;
	_ =	sdelay $0x3  }
0x17b: {  	v0 =	vadd.f32 v0, v2;
	v15 =	vadd.f32 v9, v7  }
0x17c: {  	v2 =	vld [tilespmem:s8+$0xFFFFFEA0]  }
0x17d: {  	v0 =	vmul.f32 v0, v4;
	v4 =	vld [tilespmem:s9+$0xFFFFFEA0];
	[tilespmem:s12+$0xFFFFFEA0] =	vst v15  }
0x17e: {  	v8 =	vld [tilespmem:s8+$0xFFFFFEF0]  }
0x17f: {  	v9 =	vld [tilespmem:s0+$0x4830];
	_ =	sdelay $0x1  }
0x180: {  	s14 =	sadd.s32 $0x2, s13  }
0x181: {  	s30 =	sadd.s32 $0x5, s13;
	s23 =	sadd.s32 $0x6, s13;
	s10 =	sadd.s32 $0x3, s13;
	v2 =	vadd.f32 v7, v2  }
0x182: {  	p3 =	slt.s32 s14, $0x1F;
	p4 =	slt.s32 s30, $0x1F;
	p2 =	slt.s32 s10, $0x1F  }
0x183: {  	s14 =	simm.s32 @!p3 $0x1F;
	s10 =	simm.s32 @!p2 $0x1F;
	p2 =	slt.s32 s23, $0x1F;
	v2 =	vmul.f32 v2, v4;
	v4 =	vld [tilespmem:s8+$0xFFFFFEB0];
	v18 =	vadd.f32 v8, v9  }
0x184: {  	s30 =	simm.s32 @!p4 $0x1F;
	s14 =	sshll.u32 s14, $0x7;
	s23 =	simm.s32 @!p2 $0x1F  }
0x185: {  	s31 =	sshll.u32 s30, $0x7;
	s30 =	sshll.u32 s23, $0x7;
	v7 =	vld [tilespmem:s9+$0xFFFFFEB0];
	[tilespmem:s12+$0xFFFFFEB0] =	vst v18;
	s23 =	spop (v2sf)  }
0x186: {  	v1 =	vadd.f32 $0.0e+00, v1;
	v8 =	vld [tilespmem:s8+$0xFFFFFF40];
	s0 =	smul.f32 $1.250000000e-01, s23;
	s23 =	sand.u32 $0x3FFFFF80, s14  }
0x187: {  	v14 =	vld [tilespmem:s23+$0x4800]  }
0x188: {  	v0 =	vadd.f32 v0, v1;
	v1 =	vadd.f32 v9, v4  }
0x189: {  	v13 =	vmov s0  }
0x18a: {  	v0 =	vadd.f32 v2, v0;
	v1 =	vmul.f32 v1, v7;
	v13 =	vmul.f32 $1.442695020e+00, v13;
	_ =	sdelay $0x1  }
0x18b: {  	v2 =	vld [tilespmem:s8+$0xFFFFFF00];
	v0 =	vadd.f32 v1, v0;
	v4 =	vbroadcast v13, $0x0;
	v1 =	vadd.f32 v8, v14;
	_ =	sdelay $0x1  }
0x18c: {  	(erf) = vpow2.f32 v4;
	v4 =	vld [tilespmem:s9+$0xFFFFFF00];
	[tilespmem:s12+$0xFFFFFF00] =	vst v1  }
0x18d: {  	(xrf2) =	vadd.scan.msk.f32 $0xffff, v0;
	v0 =	vld [tilespmem:s8+$0xFFFFFF50]  }
0x18e: {  	v56 =	vld [tilespmem:s23+$0x4810]  }
0x18f: {  	v2 =	vadd.f32 v14, v2;
	_ =	sdelay $0x1  }
0x190: {  	v2 =	vmul.f32 v2, v4;
	_ =	sdelay $0x1  }
0x191: {  	v57 =	vadd.f32 $0.0e+00, v2;
	v2 =	vadd.f32 v0, v56  }
0x192: {  	v16 =	vld [tilespmem:s8+$0xFFFFFF10]  }
0x193: {  	v0 =	vld [tilespmem:s9+$0xFFFFFF10];
	v4 =	vpop (erf);
	[tilespmem:s12+$0xFFFFFF10] =	vst v2  }
0x194: {  	v9 =	vmul.f32 v4, v3;
	v3 =	vld [tilespmem:s8+$0xFFFFFF60]  }
0x195: {  	v7 =	vmul.f32 v4, v6;
	v6 =	vmul.f32 v4, v10;
	v10 =	vld [tilespmem:s23+$0x4820];
	_ =	sdelay $0x1  }
0x196: {  	v8 =	vmul.f32 v4, v5;
	v5, _, _ =	vpop (xrf2)  }
0x197: {  	(v2sf) =	vpush v5, $0xF;
	v5 =	vadd.f32 v56, v16;
	_ =	sdelay $0x1  }
0x198: {  	v0 =	vmul.f32 v5, v0;
	v5 =	vld [tilespmem:s8+$0xFFFFFF20];
	v3 =	vadd.f32 v3, v10;
	_ =	sdelay $0x1  }
0x199: {  	v58 =	vld [tilespmem:s9+$0xFFFFFF20];
	[tilespmem:s12+$0xFFFFFF20] =	vst v3  }
0x19a: {  	v59 =	vld [tilespmem:s8+$0xFFFFFF70]  }
0x19b: {  	v16 =	vld [tilespmem:s23+$0x4830]  }
0x19c: {  	v5 =	vadd.f32 v10, v5;
	_ =	sdelay $0x1  }
0x19d: {  	v0 =	vadd.f32 v0, v57;
	v5 =	vmul.f32 v5, v58;
	_ =	sdelay $0x1  }
0x19e: {  	v0 =	vadd.f32 v5, v0;
	v5 =	vadd.f32 v59, v16  }
0x19f: {  	v10 =	vld [tilespmem:s8+$0xFFFFFF30]  }
0x1a0: {  	s17 =	sshll.u32 s10, $0x7;
	v60 =	vld [tilespmem:s9+$0xFFFFFF30];
	[tilespmem:s12+$0xFFFFFF30] =	vst v5  }
0x1a1: {  	s23 =	sand.u32 $0x3FFFFF80, s17;
	v61 =	vld [tilespmem:s8+$0xFFFFFFC0]  }
0x1a2: {  	s14 =	spop (v2sf);
	v19 =	vld [tilespmem:s23+$0x4800]  }
0x1a3: {  	s22 =	smul.f32 $1.250000000e-01, s14  }
0x1a4: {  	v10 =	vadd.f32 v16, v10  }
0x1a5: {  	v17 =	vmov s22  }
0x1a6: {  	v10 =	vmul.f32 v10, v60;
	v17 =	vmul.f32 $1.442695020e+00, v17  }
0x1a7: {  	v16 =	vadd.f32 v61, v19  }
0x1a8: {  	v62 =	vld [tilespmem:s9+$0xFFFFFF80];
	v0 =	vadd.f32 v10, v0;
	v17 =	vbroadcast v17, $0x0  }
0x1a9: {  	v10 =	vld [tilespmem:s8+$0xFFFFFF80];
	[tilespmem:s12+$0xFFFFFF80] =	vst v16  }
0x1aa: {  	(xrf2) =	vadd.scan.msk.f32 $0xffff, v0;
	(erf) = vpow2.f32 v17;
	v0 =	vld [tilespmem:s8+$0xFFFFFFD0]  }
0x1ab: {  	v20 =	vld [tilespmem:s23+$0x4810];
	_ =	sdelay $0x3  }
0x1ac: {  	v10 =	vadd.f32 v19, v10  }
0x1ad: {  	v17 =	vadd.f32 v0, v20  }
0x1ae: {  	v21 =	vld [tilespmem:s8+$0xFFFFFF90]  }
0x1af: {  	v0 =	vld [tilespmem:s9+$0xFFFFFF90];
	[tilespmem:s12+$0xFFFFFF90] =	vst v17  }
0x1b0: {  	v13 =	vmul.f32 v10, v62;
	v22 =	vld [tilespmem:s23+$0x4820];
	v10 =	vpop (erf)  }
0x1b1: {  	v14 =	vmul.f32 v10, v11;
	v11 =	vld [tilespmem:s8+$0xFFFFFFE0];
	_ =	sdelay $0x2  }
0x1b2: {  	v19 =	vadd.f32 $0.0e+00, v13;
	v13 =	vmul.f32 v10, v12;
	v12 =	vmul.f32 v10, v18;
	v18, _, _ =	vpop (xrf2)  }
0x1b3: {  	(v2sf) =	vpush v18, $0xF  }
0x1b4: {  	v18 =	vadd.f32 v20, v21;
	v20 =	vadd.f32 v11, v22  }
0x1b5: {  	v23 =	vld [tilespmem:s8+$0xFFFFFFA0]  }
0x1b6: {  	v21 =	vld [tilespmem:s9+$0xFFFFFFA0];
	v0 =	vmul.f32 v18, v0;
	[tilespmem:s12+$0xFFFFFFA0] =	vst v20  }
0x1b7: {  	v18 =	vld [tilespmem:s8+$0xFFFFFFF0]  }
0x1b8: {  	v0 =	vadd.f32 v0, v19;
	v19 =	vld [tilespmem:s23+$0x4830];
	_ =	sdelay $0x1  }
0x1b9: {  	v11 =	vadd.f32 v22, v23;
	v22 =	vld [tilespmem:s8+$0xFFFFFFB0];
	_ =	sdelay $0x1  }
0x1ba: {  	s16 =	sadd.s32 $0x4, s13;
	v11 =	vmul.f32 v11, v21;
	v21 =	vld [tilespmem:s9+$0xFFFFFFB0]  }
0x1bb: {  	p3 =	slt.s32 s16, $0x1F;
	v28 =	vadd.f32 v18, v19  }
0x1bc: {  	s16 =	simm.s32 @!p3 $0x1F  }
0x1bd: {  	s16 =	sshll.u32 s16, $0x7;
	v18 =	vadd.f32 v19, v22;
	[tilespmem:s12+$0xFFFFFFB0] =	vst v28  }
0x1be: {  	s23 =	sand.u32 $0x3FFFFF80, s16;
	v19 =	vld [tilespmem:s8+$0x40]  }
0x1bf: {  	v0 =	vadd.f32 v11, v0;
	v11 =	vmul.f32 v18, v21;
	v18 =	vld [tilespmem:s23+$0x4800];
	_ =	sdelay $0x2  }
0x1c0: {  	v0 =	vadd.f32 v11, v0;
	v11 =	vld [tilespmem:s8+$0x0];
	_ =	sdelay $0x1  }
0x1c1: {  	(xrf2) =	vadd.scan.msk.f32 $0xffff, v0;
	v23 =	vadd.f32 v19, v18  }
0x1c2: {  	v21 =	vld [tilespmem:s9+$0x0]  }
0x1c3: {  	[tilespmem:s12+$0x0] =	vst v23  }
0x1c4: {  	v0 =	vadd.f32 v18, v11;
	v11 =	vld [tilespmem:s8+$0x50]  }
0x1c5: {  	v18 =	vld [tilespmem:s23+$0x4810];
	_ =	sdelay $0x1  }
0x1c6: {  	v0 =	vmul.f32 v0, v21;
	v21 =	vld [tilespmem:s8+$0x10];
	_ =	sdelay $0x1  }
0x1c7: {  	v19 =	vld [tilespmem:s9+$0x10]  }
0x1c8: {  	v24 =	vadd.f32 v11, v18  }
0x1c9: {  	v11, _, _ =	vpop (xrf2)  }
0x1ca: {  	s17 =	spop (v2sf);
	(v2sf) =	vpush v11, $0xF;
	v11 =	vadd.f32 v18, v21;
	[tilespmem:s12+$0x10] =	vst v24  }
0x1cb: {  	v18 =	vld [tilespmem:s8+$0x60]  }
0x1cc: {  	v11 =	vmul.f32 v11, v19;
	v19 =	vld [tilespmem:s23+$0x4820];
	_ =	sdelay $0x1  }
0x1cd: {  	v0 =	vadd.f32 $0.0e+00, v0;
	_ =	sdelay $0x1  }
0x1ce: {  	v0 =	vadd.f32 v11, v0;
	v11 =	vld [tilespmem:s8+$0x20]  }
0x1cf: {  	v25 =	vadd.f32 v18, v19;
	_ =	sdelay $0x1  }
0x1d0: {  	v21 =	vld [tilespmem:s9+$0x20];
	[tilespmem:s12+$0x20] =	vst v25  }
0x1d1: {  	v18 =	vld [tilespmem:s8+$0x70]  }
0x1d2: {  	v11 =	vadd.f32 v19, v11;
	v19 =	vld [tilespmem:s23+$0x4830];
	_ =	sdelay $0x1  }
0x1d3: {  	v26 =	vld [tilespmem:s8+$0x30];
	_ =	sdelay $0x1  }
0x1d4: {  	v11 =	vmul.f32 v11, v21;
	v21 =	vld [tilespmem:s9+$0x30]  }
0x1d5: {  	v27 =	vadd.f32 v18, v19;
	_ =	sdelay $0x1  }
0x1d6: {  	v19 =	vadd.f32 v19, v26;
	[tilespmem:s12+$0x30] =	vst v27  }
0x1d7: {  	s16 =	sand.u32 $0x3FFFFF80, s31;
	s14 =	spop (v2sf);
	v26 =	vld [tilespmem:s8+$0xC0]  }
0x1d8: {  	v0 =	vadd.f32 v11, v0;
	s0 =	smul.f32 $1.250000000e-01, s14;
	v11 =	vmul.f32 v19, v21;
	v19 =	vld [tilespmem:s16+$0x4800];
	_ =	sdelay $0x1  }
0x1d9: {  	v18 =	vmov s0  }
0x1da: {  	v18 =	vmul.f32 $1.442695020e+00, v18;
	_ =	sdelay $0x1  }
0x1db: {  	v18 =	vbroadcast v18, $0x0;
	v26 =	vadd.f32 v26, v19  }
0x1dc: {  	v21 =	vld [tilespmem:s9+$0x80]  }
0x1dd: {  	v0 =	vadd.f32 v11, v0;
	v11 =	vld [tilespmem:s8+$0x80];
	(erf) = vpow2.f32 v18;
	[tilespmem:s12+$0x80] =	vst v26  }
0x1de: {  	v29 =	vld [tilespmem:s8+$0xD0]  }
0x1df: {  	(xrf2) =	vadd.scan.msk.f32 $0xffff, v0;
	v31 =	vld [tilespmem:s16+$0x4810];
	_ =	sdelay $0x4  }
0x1e0: {  	v30 =	vadd.f32 v29, v31  }
0x1e1: {  	v33 =	vld [tilespmem:s8+$0x90]  }
0x1e2: {  	v0 =	vadd.f32 v19, v11;
	v32 =	vld [tilespmem:s9+$0x90];
	v11 =	vpop (erf);
	[tilespmem:s12+$0x90] =	vst v30  }
0x1e3: {  	v18 =	vmul.f32 v11, v17;
	v17 =	vld [tilespmem:s8+$0xE0]  }
0x1e4: {  	v0 =	vmul.f32 v0, v21;
	v21 =	vmul.f32 v11, v28;
	v28 =	vld [tilespmem:s16+$0x4820]  }
0x1e5: {  	v19 =	vmul.f32 v11, v16;
	v16, _, _ =	vpop (xrf2)  }
0x1e6: {  	(v2sf) =	vpush v16, $0xF;
	v16 =	vadd.f32 v31, v33;
	v31 =	vld [tilespmem:s8+$0xA0];
	_ =	sdelay $0x1  }
0x1e7: {  	v29 =	vld [tilespmem:s9+$0xA0]  }
0x1e8: {  	v63 =	vadd.f32 v17, v28;
	_ =	sdelay $0x1  }
0x1e9: {  	v17 =	vadd.f32 v28, v31;
	[tilespmem:s12+$0xA0] =	vst v63  }
0x1ea: {  	v28 =	vld [tilespmem:s8+$0xF0]  }
0x1eb: {  	v17 =	vmul.f32 v17, v29;
	v29 =	vld [tilespmem:s16+$0x4830];
	_ =	sdelay $0x2  }
0x1ec: {  	v42 =	vld [tilespmem:s8+$0xB0];
	_ =	sdelay $0x1  }
0x1ed: {  	v0 =	vadd.f32 $0.0e+00, v0;
	v16 =	vmul.f32 v16, v32;
	v31 =	vld [tilespmem:s9+$0xB0];
	v34 =	vadd.f32 v28, v29  }
0x1ee: {  	s22 =	smul.f32 $1.250000000e-01, s17  }
0x1ef: {  	v0 =	vadd.f32 v16, v0;
	[tilespmem:s12+$0xB0] =	vst v34  }
0x1f0: {  	v22 =	vmov s22;
	s22 =	sand.u32 $0x3FFFFF80, s30;
	v16 =	vadd.f32 v29, v42;
	s17 =	spop (v2sf);
	v29 =	vld [tilespmem:s8+$0x140]  }
0x1f1: {  	v0 =	vadd.f32 v17, v0;
	s0 =	smul.f32 $1.250000000e-01, s17;
	v17 =	vld [tilespmem:s22+$0x4800]  }
0x1f2: {  	v16 =	vmul.f32 v16, v31  }
0x1f3: {  	v28 =	vmov s0  }
0x1f4: {  	v0 =	vadd.f32 v16, v0;
	v16 =	vld [tilespmem:s8+$0x100];
	v28 =	vmul.f32 $1.442695020e+00, v28;
	_ =	sdelay $0x1  }
0x1f5: {  	(xrf2) =	vadd.scan.msk.f32 $0xffff, v0;
	v28 =	vbroadcast v28, $0x0;
	v31 =	vadd.f32 v29, v17;
	_ =	sdelay $0x1  }
0x1f6: {  	v43 =	vld [tilespmem:s9+$0x100];
	(erf) = vpow2.f32 v28;
	[tilespmem:s12+$0x100] =	vst v31  }
0x1f7: {  	v0 =	vadd.f32 v17, v16;
	v16 =	vld [tilespmem:s8+$0x150]  }
0x1f8: {  	v35 =	vld [tilespmem:s22+$0x4810];
	_ =	sdelay $0x4  }
0x1f9: {  	v33 =	vadd.f32 v16, v35  }
0x1fa: {  	v36 =	vld [tilespmem:s9+$0x110];
	v16, _, _ =	vpop (xrf2)  }
0x1fb: {  	v38 =	vld [tilespmem:s8+$0x110];
	(v2sf) =	vpush v16, $0xF;
	[tilespmem:s12+$0x110] =	vst v33;
	v17 =	vpop (erf)  }
0x1fc: {  	v28 =	vmul.f32 v17, v23;
	v23 =	vld [tilespmem:s8+$0x160]  }
0x1fd: {  	v29 =	vmul.f32 v17, v25;
	v25 =	vmul.f32 v17, v27;
	v27 =	vld [tilespmem:s22+$0x4820];
	_ =	sdelay $0x4  }
0x1fe: {  	v16 =	vadd.f32 v35, v38;
	v45 =	vld [tilespmem:s8+$0x120];
	v35 =	vadd.f32 v23, v27;
	_ =	sdelay $0x1  }
0x1ff: {  	v44 =	vld [tilespmem:s9+$0x120];
	[tilespmem:s12+$0x120] =	vst v35  }
0x200: {  	v46 =	vld [tilespmem:s8+$0x130]  }
0x201: {  	v47 =	vld [tilespmem:s22+$0x4830]  }
0x202: {  	v0 =	vmul.f32 v0, v43;
	v23 =	vadd.f32 v27, v45;
	v27 =	vld [tilespmem:s8+$0x170]  }
0x203: {  	v39 =	vld [tilespmem:s9+$0x130]  }
0x204: {  	v0 =	vadd.f32 $0.0e+00, v0;
	v16 =	vmul.f32 v16, v36  }
0x205: {  	s13 =	sadd.s32 $0x7, s13;
	s23 =	spop (v2sf)  }
0x206: {  	p2 =	slt.s32 s13, $0x1F;
	v0 =	vadd.f32 v16, v0;
	v23 =	vmul.f32 v23, v44;
	s0 =	smul.f32 $1.250000000e-01, s23;
	v40 =	vadd.f32 v47, v46  }
0x207: {  	s13 =	simm.s32 @!p2 $0x1F;
	v48 =	vadd.f32 v27, v47  }
0x208: {  	s13 =	sshll.u32 s13, $0x7;
	v0 =	vadd.f32 v23, v0;
	v16 =	vmov s0;
	v23 =	vmul.f32 v40, v39  }
0x209: {  	s30 =	sand.u32 $0x3FFFFF80, s13;
	[tilespmem:s12+$0x130] =	vst v48;
	v16 =	vmul.f32 $1.442695020e+00, v16  }
0x20a: {  	v49 =	vld [tilespmem:s30+$0x4800];
	v0 =	vadd.f32 v23, v0  }
0x20b: {  	v27 =	vbroadcast v16, $0x0;
	v16 =	vld [tilespmem:s8+$0x1C0]  }
0x20c: {  	(xrf2) =	vadd.scan.msk.f32 $0xffff, v0  }
0x20d: {  	v50 =	vld [tilespmem:s8+$0x180];
	_ =	sdelay $0x1  }
0x20e: {  	v23 =	vld [tilespmem:s9+$0x180]  }
0x20f: {  	v16 =	vadd.f32 v16, v49;
	_ =	sdelay $0x1  }
0x210: {  	v0 =	vadd.f32 v49, v50;
	[tilespmem:s12+$0x180] =	vst v16  }
0x211: {  	v51 =	vld [tilespmem:s30+$0x4810]  }
0x212: {  	v0 =	vmul.f32 v0, v23;
	v23 =	vld [tilespmem:s8+$0x1D0];
	_ =	sdelay $0x1  }
0x213: {  	v41, _, _ =	vpop (xrf2)  }
0x214: {  	(v2sf) =	vpush v41, $0xF;
	_ =	sdelay $0x1  }
0x215: {  	v23 =	vadd.f32 v23, v51  }
0x216: {  	v52 =	vld [tilespmem:s9+$0x190]  }
0x217: {  	v53 =	vld [tilespmem:s8+$0x190];
	[tilespmem:s12+$0x190] =	vst v23  }
0x218: {  	(erf) = vpow2.f32 v27;
	v54 =	vld [tilespmem:s30+$0x4820]  }
0x219: {  	v55 =	vld [tilespmem:s8+$0x1E0];
	_ =	sdelay $0x4  }
0x21a: {  	v27 =	vadd.f32 v55, v54  }
0x21b: {  	v56 =	vld [tilespmem:s9+$0x1A0]  }
0x21c: {  	v42 =	vld [tilespmem:s8+$0x1A0];
	[tilespmem:s12+$0x1A0] =	vst v27  }
0x21d: {  	v60 =	vpop (erf);
	v58 =	vld [tilespmem:s30+$0x4830]  }
0x21e: {  	v22 =	vmul.f32 $1.442695020e+00, v22;
	v26 =	vmul.f32 v60, v26;
	v59 =	vld [tilespmem:s8+$0x1F0];
	s31 =	spop (v2sf)  }
0x21f: {  	v30 =	vmul.f32 v60, v30;
	v38 =	vadd.f32 v51, v53;
	v43 =	vld [tilespmem:s8+$0x1B0];
	s0 =	smul.f32 $1.250000000e-01, s31  }
0x220: {  	v61 =	vbroadcast v22, $0x0;
	v44 =	vld [tilespmem:s9+$0x1B0];
	[tilespmem:s12+$0x80] =	vst v26  }
0x221: {  	v0 =	vadd.f32 $0.0e+00, v0;
	v38 =	vmul.f32 v38, v52;
	[tilespmem:s12+$0x90] =	vst v30;
	v22 =	vmov s0  }
0x222: {  	v57 =	vadd.f32 v54, v42;
	v26 =	vmul.f32 v60, v63;
	[tilespmem:s12+$0xFFFFFE00] =	vst v9;
	v62 =	vmul.f32 $1.442695020e+00, v22  }
0x223: {  	(erf) = vpow2.f32 v61;
	v0 =	vadd.f32 v38, v0;
	[tilespmem:s12+$0xFFFFFE10] =	vst v8  }
0x224: {  	v39 =	vmul.f32 v57, v56;
	[tilespmem:s12+$0xA0] =	vst v26;
	v26 =	vadd.f32 v58, v43;
	v63 =	vbroadcast v62, $0x0  }
0x225: {  	v4 =	vnsel vm0, $0x0, v4;
	[tilespmem:s12+$0xFFFFFE20] =	vst v7  }
0x226: {  	[tilespmem:s12+$0xFFFFFE30] =	vst v6;
	v0 =	vadd.f32 v39, v0;
	v26 =	vmul.f32 v26, v44;
	(erf) = vpow2.f32 v63  }
0x227: {  	[tilespmem:s12+$0xFFFFFE40] =	vst v4  }
0x228: {  	v15 =	vmul.f32 v10, v15;
	[tilespmem:s12+$0xFFFFFE80] =	vst v14;
	v0 =	vadd.f32 v26, v0  }
0x229: {  	[tilespmem:s12+$0xFFFFFE90] =	vst v13  }
0x22a: {  	v30 =	vmul.f32 v60, v34;
	[tilespmem:s12+$0xFFFFFEA0] =	vst v15;
	(xrf2) =	vadd.scan.msk.f32 $0xffff, v0  }
0x22b: {  	[tilespmem:s12+$0xFFFFFEB0] =	vst v12  }
0x22c: {  	v4 =	vpop (erf);
	[tilespmem:s12+$0xB0] =	vst v30;
	v30 =	vnsel vm0, $0x0, v60  }
0x22d: {  	v6 =	vmul.f32 v4, v1;
	[tilespmem:s12+$0xC0] =	vst v30;
	v0 =	vnsel vm0, $0x0, v10  }
0x22e: {  	[tilespmem:s12+$0xFFFFFEC0] =	vst v0;
	v0 =	vmul.f32 v4, v2  }
0x22f: {  	[tilespmem:s12+$0xFFFFFF00] =	vst v6;
	v1 =	vpop (erf)  }
0x230: {  	p1 =	sne.s32 s11, $0x18;
	[tilespmem:s12+$0xFFFFFF10] =	vst v0;
	v8 =	vmul.f32 v1, v31;
	v2 =	vnsel vm0, $0x0, v1  }
.Ltmp1:
0x231: {  	v7 =	vmul.f32 v1, v35;
	[tilespmem:s12+$0x140] =	vst v2;
	(pc) =	sbr.rel @p1 .LBB2_5-.Ltmp1, $4  }
0x232: {  	v6 =	vmul.f32 v1, v33;
	v1 =	vmul.f32 v1, v48;
	[tilespmem:s12+$0x100] =	vst v8  }
0x233: {  	[tilespmem:s12+$0x120] =	vst v7  }
0x234: {  	v20 =	vmul.f32 v11, v20;
	v24 =	vmul.f32 v17, v24;
	v22 =	vadd.f32 v59, v58;
	v0, _, _ =	vpop (xrf2);
	[tilespmem:s12+$0x130] =	vst v1  }
0x235: {  	s11 =	sadd.s32 $0x8, s11;
	s10 =	smov.u32 s12;
	v2 =	vmul.f32 v4, v3;
	(v2sf) =	vpush v0, $0xF;
	v1 =	vmul.f32 v4, v5;
	[tilespmem:s12+$0x110] =	vst v6  }
0x236: {  	_ =	sdelay $0xd  }
0x237: {  	s0 =	spop (v2sf)  }
0x238: {  	s0 =	smul.f32 $1.250000000e-01, s0;
	_ =	sdelay $0x1  }
0x239: {  	v0 =	vmov s0  }
0x23a: {  	v0 =	vmul.f32 $1.442695020e+00, v0;
	_ =	sdelay $0x1  }
0x23b: {  	[tilespmem:s10+$0xFFFFFF80] =	vst v19;
	v0 =	vbroadcast v0, $0x0  }
0x23c: {  	[tilespmem:s10+$0xFFFFFF90] =	vst v18  }
0x23d: {  	[tilespmem:s10+$0xFFFFFFA0] =	vst v20;
	(erf) = vpow2.f32 v0  }
0x23e: {  	[tilespmem:s10+$0xFFFFFFB0] =	vst v21  }
0x23f: {  	[tilespmem:s10+$0x0] =	vst v28  }
0x240: {  	[tilespmem:s10+$0x10] =	vst v24  }
0x241: {  	[tilespmem:s10+$0x20] =	vst v29  }
0x242: {  	[tilespmem:s10+$0x30] =	vst v25  }
0x243: {  	[tilespmem:s10+$0xFFFFFF20] =	vst v2  }
0x244: {  	v48 =	vnsel vm0, $0x0, v4;
	[tilespmem:s10+$0xFFFFFF30] =	vst v1  }
0x245: {  	v49 =	vnsel vm0, $0x0, v11;
	[tilespmem:s10+$0xFFFFFF40] =	vst v48  }
0x246: {  	v50 =	vnsel vm0, $0x0, v17;
	[tilespmem:s10+$0xFFFFFFC0] =	vst v49;
	v51 =	vpop (erf)  }
0x247: {  	[tilespmem:s10+$0x40] =	vst v50;
	v52 =	vmul.f32 v51, v16;
	v53 =	vnsel vm0, $0x0, v51  }
0x248: {  	v3 =	vmul.f32 v51, v23;
	[tilespmem:s10+$0x1C0] =	vst v53  }
0x249: {  	v54 =	vmul.f32 v51, v22;
	[tilespmem:s10+$0x180] =	vst v52  }
0x24a: {  	v55 =	vmul.f32 v51, v27;
	[tilespmem:s10+$0x190] =	vst v3  }
0x24b: {  	[tilespmem:s10+$0x1B0] =	vst v54  }
0x24c: {  	s9 =	sadd.s32 $0x1400, s15;
	p1 =	seq.s32 s19, $0x4F;
	[tilespmem:s10+$0x1A0] =	vst v55  }
0x24d: {  	[spmem:s1] =	stream.indirect.scatter.add.f32 [tilespmem:s26], [sflag:$0x3], $0x80, s9, s21, $0xb8;
	[tilespmem:$0x1E800] =	vst v63  }
0x24e: {  	s8 =	simm.s32 @!p1 $0x20;
	s0 =	sadd.s32 @!p1 $0x1440, s15;
	s9 =	simm.s32 @!p1 $0x2800  }
0x24f: {  	[tilespmem:s9], [sflag:$0x1] =	stream.indirect.gather @!p1 [hbm4b:s4+s8], $0x80, s0, s8, $0xb8;
	[tilespmem:$0x1E800] =	vst v63  }
0x250: {  	s0 =	sadd.s32 @!p1 $0x40, s15;
	s9 =	simm.s32 @!p1 $0x3800  }
0x251: {  	[tilespmem:s9], [sflag:$0x1] =	stream.indirect.gather @!p1 [hbm4b:s5+s8], $0x80, s0, s8, $0xb8;
	[tilespmem:$0x1E800] =	vst v63  }
0x252: {  	s0 =	smin.u32 @!p1 s0, $0x1368  }
0x253: {  	s0 =	sadd.s32 @!p1 s7, s0  }
0x254: {  	s0 =	sshll.u32 @!p1 s0, $0x4  }
0x255: {  	s8 =	simm.s32 @!p1 $0x0;
	s9 =	simm.s32 @!p1 $0x4800;
	s0 =	sadd.s32 @!p1 s6, s0  }
0x256: {  	[tilespmem:s9], [sflag:$0x1] =	stream.linear.gather @!p1 [hbm4b:s0+s8], $0x1000, $0x38;
	[tilespmem:$0x1E800] =	vst v63  }
0x257: {  	_ =	swait.ge [sflag:s28], $0x1000  }
0x258: {  	[sflag:s28] =	ssyncset.done $0x0  }
0x259: {  	[sflag:s28] =	ssyncadd.s32 $0xFFFFF000  }
0x25a: {  	_ =	swait.ge [sflag:s28], $0x1000  }
0x25b: {  	[sflag:s28] =	ssyncset.done $0x0  }
0x25c: {  	[sflag:s28] =	ssyncadd.s32 $0xFFFFF000  }
0x25d: {  	_ =	swait.ge [sflag:s28], $0x1000  }
0x25e: {  	[sflag:s28] =	ssyncset.done $0x0  }
0x25f: {  	s0 =	simm.s32 @!p0 $0x4;
	[sflag:s28] =	ssyncadd.s32 $0xFFFFF000  }
0x260: {  	_ =	swait.ge @!p0 [sflag:s0], $0x1000  }
0x261: {  	s10 =	rddreg [dreg:$0x4]  }
0x262: {  	s11 =	sadd.s32 $0x0, s10  }
0x263: {  	s9 =	sadd.s32 $0x20, s11  }
0x264: {  	p1 =	slt.s32 s9, $0x1F  }
0x265: {  	[sflag:s0] =	ssyncset.done @!p0 $0x0;
	s9 =	simm.s32 @!p1 $0x1F  }
0x266: {  	s8 =	simm.s32 $0x6A00;
	[sflag:s0] =	ssyncadd.s32 @!p0 $0xFFFFF000;
	s12 =	sshll.u32 s9, $0x9  }
0x267: {  	v56 =	vld [tilespmem:s8+$0xFFFFFE40];
	s0 =	sshra.s32 s12, $0x2  }
0x268: {  	v17 =	vld [tilespmem:s0+$0x7800];
	_ =	sdelay $0x4  }
0x269: {  	v0 =	vadd.f32 v56, v17  }
0x26a: {  	s15 =	simm.s32 $0x9A00;
	v4 =	vld [tilespmem:s8+$0xFFFFFE00];
	s9 =	simm.s32 $0x5A00  }
0x26b: {  	v57 =	vld [tilespmem:s9+$0xFFFFFE00];
	[tilespmem:s15+$0xFFFFFE00] =	vst v0  }
0x26c: {  	v27 =	vld [tilespmem:s0+$0x7810]  }
0x26d: {  	[tilespmem:$0x1FCF0] =	vst v0;
	v0 =	vld [tilespmem:s8+$0xFFFFFE50];
	_ =	sdelay $0x4  }
0x26e: {  	v0 =	vadd.f32 v0, v27  }
0x26f: {  	v58 =	vld [tilespmem:s8+$0xFFFFFE10]  }
0x270: {  	v59 =	vld [tilespmem:s9+$0xFFFFFE10];
	[tilespmem:s15+$0xFFFFFE10] =	vst v0  }
0x271: {  	v30 =	vld [tilespmem:s0+$0x7820]  }
0x272: {  	[tilespmem:$0x1FD00] =	vst v0;
	v0 =	vld [tilespmem:s8+$0xFFFFFE60];
	_ =	sdelay $0x4  }
0x273: {  	v0 =	vadd.f32 v0, v30  }
0x274: {  	v60 =	vld [tilespmem:s8+$0xFFFFFE20]  }
0x275: {  	v61 =	vld [tilespmem:s9+$0xFFFFFE20];
	[tilespmem:s15+$0xFFFFFE20] =	vst v0  }
0x276: {  	v31 =	vld [tilespmem:s0+$0x7830]  }
0x277: {  	[tilespmem:$0x1FD10] =	vst v0;
	v0 =	vld [tilespmem:s8+$0xFFFFFE70];
	_ =	sdelay $0x2  }
0x278: {  	s0 =	sadd.s32 $0x21, s11  }
0x279: {  	p0 =	slt.s32 s0, $0x1F  }
0x27a: {  	s0 =	simm.s32 @!p0 $0x1F;
	v0 =	vadd.f32 v0, v31  }
0x27b: {  	v62 =	vld [tilespmem:s8+$0xFFFFFE30];
	s0 =	sshll.u32 s0, $0x9  }
0x27c: {  	v63 =	vld [tilespmem:s9+$0xFFFFFE30];
	s0 =	sshra.s32 s0, $0x2;
	[tilespmem:s15+$0xFFFFFE30] =	vst v0  }
0x27d: {  	v42 =	vld [tilespmem:s0+$0x7800]  }
0x27e: {  	[tilespmem:$0x1FD20] =	vst v0;
	v0 =	vld [tilespmem:s8+$0xFFFFFEC0];
	_ =	sdelay $0x4  }
0x27f: {  	v0 =	vadd.f32 v0, v42  }
0x280: {  	v46 =	vld [tilespmem:s8+$0xFFFFFE80]  }
0x281: {  	v43 =	vld [tilespmem:s9+$0xFFFFFE80];
	[tilespmem:s15+$0xFFFFFE80] =	vst v0  }
0x282: {  	v44 =	vld [tilespmem:s0+$0x7810]  }
0x283: {  	[tilespmem:$0x1FD30] =	vst v0;
	v0 =	vld [tilespmem:s8+$0xFFFFFED0];
	_ =	sdelay $0x4  }
0x284: {  	v0 =	vadd.f32 v0, v44  }
0x285: {  	v47 =	vld [tilespmem:s8+$0xFFFFFE90]  }
0x286: {  	v9 =	vld [tilespmem:s9+$0xFFFFFE90];
	[tilespmem:s15+$0xFFFFFE90] =	vst v0  }
0x287: {  	v41 =	vld [tilespmem:s0+$0x7820]  }
0x288: {  	[tilespmem:$0x1FD40] =	vst v0;
	v0 =	vld [tilespmem:s8+$0xFFFFFEE0];
	_ =	sdelay $0x4  }
0x289: {  	v0 =	vadd.f32 v0, v41  }
0x28a: {  	v45 =	vld [tilespmem:s8+$0xFFFFFEA0]  }
0x28b: {  	v10 =	vld [tilespmem:s9+$0xFFFFFEA0];
	[tilespmem:s15+$0xFFFFFEA0] =	vst v0  }
0x28c: {  	[tilespmem:$0x1FD50] =	vst v0;
	v0 =	vld [tilespmem:s8+$0xFFFFFEF0]  }
0x28d: {  	v38 =	vld [tilespmem:s0+$0x7830];
	_ =	sdelay $0x3  }
0x28e: {  	s0 =	sadd.s32 $0x22, s11  }
0x28f: {  	p0 =	slt.s32 s0, $0x1F;
	v0 =	vadd.f32 v0, v38  }
0x290: {  	v40 =	vld [tilespmem:s8+$0xFFFFFEB0];
	s0 =	simm.s32 @!p0 $0x1F  }
0x291: {  	v11 =	vld [tilespmem:s9+$0xFFFFFEB0];
	s0 =	sshll.u32 s0, $0x9;
	[tilespmem:s15+$0xFFFFFEB0] =	vst v0  }
0x292: {  	[tilespmem:$0x1FCC0] =	vst v10;
	s0 =	sshra.s32 s0, $0x2;
	v10 =	vld [tilespmem:s8+$0xFFFFFF40]  }
0x293: {  	[tilespmem:$0x1FC40] =	vst v57;
	v57 =	vld [tilespmem:s0+$0x7800];
	_ =	sdelay $0x4  }
0x294: {  	v32 =	vadd.f32 v10, v57  }
0x295: {  	[tilespmem:$0x1FC60] =	vst v59;
	v59 =	vld [tilespmem:s8+$0xFFFFFF00]  }
0x296: {  	v48 =	vld [tilespmem:s9+$0xFFFFFF00];
	[tilespmem:s15+$0xFFFFFF00] =	vst v32  }
0x297: {  	v33 =	vld [tilespmem:s8+$0xFFFFFF50]  }
0x298: {  	v51 =	vld [tilespmem:s0+$0x7810];
	_ =	sdelay $0x4  }
0x299: {  	v34 =	vadd.f32 v33, v51  }
0x29a: {  	v55 =	vld [tilespmem:s8+$0xFFFFFF10]  }
0x29b: {  	v49 =	vld [tilespmem:s9+$0xFFFFFF10];
	[tilespmem:s15+$0xFFFFFF10] =	vst v34  }
0x29c: {  	v13 =	vld [tilespmem:s8+$0xFFFFFF60]  }
0x29d: {  	v52 =	vld [tilespmem:s0+$0x7820];
	_ =	sdelay $0x4  }
0x29e: {  	v35 =	vadd.f32 v13, v52  }
0x29f: {  	v56 =	vld [tilespmem:s8+$0xFFFFFF20]  }
0x2a0: {  	v50 =	vld [tilespmem:s9+$0xFFFFFF20];
	[tilespmem:s15+$0xFFFFFF20] =	vst v35  }
0x2a1: {  	v14 =	vld [tilespmem:s8+$0xFFFFFF70]  }
0x2a2: {  	v53 =	vld [tilespmem:s0+$0x7830];
	_ =	sdelay $0x3  }
0x2a3: {  	s0 =	sadd.s32 $0x23, s11  }
0x2a4: {  	p0 =	slt.s32 s0, $0x1F;
	v36 =	vadd.f32 v14, v53  }
0x2a5: {  	[tilespmem:$0x1FC50] =	vst v58;
	v58 =	vld [tilespmem:s8+$0xFFFFFF30];
	s0 =	simm.s32 @!p0 $0x1F  }
0x2a6: {  	v54 =	vld [tilespmem:s9+$0xFFFFFF30];
	s0 =	sshll.u32 s0, $0x9;
	[tilespmem:s15+$0xFFFFFF30] =	vst v36  }
0x2a7: {  	s0 =	sshra.s32 s0, $0x2;
	v14 =	vld [tilespmem:s8+$0xFFFFFFC0]  }
0x2a8: {  	[tilespmem:$0x1FC70] =	vst v60;
	v60 =	vld [tilespmem:s0+$0x7800];
	_ =	sdelay $0x4  }
0x2a9: {  	[tilespmem:$0x1FC80] =	vst v61;
	v39 =	vadd.f32 v14, v60  }
0x2aa: {  	[tilespmem:$0x1FC90] =	vst v62;
	v61 =	vld [tilespmem:s8+$0xFFFFFF80]  }
0x2ab: {  	v62 =	vld [tilespmem:s9+$0xFFFFFF80];
	[tilespmem:s15+$0xFFFFFF80] =	vst v39  }
0x2ac: {  	v14 =	vld [tilespmem:s8+$0xFFFFFFD0]  }
0x2ad: {  	[tilespmem:$0x1FCB0] =	vst v63;
	v63 =	vld [tilespmem:s0+$0x7810];
	_ =	sdelay $0x3  }
0x2ae: {  	[tilespmem:$0x1FCA0] =	vst v9  }
0x2af: {  	[tilespmem:$0x1FD70] =	vst v32;
	v9 =	vadd.f32 v14, v63  }
0x2b0: {  	[tilespmem:$0x1FD80] =	vst v34;
	v32 =	vld [tilespmem:s8+$0xFFFFFF90]  }
0x2b1: {  	v34 =	vld [tilespmem:s9+$0xFFFFFF90];
	[tilespmem:s15+$0xFFFFFF90] =	vst v9  }
0x2b2: {  	v14 =	vld [tilespmem:s8+$0xFFFFFFE0]  }
0x2b3: {  	[tilespmem:$0x1FDC0] =	vst v9;
	v9 =	vld [tilespmem:s0+$0x7820];
	_ =	sdelay $0x4  }
0x2b4: {  	v10 =	vadd.f32 v14, v9  }
0x2b5: {  	[tilespmem:$0x1FD90] =	vst v35;
	v35 =	vld [tilespmem:s9+$0xFFFFFFA0]  }
0x2b6: {  	v28 =	vld [tilespmem:s8+$0xFFFFFFA0];
	[tilespmem:s15+$0xFFFFFFA0] =	vst v10  }
0x2b7: {  	v14 =	vld [tilespmem:s8+$0xFFFFFFF0]  }
0x2b8: {  	[tilespmem:$0x1FDD0] =	vst v10;
	v10 =	vld [tilespmem:s0+$0x7830];
	_ =	sdelay $0x3  }
0x2b9: {  	s0 =	sadd.s32 $0x24, s11  }
0x2ba: {  	[tilespmem:$0x1FCD0] =	vst v11;
	p0 =	slt.s32 s0, $0x1F;
	v11 =	vadd.f32 v14, v10  }
0x2bb: {  	[tilespmem:$0x1FDA0] =	vst v36;
	v36 =	vld [tilespmem:s9+$0xFFFFFFB0];
	s0 =	simm.s32 @!p0 $0x1F  }
0x2bc: {  	v33 =	vld [tilespmem:s8+$0xFFFFFFB0];
	s0 =	sshll.u32 s0, $0x9;
	[tilespmem:s15+$0xFFFFFFB0] =	vst v11  }
0x2bd: {  	s0 =	sshra.s32 s0, $0x2;
	v14 =	vld [tilespmem:s8+$0x40]  }
0x2be: {  	v5 =	vld [tilespmem:s0+$0x7800];
	_ =	sdelay $0x4  }
0x2bf: {  	[tilespmem:$0x1FDB0] =	vst v39;
	v39 =	vadd.f32 v14, v5  }
0x2c0: {  	v20 =	vld [tilespmem:s9+$0x0]  }
0x2c1: {  	v18 =	vld [tilespmem:s8+$0x0];
	[tilespmem:s15+$0x0] =	vst v39  }
0x2c2: {  	v14 =	vld [tilespmem:s8+$0x50]  }
0x2c3: {  	v6 =	vld [tilespmem:s0+$0x7810];
	_ =	sdelay $0x4  }
0x2c4: {  	[tilespmem:$0x1FDE0] =	vst v11;
	v11 =	vadd.f32 v14, v6  }
0x2c5: {  	v23 =	vld [tilespmem:s9+$0x10]  }
0x2c6: {  	v19 =	vld [tilespmem:s8+$0x10];
	[tilespmem:s15+$0x10] =	vst v11  }
0x2c7: {  	v14 =	vld [tilespmem:s8+$0x60]  }
0x2c8: {  	v7 =	vld [tilespmem:s0+$0x7820];
	_ =	sdelay $0x4  }
0x2c9: {  	[tilespmem:$0x1FDF0] =	vst v39;
	v39 =	vadd.f32 v14, v7  }
0x2ca: {  	v25 =	vld [tilespmem:s9+$0x20]  }
0x2cb: {  	v24 =	vld [tilespmem:s8+$0x20];
	[tilespmem:s15+$0x20] =	vst v39  }
0x2cc: {  	v14 =	vld [tilespmem:s8+$0x70]  }
0x2cd: {  	v8 =	vld [tilespmem:s0+$0x7830];
	_ =	sdelay $0x3  }
0x2ce: {  	s0 =	sadd.s32 $0x25, s11  }
0x2cf: {  	v17 =	vadd.f32 v17, v4;
	v4 =	vld [tilespmem:$0x1FC40];
	[tilespmem:$0x1FE00] =	vst v11;
	p0 =	slt.s32 s0, $0x1F;
	v11 =	vadd.f32 v14, v8  }
0x2d0: {  	v26 =	vld [tilespmem:s9+$0x30];
	s0 =	simm.s32 @!p0 $0x1F  }
0x2d1: {  	v22 =	vld [tilespmem:s8+$0x30];
	s0 =	sshll.u32 s0, $0x9;
	[tilespmem:s15+$0x30] =	vst v11  }
0x2d2: {  	s0 =	sshra.s32 s0, $0x2;
	v21 =	vld [tilespmem:s8+$0xC0]  }
0x2d3: {  	v1 =	vld [tilespmem:s0+$0x7800];
	_ =	sdelay $0x4  }
0x2d4: {  	v17 =	vmul.f32 v17, v4;
	v4 =	vld [tilespmem:$0x1FC50];
	[tilespmem:$0x1FE10] =	vst v39;
	v39 =	vadd.f32 v21, v1  }
0x2d5: {  	[tilespmem:$0x1FE20] =	vst v11;
	v15 =	vld [tilespmem:s9+$0x80]  }
0x2d6: {  	v11 =	vld [tilespmem:s8+$0x80];
	[tilespmem:s15+$0x80] =	vst v39  }
0x2d7: {  	v21 =	vld [tilespmem:s8+$0xD0]  }
0x2d8: {  	v3 =	vld [tilespmem:s0+$0x7810];
	_ =	sdelay $0x1  }
0x2d9: {  	[tilespmem:$0x1FCE0] =	vst v39;
	v39 =	vld [tilespmem:$0x1FC60];
	_ =	sdelay $0x1  }
0x2da: {  	v42 =	vadd.f32 v42, v46;
	v46 =	vld [tilespmem:$0x1FC70]  }
0x2db: {  	v27 =	vadd.f32 v27, v4;
	v14 =	vld [tilespmem:s9+$0x90];
	v21 =	vadd.f32 v21, v3  }
0x2dc: {  	v12 =	vld [tilespmem:s8+$0x90]  }
0x2dd: {  	v27 =	vmul.f32 v27, v39;
	v39 =	vld [tilespmem:$0x1FC80];
	[tilespmem:s15+$0x90] =	vst v21  }
0x2de: {  	v29 =	vld [tilespmem:s8+$0xE0]  }
0x2df: {  	v2 =	vld [tilespmem:s0+$0x7820];
	_ =	sdelay $0x2  }
0x2e0: {  	v17 =	vadd.f32 $0.0e+00, v17;
	v30 =	vadd.f32 v30, v46  }
0x2e1: {  	v46 =	vld [tilespmem:$0x1FC90]  }
0x2e2: {  	v17 =	vadd.f32 v27, v17;
	v16 =	vld [tilespmem:s9+$0xA0];
	v30 =	vmul.f32 v30, v39;
	v29 =	vadd.f32 v29, v2  }
0x2e3: {  	v13 =	vld [tilespmem:s8+$0xA0]  }
0x2e4: {  	v17 =	vadd.f32 v30, v17;
	v30 =	vld [tilespmem:$0x1FCB0];
	[tilespmem:s15+$0xA0] =	vst v29  }
0x2e5: {  	[tilespmem:$0x1FD60] =	vst v0;
	v0 =	vld [tilespmem:s8+$0xF0]  }
0x2e6: {  	v4 =	vld [tilespmem:s0+$0x7830]  }
0x2e7: {  	v27 =	vmul.f32 v42, v43;
	v42 =	vadd.f32 v44, v47;
	v47 =	vadd.f32 v31, v46;
	v44 =	vld [tilespmem:$0x1FCA0];
	_ =	sdelay $0x1  }
0x2e8: {  	v30 =	vmul.f32 v47, v30;
	v47 =	vld [tilespmem:$0x1FCC0]  }
0x2e9: {  	s0 =	sadd.s32 $0x26, s11  }
0x2ea: {  	p0 =	slt.s32 s0, $0x1F;
	v17 =	vadd.f32 v30, v17;
	v30 =	vld [tilespmem:$0x1FCD0];
	v31 =	vadd.f32 v0, v4  }
0x2eb: {  	v41 =	vadd.f32 v41, v45;
	v27 =	vadd.f32 $0.0e+00, v27;
	v39 =	vmul.f32 v42, v44;
	v42 =	vld [tilespmem:s8+$0xB0];
	s0 =	simm.s32 @!p0 $0x1F  }
0x2ec: {  	v46 =	vadd.f32 v57, v59;
	s0 =	sshll.u32 s0, $0x9;
	v0 =	vld [tilespmem:s9+$0xB0];
	[tilespmem:s15+$0xB0] =	vst v31  }
0x2ed: {  	v38 =	vadd.f32 v38, v40;
	v27 =	vadd.f32 v39, v27;
	s0 =	sshra.s32 s0, $0x2;
	v39 =	vmul.f32 v41, v47;
	v40 =	vld [tilespmem:s8+$0x140]  }
0x2ee: {  	v57 =	vmul.f32 v46, v48;
	v48 =	vld [tilespmem:s0+$0x7800]  }
0x2ef: {  	v27 =	vadd.f32 v39, v27;
	v30 =	vmul.f32 v38, v30  }
0x2f0: {  	v5 =	vadd.f32 v5, v18  }
0x2f1: {  	v27 =	vadd.f32 v30, v27;
	v30 =	vadd.f32 v60, v61  }
0x2f2: {  	v59 =	vadd.f32 v51, v55;
	v51 =	vadd.f32 v52, v56  }
0x2f3: {  	v52 =	vadd.f32 v53, v58;
	v53 =	vmul.f32 v30, v62;
	v30 =	vadd.f32 v40, v48  }
0x2f4: {  	v5 =	vmul.f32 v5, v20;
	v6 =	vadd.f32 v6, v19;
	v55 =	vld [tilespmem:s9+$0x100]  }
0x2f5: {  	v49 =	vmul.f32 v59, v49;
	v41 =	vadd.f32 $0.0e+00, v57;
	v18 =	vld [tilespmem:s8+$0x100];
	[tilespmem:s15+$0x100] =	vst v30  }
0x2f6: {  	v5 =	vadd.f32 $0.0e+00, v5;
	v6 =	vmul.f32 v6, v23;
	v19 =	vld [tilespmem:s8+$0x150]  }
0x2f7: {  	v32 =	vadd.f32 v63, v32;
	v38 =	vadd.f32 v49, v41;
	v39 =	vmul.f32 v51, v50;
	v58 =	vld [tilespmem:s0+$0x7810]  }
0x2f8: {  	v9 =	vadd.f32 v9, v28;
	v5 =	vadd.f32 v6, v5  }
0x2f9: {  	v6 =	vadd.f32 v7, v24;
	v56 =	vmul.f32 v52, v54;
	v38 =	vadd.f32 v39, v38  }
0x2fa: {  	v32 =	vmul.f32 v32, v34;
	v10 =	vadd.f32 v10, v33;
	v28 =	vadd.f32 $0.0e+00, v53  }
0x2fb: {  	v6 =	vmul.f32 v6, v25;
	v7 =	vadd.f32 v8, v22;
	v57 =	vadd.f32 v56, v38  }
0x2fc: {  	(xrf2) =	vadd.scan.msk.f32 $0xffff, v17;
	v20 =	vadd.f32 v32, v28;
	v32 =	vadd.f32 v19, v58  }
0x2fd: {  	v9 =	vmul.f32 v9, v35;
	v5 =	vadd.f32 v6, v5;
	v1 =	vadd.f32 v1, v11;
	(xrf2) =	vadd.scan.msk.f32 $0xffff, v27;
	v8 =	vld [tilespmem:s9+$0x110]  }
0x2fe: {  	v6 =	vmul.f32 v7, v26;
	v59 =	vadd.f32 v4, v42;
	(xrf2) =	vadd.scan.msk.f32 $0xffff, v57;
	v4 =	vld [tilespmem:s8+$0x110];
	[tilespmem:s15+$0x110] =	vst v32  }
0x2ff: {  	v1 =	vmul.f32 v1, v15;
	v3 =	vadd.f32 v3, v12;
	v60 =	vld [tilespmem:s8+$0x160]  }
0x300: {  	v10 =	vmul.f32 v10, v36;
	v61 =	vadd.f32 v6, v5;
	v9 =	vadd.f32 v9, v20;
	v5 =	vld [tilespmem:s0+$0x7820]  }
0x301: {  	v1 =	vadd.f32 $0.0e+00, v1;
	v3 =	vmul.f32 v3, v14;
	v2 =	vadd.f32 v2, v13  }
0x302: {  	v7 =	vadd.f32 v10, v9  }
0x303: {  	v1 =	vadd.f32 v3, v1;
	v2 =	vmul.f32 v2, v16  }
0x304: {  	(xrf2) =	vadd.scan.msk.f32 $0xffff, v7  }
0x305: {  	v1 =	vadd.f32 v2, v1;
	v0 =	vmul.f32 v59, v0;
	(xrf2) =	vadd.scan.msk.f32 $0xffff, v61;
	v33 =	vadd.f32 v60, v5  }
0x306: {  	v62, _, _ =	vpop (xrf2);
	v63 =	vld [tilespmem:s9+$0x120]  }
0x307: {  	v0 =	vadd.f32 v0, v1;
	(v2sf) =	vpush v62, $0xF;
	v36, _, _ =	vpop (xrf2);
	v38 =	vld [tilespmem:s8+$0x120];
	[tilespmem:s15+$0x120] =	vst v33  }
0x308: {  	v39 =	vadd.f32 v48, v18;
	(v2sf) =	vpush v36, $0xF;
	v6, _, _ =	vpop (xrf2);
	v7 =	vld [tilespmem:s8+$0x130]  }
0x309: {  	v4 =	vadd.f32 v58, v4;
	(xrf2) =	vadd.scan.msk.f32 $0xffff, v0;
	(v2sf) =	vpush v6, $0xF;
	v6 =	vld [tilespmem:s0+$0x7830]  }
0x30a: {  	v2 =	vmul.f32 v39, v55;
	v41 =	vld [tilespmem:s8+$0x170]  }
0x30b: {  	v4 =	vmul.f32 v4, v8;
	v8 =	vld [tilespmem:s9+$0x130]  }
0x30c: {  	v2 =	vadd.f32 $0.0e+00, v2;
	v0 =	vadd.f32 v5, v38  }
0x30d: {  	s0 =	sadd.s32 $0x27, s11  }
0x30e: {  	v2 =	vadd.f32 v4, v2;
	v42, _, _ =	vpop (xrf2);
	v0 =	vmul.f32 v0, v63;
	p0 =	slt.s32 s0, $0x1F;
	v45 =	vadd.f32 v6, v7  }
0x30f: {  	v43, _, _ =	vpop (xrf2);
	(v2sf) =	vpush v42, $0xF;
	s0 =	simm.s32 @!p0 $0x1F;
	v34 =	vadd.f32 v41, v6  }
0x310: {  	(v2sf) =	vpush v43, $0xF;
	v0 =	vadd.f32 v0, v2;
	s0 =	sshll.u32 s0, $0x9;
	v1 =	vmul.f32 v45, v8  }
0x311: {  	s0 =	sshra.s32 s0, $0x2;
	[tilespmem:s15+$0x130] =	vst v34  }
0x312: {  	v46 =	vld [tilespmem:s0+$0x7800];
	v0 =	vadd.f32 v1, v0  }
0x313: {  	v44, _, _ =	vpop (xrf2);
	v47 =	vld [tilespmem:s8+$0x1C0]  }
0x314: {  	(v2sf) =	vpush v44, $0xF;
	(xrf2) =	vadd.scan.msk.f32 $0xffff, v0;
	_ =	sdelay $0x3  }
0x315: {  	v15 =	vadd.f32 v47, v46  }
0x316: {  	v49 =	vld [tilespmem:s9+$0x180]  }
0x317: {  	v4 =	vld [tilespmem:s8+$0x180];
	[tilespmem:s15+$0x180] =	vst v15  }
0x318: {  	s13 =	spop (v2sf);
	v5 =	vld [tilespmem:s0+$0x7810]  }
0x319: {  	s10 =	smul.f32 $1.250000000e-01, s13;
	s11 =	spop (v2sf);
	v7 =	vld [tilespmem:s8+$0x1D0]  }
0x31a: {  	s11 =	smul.f32 $1.250000000e-01, s11;
	s14 =	spop (v2sf)  }
0x31b: {  	v48 =	vmov s10;
	s16 =	spop (v2sf);
	v8, _, _ =	vpop (xrf2)  }
0x31c: {  	v50 =	vmov s11;
	s10 =	smul.f32 $1.250000000e-01, s14;
	v0 =	vmul.f32 $1.442695020e+00, v48;
	s12 =	spop (v2sf);
	(v2sf) =	vpush v8, $0xF  }
0x31d: {  	v1 =	vmul.f32 $1.442695020e+00, v50;
	s22 =	smul.f32 $1.250000000e-01, s12  }
0x31e: {  	v14 =	vld [tilespmem:$0x1FCE0];
	v6 =	vmov s10;
	v0 =	vbroadcast v0, $0x0;
	v27 =	vadd.f32 v7, v5  }
0x31f: {  	v1 =	vbroadcast v1, $0x0;
	v51 =	vmul.f32 $1.442695020e+00, v6;
	s17 =	smul.f32 $1.250000000e-01, s16;
	v54 =	vld [tilespmem:s9+$0x190];
	v6 =	vmov s22  }
0x320: {  	(erf) = vpow2.f32 v0;
	s23 =	spop (v2sf);
	v6 =	vmul.f32 $1.442695020e+00, v6;
	v7 =	vld [tilespmem:s8+$0x190];
	[tilespmem:s15+$0x190] =	vst v27  }
0x321: {  	(erf) = vpow2.f32 v1;
	v52 =	vmov s17;
	s30 =	smul.f32 $1.250000000e-01, s23;
	v57 =	vld [tilespmem:s0+$0x7820]  }
0x322: {  	v1 =	vmul.f32 $1.442695020e+00, v52;
	v55 =	vbroadcast v6, $0x0;
	v6 =	vld [tilespmem:s8+$0x1E0]  }
0x323: {  	v39 =	vld [tilespmem:$0x1FD20];
	v0 =	vbroadcast v51, $0x0;
	v53 =	vmov s30  }
0x324: {  	v36 =	vld [tilespmem:$0x1FD00];
	v1 =	vbroadcast v1, $0x0;
	v8 =	vmul.f32 $1.442695020e+00, v53  }
0x325: {  	v42 =	vld [tilespmem:$0x1FD40];
	(erf) = vpow2.f32 v0  }
0x326: {  	v43 =	vld [tilespmem:$0x1FD50];
	(erf) = vpow2.f32 v1;
	v56 =	vbroadcast v8, $0x0  }
0x327: {  	v2 =	vadd.f32 v46, v4;
	(erf) = vpow2.f32 v55;
	v60 =	vld [tilespmem:s8+$0x1A0];
	v28 =	vadd.f32 v6, v57  }
0x328: {  	v45 =	vld [tilespmem:$0x1FD70];
	(erf) = vpow2.f32 v56  }
0x329: {  	v2 =	vmul.f32 v2, v49;
	v59 =	vld [tilespmem:s9+$0x1A0];
	[tilespmem:s15+$0x1A0] =	vst v28  }
0x32a: {  	v58 =	vpop (erf);
	v5 =	vadd.f32 v5, v7;
	v16 =	vld [tilespmem:s0+$0x7830]  }
0x32b: {  	v2 =	vadd.f32 $0.0e+00, v2;
	v9 =	vmul.f32 v58, v36;
	v4 =	vld [tilespmem:s8+$0x1F0];
	s31 =	spop (v2sf)  }
0x32c: {  	v10 =	vmul.f32 v58, v39;
	v5 =	vmul.f32 v5, v54;
	v0 =	vadd.f32 v57, v60;
	v7 =	vld [tilespmem:s8+$0x1B0];
	s0 =	smul.f32 $1.250000000e-01, s31  }
0x32d: {  	v1 =	vnsel vm0, $0x0, v58;
	v8 =	vpop (erf);
	v17 =	vld [tilespmem:s9+$0x1B0];
	[tilespmem:s15+$0xFFFFFE10] =	vst v9  }
0x32e: {  	v6 =	vpop (erf);
	v2 =	vadd.f32 v5, v2;
	v0 =	vmul.f32 v0, v59;
	[tilespmem:s15+$0xFFFFFE30] =	vst v10;
	v63 =	vmov s0  }
0x32f: {  	v47 =	vld [tilespmem:$0x1FD80];
	v46 =	vnsel vm0, $0x0, v8;
	v12 =	vpop (erf);
	[tilespmem:s15+$0xFFFFFE40] =	vst v1;
	v1 =	vmul.f32 v8, v43;
	v3 =	vmul.f32 $1.442695020e+00, v63  }
0x330: {  	v44 =	vld [tilespmem:$0x1FD60];
	[tilespmem:s15+$0xFFFFFEC0] =	vst v46;
	v18 =	vpop (erf);
	v0 =	vadd.f32 v0, v2;
	v2 =	vmul.f32 v8, v42  }
0x331: {  	v41 =	vld [tilespmem:$0x1FD30];
	[tilespmem:s15+$0xFFFFFEA0] =	vst v1;
	v1 =	vmul.f32 v6, v45;
	v13 =	vpop (erf);
	v5 =	vadd.f32 v16, v7;
	v3 =	vbroadcast v3, $0x0  }
0x332: {  	v50 =	vld [tilespmem:$0x1FDB0];
	[tilespmem:s15+$0xFFFFFE90] =	vst v2;
	v14 =	vmul.f32 v13, v14  }
0x333: {  	[tilespmem:s15+$0xFFFFFF00] =	vst v1;
	v7 =	vld [tilespmem:$0x1FD10];
	v40 =	vmul.f32 v5, v17;
	(erf) = vpow2.f32 v3  }
0x334: {  	v2 =	vmul.f32 v6, v47;
	v38 =	vnsel vm0, $0x0, v13;
	[tilespmem:s15+$0x80] =	vst v14;
	v14 =	vld [tilespmem:$0x1FCF0]  }
0x335: {  	v48 =	vld [tilespmem:$0x1FD90];
	v61 =	vmul.f32 v13, v21;
	[tilespmem:s15+$0xC0] =	vst v38;
	v0 =	vadd.f32 v40, v0  }
0x336: {  	v49 =	vld [tilespmem:$0x1FDA0];
	v62 =	vmul.f32 v13, v29;
	[tilespmem:s15+$0xFFFFFF10] =	vst v2  }
0x337: {  	v52 =	vld [tilespmem:$0x1FDC0];
	v35 =	vmul.f32 v13, v31;
	[tilespmem:s15+$0x90] =	vst v61;
	(xrf2) =	vadd.scan.msk.f32 $0xffff, v0  }
0x338: {  	v57 =	vld [tilespmem:$0x1FDE0];
	[tilespmem:s15+$0xA0] =	vst v62;
	v7 =	vmul.f32 v58, v7  }
0x339: {  	v60 =	vld [tilespmem:$0x1FE00];
	[tilespmem:s15+$0xB0] =	vst v35;
	v14 =	vmul.f32 v58, v14  }
0x33a: {  	v55 =	vld [tilespmem:$0x1FDD0];
	v0 =	vmul.f32 v8, v44;
	[tilespmem:s15+$0xFFFFFE20] =	vst v7  }
0x33b: {  	v59 =	vld [tilespmem:$0x1FDF0];
	[tilespmem:s15+$0xFFFFFE00] =	vst v14;
	v3 =	vmul.f32 v8, v41  }
0x33c: {  	v19 =	vmul.f32 v12, v50;
	v20 =	vmul.f32 v12, v52;
	v61 =	vld [tilespmem:$0x1FE10];
	[tilespmem:s15+$0xFFFFFEB0] =	vst v0;
	v51 =	vpop (erf)  }
0x33d: {  	v22 =	vmul.f32 v12, v57;
	v63 =	vld [tilespmem:$0x1FE20];
	[tilespmem:s15+$0xFFFFFE80] =	vst v3;
	v53 =	vmul.f32 v51, v30;
	v54 =	vnsel vm0, $0x0, v51  }
0x33e: {  	v24 =	vmul.f32 v18, v60;
	v56 =	vmul.f32 v51, v33;
	[tilespmem:s15+$0x140] =	vst v54  }
0x33f: {  	v13 =	vmul.f32 v6, v49;
	v58 =	vmul.f32 v51, v34;
	[tilespmem:s15+$0x100] =	vst v53  }
0x340: {  	v21 =	vmul.f32 v12, v55;
	v0 =	vmul.f32 v51, v32;
	[tilespmem:s15+$0x120] =	vst v56  }
0x341: {  	v23 =	vmul.f32 v18, v59;
	v29 =	vadd.f32 v4, v16;
	v25 =	vmul.f32 v18, v61;
	v62, _, _ =	vpop (xrf2);
	[tilespmem:s15+$0x130] =	vst v58  }
0x342: {  	s11 =	simm.s32 $0x9A00;
	s10 =	simm.s32 $0x8;
	v14 =	vmul.f32 v6, v48;
	v26 =	vmul.f32 v18, v63;
	(v2sf) =	vpush v62, $0xF;
	[tilespmem:s15+$0x110] =	vst v0  }
.LBB2_7:
0x343: {  	_ =	sdelay $0xd  }
0x344: {  	s12 =	spop (v2sf)  }
0x345: {  	s12 =	smul.f32 $1.250000000e-01, s12;
	_ =	sdelay $0x1  }
0x346: {  	v0 =	vnsel vm0, $0x0, v6;
	v62 =	vmov s12  }
0x347: {  	[tilespmem:s15+$0xFFFFFF40] =	vst v0;
	v0 =	vmul.f32 $1.442695020e+00, v62;
	_ =	sdelay $0x1  }
0x348: {  	v0 =	vbroadcast v0, $0x0  }
0x349: {  	[tilespmem:s15+$0xFFFFFF30] =	vst v13  }
0x34a: {  	[tilespmem:s15+$0xFFFFFF80] =	vst v19;
	(erf) = vpow2.f32 v0  }
0x34b: {  	[tilespmem:s15+$0xFFFFFF90] =	vst v20  }
0x34c: {  	[tilespmem:s15+$0xFFFFFF20] =	vst v14  }
0x34d: {  	[tilespmem:s15+$0xFFFFFFA0] =	vst v21  }
0x34e: {  	v60 =	vnsel vm0, $0x0, v12;
	[tilespmem:s15+$0xFFFFFFB0] =	vst v22  }
0x34f: {  	[tilespmem:s15+$0xFFFFFFC0] =	vst v60  }
0x350: {  	[tilespmem:s15+$0x0] =	vst v23  }
0x351: {  	[tilespmem:s15+$0x10] =	vst v24  }
0x352: {  	[tilespmem:s15+$0x20] =	vst v25  }
0x353: {  	v61 =	vnsel vm0, $0x0, v18;
	[tilespmem:s15+$0x30] =	vst v26;
	v0 =	vpop (erf)  }
0x354: {  	s0 =	smov.u32 s10;
	s17 =	rddreg [dreg:$0x4];
	[tilespmem:s15+$0x40] =	vst v61;
	v1 =	vmul.f32 v0, v15;
	v3 =	vnsel vm0, $0x0, v0  }
0x355: {  	s12 =	sadd.s32 s0, s17;
	v2 =	vmul.f32 v0, v27;
	[tilespmem:s15+$0x1C0] =	vst v3  }
0x356: {  	s0 =	sadd.s32 $0x20, s12;
	v4 =	vmul.f32 v0, v28;
	v0 =	vmul.f32 v0, v29;
	[tilespmem:s15+$0x180] =	vst v1  }
0x357: {  	p1 =	slt.s32 s0, $0x1F;
	[tilespmem:s15+$0x190] =	vst v2  }
0x358: {  	s0 =	simm.s32 @!p1 $0x1F;
	[tilespmem:s15+$0x1B0] =	vst v0  }
0x359: {  	s8 =	sadd.s32 $0x400, s8;
	s0 =	sshll.u32 s0, $0x9;
	[tilespmem:s15+$0x1A0] =	vst v4  }
0x35a: {  	s0 =	sshra.s32 s0, $0x2;
	v0 =	vld [tilespmem:s8+$0xFFFFFE40]  }
0x35b: {  	v1 =	vld [tilespmem:s0+$0x7800];
	_ =	sdelay $0x4  }
0x35c: {  	v63 =	vadd.f32 v0, v1  }
0x35d: {  	s9 =	sadd.s32 $0x400, s9;
	s11 =	sadd.s32 $0x400, s11;
	v3 =	vld [tilespmem:s8+$0xFFFFFE00]  }
0x35e: {  	v11 =	vld [tilespmem:s9+$0xFFFFFE00];
	[tilespmem:s11+$0xFFFFFE00] =	vst v63  }
0x35f: {  	v4 =	vld [tilespmem:s0+$0x7810]  }
0x360: {  	v5 =	vld [tilespmem:s8+$0xFFFFFE50];
	_ =	sdelay $0x4  }
0x361: {  	v33 =	vadd.f32 v5, v4  }
0x362: {  	v32 =	vld [tilespmem:s8+$0xFFFFFE10]  }
0x363: {  	v5 =	vld [tilespmem:s9+$0xFFFFFE10];
	[tilespmem:s11+$0xFFFFFE10] =	vst v33  }
0x364: {  	v6 =	vld [tilespmem:s0+$0x7820]  }
0x365: {  	v7 =	vld [tilespmem:s8+$0xFFFFFE60];
	_ =	sdelay $0x3  }
0x366: {  	v1 =	vadd.f32 v1, v3  }
0x367: {  	v7 =	vadd.f32 v7, v6  }
0x368: {  	v0 =	vmul.f32 v1, v11;
	v1 =	vadd.f32 v4, v32;
	v34 =	vld [tilespmem:s8+$0xFFFFFE20]  }
0x369: {  	v4 =	vld [tilespmem:s9+$0xFFFFFE20];
	[tilespmem:s11+$0xFFFFFE20] =	vst v7  }
0x36a: {  	v1 =	vmul.f32 v1, v5;
	v5 =	vld [tilespmem:s0+$0x7830]  }
0x36b: {  	s13 =	sadd.s32 $0x21, s12;
	v8 =	vld [tilespmem:s8+$0xFFFFFE70]  }
0x36c: {  	s16 =	sadd.s32 $0x22, s12;
	s22 =	sadd.s32 $0x23, s12;
	p2 =	slt.s32 s13, $0x1F  }
0x36d: {  	p3 =	slt.s32 s16, $0x1F;
	s13 =	simm.s32 @!p2 $0x1F;
	p1 =	slt.s32 s22, $0x1F;
	v0 =	vadd.f32 $0.0e+00, v0  }
0x36e: {  	s14 =	sshll.u32 s13, $0x9;
	s22 =	simm.s32 @!p1 $0x1F;
	s13 =	sadd.s32 $0x24, s12  }
0x36f: {  	s31 =	sshll.u32 s22, $0x9;
	p1 =	slt.s32 s13, $0x1F;
	s22 =	sadd.s32 $0x26, s12;
	v0 =	vadd.f32 v1, v0  }
0x370: {  	s16 =	simm.s32 @!p3 $0x1F;
	s13 =	simm.s32 @!p1 $0x1F;
	p1 =	slt.s32 s22, $0x1F;
	v1 =	vadd.f32 v6, v34;
	v10 =	vadd.f32 v8, v5  }
0x371: {  	s17 =	sshll.u32 s16, $0x9;
	s22 =	simm.s32 @!p1 $0x1F;
	v35 =	vld [tilespmem:s8+$0xFFFFFE30]  }
0x372: {  	s16 =	sshll.u32 s13, $0x9;
	s13 =	sshll.u32 s22, $0x9;
	s22 =	sshra.s32 s14, $0x2;
	v1 =	vmul.f32 v1, v4;
	v4 =	vld [tilespmem:s9+$0xFFFFFE30];
	[tilespmem:s11+$0xFFFFFE30] =	vst v10  }
0x373: {  	v8 =	vld [tilespmem:s22+$0x7800]  }
0x374: {  	v6 =	vld [tilespmem:s8+$0xFFFFFEC0];
	_ =	sdelay $0x2  }
0x375: {  	v0 =	vadd.f32 v1, v0;
	v1 =	vadd.f32 v5, v35;
	_ =	sdelay $0x1  }
0x376: {  	v1 =	vmul.f32 v1, v4;
	v6 =	vadd.f32 v6, v8  }
0x377: {  	v36 =	vld [tilespmem:s8+$0xFFFFFE80]  }
0x378: {  	v4 =	vld [tilespmem:s9+$0xFFFFFE80];
	v0 =	vadd.f32 v1, v0;
	[tilespmem:s11+$0xFFFFFE80] =	vst v6  }
0x379: {  	v38 =	vld [tilespmem:s22+$0x7810]  }
0x37a: {  	(xrf2) =	vadd.scan.msk.f32 $0xffff, v0;
	v5 =	vld [tilespmem:s8+$0xFFFFFED0];
	_ =	sdelay $0x3  }
0x37b: {  	v1 =	vadd.f32 v8, v36  }
0x37c: {  	v8 =	vadd.f32 v5, v38  }
0x37d: {  	v1 =	vmul.f32 v1, v4;
	v4 =	vld [tilespmem:s8+$0xFFFFFE90]  }
0x37e: {  	v5 =	vld [tilespmem:s9+$0xFFFFFE90];
	[tilespmem:s11+$0xFFFFFE90] =	vst v8  }
0x37f: {  	v11 =	vld [tilespmem:s22+$0x7820]  }
0x380: {  	v12 =	vld [tilespmem:s8+$0xFFFFFEE0]  }
0x381: {  	v9, _, _ =	vpop (xrf2)  }
0x382: {  	(v2sf) =	vpush v9, $0xF;
	_ =	sdelay $0x2  }
0x383: {  	v40 =	vadd.f32 v12, v11  }
0x384: {  	v0 =	vadd.f32 v38, v4;
	v39 =	vld [tilespmem:s8+$0xFFFFFEA0]  }
0x385: {  	v4 =	vld [tilespmem:s9+$0xFFFFFEA0];
	[tilespmem:s11+$0xFFFFFEA0] =	vst v40  }
0x386: {  	v0 =	vmul.f32 v0, v5;
	v5 =	vld [tilespmem:s8+$0xFFFFFEF0]  }
0x387: {  	v12 =	vld [tilespmem:s22+$0x7830];
	_ =	sdelay $0x1  }
0x388: {  	v1 =	vadd.f32 $0.0e+00, v1;
	_ =	sdelay $0x1  }
0x389: {  	v0 =	vadd.f32 v0, v1  }
0x38a: {  	v1 =	vadd.f32 v11, v39;
	v16 =	vadd.f32 v5, v12  }
0x38b: {  	v41 =	vld [tilespmem:s8+$0xFFFFFEB0]  }
0x38c: {  	v1 =	vmul.f32 v1, v4;
	v4 =	vld [tilespmem:s9+$0xFFFFFEB0];
	[tilespmem:s11+$0xFFFFFEB0] =	vst v16  }
0x38d: {  	s22 =	sshra.s32 s17, $0x2;
	s23 =	spop (v2sf);
	v5 =	vld [tilespmem:s8+$0xFFFFFF40]  }
0x38e: {  	s0 =	smul.f32 $1.250000000e-01, s23;
	v13 =	vld [tilespmem:s22+$0x7800];
	_ =	sdelay $0x1  }
0x38f: {  	v42 =	vmov s0  }
0x390: {  	v0 =	vadd.f32 v1, v0;
	v1 =	vadd.f32 v12, v41;
	v11 =	vmul.f32 $1.442695020e+00, v42;
	_ =	sdelay $0x1  }
0x391: {  	v1 =	vmul.f32 v1, v4;
	v11 =	vbroadcast v11, $0x0;
	v12 =	vadd.f32 v5, v13  }
0x392: {  	v43 =	vld [tilespmem:s8+$0xFFFFFF00]  }
0x393: {  	v4 =	vld [tilespmem:s9+$0xFFFFFF00];
	v0 =	vadd.f32 v1, v0;
	(erf) = vpow2.f32 v11;
	[tilespmem:s11+$0xFFFFFF00] =	vst v12  }
0x394: {  	v44 =	vld [tilespmem:s8+$0xFFFFFF50]  }
0x395: {  	(xrf2) =	vadd.scan.msk.f32 $0xffff, v0;
	v45 =	vld [tilespmem:s22+$0x7810];
	_ =	sdelay $0x2  }
0x396: {  	v1 =	vadd.f32 v13, v43;
	_ =	sdelay $0x1  }
0x397: {  	v15 =	vld [tilespmem:s8+$0xFFFFFF10];
	v13 =	vadd.f32 v44, v45;
	_ =	sdelay $0x1  }
0x398: {  	v4 =	vmul.f32 v1, v4;
	v46 =	vld [tilespmem:s9+$0xFFFFFF10];
	v1 =	vpop (erf);
	[tilespmem:s11+$0xFFFFFF10] =	vst v13  }
0x399: {  	v3 =	vmul.f32 v1, v7;
	v7 =	vld [tilespmem:s8+$0xFFFFFF60]  }
0x39a: {  	v17 =	vld [tilespmem:s22+$0x7820]  }
0x39b: {  	v47, _, _ =	vpop (xrf2);
	v48 =	vadd.f32 v45, v15  }
0x39c: {  	(v2sf) =	vpush v47, $0xF  }
0x39d: {  	v14 =	vadd.f32 $0.0e+00, v4;
	v0 =	vmul.f32 v48, v46;
	_ =	sdelay $0x1  }
0x39e: {  	v0 =	vadd.f32 v0, v14;
	v14 =	vadd.f32 v7, v17  }
0x39f: {  	v49 =	vld [tilespmem:s8+$0xFFFFFF20]  }
0x3a0: {  	v7 =	vld [tilespmem:s9+$0xFFFFFF20];
	[tilespmem:s11+$0xFFFFFF20] =	vst v14  }
0x3a1: {  	v50 =	vld [tilespmem:s8+$0xFFFFFF70]  }
0x3a2: {  	v15 =	vld [tilespmem:s22+$0x7830];
	_ =	sdelay $0x2  }
0x3a3: {  	v2 =	vmul.f32 v1, v10;
	v10 =	vadd.f32 v17, v49;
	_ =	sdelay $0x1  }
0x3a4: {  	v7 =	vmul.f32 v10, v7;
	v19 =	vadd.f32 v50, v15  }
0x3a5: {  	v51 =	vld [tilespmem:s9+$0xFFFFFF30]  }
0x3a6: {  	v0 =	vadd.f32 v7, v0;
	v7 =	vld [tilespmem:s8+$0xFFFFFF30];
	[tilespmem:s11+$0xFFFFFF30] =	vst v19  }
0x3a7: {  	s17 =	sshra.s32 s31, $0x2;
	s23 =	spop (v2sf);
	v52 =	vld [tilespmem:s8+$0xFFFFFFC0]  }
0x3a8: {  	s0 =	smul.f32 $1.250000000e-01, s23;
	v18 =	vld [tilespmem:s17+$0x7800];
	_ =	sdelay $0x1  }
0x3a9: {  	v17 =	vmov s0  }
0x3aa: {  	v17 =	vmul.f32 $1.442695020e+00, v17;
	v7 =	vadd.f32 v15, v7;
	_ =	sdelay $0x1  }
0x3ab: {  	v17 =	vbroadcast v17, $0x0;
	v7 =	vmul.f32 v7, v51;
	v15 =	vadd.f32 v52, v18  }
0x3ac: {  	v53 =	vld [tilespmem:s9+$0xFFFFFF80]  }
0x3ad: {  	v0 =	vadd.f32 v7, v0;
	v7 =	vld [tilespmem:s8+$0xFFFFFF80];
	(erf) = vpow2.f32 v17;
	[tilespmem:s11+$0xFFFFFF80] =	vst v15  }
0x3ae: {  	v54 =	vld [tilespmem:s8+$0xFFFFFFD0]  }
0x3af: {  	(xrf2) =	vadd.scan.msk.f32 $0xffff, v0;
	v17 =	vld [tilespmem:s17+$0x7810];
	_ =	sdelay $0x2  }
0x3b0: {  	v7 =	vadd.f32 v18, v7;
	_ =	sdelay $0x1  }
0x3b1: {  	v18 =	vadd.f32 v54, v17  }
0x3b2: {  	v21 =	vld [tilespmem:s8+$0xFFFFFF90];
	v10 =	vmul.f32 v7, v53  }
0x3b3: {  	v55 =	vld [tilespmem:s9+$0xFFFFFF90];
	v7 =	vpop (erf);
	[tilespmem:s11+$0xFFFFFF90] =	vst v18  }
0x3b4: {  	v20 =	vadd.f32 $0.0e+00, v10;
	v10 =	vmul.f32 v7, v6;
	v6 =	vld [tilespmem:s8+$0xFFFFFFE0]  }
0x3b5: {  	v22 =	vld [tilespmem:s17+$0x7820]  }
0x3b6: {  	v9 =	vmul.f32 v7, v16;
	v16, _, _ =	vpop (xrf2)  }
0x3b7: {  	v23 =	vld [tilespmem:s8+$0xFFFFFFA0];
	(v2sf) =	vpush v16, $0xF;
	_ =	sdelay $0x1  }
0x3b8: {  	v16 =	vadd.f32 v17, v21;
	v17 =	vld [tilespmem:s9+$0xFFFFFFA0]  }
0x3b9: {  	v21 =	vadd.f32 v6, v22;
	_ =	sdelay $0x1  }
0x3ba: {  	v6 =	vadd.f32 v22, v23;
	[tilespmem:s11+$0xFFFFFFA0] =	vst v21  }
0x3bb: {  	v0 =	vmul.f32 v16, v55;
	v16 =	vld [tilespmem:s8+$0xFFFFFFF0]  }
0x3bc: {  	v6 =	vmul.f32 v6, v17;
	v17 =	vld [tilespmem:s17+$0x7830];
	_ =	sdelay $0x1  }
0x3bd: {  	v23 =	vld [tilespmem:s8+$0xFFFFFFB0];
	_ =	sdelay $0x1  }
0x3be: {  	v0 =	vadd.f32 v0, v20;
	v20 =	vld [tilespmem:s9+$0xFFFFFFB0]  }
0x3bf: {  	v22 =	vadd.f32 v16, v17;
	_ =	sdelay $0x1  }
0x3c0: {  	v16 =	vadd.f32 v17, v23;
	[tilespmem:s11+$0xFFFFFFB0] =	vst v22  }
0x3c1: {  	s31 =	sshra.s32 s16, $0x2;
	v17 =	vld [tilespmem:s8+$0x40];
	s22 =	spop (v2sf)  }
0x3c2: {  	v0 =	vadd.f32 v6, v0;
	v6 =	vmul.f32 v16, v20;
	v16 =	vld [tilespmem:s31+$0x7800];
	s23 =	smul.f32 $1.250000000e-01, s22;
	_ =	sdelay $0x1  }
0x3c3: {  	v23 =	vmov s23  }
0x3c4: {  	v0 =	vadd.f32 v6, v0;
	v6 =	vld [tilespmem:s8+$0x0];
	v20 =	vmul.f32 $1.442695020e+00, v23;
	_ =	sdelay $0x1  }
0x3c5: {  	(xrf2) =	vadd.scan.msk.f32 $0xffff, v0;
	v23 =	vadd.f32 v17, v16;
	v20 =	vbroadcast v20, $0x0;
	_ =	sdelay $0x1  }
0x3c6: {  	v24 =	vld [tilespmem:s9+$0x0];
	[tilespmem:s11+$0x0] =	vst v23;
	(erf) = vpow2.f32 v20  }
0x3c7: {  	v56 =	vadd.f32 v16, v6;
	v6 =	vld [tilespmem:s8+$0x50]  }
0x3c8: {  	v16 =	vld [tilespmem:s31+$0x7810];
	_ =	sdelay $0x1  }
0x3c9: {  	v17 =	vld [tilespmem:s8+$0x10];
	_ =	sdelay $0x1  }
0x3ca: {  	v20 =	vld [tilespmem:s9+$0x10]  }
0x3cb: {  	v0 =	vmul.f32 v56, v24;
	v24 =	vadd.f32 v6, v16  }
0x3cc: {  	v25, _, _ =	vpop (xrf2)  }
0x3cd: {  	(v2sf) =	vpush v25, $0xF;
	v25 =	vadd.f32 v16, v17;
	[tilespmem:s11+$0x10] =	vst v24;
	v6 =	vpop (erf)  }
0x3ce: {  	v17 =	vmul.f32 v6, v12;
	v16 =	vmul.f32 v6, v13;
	v12 =	vld [tilespmem:s8+$0x60]  }
0x3cf: {  	v13 =	vmul.f32 v6, v19;
	v19 =	vmul.f32 v25, v20;
	v20 =	vld [tilespmem:s31+$0x7820]  }
0x3d0: {  	v0 =	vadd.f32 $0.0e+00, v0;
	_ =	sdelay $0x1  }
0x3d1: {  	v0 =	vadd.f32 v19, v0;
	v19 =	vld [tilespmem:s8+$0x20];
	_ =	sdelay $0x1  }
0x3d2: {  	v25 =	vadd.f32 v12, v20;
	_ =	sdelay $0x1  }
0x3d3: {  	v26 =	vld [tilespmem:s9+$0x20];
	[tilespmem:s11+$0x20] =	vst v25  }
0x3d4: {  	v12 =	vadd.f32 v20, v19;
	v19 =	vld [tilespmem:s8+$0x70]  }
0x3d5: {  	v20 =	vld [tilespmem:s31+$0x7830];
	_ =	sdelay $0x1  }
0x3d6: {  	v28 =	vld [tilespmem:s8+$0x30];
	_ =	sdelay $0x1  }
0x3d7: {  	s15 =	sadd.s32 $0x25, s12;
	v27 =	vld [tilespmem:s9+$0x30]  }
0x3d8: {  	p2 =	slt.s32 s15, $0x1F;
	v12 =	vmul.f32 v12, v26;
	v26 =	vadd.f32 v19, v20  }
0x3d9: {  	s15 =	simm.s32 @!p2 $0x1F  }
0x3da: {  	s30 =	sshll.u32 s15, $0x9;
	v20 =	vadd.f32 v20, v28;
	[tilespmem:s11+$0x30] =	vst v26  }
0x3db: {  	s16 =	sshra.s32 s30, $0x2;
	s14 =	spop (v2sf);
	v28 =	vld [tilespmem:s8+$0xC0]  }
0x3dc: {  	s0 =	smul.f32 $1.250000000e-01, s14;
	v0 =	vadd.f32 v12, v0;
	v12 =	vmul.f32 v20, v27;
	v20 =	vld [tilespmem:s16+$0x7800];
	_ =	sdelay $0x1  }
0x3dd: {  	v19 =	vmov s0;
	v0 =	vadd.f32 v12, v0;
	v12 =	vld [tilespmem:s8+$0x80]  }
0x3de: {  	v19 =	vmul.f32 $1.442695020e+00, v19  }
0x3df: {  	v27 =	vld [tilespmem:s9+$0x80]  }
0x3e0: {  	v19 =	vbroadcast v19, $0x0;
	v29 =	vadd.f32 v28, v20;
	_ =	sdelay $0x1  }
0x3e1: {  	(erf) = vpow2.f32 v19;
	(xrf2) =	vadd.scan.msk.f32 $0xffff, v0;
	v57 =	vadd.f32 v20, v12;
	[tilespmem:s11+$0x80] =	vst v29  }
0x3e2: {  	v28 =	vld [tilespmem:s8+$0xD0]  }
0x3e3: {  	v0 =	vmul.f32 v57, v27;
	v27 =	vld [tilespmem:s16+$0x7810];
	_ =	sdelay $0x3  }
0x3e4: {  	v32 =	vld [tilespmem:s8+$0x90]  }
0x3e5: {  	v30 =	vadd.f32 v28, v27  }
0x3e6: {  	v31 =	vld [tilespmem:s9+$0x90]  }
0x3e7: {  	v12 =	vpop (erf);
	[tilespmem:s11+$0x90] =	vst v30  }
0x3e8: {  	v19 =	vmul.f32 v12, v15;
	v20 =	vmul.f32 v12, v18;
	v15, _, _ =	vpop (xrf2);
	v18 =	vld [tilespmem:s8+$0xE0]  }
0x3e9: {  	(v2sf) =	vpush v15, $0xF;
	v15 =	vadd.f32 v27, v32;
	v27 =	vld [tilespmem:s16+$0x7820];
	_ =	sdelay $0x1  }
0x3ea: {  	v15 =	vmul.f32 v15, v31;
	v31 =	vld [tilespmem:s8+$0xA0];
	_ =	sdelay $0x1  }
0x3eb: {  	v28 =	vld [tilespmem:s9+$0xA0]  }
0x3ec: {  	v58 =	vadd.f32 v18, v27;
	_ =	sdelay $0x1  }
0x3ed: {  	v18 =	vadd.f32 v27, v31;
	[tilespmem:s11+$0xA0] =	vst v58  }
0x3ee: {  	v27 =	vld [tilespmem:s8+$0xF0]  }
0x3ef: {  	v18 =	vmul.f32 v18, v28;
	v28 =	vld [tilespmem:s16+$0x7830];
	_ =	sdelay $0x2  }
0x3f0: {  	v34 =	vld [tilespmem:s8+$0xB0];
	_ =	sdelay $0x1  }
0x3f1: {  	v4 =	vmul.f32 v1, v33;
	v0 =	vadd.f32 $0.0e+00, v0;
	v31 =	vld [tilespmem:s9+$0xB0];
	v33 =	vadd.f32 v27, v28;
	_ =	sdelay $0x1  }
0x3f2: {  	v0 =	vadd.f32 v15, v0;
	[tilespmem:s11+$0xB0] =	vst v33  }
0x3f3: {  	s22 =	sshra.s32 s13, $0x2;
	v15 =	vadd.f32 v28, v34;
	v28 =	vld [tilespmem:s8+$0x140]  }
0x3f4: {  	v0 =	vadd.f32 v18, v0;
	v18 =	vld [tilespmem:s22+$0x7800]  }
0x3f5: {  	s17 =	spop (v2sf);
	v15 =	vmul.f32 v15, v31  }
0x3f6: {  	s0 =	smul.f32 $1.250000000e-01, s17  }
0x3f7: {  	v0 =	vadd.f32 v15, v0;
	v15 =	vld [tilespmem:s8+$0x100]  }
0x3f8: {  	v27 =	vmov s0  }
0x3f9: {  	v27 =	vmul.f32 $1.442695020e+00, v27;
	(xrf2) =	vadd.scan.msk.f32 $0xffff, v0;
	v31 =	vadd.f32 v28, v18;
	_ =	sdelay $0x1  }
0x3fa: {  	v59 =	vld [tilespmem:s9+$0x100];
	v27 =	vbroadcast v27, $0x0;
	[tilespmem:s11+$0x100] =	vst v31  }
0x3fb: {  	v60 =	vadd.f32 v18, v15;
	v15 =	vld [tilespmem:s8+$0x150]  }
0x3fc: {  	(erf) = vpow2.f32 v27;
	v27 =	vld [tilespmem:s22+$0x7810];
	_ =	sdelay $0x1  }
0x3fd: {  	v35 =	vld [tilespmem:s8+$0x110];
	_ =	sdelay $0x1  }
0x3fe: {  	v28 =	vld [tilespmem:s9+$0x110]  }
0x3ff: {  	v34 =	vadd.f32 v15, v27  }
0x400: {  	v15, _, _ =	vpop (xrf2)  }
0x401: {  	(v2sf) =	vpush v15, $0xF;
	v15 =	vadd.f32 v27, v35;
	[tilespmem:s11+$0x110] =	vst v34  }
0x402: {  	v27 =	vld [tilespmem:s8+$0x160]  }
0x403: {  	v15 =	vmul.f32 v15, v28;
	v28 =	vld [tilespmem:s22+$0x7820];
	_ =	sdelay $0x4  }
0x404: {  	v38 =	vld [tilespmem:s8+$0x120];
	v35 =	vadd.f32 v27, v28;
	_ =	sdelay $0x1  }
0x405: {  	v36 =	vld [tilespmem:s9+$0x120];
	[tilespmem:s11+$0x120] =	vst v35  }
0x406: {  	v61 =	vld [tilespmem:s8+$0x130]  }
0x407: {  	v62 =	vld [tilespmem:s22+$0x7830]  }
0x408: {  	v0 =	vmul.f32 v60, v59;
	v27 =	vadd.f32 v28, v38;
	v28 =	vld [tilespmem:s8+$0x170]  }
0x409: {  	v39 =	vld [tilespmem:s9+$0x130]  }
0x40a: {  	v0 =	vadd.f32 $0.0e+00, v0  }
0x40b: {  	s12 =	sadd.s32 $0x27, s12;
	v11 =	vmul.f32 v7, v40;
	s23 =	spop (v2sf)  }
0x40c: {  	p1 =	slt.s32 s12, $0x1F;
	v0 =	vadd.f32 v15, v0;
	v27 =	vmul.f32 v27, v36;
	v40 =	vadd.f32 v62, v61;
	s0 =	smul.f32 $1.250000000e-01, s23  }
0x40d: {  	s12 =	simm.s32 @!p1 $0x1F;
	v5 =	vmul.f32 v1, v63;
	v63 =	vadd.f32 v28, v62  }
0x40e: {  	s12 =	sshll.u32 s12, $0x9;
	v0 =	vadd.f32 v27, v0;
	v27 =	vmul.f32 v40, v39;
	v15 =	vmov s0  }
0x40f: {  	s30 =	sshra.s32 s12, $0x2;
	[tilespmem:s11+$0x130] =	vst v63;
	v15 =	vmul.f32 $1.442695020e+00, v15  }
0x410: {  	v44 =	vld [tilespmem:s30+$0x7800];
	v0 =	vadd.f32 v27, v0  }
0x411: {  	v28 =	vbroadcast v15, $0x0;
	v15 =	vld [tilespmem:s8+$0x1C0]  }
0x412: {  	(xrf2) =	vadd.scan.msk.f32 $0xffff, v0  }
0x413: {  	v45 =	vld [tilespmem:s8+$0x180];
	_ =	sdelay $0x1  }
0x414: {  	v27 =	vld [tilespmem:s9+$0x180]  }
0x415: {  	v15 =	vadd.f32 v15, v44;
	_ =	sdelay $0x1  }
0x416: {  	v46 =	vadd.f32 v44, v45;
	[tilespmem:s11+$0x180] =	vst v15  }
0x417: {  	v47 =	vld [tilespmem:s30+$0x7810]  }
0x418: {  	v0 =	vmul.f32 v46, v27;
	v27 =	vld [tilespmem:s8+$0x1D0];
	_ =	sdelay $0x1  }
0x419: {  	v41, _, _ =	vpop (xrf2)  }
0x41a: {  	(v2sf) =	vpush v41, $0xF;
	_ =	sdelay $0x1  }
0x41b: {  	v27 =	vadd.f32 v27, v47  }
0x41c: {  	v48 =	vld [tilespmem:s9+$0x190]  }
0x41d: {  	v49 =	vld [tilespmem:s8+$0x190];
	[tilespmem:s11+$0x190] =	vst v27  }
0x41e: {  	v18 =	vpop (erf);
	(erf) = vpow2.f32 v28;
	v50 =	vld [tilespmem:s30+$0x7820]  }
0x41f: {  	v51 =	vld [tilespmem:s8+$0x1E0];
	_ =	sdelay $0x4  }
0x420: {  	v28 =	vadd.f32 v51, v50  }
0x421: {  	v52 =	vld [tilespmem:s9+$0x1A0]  }
0x422: {  	v42 =	vld [tilespmem:s8+$0x1A0];
	[tilespmem:s11+$0x1A0] =	vst v28  }
0x423: {  	v56 =	vpop (erf);
	v54 =	vld [tilespmem:s30+$0x7830]  }
0x424: {  	v29 =	vmul.f32 v56, v29;
	v55 =	vld [tilespmem:s8+$0x1F0];
	s31 =	spop (v2sf)  }
0x425: {  	v30 =	vmul.f32 v56, v30;
	v38 =	vadd.f32 v47, v49;
	v43 =	vld [tilespmem:s8+$0x1B0];
	s0 =	smul.f32 $1.250000000e-01, s31  }
0x426: {  	v32 =	vmul.f32 v56, v58;
	v44 =	vld [tilespmem:s9+$0x1B0];
	[tilespmem:s11+$0x80] =	vst v29  }
0x427: {  	v0 =	vadd.f32 $0.0e+00, v0;
	v38 =	vmul.f32 v38, v48;
	[tilespmem:s11+$0x90] =	vst v30;
	v29 =	vmov s0  }
0x428: {  	v53 =	vadd.f32 v50, v42;
	[tilespmem:s11+$0xA0] =	vst v32;
	v57 =	vmul.f32 $1.442695020e+00, v29  }
0x429: {  	v0 =	vadd.f32 v38, v0;
	v30 =	vmul.f32 v56, v33;
	[tilespmem:s11+$0xFFFFFE00] =	vst v5  }
0x42a: {  	v39 =	vmul.f32 v53, v52;
	[tilespmem:s11+$0xFFFFFE10] =	vst v4;
	v58 =	vadd.f32 v54, v43;
	v33 =	vbroadcast v57, $0x0  }
0x42b: {  	[tilespmem:s11+$0xB0] =	vst v30;
	v30 =	vnsel vm0, $0x0, v56  }
0x42c: {  	v0 =	vadd.f32 v39, v0;
	[tilespmem:s11+$0xC0] =	vst v30;
	v30 =	vmul.f32 v58, v44;
	(erf) = vpow2.f32 v33  }
0x42d: {  	[tilespmem:s11+$0xFFFFFE20] =	vst v3  }
0x42e: {  	v1 =	vnsel vm0, $0x0, v1;
	[tilespmem:s11+$0xFFFFFE30] =	vst v2;
	v0 =	vadd.f32 v30, v0  }
0x42f: {  	v8 =	vmul.f32 v7, v8;
	[tilespmem:s11+$0xFFFFFE40] =	vst v1  }
0x430: {  	[tilespmem:s11+$0xFFFFFE80] =	vst v10;
	(xrf2) =	vadd.scan.msk.f32 $0xffff, v0  }
0x431: {  	[tilespmem:s11+$0xFFFFFE90] =	vst v8  }
0x432: {  	[tilespmem:s11+$0xFFFFFEA0] =	vst v11  }
0x433: {  	v59 =	vnsel vm0, $0x0, v7;
	[tilespmem:s11+$0xFFFFFEB0] =	vst v9  }
0x434: {  	[tilespmem:s11+$0xFFFFFEC0] =	vst v59  }
0x435: {  	[tilespmem:s11+$0xFFFFFF00] =	vst v17;
	v60 =	vpop (erf)  }
0x436: {  	p0 =	sne.s32 s10, $0x18;
	v14 =	vmul.f32 v6, v14;
	[tilespmem:s11+$0xFFFFFF10] =	vst v16;
	v5 =	vmul.f32 v60, v31;
	v62 =	vnsel vm0, $0x0, v60  }
.Ltmp2:
0x437: {  	v21 =	vmul.f32 v12, v21;
	v4 =	vmul.f32 v60, v35;
	[tilespmem:s11+$0x140] =	vst v62;
	(pc) =	sbr.rel @p0 .LBB2_7-.Ltmp2, $4  }
0x438: {  	v22 =	vmul.f32 v12, v22;
	v0 =	vmul.f32 v60, v63;
	[tilespmem:s11+$0x100] =	vst v5  }
0x439: {  	v23 =	vmul.f32 v18, v23;
	v61 =	vmul.f32 v60, v34;
	[tilespmem:s11+$0x120] =	vst v4  }
0x43a: {  	v24 =	vmul.f32 v18, v24;
	v25 =	vmul.f32 v18, v25;
	v63, _, _ =	vpop (xrf2);
	[tilespmem:s11+$0x130] =	vst v0  }
0x43b: {  	s10 =	sadd.s32 $0x8, s10;
	s15 =	smov.u32 s11;
	v26 =	vmul.f32 v18, v26;
	v29 =	vadd.f32 v55, v54;
	(v2sf) =	vpush v63, $0xF;
	[tilespmem:s11+$0x110] =	vst v61  }
0x43c: {  	_ =	sdelay $0xd  }
0x43d: {  	s0 =	spop (v2sf)  }
0x43e: {  	s0 =	smul.f32 $1.250000000e-01, s0;
	_ =	sdelay $0x1  }
0x43f: {  	v0 =	vmov s0  }
0x440: {  	v0 =	vmul.f32 $1.442695020e+00, v0;
	_ =	sdelay $0x1  }
0x441: {  	[tilespmem:s15+$0xFFFFFF20] =	vst v14;
	v0 =	vbroadcast v0, $0x0  }
0x442: {  	[tilespmem:s15+$0xFFFFFF30] =	vst v13  }
0x443: {  	[tilespmem:s15+$0xFFFFFF80] =	vst v19;
	(erf) = vpow2.f32 v0  }
0x444: {  	[tilespmem:s15+$0xFFFFFF90] =	vst v20  }
0x445: {  	[tilespmem:s15+$0xFFFFFFA0] =	vst v21  }
0x446: {  	[tilespmem:s15+$0xFFFFFFB0] =	vst v22  }
0x447: {  	[tilespmem:s15+$0x0] =	vst v23  }
0x448: {  	[tilespmem:s15+$0x10] =	vst v24  }
0x449: {  	v1 =	vnsel vm0, $0x0, v6;
	[tilespmem:s15+$0x20] =	vst v25  }
0x44a: {  	v58 =	vnsel vm0, $0x0, v12;
	[tilespmem:s15+$0xFFFFFF40] =	vst v1  }
0x44b: {  	[tilespmem:s15+$0xFFFFFFC0] =	vst v58  }
0x44c: {  	v59 =	vnsel vm0, $0x0, v18;
	[tilespmem:s15+$0x30] =	vst v26;
	v60 =	vpop (erf)  }
0x44d: {  	s19 =	sadd.s32 $0x1, s19;
	[tilespmem:s15+$0x40] =	vst v59;
	v61 =	vmul.f32 v60, v15;
	v2 =	vnsel vm0, $0x0, v60  }
0x44e: {  	p0 =	sne.s32 s19, $0x50;
	v3 =	vmul.f32 v60, v27;
	[tilespmem:s15+$0x1C0] =	vst v2  }
.Ltmp3:
0x44f: {  	v62 =	vmul.f32 v60, v29;
	[tilespmem:s15+$0x180] =	vst v61;
	(pc) =	sbr.rel @p0 .LBB2_4-.Ltmp3, $4  }
0x450: {  	v63 =	vmul.f32 v60, v28;
	[tilespmem:s15+$0x190] =	vst v3  }
0x451: {  	[tilespmem:s15+$0x1B0] =	vst v62  }
0x452: {  	s18 =	sadd.s32 $0x40, s18;
	s2 =	sadd.s32 $0x40, s2;
	[tilespmem:s15+$0x1A0] =	vst v63  }
0x453: {  	[spmem:s1] =	stream.indirect.scatter.add.f32 [tilespmem:s29], [sflag:$0x4], $0x80, s20, s21, $0xb8;
	[tilespmem:$0x1E800] =	vst v63  }
0x454: {  	s0 =	simm.s32 $0x3  }
0x455: {  	_ =	swait.ge [sflag:s0], $0x1000  }
0x456: {  	[sflag:s0] =	ssyncset.done $0x0  }
0x457: {  	s23 =	simm.s32 $0x4;
	[sflag:s0] =	ssyncadd.s32 $0xFFFFF000  }
0x458: {  	_ =	swait.ge [sflag:s23], $0x1000  }
0x459: {  	[sflag:s23] =	ssyncset.done $0x0  }
0x45a: {  	[sflag:s23] =	ssyncadd.s32 $0xFFFFF000  }
0x45b: {  	[bflag:$0x0] =	sbarrier.arrive $0xFFFF  }
0x45c: {  	s30 =	rddreg [dreg:$0x9]  }
0x45d: {  	s10 =	rddreg [dreg:$0xb]  }
0x45e: {  	s2 =	simm.s32 $0x5;
	s9 =	rddreg [dreg:$0xc]  }
0x45f: {  	[hbm:s30], [sflag:s10] =	dma.local [spmem:s9], $0x2800  }
0x460: {  	_ =	swait.ge [sflag:s2], $0x2800  }
0x461: {  	s11 =	rddreg [dreg:$0xd]  }
0x462: {  	s31 =	rddreg [dreg:$0xa];
	s11 =	sadd.s32 $0x1, s11  }
0x463: {  	p0 =	sne.s32 s11, s31  }
.Ltmp4:
0x464: {  	_ = 	snop;
	(pc) =	sbr.rel @p0 .LBB2_1-.Ltmp4, $3  }
0x465: {  	_ =	sdelay $0x1  }
0x466: {  	[sflag:s2] =	ssyncset.done $0x0  }
0x467: {  	s8 =	simm.s32 $0x1400;
	[sflag:s2] =	ssyncadd.s32 $0xFFFFD800  }
0x468: {  	_ =	sfence.sel $0x180000  }
0x469: {  	[bflag:$0x0] =	sbarrier.arrive $0xFFFF  }
0x46a: {  	_ =	strace $0x90000047  }
0x46b: {  	s0 =	stileid.u32;
	[bflag:$0x2] =	sbarrier.arrive $0xFFFF  }
0x46c: {  	p0 =	sne.s32 s0, $0x0;
	s0 =	rddreg [dreg:$0x2]  }
0x46d: {  	s0 =	sadd.s32 @!p0 $0x100000, s0  }
0x46e: {  	[sflag:s0] =	ssyncadd.tile.s32 @!p0 $0x1;
	_ =	shalt  }
.Lfunc_end2:
_tile_overlayer_lowered:
.L_overlay_start_2:
0x46f: {  	(tag) =	ssettag $0x2  }
0x470: {  	s0 =	rddreg [dreg:$0x0];
	s2 =	stileid.u32  }
0x471: {  	s1 =	rddreg [dreg:$0x1];
	p0 =	sne.s32 s2, $0x0  }
0x472: {  	s3 =	rddreg [dreg:$0x2];
	[bflag:$0x3] =	sbarrier.arrive $0xFFFF;
	s2 =	simm.s32 @!p0 $0x1C05  }
0x473: {  	[timem:s3], [sflag:s2] =	dma.local @!p0 [hbm:s0], s1  }
0x474: {  	s0 =	simm.s32 @!p0 $0x5  }
0x475: {  	_ =	swait.ge @!p0 [sflag:s0], s1  }
0x476: {  	s1 =	ssub.s32 @!p0 $0x0, s1;
	[sflag:s0] =	ssyncset.done @!p0 $0x0  }
0x477: {  	[sflag:s0] =	ssyncadd.s32 @!p0 s1  }
0x478: {  	[bflag:$0x3] =	sbarrier.arrive $0xFFFF  }
0x479: {  	_ =	shalt  }

</sc_bundles>
